<compile_context>
chip_gen: v7x
topology: tpu7x:2x2x1
jax: 0.10.2.dev20260603
libtpu: 0.0.44.dev20260713+nightly
codegen_flags: <defaults>
</compile_context>

<pallas_src>
import jax
import jax.numpy as jnp
from jax import lax
from jax.experimental import pallas as pl
from jax.experimental.pallas import tpu as pltpu
from jax.experimental.pallas import tpu_sc as plsc

N_CLASSES = 1000
LB_SMOOTH = 0.1
LB_POS = 1.0 - LB_SMOOTH
LB_NEG = LB_SMOOTH / N_CLASSES

B = 16384
NW = 32
COLS_PER_W = B // NW
CC = 128
COL_CHUNKS = COLS_PER_W // CC
QROWS = 256
QLENS = (256, 256, 256, 232)
QOFFS = (0, 256, 512, 768)


def _onehot_body(label_hbm, out_hbm, lbl_v, buf0, buf1, buf2,
                 sem0, sem1, sem2):
    wid = lax.axis_index("s") * 2 + lax.axis_index("c")
    base_col = wid * COLS_PER_W

    pltpu.sync_copy(label_hbm.at[pl.ds(base_col, COLS_PER_W)], lbl_v)

    neg = jnp.full((16,), LB_NEG, dtype=jnp.float32)
    pos = jnp.full((16,), LB_POS, dtype=jnp.float32)
    lane = lax.iota(jnp.int32, 16)

    def fill(buf):
        @plsc.parallel_loop(0, QROWS * CC // 16, unroll=8)
        def body(k):
            buf[k >> 3, pl.ds((k & 7) * 16, 16)] = neg

    def scatter_hot(buf, q, cc, val):
        for j in range(CC // 16):
            lbl = lbl_v[pl.ds(cc * CC + j * 16, 16)]
            row = lbl - QOFFS[q]
            mask = (row >= 0) & (row < QLENS[q])
            plsc.store_scatter(buf, [row, lane + j * 16], val, mask=mask)

    bufs = (buf0, buf1, buf2)
    sems = (sem0, sem1, sem2)
    copies = [None, None, None]
    prev = [None, None, None]

    def run_chunk(n, q, cc):
        b = n % 3
        buf = bufs[b]
        if copies[b] is not None:
            copies[b].wait()
            scatter_hot(buf, *prev[b], neg)
        scatter_hot(buf, q, cc, pos)
        prev[b] = (q, cc)
        copies[b] = pltpu.async_copy(
            buf.at[pl.ds(0, QLENS[q]), :],
            out_hbm.at[pl.ds(QOFFS[q], QLENS[q]),
                       pl.ds(base_col + cc * CC, CC)],
            sems[b],
        )

    chunks = [(q, cc) for cc in range(COL_CHUNKS) for q in range(len(QLENS))]
    fill(buf0)
    run_chunk(0, *chunks[0])
    fill(buf1)
    run_chunk(1, *chunks[1])
    fill(buf2)
    for n, (q, cc) in enumerate(chunks[2:], start=2):
        run_chunk(n, q, cc)
    copies[0].wait()
    copies[1].wait()
    copies[2].wait()


@jax.jit
def kernel(label):
    mesh = plsc.VectorSubcoreMesh(core_axis_name="c", subcore_axis_name="s")
    out_t = pl.kernel(
        _onehot_body,
        out_type=jax.ShapeDtypeStruct((N_CLASSES, B), jnp.float32),
        mesh=mesh,
        scratch_types=[
            pltpu.VMEM((COLS_PER_W,), jnp.int32),
            pltpu.VMEM((QROWS, CC), jnp.float32),
            pltpu.VMEM((QROWS, CC), jnp.float32),
            pltpu.VMEM((QROWS, CC), jnp.float32),
            pltpu.SemaphoreType.DMA,
            pltpu.SemaphoreType.DMA,
            pltpu.SemaphoreType.DMA,
        ],
        compiler_params=pltpu.CompilerParams(
            needs_layout_passes=False, use_tc_tiling_on_sc=True,
            disable_bounds_checks=True, disable_semaphore_checks=True),
    )(label)
    return out_t.T

# --- scband reference (transcript-rebuilt; emitter-appended) ---
"""Pipeline reference for scband-onehot-encoder-77781857730620 (READ-ONLY COPY).

The authoritative reference and input builder live on the scoring server;
editing this copy changes nothing except your own understanding.
"""

import jax, jax.numpy as jnp
import numpy as np

N_CLASSES = 1000
LB_SMOOTH = 0.1
LB_POS = 1.0 - LB_SMOOTH
LB_NEG = LB_SMOOTH / N_CLASSES


def setup_inputs(seed: int = 0) -> dict:
    key = jax.random.key(seed)
    label = jax.random.randint(key, (16384,), 0, N_CLASSES, dtype=jnp.int32)
    return {"label": label}


def reference(label):
    # Faithful translation of OnehotEncoder.forward with ignore_idx < 0 path:
    # out = full(lb_neg).scatter_(1, label.unsqueeze(1), lb_pos)
    B = label.shape[0]
    out = jnp.full((B, N_CLASSES), LB_NEG, dtype=jnp.float32)
    out = out.at[jnp.arange(B), label].set(LB_POS)
    return out

if __name__ == "__main__":
    import jax
    _d = setup_inputs()
    print(jax.jit(kernel)(*tuple(_d.values())))

</pallas_src>

<mosaic_0001>
#map = affine_map<(d0, d1) -> (0)>
#map1 = affine_map<(d0, d1) -> (0, 0)>
module attributes {stable_mosaic.version = 14 : i64} {
  func.func @_onehot_body(%arg0: i32, %arg1: i32, %arg2: memref<16384xi32, #tpu.memory_space<hbm>>, %arg3: memref<1000x16384xf32, #tpu.memory_space<hbm>>, %arg4: memref<512xi32, #tpu.memory_space<vmem>>, %arg5: memref<256x128xf32, #tpu.memory_space<vmem>>, %arg6: memref<256x128xf32, #tpu.memory_space<vmem>>, %arg7: memref<256x128xf32, #tpu.memory_space<vmem>>, %arg8: memref<!tpu.dma_semaphore, #tpu.memory_space<semaphore_mem>>, %arg9: memref<!tpu.dma_semaphore, #tpu.memory_space<semaphore_mem>>, %arg10: memref<!tpu.dma_semaphore, #tpu.memory_space<semaphore_mem>>) attributes {dimension_semantics = [#tpu.dimension_semantics<core_parallel>, #tpu.dimension_semantics<subcore_parallel>], iteration_bounds = array<i64: 2, 16>, scalar_prefetch = 0 : i64, scratch_operands = 7 : i64, tpu.core_type = #tpu.core_type<sc_vector_subcore>, window_params = [{transform_indices = #map}, {transform_indices = #map1}]} {
    %mul3A = arith.constant 2 : i32
    %mul3A_0 = arith.muli %arg1, %mul3A : i32
    %add3A = arith.addi %mul3A_0, %arg0 : i32
    %mul3A_1 = arith.constant 512 : i32
    %mul3A_2 = arith.muli %add3A, %mul3A_1 : i32
    "tpu.region"() ({
      %run_scoped3A = tpu.sem_alloc : memref<!tpu.dma_semaphore, #tpu.memory_space<semaphore_mem>>
      %dma_start3A_3839 = tpu.memref_slice %arg2[%mul3A_2] : memref<16384xi32, #tpu.memory_space<hbm>> -> memref<512xi32, #tpu.memory_space<hbm>>
      %dma_start3A_3840 = tpu.memref_slice %arg2[%mul3A_2] : memref<16384xi32, #tpu.memory_space<hbm>> -> memref<512xi32, #tpu.memory_space<hbm>>
      tpu.enqueue_dma source(%dma_start3A_3840 : memref<512xi32, #tpu.memory_space<hbm>>) target(%arg4 : memref<512xi32, #tpu.memory_space<vmem>>) target_semaphore(%run_scoped3A : memref<!tpu.dma_semaphore, #tpu.memory_space<semaphore_mem>>)
      %dma_wait3A_3841 = tpu.memref_slice %arg2[%mul3A_2] : memref<16384xi32, #tpu.memory_space<hbm>> -> memref<512xi32, #tpu.memory_space<hbm>>
      %dma_wait3A_3842 = tpu.memref_slice %arg2[%mul3A_2] : memref<16384xi32, #tpu.memory_space<hbm>> -> memref<512xi32, #tpu.memory_space<hbm>>
      tpu.wait_dma2 semaphore(%run_scoped3A : memref<!tpu.dma_semaphore, #tpu.memory_space<semaphore_mem>>) src(%dma_wait3A_3842 : memref<512xi32, #tpu.memory_space<hbm>>) dst(%arg4 : memref<512xi32, #tpu.memory_space<vmem>>)
      tpu.yield
    }) : () -> ()
    %broadcast_in_dim3A = arith.constant 9.99999974E-5 : f32
    %broadcast_in_dim3A_3 = vector.broadcast %broadcast_in_dim3A : f32 to vector<16xf32>
    %broadcast_in_dim3A_4 = arith.constant 0.899999976 : f32
    %broadcast_in_dim3A_5 = vector.broadcast %broadcast_in_dim3A_4 : f32 to vector<16xf32>
    %iota3A = tpu.iota {dimensions = array<i32: 0>} : vector<16xi32>
    %parallel_loop3A = arith.constant 0 : i32
    %parallel_loop3A_6 = arith.constant 2048 : i32
    %parallel_loop3A_7 = arith.constant 1 : i32
    scf.for %parallel_loop3A_3839 = %parallel_loop3A to %parallel_loop3A_6 step %parallel_loop3A_7  : i32 {
      %parallel_loop3A_3840 = arith.constant 3 : i32
      %parallel_loop3A_3841 = arith.shrsi %parallel_loop3A_3839, %parallel_loop3A_3840 : i32
      %parallel_loop3A_3842 = arith.constant 7 : i32
      %parallel_loop3A_3843 = arith.andi %parallel_loop3A_3839, %parallel_loop3A_3842 : i32
      %parallel_loop3A_3844 = arith.constant 16 : i32
      %parallel_loop3A_3845 = arith.muli %parallel_loop3A_3843, %parallel_loop3A_3844 : i32
      %parallel_loop3A_3846 = arith.index_cast %parallel_loop3A_3841 : i32 to index
      %parallel_loop3A_3847 = arith.index_cast %parallel_loop3A_3845 : i32 to index
      %parallel_loop3A_3848 = tpu.vector_load %arg5[%parallel_loop3A_3846, %parallel_loop3A_3847] {strides = array<i32>} : memref<256x128xf32, #tpu.memory_space<vmem>>, vector<16xf32>,
      tpu.vector_store %arg5[%parallel_loop3A_3846, %parallel_loop3A_3847], %broadcast_in_dim3A_3 {strides = array<i32>} : memref<256x128xf32, #tpu.memory_space<vmem>>, vector<16xf32>,
    } {sc.loop_unroll_factor = 8 : i64, sc.parallel_access}
    %get3A = arith.constant 0 : index
    %get3A_8 = tpu.vector_load %arg4[%get3A] {strides = array<i32>} : memref<512xi32, #tpu.memory_space<vmem>>, vector<16xi32>,
    %sub3A = arith.constant 0 : i32
    %sub3A_9 = vector.broadcast %sub3A : i32 to vector<16xi32>
    %sub3A_10 = arith.subi %get3A_8, %sub3A_9 : vector<16xi32>
    %ge3A = arith.constant 0 : i32
    %ge3A_11 = vector.broadcast %ge3A : i32 to vector<16xi32>
    %ge3A_12 = arith.cmpi sge, %sub3A_10, %ge3A_11 : vector<16xi32>
    %lt3A = arith.constant 256 : i32
    %lt3A_13 = vector.broadcast %lt3A : i32 to vector<16xi32>
    %lt3A_14 = arith.cmpi slt, %sub3A_10, %lt3A_13 : vector<16xi32>
    %and3A = arith.andi %ge3A_12, %lt3A_14 : vector<16xi1>
    %add3A_15 = arith.constant 0 : i32
    %add3A_16 = vector.broadcast %add3A_15 : i32 to vector<16xi32>
    %add3A_17 = arith.addi %iota3A, %add3A_16 : vector<16xi32>
    tpu.vector_store_idx %arg5[%sub3A_10, %add3A_17], %broadcast_in_dim3A_5 masked %and3A : memref<256x128xf32, #tpu.memory_space<vmem>>[vector<16xi32>, vector<16xi32>], vector<16xf32>, vector<16xi1>
    %get3A_18 = arith.constant 16 : index
    %get3A_19 = tpu.vector_load %arg4[%get3A_18] {strides = array<i32>} : memref<512xi32, #tpu.memory_space<vmem>>, vector<16xi32>,
    %sub3A_20 = arith.constant 0 : i32
    %sub3A_21 = vector.broadcast %sub3A_20 : i32 to vector<16xi32>
    %sub3A_22 = arith.subi %get3A_19, %sub3A_21 : vector<16xi32>
    %ge3A_23 = arith.constant 0 : i32
    %ge3A_24 = vector.broadcast %ge3A_23 : i32 to vector<16xi32>
    %ge3A_25 = arith.cmpi sge, %sub3A_22, %ge3A_24 : vector<16xi32>
    %lt3A_26 = arith.constant 256 : i32
    %lt3A_27 = vector.broadcast %lt3A_26 : i32 to vector<16xi32>
    %lt3A_28 = arith.cmpi slt, %sub3A_22, %lt3A_27 : vector<16xi32>
    %and3A_29 = arith.andi %ge3A_25, %lt3A_28 : vector<16xi1>
    %add3A_30 = arith.constant 16 : i32
    %add3A_31 = vector.broadcast %add3A_30 : i32 to vector<16xi32>
    %add3A_32 = arith.addi %iota3A, %add3A_31 : vector<16xi32>
    tpu.vector_store_idx %arg5[%sub3A_22, %add3A_32], %broadcast_in_dim3A_5 masked %and3A_29 : memref<256x128xf32, #tpu.memory_space<vmem>>[vector<16xi32>, vector<16xi32>], vector<16xf32>, vector<16xi1>
    %get3A_33 = arith.constant 32 : index
    %get3A_34 = tpu.vector_load %arg4[%get3A_33] {strides = array<i32>} : memref<512xi32, #tpu.memory_space<vmem>>, vector<16xi32>,
    %sub3A_35 = arith.constant 0 : i32
    %sub3A_36 = vector.broadcast %sub3A_35 : i32 to vector<16xi32>
    %sub3A_37 = arith.subi %get3A_34, %sub3A_36 : vector<16xi32>
    %ge3A_38 = arith.constant 0 : i32
    %ge3A_39 = vector.broadcast %ge3A_38 : i32 to vector<16xi32>
    %ge3A_40 = arith.cmpi sge, %sub3A_37, %ge3A_39 : vector<16xi32>
    %lt3A_41 = arith.constant 256 : i32
    %lt3A_42 = vector.broadcast %lt3A_41 : i32 to vector<16xi32>
    %lt3A_43 = arith.cmpi slt, %sub3A_37, %lt3A_42 : vector<16xi32>
    %and3A_44 = arith.andi %ge3A_40, %lt3A_43 : vector<16xi1>
    %add3A_45 = arith.constant 32 : i32
    %add3A_46 = vector.broadcast %add3A_45 : i32 to vector<16xi32>
    %add3A_47 = arith.addi %iota3A, %add3A_46 : vector<16xi32>
    tpu.vector_store_idx %arg5[%sub3A_37, %add3A_47], %broadcast_in_dim3A_5 masked %and3A_44 : memref<256x128xf32, #tpu.memory_space<vmem>>[vector<16xi32>, vector<16xi32>], vector<16xf32>, vector<16xi1>
    %get3A_48 = arith.constant 48 : index
    %get3A_49 = tpu.vector_load %arg4[%get3A_48] {strides = array<i32>} : memref<512xi32, #tpu.memory_space<vmem>>, vector<16xi32>,
    %sub3A_50 = arith.constant 0 : i32
    %sub3A_51 = vector.broadcast %sub3A_50 : i32 to vector<16xi32>
    %sub3A_52 = arith.subi %get3A_49, %sub3A_51 : vector<16xi32>
    %ge3A_53 = arith.constant 0 : i32
    %ge3A_54 = vector.broadcast %ge3A_53 : i32 to vector<16xi32>
    %ge3A_55 = arith.cmpi sge, %sub3A_52, %ge3A_54 : vector<16xi32>
    %lt3A_56 = arith.constant 256 : i32
    %lt3A_57 = vector.broadcast %lt3A_56 : i32 to vector<16xi32>
    %lt3A_58 = arith.cmpi slt, %sub3A_52, %lt3A_57 : vector<16xi32>
    %and3A_59 = arith.andi %ge3A_55, %lt3A_58 : vector<16xi1>
    %add3A_60 = arith.constant 48 : i32
    %add3A_61 = vector.broadcast %add3A_60 : i32 to vector<16xi32>
    %add3A_62 = arith.addi %iota3A, %add3A_61 : vector<16xi32>
    tpu.vector_store_idx %arg5[%sub3A_52, %add3A_62], %broadcast_in_dim3A_5 masked %and3A_59 : memref<256x128xf32, #tpu.memory_space<vmem>>[vector<16xi32>, vector<16xi32>], vector<16xf32>, vector<16xi1>
    %get3A_63 = arith.constant 64 : index
    %get3A_64 = tpu.vector_load %arg4[%get3A_63] {strides = array<i32>} : memref<512xi32, #tpu.memory_space<vmem>>, vector<16xi32>,
    %sub3A_65 = arith.constant 0 : i32
    %sub3A_66 = vector.broadcast %sub3A_65 : i32 to vector<16xi32>
    %sub3A_67 = arith.subi %get3A_64, %sub3A_66 : vector<16xi32>
    %ge3A_68 = arith.constant 0 : i32
    %ge3A_69 = vector.broadcast %ge3A_68 : i32 to vector<16xi32>
    %ge3A_70 = arith.cmpi sge, %sub3A_67, %ge3A_69 : vector<16xi32>
    %lt3A_71 = arith.constant 256 : i32
    %lt3A_72 = vector.broadcast %lt3A_71 : i32 to vector<16xi32>
    %lt3A_73 = arith.cmpi slt, %sub3A_67, %lt3A_72 : vector<16xi32>
    %and3A_74 = arith.andi %ge3A_70, %lt3A_73 : vector<16xi1>
    %add3A_75 = arith.constant 64 : i32
    %add3A_76 = vector.broadcast %add3A_75 : i32 to vector<16xi32>
    %add3A_77 = arith.addi %iota3A, %add3A_76 : vector<16xi32>
    tpu.vector_store_idx %arg5[%sub3A_67, %add3A_77], %broadcast_in_dim3A_5 masked %and3A_74 : memref<256x128xf32, #tpu.memory_space<vmem>>[vector<16xi32>, vector<16xi32>], vector<16xf32>, vector<16xi1>
    %get3A_78 = arith.constant 80 : index
    %get3A_79 = tpu.vector_load %arg4[%get3A_78] {strides = array<i32>} : memref<512xi32, #tpu.memory_space<vmem>>, vector<16xi32>,
    %sub3A_80 = arith.constant 0 : i32
    %sub3A_81 = vector.broadcast %sub3A_80 : i32 to vector<16xi32>
    %sub3A_82 = arith.subi %get3A_79, %sub3A_81 : vector<16xi32>
    %ge3A_83 = arith.constant 0 : i32
    %ge3A_84 = vector.broadcast %ge3A_83 : i32 to vector<16xi32>
    %ge3A_85 = arith.cmpi sge, %sub3A_82, %ge3A_84 : vector<16xi32>
    %lt3A_86 = arith.constant 256 : i32
    %lt3A_87 = vector.broadcast %lt3A_86 : i32 to vector<16xi32>
    %lt3A_88 = arith.cmpi slt, %sub3A_82, %lt3A_87 : vector<16xi32>
    %and3A_89 = arith.andi %ge3A_85, %lt3A_88 : vector<16xi1>
    %add3A_90 = arith.constant 80 : i32
    %add3A_91 = vector.broadcast %add3A_90 : i32 to vector<16xi32>
    %add3A_92 = arith.addi %iota3A, %add3A_91 : vector<16xi32>
    tpu.vector_store_idx %arg5[%sub3A_82, %add3A_92], %broadcast_in_dim3A_5 masked %and3A_89 : memref<256x128xf32, #tpu.memory_space<vmem>>[vector<16xi32>, vector<16xi32>], vector<16xf32>, vector<16xi1>
    %get3A_93 = arith.constant 96 : index
    %get3A_94 = tpu.vector_load %arg4[%get3A_93] {strides = array<i32>} : memref<512xi32, #tpu.memory_space<vmem>>, vector<16xi32>,
    %sub3A_95 = arith.constant 0 : i32
    %sub3A_96 = vector.broadcast %sub3A_95 : i32 to vector<16xi32>
    %sub3A_97 = arith.subi %get3A_94, %sub3A_96 : vector<16xi32>
    %ge3A_98 = arith.constant 0 : i32
    %ge3A_99 = vector.broadcast %ge3A_98 : i32 to vector<16xi32>
    %ge3A_100 = arith.cmpi sge, %sub3A_97, %ge3A_99 : vector<16xi32>
    %lt3A_101 = arith.constant 256 : i32
    %lt3A_102 = vector.broadcast %lt3A_101 : i32 to vector<16xi32>
    %lt3A_103 = arith.cmpi slt, %sub3A_97, %lt3A_102 : vector<16xi32>
    %and3A_104 = arith.andi %ge3A_100, %lt3A_103 : vector<16xi1>
    %add3A_105 = arith.constant 96 : i32
    %add3A_106 = vector.broadcast %add3A_105 : i32 to vector<16xi32>
    %add3A_107 = arith.addi %iota3A, %add3A_106 : vector<16xi32>
    tpu.vector_store_idx %arg5[%sub3A_97, %add3A_107], %broadcast_in_dim3A_5 masked %and3A_104 : memref<256x128xf32, #tpu.memory_space<vmem>>[vector<16xi32>, vector<16xi32>], vector<16xf32>, vector<16xi1>
    %get3A_108 = arith.constant 112 : index
    %get3A_109 = tpu.vector_load %arg4[%get3A_108] {strides = array<i32>} : memref<512xi32, #tpu.memory_space<vmem>>, vector<16xi32>,
    %sub3A_110 = arith.constant 0 : i32
    %sub3A_111 = vector.broadcast %sub3A_110 : i32 to vector<16xi32>
    %sub3A_112 = arith.subi %get3A_109, %sub3A_111 : vector<16xi32>
    %ge3A_113 = arith.constant 0 : i32
    %ge3A_114 = vector.broadcast %ge3A_113 : i32 to vector<16xi32>
    %ge3A_115 = arith.cmpi sge, %sub3A_112, %ge3A_114 : vector<16xi32>
    %lt3A_116 = arith.constant 256 : i32
    %lt3A_117 = vector.broadcast %lt3A_116 : i32 to vector<16xi32>
    %lt3A_118 = arith.cmpi slt, %sub3A_112, %lt3A_117 : vector<16xi32>
    %and3A_119 = arith.andi %ge3A_115, %lt3A_118 : vector<16xi1>
    %add3A_120 = arith.constant 112 : i32
    %add3A_121 = vector.broadcast %add3A_120 : i32 to vector<16xi32>
    %add3A_122 = arith.addi %iota3A, %add3A_121 : vector<16xi32>
    tpu.vector_store_idx %arg5[%sub3A_112, %add3A_122], %broadcast_in_dim3A_5 masked %and3A_119 : memref<256x128xf32, #tpu.memory_space<vmem>>[vector<16xi32>, vector<16xi32>], vector<16xf32>, vector<16xi1>
    %add3A_123 = arith.constant 0 : i32
    %add3A_124 = arith.addi %mul3A_2, %add3A_123 : i32
    %dma_start3A = arith.constant 0 : i32
    %dma_start3A_125 = arith.constant 0 : i32
    %dma_start3A_126 = tpu.memref_slice %arg5[%dma_start3A, %dma_start3A_125] : memref<256x128xf32, #tpu.memory_space<vmem>> -> memref<256x128xf32, #tpu.memory_space<vmem>>
    %dma_start3A_127 = arith.constant 0 : i32
    %dma_start3A_128 = tpu.memref_slice %arg3[%dma_start3A_127, %add3A_124] : memref<1000x16384xf32, #tpu.memory_space<hbm>> -> memref<256x128xf32, #tpu.memory_space<hbm>>
    %dma_start3A_129 = arith.constant 0 : i32
    %dma_start3A_130 = tpu.memref_slice %arg3[%dma_start3A_129, %add3A_124] : memref<1000x16384xf32, #tpu.memory_space<hbm>> -> memref<256x128xf32, #tpu.memory_space<hbm>>
    %dma_start3A_131 = arith.constant 0 : i32
    %dma_start3A_132 = arith.constant 0 : i32
    %dma_start3A_133 = tpu.memref_slice %arg5[%dma_start3A_131, %dma_start3A_132] : memref<256x128xf32, #tpu.memory_space<vmem>> -> memref<256x128xf32, #tpu.memory_space<vmem>>
    tpu.enqueue_dma source(%dma_start3A_133 : memref<256x128xf32, #tpu.memory_space<vmem>>) target(%dma_start3A_130 : memref<256x128xf32, #tpu.memory_space<hbm>>) target_semaphore(%arg8 : memref<!tpu.dma_semaphore, #tpu.memory_space<semaphore_mem>>)
    %parallel_loop3A_134 = arith.constant 0 : i32
    %parallel_loop3A_135 = arith.constant 2048 : i32
    %parallel_loop3A_136 = arith.constant 1 : i32
    scf.for %parallel_loop3A_3839 = %parallel_loop3A_134 to %parallel_loop3A_135 step %parallel_loop3A_136  : i32 {
      %parallel_loop3A_3840 = arith.constant 3 : i32
      %parallel_loop3A_3841 = arith.shrsi %parallel_loop3A_3839, %parallel_loop3A_3840 : i32
      %parallel_loop3A_3842 = arith.constant 7 : i32
      %parallel_loop3A_3843 = arith.andi %parallel_loop3A_3839, %parallel_loop3A_3842 : i32
      %parallel_loop3A_3844 = arith.constant 16 : i32
      %parallel_loop3A_3845 = arith.muli %parallel_loop3A_3843, %parallel_loop3A_3844 : i32
      %parallel_loop3A_3846 = arith.index_cast %parallel_loop3A_3841 : i32 to index
      %parallel_loop3A_3847 = arith.index_cast %parallel_loop3A_3845 : i32 to index
      %parallel_loop3A_3848 = tpu.vector_load %arg6[%parallel_loop3A_3846, %parallel_loop3A_3847] {strides = array<i32>} : memref<256x128xf32, #tpu.memory_space<vmem>>, vector<16xf32>,
      tpu.vector_store %arg6[%parallel_loop3A_3846, %parallel_loop3A_3847], %broadcast_in_dim3A_3 {strides = array<i32>} : memref<256x128xf32, #tpu.memory_space<vmem>>, vector<16xf32>,
    } {sc.loop_unroll_factor = 8 : i64, sc.parallel_access}
    %get3A_137 = arith.constant 0 : index
    %get3A_138 = tpu.vector_load %arg4[%get3A_137] {strides = array<i32>} : memref<512xi32, #tpu.memory_space<vmem>>, vector<16xi32>,
    %sub3A_139 = arith.constant 256 : i32
    %sub3A_140 = vector.broadcast %sub3A_139 : i32 to vector<16xi32>
    %sub3A_141 = arith.subi %get3A_138, %sub3A_140 : vector<16xi32>
    %ge3A_142 = arith.constant 0 : i32
    %ge3A_143 = vector.broadcast %ge3A_142 : i32 to vector<16xi32>
    %ge3A_144 = arith.cmpi sge, %sub3A_141, %ge3A_143 : vector<16xi32>
    %lt3A_145 = arith.constant 256 : i32
    %lt3A_146 = vector.broadcast %lt3A_145 : i32 to vector<16xi32>
    %lt3A_147 = arith.cmpi slt, %sub3A_141, %lt3A_146 : vector<16xi32>
    %and3A_148 = arith.andi %ge3A_144, %lt3A_147 : vector<16xi1>
    %add3A_149 = arith.constant 0 : i32
    %add3A_150 = vector.broadcast %add3A_149 : i32 to vector<16xi32>
    %add3A_151 = arith.addi %iota3A, %add3A_150 : vector<16xi32>
    tpu.vector_store_idx %arg6[%sub3A_141, %add3A_151], %broadcast_in_dim3A_5 masked %and3A_148 : memref<256x128xf32, #tpu.memory_space<vmem>>[vector<16xi32>, vector<16xi32>], vector<16xf32>, vector<16xi1>
    %get3A_152 = arith.constant 16 : index
    %get3A_153 = tpu.vector_load %arg4[%get3A_152] {strides = array<i32>} : memref<512xi32, #tpu.memory_space<vmem>>, vector<16xi32>,
    %sub3A_154 = arith.constant 256 : i32
    %sub3A_155 = vector.broadcast %sub3A_154 : i32 to vector<16xi32>
    %sub3A_156 = arith.subi %get3A_153, %sub3A_155 : vector<16xi32>
    %ge3A_157 = arith.constant 0 : i32
    %ge3A_158 = vector.broadcast %ge3A_157 : i32 to vector<16xi32>
    %ge3A_159 = arith.cmpi sge, %sub3A_156, %ge3A_158 : vector<16xi32>
    %lt3A_160 = arith.constant 256 : i32
    %lt3A_161 = vector.broadcast %lt3A_160 : i32 to vector<16xi32>
    %lt3A_162 = arith.cmpi slt, %sub3A_156, %lt3A_161 : vector<16xi32>
    %and3A_163 = arith.andi %ge3A_159, %lt3A_162 : vector<16xi1>
    %add3A_164 = arith.constant 16 : i32
    %add3A_165 = vector.broadcast %add3A_164 : i32 to vector<16xi32>
    %add3A_166 = arith.addi %iota3A, %add3A_165 : vector<16xi32>
    tpu.vector_store_idx %arg6[%sub3A_156, %add3A_166], %broadcast_in_dim3A_5 masked %and3A_163 : memref<256x128xf32, #tpu.memory_space<vmem>>[vector<16xi32>, vector<16xi32>], vector<16xf32>, vector<16xi1>
    %get3A_167 = arith.constant 32 : index
    %get3A_168 = tpu.vector_load %arg4[%get3A_167] {strides = array<i32>} : memref<512xi32, #tpu.memory_space<vmem>>, vector<16xi32>,
    %sub3A_169 = arith.constant 256 : i32
    %sub3A_170 = vector.broadcast %sub3A_169 : i32 to vector<16xi32>
    %sub3A_171 = arith.subi %get3A_168, %sub3A_170 : vector<16xi32>
    %ge3A_172 = arith.constant 0 : i32
    %ge3A_173 = vector.broadcast %ge3A_172 : i32 to vector<16xi32>
    %ge3A_174 = arith.cmpi sge, %sub3A_171, %ge3A_173 : vector<16xi32>
    %lt3A_175 = arith.constant 256 : i32
    %lt3A_176 = vector.broadcast %lt3A_175 : i32 to vector<16xi32>
    %lt3A_177 = arith.cmpi slt, %sub3A_171, %lt3A_176 : vector<16xi32>
    %and3A_178 = arith.andi %ge3A_174, %lt3A_177 : vector<16xi1>
    %add3A_179 = arith.constant 32 : i32
    %add3A_180 = vector.broadcast %add3A_179 : i32 to vector<16xi32>
    %add3A_181 = arith.addi %iota3A, %add3A_180 : vector<16xi32>
    tpu.vector_store_idx %arg6[%sub3A_171, %add3A_181], %broadcast_in_dim3A_5 masked %and3A_178 : memref<256x128xf32, #tpu.memory_space<vmem>>[vector<16xi32>, vector<16xi32>], vector<16xf32>, vector<16xi1>
    %get3A_182 = arith.constant 48 : index
    %get3A_183 = tpu.vector_load %arg4[%get3A_182] {strides = array<i32>} : memref<512xi32, #tpu.memory_space<vmem>>, vector<16xi32>,
    %sub3A_184 = arith.constant 256 : i32
    %sub3A_185 = vector.broadcast %sub3A_184 : i32 to vector<16xi32>
    %sub3A_186 = arith.subi %get3A_183, %sub3A_185 : vector<16xi32>
    %ge3A_187 = arith.constant 0 : i32
    %ge3A_188 = vector.broadcast %ge3A_187 : i32 to vector<16xi32>
    %ge3A_189 = arith.cmpi sge, %sub3A_186, %ge3A_188 : vector<16xi32>
    %lt3A_190 = arith.constant 256 : i32
    %lt3A_191 = vector.broadcast %lt3A_190 : i32 to vector<16xi32>
    %lt3A_192 = arith.cmpi slt, %sub3A_186, %lt3A_191 : vector<16xi32>
    %and3A_193 = arith.andi %ge3A_189, %lt3A_192 : vector<16xi1>
    %add3A_194 = arith.constant 48 : i32
    %add3A_195 = vector.broadcast %add3A_194 : i32 to vector<16xi32>
    %add3A_196 = arith.addi %iota3A, %add3A_195 : vector<16xi32>
    tpu.vector_store_idx %arg6[%sub3A_186, %add3A_196], %broadcast_in_dim3A_5 masked %and3A_193 : memref<256x128xf32, #tpu.memory_space<vmem>>[vector<16xi32>, vector<16xi32>], vector<16xf32>, vector<16xi1>
    %get3A_197 = arith.constant 64 : index
    %get3A_198 = tpu.vector_load %arg4[%get3A_197] {strides = array<i32>} : memref<512xi32, #tpu.memory_space<vmem>>, vector<16xi32>,
    %sub3A_199 = arith.constant 256 : i32
    %sub3A_200 = vector.broadcast %sub3A_199 : i32 to vector<16xi32>
    %sub3A_201 = arith.subi %get3A_198, %sub3A_200 : vector<16xi32>
    %ge3A_202 = arith.constant 0 : i32
    %ge3A_203 = vector.broadcast %ge3A_202 : i32 to vector<16xi32>
    %ge3A_204 = arith.cmpi sge, %sub3A_201, %ge3A_203 : vector<16xi32>
    %lt3A_205 = arith.constant 256 : i32
    %lt3A_206 = vector.broadcast %lt3A_205 : i32 to vector<16xi32>
    %lt3A_207 = arith.cmpi slt, %sub3A_201, %lt3A_206 : vector<16xi32>
    %and3A_208 = arith.andi %ge3A_204, %lt3A_207 : vector<16xi1>
    %add3A_209 = arith.constant 64 : i32
    %add3A_210 = vector.broadcast %add3A_209 : i32 to vector<16xi32>
    %add3A_211 = arith.addi %iota3A, %add3A_210 : vector<16xi32>
    tpu.vector_store_idx %arg6[%sub3A_201, %add3A_211], %broadcast_in_dim3A_5 masked %and3A_208 : memref<256x128xf32, #tpu.memory_space<vmem>>[vector<16xi32>, vector<16xi32>], vector<16xf32>, vector<16xi1>
    %get3A_212 = arith.constant 80 : index
    %get3A_213 = tpu.vector_load %arg4[%get3A_212] {strides = array<i32>} : memref<512xi32, #tpu.memory_space<vmem>>, vector<16xi32>,
    %sub3A_214 = arith.constant 256 : i32
    %sub3A_215 = vector.broadcast %sub3A_214 : i32 to vector<16xi32>
    %sub3A_216 = arith.subi %get3A_213, %sub3A_215 : vector<16xi32>
    %ge3A_217 = arith.constant 0 : i32
    %ge3A_218 = vector.broadcast %ge3A_217 : i32 to vector<16xi32>
    %ge3A_219 = arith.cmpi sge, %sub3A_216, %ge3A_218 : vector<16xi32>
    %lt3A_220 = arith.constant 256 : i32
    %lt3A_221 = vector.broadcast %lt3A_220 : i32 to vector<16xi32>
    %lt3A_222 = arith.cmpi slt, %sub3A_216, %lt3A_221 : vector<16xi32>
    %and3A_223 = arith.andi %ge3A_219, %lt3A_222 : vector<16xi1>
    %add3A_224 = arith.constant 80 : i32
    %add3A_225 = vector.broadcast %add3A_224 : i32 to vector<16xi32>
    %add3A_226 = arith.addi %iota3A, %add3A_225 : vector<16xi32>
    tpu.vector_store_idx %arg6[%sub3A_216, %add3A_226], %broadcast_in_dim3A_5 masked %and3A_223 : memref<256x128xf32, #tpu.memory_space<vmem>>[vector<16xi32>, vector<16xi32>], vector<16xf32>, vector<16xi1>
    %get3A_227 = arith.constant 96 : index
    %get3A_228 = tpu.vector_load %arg4[%get3A_227] {strides = array<i32>} : memref<512xi32, #tpu.memory_space<vmem>>, vector<16xi32>,
    %sub3A_229 = arith.constant 256 : i32
    %sub3A_230 = vector.broadcast %sub3A_229 : i32 to vector<16xi32>
    %sub3A_231 = arith.subi %get3A_228, %sub3A_230 : vector<16xi32>
    %ge3A_232 = arith.constant 0 : i32
    %ge3A_233 = vector.broadcast %ge3A_232 : i32 to vector<16xi32>
    %ge3A_234 = arith.cmpi sge, %sub3A_231, %ge3A_233 : vector<16xi32>
    %lt3A_235 = arith.constant 256 : i32
    %lt3A_236 = vector.broadcast %lt3A_235 : i32 to vector<16xi32>
    %lt3A_237 = arith.cmpi slt, %sub3A_231, %lt3A_236 : vector<16xi32>
    %and3A_238 = arith.andi %ge3A_234, %lt3A_237 : vector<16xi1>
    %add3A_239 = arith.constant 96 : i32
    %add3A_240 = vector.broadcast %add3A_239 : i32 to vector<16xi32>
    %add3A_241 = arith.addi %iota3A, %add3A_240 : vector<16xi32>
    tpu.vector_store_idx %arg6[%sub3A_231, %add3A_241], %broadcast_in_dim3A_5 masked %and3A_238 : memref<256x128xf32, #tpu.memory_space<vmem>>[vector<16xi32>, vector<16xi32>], vector<16xf32>, vector<16xi1>
    %get3A_242 = arith.constant 112 : index
    %get3A_243 = tpu.vector_load %arg4[%get3A_242] {strides = array<i32>} : memref<512xi32, #tpu.memory_space<vmem>>, vector<16xi32>,
    %sub3A_244 = arith.constant 256 : i32
    %sub3A_245 = vector.broadcast %sub3A_244 : i32 to vector<16xi32>
    %sub3A_246 = arith.subi %get3A_243, %sub3A_245 : vector<16xi32>
    %ge3A_247 = arith.constant 0 : i32
    %ge3A_248 = vector.broadcast %ge3A_247 : i32 to vector<16xi32>
    %ge3A_249 = arith.cmpi sge, %sub3A_246, %ge3A_248 : vector<16xi32>
    %lt3A_250 = arith.constant 256 : i32
    %lt3A_251 = vector.broadcast %lt3A_250 : i32 to vector<16xi32>
    %lt3A_252 = arith.cmpi slt, %sub3A_246, %lt3A_251 : vector<16xi32>
    %and3A_253 = arith.andi %ge3A_249, %lt3A_252 : vector<16xi1>
    %add3A_254 = arith.constant 112 : i32
    %add3A_255 = vector.broadcast %add3A_254 : i32 to vector<16xi32>
    %add3A_256 = arith.addi %iota3A, %add3A_255 : vector<16xi32>
    tpu.vector_store_idx %arg6[%sub3A_246, %add3A_256], %broadcast_in_dim3A_5 masked %and3A_253 : memref<256x128xf32, #tpu.memory_space<vmem>>[vector<16xi32>, vector<16xi32>], vector<16xf32>, vector<16xi1>
    %add3A_257 = arith.constant 0 : i32
    %add3A_258 = arith.addi %mul3A_2, %add3A_257 : i32
    %dma_start3A_259 = arith.constant 0 : i32
    %dma_start3A_260 = arith.constant 0 : i32
    %dma_start3A_261 = tpu.memref_slice %arg6[%dma_start3A_259, %dma_start3A_260] : memref<256x128xf32, #tpu.memory_space<vmem>> -> memref<256x128xf32, #tpu.memory_space<vmem>>
    %dma_start3A_262 = arith.constant 256 : i32
    %dma_start3A_263 = tpu.memref_slice %arg3[%dma_start3A_262, %add3A_258] : memref<1000x16384xf32, #tpu.memory_space<hbm>> -> memref<256x128xf32, #tpu.memory_space<hbm>>
    %dma_start3A_264 = arith.constant 256 : i32
    %dma_start3A_265 = tpu.memref_slice %arg3[%dma_start3A_264, %add3A_258] : memref<1000x16384xf32, #tpu.memory_space<hbm>> -> memref<256x128xf32, #tpu.memory_space<hbm>>
    %dma_start3A_266 = arith.constant 0 : i32
    %dma_start3A_267 = arith.constant 0 : i32
    %dma_start3A_268 = tpu.memref_slice %arg6[%dma_start3A_266, %dma_start3A_267] : memref<256x128xf32, #tpu.memory_space<vmem>> -> memref<256x128xf32, #tpu.memory_space<vmem>>
    tpu.enqueue_dma source(%dma_start3A_268 : memref<256x128xf32, #tpu.memory_space<vmem>>) target(%dma_start3A_265 : memref<256x128xf32, #tpu.memory_space<hbm>>) target_semaphore(%arg9 : memref<!tpu.dma_semaphore, #tpu.memory_space<semaphore_mem>>)
    %parallel_loop3A_269 = arith.constant 0 : i32
    %parallel_loop3A_270 = arith.constant 2048 : i32
    %parallel_loop3A_271 = arith.constant 1 : i32
    scf.for %parallel_loop3A_3839 = %parallel_loop3A_269 to %parallel_loop3A_270 step %parallel_loop3A_271  : i32 {
      %parallel_loop3A_3840 = arith.constant 3 : i32
      %parallel_loop3A_3841 = arith.shrsi %parallel_loop3A_3839, %parallel_loop3A_3840 : i32
      %parallel_loop3A_3842 = arith.constant 7 : i32
      %parallel_loop3A_3843 = arith.andi %parallel_loop3A_3839, %parallel_loop3A_3842 : i32
      %parallel_loop3A_3844 = arith.constant 16 : i32
      %parallel_loop3A_3845 = arith.muli %parallel_loop3A_3843, %parallel_loop3A_3844 : i32
      %parallel_loop3A_3846 = arith.index_cast %parallel_loop3A_3841 : i32 to index
      %parallel_loop3A_3847 = arith.index_cast %parallel_loop3A_3845 : i32 to index
      %parallel_loop3A_3848 = tpu.vector_load %arg7[%parallel_loop3A_3846, %parallel_loop3A_3847] {strides = array<i32>} : memref<256x128xf32, #tpu.memory_space<vmem>>, vector<16xf32>,
      tpu.vector_store %arg7[%parallel_loop3A_3846, %parallel_loop3A_3847], %broadcast_in_dim3A_3 {strides = array<i32>} : memref<256x128xf32, #tpu.memory_space<vmem>>, vector<16xf32>,
    } {sc.loop_unroll_factor = 8 : i64, sc.parallel_access}
    %get3A_272 = arith.constant 0 : index
    %get3A_273 = tpu.vector_load %arg4[%get3A_272] {strides = array<i32>} : memref<512xi32, #tpu.memory_space<vmem>>, vector<16xi32>,
    %sub3A_274 = arith.constant 512 : i32
    %sub3A_275 = vector.broadcast %sub3A_274 : i32 to vector<16xi32>
    %sub3A_276 = arith.subi %get3A_273, %sub3A_275 : vector<16xi32>
    %ge3A_277 = arith.constant 0 : i32
    %ge3A_278 = vector.broadcast %ge3A_277 : i32 to vector<16xi32>
    %ge3A_279 = arith.cmpi sge, %sub3A_276, %ge3A_278 : vector<16xi32>
    %lt3A_280 = arith.constant 256 : i32
    %lt3A_281 = vector.broadcast %lt3A_280 : i32 to vector<16xi32>
    %lt3A_282 = arith.cmpi slt, %sub3A_276, %lt3A_281 : vector<16xi32>
    %and3A_283 = arith.andi %ge3A_279, %lt3A_282 : vector<16xi1>
    %add3A_284 = arith.constant 0 : i32
    %add3A_285 = vector.broadcast %add3A_284 : i32 to vector<16xi32>
    %add3A_286 = arith.addi %iota3A, %add3A_285 : vector<16xi32>
    tpu.vector_store_idx %arg7[%sub3A_276, %add3A_286], %broadcast_in_dim3A_5 masked %and3A_283 : memref<256x128xf32, #tpu.memory_space<vmem>>[vector<16xi32>, vector<16xi32>], vector<16xf32>, vector<16xi1>
    %get3A_287 = arith.constant 16 : index
    %get3A_288 = tpu.vector_load %arg4[%get3A_287] {strides = array<i32>} : memref<512xi32, #tpu.memory_space<vmem>>, vector<16xi32>,
    %sub3A_289 = arith.constant 512 : i32
    %sub3A_290 = vector.broadcast %sub3A_289 : i32 to vector<16xi32>
    %sub3A_291 = arith.subi %get3A_288, %sub3A_290 : vector<16xi32>
    %ge3A_292 = arith.constant 0 : i32
    %ge3A_293 = vector.broadcast %ge3A_292 : i32 to vector<16xi32>
    %ge3A_294 = arith.cmpi sge, %sub3A_291, %ge3A_293 : vector<16xi32>
    %lt3A_295 = arith.constant 256 : i32
    %lt3A_296 = vector.broadcast %lt3A_295 : i32 to vector<16xi32>
    %lt3A_297 = arith.cmpi slt, %sub3A_291, %lt3A_296 : vector<16xi32>
    %and3A_298 = arith.andi %ge3A_294, %lt3A_297 : vector<16xi1>
    %add3A_299 = arith.constant 16 : i32
    %add3A_300 = vector.broadcast %add3A_299 : i32 to vector<16xi32>
    %add3A_301 = arith.addi %iota3A, %add3A_300 : vector<16xi32>
    tpu.vector_store_idx %arg7[%sub3A_291, %add3A_301], %broadcast_in_dim3A_5 masked %and3A_298 : memref<256x128xf32, #tpu.memory_space<vmem>>[vector<16xi32>, vector<16xi32>], vector<16xf32>, vector<16xi1>
    %get3A_302 = arith.constant 32 : index
    %get3A_303 = tpu.vector_load %arg4[%get3A_302] {strides = array<i32>} : memref<512xi32, #tpu.memory_space<vmem>>, vector<16xi32>,
    %sub3A_304 = arith.constant 512 : i32
    %sub3A_305 = vector.broadcast %sub3A_304 : i32 to vector<16xi32>
    %sub3A_306 = arith.subi %get3A_303, %sub3A_305 : vector<16xi32>
    %ge3A_307 = arith.constant 0 : i32
    %ge3A_308 = vector.broadcast %ge3A_307 : i32 to vector<16xi32>
    %ge3A_309 = arith.cmpi sge, %sub3A_306, %ge3A_308 : vector<16xi32>
    %lt3A_310 = arith.constant 256 : i32
    %lt3A_311 = vector.broadcast %lt3A_310 : i32 to vector<16xi32>
    %lt3A_312 = arith.cmpi slt, %sub3A_306, %lt3A_311 : vector<16xi32>
    %and3A_313 = arith.andi %ge3A_309, %lt3A_312 : vector<16xi1>
    %add3A_314 = arith.constant 32 : i32
    %add3A_315 = vector.broadcast %add3A_314 : i32 to vector<16xi32>
    %add3A_316 = arith.addi %iota3A, %add3A_315 : vector<16xi32>
    tpu.vector_store_idx %arg7[%sub3A_306, %add3A_316], %broadcast_in_dim3A_5 masked %and3A_313 : memref<256x128xf32, #tpu.memory_space<vmem>>[vector<16xi32>, vector<16xi32>], vector<16xf32>, vector<16xi1>
    %get3A_317 = arith.constant 48 : index
    %get3A_318 = tpu.vector_load %arg4[%get3A_317] {strides = array<i32>} : memref<512xi32, #tpu.memory_space<vmem>>, vector<16xi32>,
    %sub3A_319 = arith.constant 512 : i32
    %sub3A_320 = vector.broadcast %sub3A_319 : i32 to vector<16xi32>
    %sub3A_321 = arith.subi %get3A_318, %sub3A_320 : vector<16xi32>
    %ge3A_322 = arith.constant 0 : i32
    %ge3A_323 = vector.broadcast %ge3A_322 : i32 to vector<16xi32>
    %ge3A_324 = arith.cmpi sge, %sub3A_321, %ge3A_323 : vector<16xi32>
    %lt3A_325 = arith.constant 256 : i32
    %lt3A_326 = vector.broadcast %lt3A_325 : i32 to vector<16xi32>
    %lt3A_327 = arith.cmpi slt, %sub3A_321, %lt3A_326 : vector<16xi32>
    %and3A_328 = arith.andi %ge3A_324, %lt3A_327 : vector<16xi1>
    %add3A_329 = arith.constant 48 : i32
    %add3A_330 = vector.broadcast %add3A_329 : i32 to vector<16xi32>
    %add3A_331 = arith.addi %iota3A, %add3A_330 : vector<16xi32>
    tpu.vector_store_idx %arg7[%sub3A_321, %add3A_331], %broadcast_in_dim3A_5 masked %and3A_328 : memref<256x128xf32, #tpu.memory_space<vmem>>[vector<16xi32>, vector<16xi32>], vector<16xf32>, vector<16xi1>
    %get3A_332 = arith.constant 64 : index
    %get3A_333 = tpu.vector_load %arg4[%get3A_332] {strides = array<i32>} : memref<512xi32, #tpu.memory_space<vmem>>, vector<16xi32>,
    %sub3A_334 = arith.constant 512 : i32
    %sub3A_335 = vector.broadcast %sub3A_334 : i32 to vector<16xi32>
    %sub3A_336 = arith.subi %get3A_333, %sub3A_335 : vector<16xi32>
    %ge3A_337 = arith.constant 0 : i32
    %ge3A_338 = vector.broadcast %ge3A_337 : i32 to vector<16xi32>
    %ge3A_339 = arith.cmpi sge, %sub3A_336, %ge3A_338 : vector<16xi32>
    %lt3A_340 = arith.constant 256 : i32
    %lt3A_341 = vector.broadcast %lt3A_340 : i32 to vector<16xi32>
    %lt3A_342 = arith.cmpi slt, %sub3A_336, %lt3A_341 : vector<16xi32>
    %and3A_343 = arith.andi %ge3A_339, %lt3A_342 : vector<16xi1>
    %add3A_344 = arith.constant 64 : i32
    %add3A_345 = vector.broadcast %add3A_344 : i32 to vector<16xi32>
    %add3A_346 = arith.addi %iota3A, %add3A_345 : vector<16xi32>
    tpu.vector_store_idx %arg7[%sub3A_336, %add3A_346], %broadcast_in_dim3A_5 masked %and3A_343 : memref<256x128xf32, #tpu.memory_space<vmem>>[vector<16xi32>, vector<16xi32>], vector<16xf32>, vector<16xi1>
    %get3A_347 = arith.constant 80 : index
    %get3A_348 = tpu.vector_load %arg4[%get3A_347] {strides = array<i32>} : memref<512xi32, #tpu.memory_space<vmem>>, vector<16xi32>,
    %sub3A_349 = arith.constant 512 : i32
    %sub3A_350 = vector.broadcast %sub3A_349 : i32 to vector<16xi32>
    %sub3A_351 = arith.subi %get3A_348, %sub3A_350 : vector<16xi32>
    %ge3A_352 = arith.constant 0 : i32
    %ge3A_353 = vector.broadcast %ge3A_352 : i32 to vector<16xi32>
    %ge3A_354 = arith.cmpi sge, %sub3A_351, %ge3A_353 : vector<16xi32>
    %lt3A_355 = arith.constant 256 : i32
    %lt3A_356 = vector.broadcast %lt3A_355 : i32 to vector<16xi32>
    %lt3A_357 = arith.cmpi slt, %sub3A_351, %lt3A_356 : vector<16xi32>
    %and3A_358 = arith.andi %ge3A_354, %lt3A_357 : vector<16xi1>
    %add3A_359 = arith.constant 80 : i32
    %add3A_360 = vector.broadcast %add3A_359 : i32 to vector<16xi32>
    %add3A_361 = arith.addi %iota3A, %add3A_360 : vector<16xi32>
    tpu.vector_store_idx %arg7[%sub3A_351, %add3A_361], %broadcast_in_dim3A_5 masked %and3A_358 : memref<256x128xf32, #tpu.memory_space<vmem>>[vector<16xi32>, vector<16xi32>], vector<16xf32>, vector<16xi1>
    %get3A_362 = arith.constant 96 : index
    %get3A_363 = tpu.vector_load %arg4[%get3A_362] {strides = array<i32>} : memref<512xi32, #tpu.memory_space<vmem>>, vector<16xi32>,
    %sub3A_364 = arith.constant 512 : i32
    %sub3A_365 = vector.broadcast %sub3A_364 : i32 to vector<16xi32>
    %sub3A_366 = arith.subi %get3A_363, %sub3A_365 : vector<16xi32>
    %ge3A_367 = arith.constant 0 : i32
    %ge3A_368 = vector.broadcast %ge3A_367 : i32 to vector<16xi32>
    %ge3A_369 = arith.cmpi sge, %sub3A_366, %ge3A_368 : vector<16xi32>
    %lt3A_370 = arith.constant 256 : i32
    %lt3A_371 = vector.broadcast %lt3A_370 : i32 to vector<16xi32>
    %lt3A_372 = arith.cmpi slt, %sub3A_366, %lt3A_371 : vector<16xi32>
    %and3A_373 = arith.andi %ge3A_369, %lt3A_372 : vector<16xi1>
    %add3A_374 = arith.constant 96 : i32
    %add3A_375 = vector.broadcast %add3A_374 : i32 to vector<16xi32>
    %add3A_376 = arith.addi %iota3A, %add3A_375 : vector<16xi32>
    tpu.vector_store_idx %arg7[%sub3A_366, %add3A_376], %broadcast_in_dim3A_5 masked %and3A_373 : memref<256x128xf32, #tpu.memory_space<vmem>>[vector<16xi32>, vector<16xi32>], vector<16xf32>, vector<16xi1>
    %get3A_377 = arith.constant 112 : index
    %get3A_378 = tpu.vector_load %arg4[%get3A_377] {strides = array<i32>} : memref<512xi32, #tpu.memory_space<vmem>>, vector<16xi32>,
    %sub3A_379 = arith.constant 512 : i32
    %sub3A_380 = vector.broadcast %sub3A_379 : i32 to vector<16xi32>
    %sub3A_381 = arith.subi %get3A_378, %sub3A_380 : vector<16xi32>
    %ge3A_382 = arith.constant 0 : i32
    %ge3A_383 = vector.broadcast %ge3A_382 : i32 to vector<16xi32>
    %ge3A_384 = arith.cmpi sge, %sub3A_381, %ge3A_383 : vector<16xi32>
    %lt3A_385 = arith.constant 256 : i32
    %lt3A_386 = vector.broadcast %lt3A_385 : i32 to vector<16xi32>
    %lt3A_387 = arith.cmpi slt, %sub3A_381, %lt3A_386 : vector<16xi32>
    %and3A_388 = arith.andi %ge3A_384, %lt3A_387 : vector<16xi1>
    %add3A_389 = arith.constant 112 : i32
    %add3A_390 = vector.broadcast %add3A_389 : i32 to vector<16xi32>
    %add3A_391 = arith.addi %iota3A, %add3A_390 : vector<16xi32>
    tpu.vector_store_idx %arg7[%sub3A_381, %add3A_391], %broadcast_in_dim3A_5 masked %and3A_388 : memref<256x128xf32, #tpu.memory_space<vmem>>[vector<16xi32>, vector<16xi32>], vector<16xf32>, vector<16xi1>
    %add3A_392 = arith.constant 0 : i32
    %add3A_393 = arith.addi %mul3A_2, %add3A_392 : i32
    %dma_start3A_394 = arith.constant 0 : i32
    %dma_start3A_395 = arith.constant 0 : i32
    %dma_start3A_396 = tpu.memref_slice %arg7[%dma_start3A_394, %dma_start3A_395] : memref<256x128xf32, #tpu.memory_space<vmem>> -> memref<256x128xf32, #tpu.memory_space<vmem>>
    %dma_start3A_397 = arith.constant 512 : i32
    %dma_start3A_398 = tpu.memref_slice %arg3[%dma_start3A_397, %add3A_393] : memref<1000x16384xf32, #tpu.memory_space<hbm>> -> memref<256x128xf32, #tpu.memory_space<hbm>>
    %dma_start3A_399 = arith.constant 512 : i32
    %dma_start3A_400 = tpu.memref_slice %arg3[%dma_start3A_399, %add3A_393] : memref<1000x16384xf32, #tpu.memory_space<hbm>> -> memref<256x128xf32, #tpu.memory_space<hbm>>
    %dma_start3A_401 = arith.constant 0 : i32
    %dma_start3A_402 = arith.constant 0 : i32
    %dma_start3A_403 = tpu.memref_slice %arg7[%dma_start3A_401, %dma_start3A_402] : memref<256x128xf32, #tpu.memory_space<vmem>> -> memref<256x128xf32, #tpu.memory_space<vmem>>
    tpu.enqueue_dma source(%dma_start3A_403 : memref<256x128xf32, #tpu.memory_space<vmem>>) target(%dma_start3A_400 : memref<256x128xf32, #tpu.memory_space<hbm>>) target_semaphore(%arg10 : memref<!tpu.dma_semaphore, #tpu.memory_space<semaphore_mem>>)
    %dma_wait3A = arith.constant 0 : i32
    %dma_wait3A_404 = arith.constant 0 : i32
    %dma_wait3A_405 = tpu.memref_slice %arg5[%dma_wait3A, %dma_wait3A_404] : memref<256x128xf32, #tpu.memory_space<vmem>> -> memref<256x128xf32, #tpu.memory_space<vmem>>
    %dma_wait3A_406 = arith.constant 0 : i32
    %dma_wait3A_407 = tpu.memref_slice %arg3[%dma_wait3A_406, %add3A_124] : memref<1000x16384xf32, #tpu.memory_space<hbm>> -> memref<256x128xf32, #tpu.memory_space<hbm>>
    %dma_wait3A_408 = arith.constant 0 : i32
    %dma_wait3A_409 = tpu.memref_slice %arg3[%dma_wait3A_408, %add3A_124] : memref<1000x16384xf32, #tpu.memory_space<hbm>> -> memref<256x128xf32, #tpu.memory_space<hbm>>
    %dma_wait3A_410 = arith.constant 0 : i32
    %dma_wait3A_411 = arith.constant 0 : i32
    %dma_wait3A_412 = tpu.memref_slice %arg5[%dma_wait3A_410, %dma_wait3A_411] : memref<256x128xf32, #tpu.memory_space<vmem>> -> memref<256x128xf32, #tpu.memory_space<vmem>>
    tpu.wait_dma2 semaphore(%arg8 : memref<!tpu.dma_semaphore, #tpu.memory_space<semaphore_mem>>) src(%dma_wait3A_412 : memref<256x128xf32, #tpu.memory_space<vmem>>) dst(%dma_wait3A_409 : memref<256x128xf32, #tpu.memory_space<hbm>>)
    %get3A_413 = arith.constant 0 : index
    %get3A_414 = tpu.vector_load %arg4[%get3A_413] {strides = array<i32>} : memref<512xi32, #tpu.memory_space<vmem>>, vector<16xi32>,
    %sub3A_415 = arith.constant 0 : i32
    %sub3A_416 = vector.broadcast %sub3A_415 : i32 to vector<16xi32>
    %sub3A_417 = arith.subi %get3A_414, %sub3A_416 : vector<16xi32>
    %ge3A_418 = arith.constant 0 : i32
    %ge3A_419 = vector.broadcast %ge3A_418 : i32 to vector<16xi32>
    %ge3A_420 = arith.cmpi sge, %sub3A_417, %ge3A_419 : vector<16xi32>
    %lt3A_421 = arith.constant 256 : i32
    %lt3A_422 = vector.broadcast %lt3A_421 : i32 to vector<16xi32>
    %lt3A_423 = arith.cmpi slt, %sub3A_417, %lt3A_422 : vector<16xi32>
    %and3A_424 = arith.andi %ge3A_420, %lt3A_423 : vector<16xi1>
    %add3A_425 = arith.constant 0 : i32
    %add3A_426 = vector.broadcast %add3A_425 : i32 to vector<16xi32>
    %add3A_427 = arith.addi %iota3A, %add3A_426 : vector<16xi32>
    tpu.vector_store_idx %arg5[%sub3A_417, %add3A_427], %broadcast_in_dim3A_3 masked %and3A_424 : memref<256x128xf32, #tpu.memory_space<vmem>>[vector<16xi32>, vector<16xi32>], vector<16xf32>, vector<16xi1>
    %get3A_428 = arith.constant 16 : index
    %get3A_429 = tpu.vector_load %arg4[%get3A_428] {strides = array<i32>} : memref<512xi32, #tpu.memory_space<vmem>>, vector<16xi32>,
    %sub3A_430 = arith.constant 0 : i32
    %sub3A_431 = vector.broadcast %sub3A_430 : i32 to vector<16xi32>
    %sub3A_432 = arith.subi %get3A_429, %sub3A_431 : vector<16xi32>
    %ge3A_433 = arith.constant 0 : i32
    %ge3A_434 = vector.broadcast %ge3A_433 : i32 to vector<16xi32>
    %ge3A_435 = arith.cmpi sge, %sub3A_432, %ge3A_434 : vector<16xi32>
    %lt3A_436 = arith.constant 256 : i32
    %lt3A_437 = vector.broadcast %lt3A_436 : i32 to vector<16xi32>
    %lt3A_438 = arith.cmpi slt, %sub3A_432, %lt3A_437 : vector<16xi32>
    %and3A_439 = arith.andi %ge3A_435, %lt3A_438 : vector<16xi1>
    %add3A_440 = arith.constant 16 : i32
    %add3A_441 = vector.broadcast %add3A_440 : i32 to vector<16xi32>
    %add3A_442 = arith.addi %iota3A, %add3A_441 : vector<16xi32>
    tpu.vector_store_idx %arg5[%sub3A_432, %add3A_442], %broadcast_in_dim3A_3 masked %and3A_439 : memref<256x128xf32, #tpu.memory_space<vmem>>[vector<16xi32>, vector<16xi32>], vector<16xf32>, vector<16xi1>
    %get3A_443 = arith.constant 32 : index
    %get3A_444 = tpu.vector_load %arg4[%get3A_443] {strides = array<i32>} : memref<512xi32, #tpu.memory_space<vmem>>, vector<16xi32>,
    %sub3A_445 = arith.constant 0 : i32
    %sub3A_446 = vector.broadcast %sub3A_445 : i32 to vector<16xi32>
    %sub3A_447 = arith.subi %get3A_444, %sub3A_446 : vector<16xi32>
    %ge3A_448 = arith.constant 0 : i32
    %ge3A_449 = vector.broadcast %ge3A_448 : i32 to vector<16xi32>
    %ge3A_450 = arith.cmpi sge, %sub3A_447, %ge3A_449 : vector<16xi32>
    %lt3A_451 = arith.constant 256 : i32
    %lt3A_452 = vector.broadcast %lt3A_451 : i32 to vector<16xi32>
    %lt3A_453 = arith.cmpi slt, %sub3A_447, %lt3A_452 : vector<16xi32>
    %and3A_454 = arith.andi %ge3A_450, %lt3A_453 : vector<16xi1>
    %add3A_455 = arith.constant 32 : i32
    %add3A_456 = vector.broadcast %add3A_455 : i32 to vector<16xi32>
    %add3A_457 = arith.addi %iota3A, %add3A_456 : vector<16xi32>
    tpu.vector_store_idx %arg5[%sub3A_447, %add3A_457], %broadcast_in_dim3A_3 masked %and3A_454 : memref<256x128xf32, #tpu.memory_space<vmem>>[vector<16xi32>, vector<16xi32>], vector<16xf32>, vector<16xi1>
    %get3A_458 = arith.constant 48 : index
    %get3A_459 = tpu.vector_load %arg4[%get3A_458] {strides = array<i32>} : memref<512xi32, #tpu.memory_space<vmem>>, vector<16xi32>,
    %sub3A_460 = arith.constant 0 : i32
    %sub3A_461 = vector.broadcast %sub3A_460 : i32 to vector<16xi32>
    %sub3A_462 = arith.subi %get3A_459, %sub3A_461 : vector<16xi32>
    %ge3A_463 = arith.constant 0 : i32
    %ge3A_464 = vector.broadcast %ge3A_463 : i32 to vector<16xi32>
    %ge3A_465 = arith.cmpi sge, %sub3A_462, %ge3A_464 : vector<16xi32>
    %lt3A_466 = arith.constant 256 : i32
    %lt3A_467 = vector.broadcast %lt3A_466 : i32 to vector<16xi32>
    %lt3A_468 = arith.cmpi slt, %sub3A_462, %lt3A_467 : vector<16xi32>
    %and3A_469 = arith.andi %ge3A_465, %lt3A_468 : vector<16xi1>
    %add3A_470 = arith.constant 48 : i32
    %add3A_471 = vector.broadcast %add3A_470 : i32 to vector<16xi32>
    %add3A_472 = arith.addi %iota3A, %add3A_471 : vector<16xi32>
    tpu.vector_store_idx %arg5[%sub3A_462, %add3A_472], %broadcast_in_dim3A_3 masked %and3A_469 : memref<256x128xf32, #tpu.memory_space<vmem>>[vector<16xi32>, vector<16xi32>], vector<16xf32>, vector<16xi1>
    %get3A_473 = arith.constant 64 : index
    %get3A_474 = tpu.vector_load %arg4[%get3A_473] {strides = array<i32>} : memref<512xi32, #tpu.memory_space<vmem>>, vector<16xi32>,
    %sub3A_475 = arith.constant 0 : i32
    %sub3A_476 = vector.broadcast %sub3A_475 : i32 to vector<16xi32>
    %sub3A_477 = arith.subi %get3A_474, %sub3A_476 : vector<16xi32>
    %ge3A_478 = arith.constant 0 : i32
    %ge3A_479 = vector.broadcast %ge3A_478 : i32 to vector<16xi32>
    %ge3A_480 = arith.cmpi sge, %sub3A_477, %ge3A_479 : vector<16xi32>
    %lt3A_481 = arith.constant 256 : i32
    %lt3A_482 = vector.broadcast %lt3A_481 : i32 to vector<16xi32>
    %lt3A_483 = arith.cmpi slt, %sub3A_477, %lt3A_482 : vector<16xi32>
    %and3A_484 = arith.andi %ge3A_480, %lt3A_483 : vector<16xi1>
    %add3A_485 = arith.constant 64 : i32
    %add3A_486 = vector.broadcast %add3A_485 : i32 to vector<16xi32>
    %add3A_487 = arith.addi %iota3A, %add3A_486 : vector<16xi32>
    tpu.vector_store_idx %arg5[%sub3A_477, %add3A_487], %broadcast_in_dim3A_3 masked %and3A_484 : memref<256x128xf32, #tpu.memory_space<vmem>>[vector<16xi32>, vector<16xi32>], vector<16xf32>, vector<16xi1>
    %get3A_488 = arith.constant 80 : index
    %get3A_489 = tpu.vector_load %arg4[%get3A_488] {strides = array<i32>} : memref<512xi32, #tpu.memory_space<vmem>>, vector<16xi32>,
    %sub3A_490 = arith.constant 0 : i32
    %sub3A_491 = vector.broadcast %sub3A_490 : i32 to vector<16xi32>
    %sub3A_492 = arith.subi %get3A_489, %sub3A_491 : vector<16xi32>
    %ge3A_493 = arith.constant 0 : i32
    %ge3A_494 = vector.broadcast %ge3A_493 : i32 to vector<16xi32>
    %ge3A_495 = arith.cmpi sge, %sub3A_492, %ge3A_494 : vector<16xi32>
    %lt3A_496 = arith.constant 256 : i32
    %lt3A_497 = vector.broadcast %lt3A_496 : i32 to vector<16xi32>
    %lt3A_498 = arith.cmpi slt, %sub3A_492, %lt3A_497 : vector<16xi32>
    %and3A_499 = arith.andi %ge3A_495, %lt3A_498 : vector<16xi1>
    %add3A_500 = arith.constant 80 : i32
    %add3A_501 = vector.broadcast %add3A_500 : i32 to vector<16xi32>
    %add3A_502 = arith.addi %iota3A, %add3A_501 : vector<16xi32>
    tpu.vector_store_idx %arg5[%sub3A_492, %add3A_502], %broadcast_in_dim3A_3 masked %and3A_499 : memref<256x128xf32, #tpu.memory_space<vmem>>[vector<16xi32>, vector<16xi32>], vector<16xf32>, vector<16xi1>
    %get3A_503 = arith.constant 96 : index
    %get3A_504 = tpu.vector_load %arg4[%get3A_503] {strides = array<i32>} : memref<512xi32, #tpu.memory_space<vmem>>, vector<16xi32>,
    %sub3A_505 = arith.constant 0 : i32
    %sub3A_506 = vector.broadcast %sub3A_505 : i32 to vector<16xi32>
    %sub3A_507 = arith.subi %get3A_504, %sub3A_506 : vector<16xi32>
    %ge3A_508 = arith.constant 0 : i32
    %ge3A_509 = vector.broadcast %ge3A_508 : i32 to vector<16xi32>
    %ge3A_510 = arith.cmpi sge, %sub3A_507, %ge3A_509 : vector<16xi32>
    %lt3A_511 = arith.constant 256 : i32
    %lt3A_512 = vector.broadcast %lt3A_511 : i32 to vector<16xi32>
    %lt3A_513 = arith.cmpi slt, %sub3A_507, %lt3A_512 : vector<16xi32>
    %and3A_514 = arith.andi %ge3A_510, %lt3A_513 : vector<16xi1>
    %add3A_515 = arith.constant 96 : i32
    %add3A_516 = vector.broadcast %add3A_515 : i32 to vector<16xi32>
    %add3A_517 = arith.addi %iota3A, %add3A_516 : vector<16xi32>
    tpu.vector_store_idx %arg5[%sub3A_507, %add3A_517], %broadcast_in_dim3A_3 masked %and3A_514 : memref<256x128xf32, #tpu.memory_space<vmem>>[vector<16xi32>, vector<16xi32>], vector<16xf32>, vector<16xi1>
    %get3A_518 = arith.constant 112 : index
    %get3A_519 = tpu.vector_load %arg4[%get3A_518] {strides = array<i32>} : memref<512xi32, #tpu.memory_space<vmem>>, vector<16xi32>,
    %sub3A_520 = arith.constant 0 : i32
    %sub3A_521 = vector.broadcast %sub3A_520 : i32 to vector<16xi32>
    %sub3A_522 = arith.subi %get3A_519, %sub3A_521 : vector<16xi32>
    %ge3A_523 = arith.constant 0 : i32
    %ge3A_524 = vector.broadcast %ge3A_523 : i32 to vector<16xi32>
    %ge3A_525 = arith.cmpi sge, %sub3A_522, %ge3A_524 : vector<16xi32>
    %lt3A_526 = arith.constant 256 : i32
    %lt3A_527 = vector.broadcast %lt3A_526 : i32 to vector<16xi32>
    %lt3A_528 = arith.cmpi slt, %sub3A_522, %lt3A_527 : vector<16xi32>
    %and3A_529 = arith.andi %ge3A_525, %lt3A_528 : vector<16xi1>
    %add3A_530 = arith.constant 112 : i32
    %add3A_531 = vector.broadcast %add3A_530 : i32 to vector<16xi32>
    %add3A_532 = arith.addi %iota3A, %add3A_531 : vector<16xi32>
    tpu.vector_store_idx %arg5[%sub3A_522, %add3A_532], %broadcast_in_dim3A_3 masked %and3A_529 : memref<256x128xf32, #tpu.memory_space<vmem>>[vector<16xi32>, vector<16xi32>], vector<16xf32>, vector<16xi1>
    %get3A_533 = arith.constant 0 : index
    %get3A_534 = tpu.vector_load %arg4[%get3A_533] {strides = array<i32>} : memref<512xi32, #tpu.memory_space<vmem>>, vector<16xi32>,
    %sub3A_535 = arith.constant 768 : i32
    %sub3A_536 = vector.broadcast %sub3A_535 : i32 to vector<16xi32>
    %sub3A_537 = arith.subi %get3A_534, %sub3A_536 : vector<16xi32>
    %ge3A_538 = arith.constant 0 : i32
    %ge3A_539 = vector.broadcast %ge3A_538 : i32 to vector<16xi32>
    %ge3A_540 = arith.cmpi sge, %sub3A_537, %ge3A_539 : vector<16xi32>
    %lt3A_541 = arith.constant 232 : i32
    %lt3A_542 = vector.broadcast %lt3A_541 : i32 to vector<16xi32>
    %lt3A_543 = arith.cmpi slt, %sub3A_537, %lt3A_542 : vector<16xi32>
    %and3A_544 = arith.andi %ge3A_540, %lt3A_543 : vector<16xi1>
    %add3A_545 = arith.constant 0 : i32
    %add3A_546 = vector.broadcast %add3A_545 : i32 to vector<16xi32>
    %add3A_547 = arith.addi %iota3A, %add3A_546 : vector<16xi32>
    tpu.vector_store_idx %arg5[%sub3A_537, %add3A_547], %broadcast_in_dim3A_5 masked %and3A_544 : memref<256x128xf32, #tpu.memory_space<vmem>>[vector<16xi32>, vector<16xi32>], vector<16xf32>, vector<16xi1>
    %get3A_548 = arith.constant 16 : index
    %get3A_549 = tpu.vector_load %arg4[%get3A_548] {strides = array<i32>} : memref<512xi32, #tpu.memory_space<vmem>>, vector<16xi32>,
    %sub3A_550 = arith.constant 768 : i32
    %sub3A_551 = vector.broadcast %sub3A_550 : i32 to vector<16xi32>
    %sub3A_552 = arith.subi %get3A_549, %sub3A_551 : vector<16xi32>
    %ge3A_553 = arith.constant 0 : i32
    %ge3A_554 = vector.broadcast %ge3A_553 : i32 to vector<16xi32>
    %ge3A_555 = arith.cmpi sge, %sub3A_552, %ge3A_554 : vector<16xi32>
    %lt3A_556 = arith.constant 232 : i32
    %lt3A_557 = vector.broadcast %lt3A_556 : i32 to vector<16xi32>
    %lt3A_558 = arith.cmpi slt, %sub3A_552, %lt3A_557 : vector<16xi32>
    %and3A_559 = arith.andi %ge3A_555, %lt3A_558 : vector<16xi1>
    %add3A_560 = arith.constant 16 : i32
    %add3A_561 = vector.broadcast %add3A_560 : i32 to vector<16xi32>
    %add3A_562 = arith.addi %iota3A, %add3A_561 : vector<16xi32>
    tpu.vector_store_idx %arg5[%sub3A_552, %add3A_562], %broadcast_in_dim3A_5 masked %and3A_559 : memref<256x128xf32, #tpu.memory_space<vmem>>[vector<16xi32>, vector<16xi32>], vector<16xf32>, vector<16xi1>
    %get3A_563 = arith.constant 32 : index
    %get3A_564 = tpu.vector_load %arg4[%get3A_563] {strides = array<i32>} : memref<512xi32, #tpu.memory_space<vmem>>, vector<16xi32>,
    %sub3A_565 = arith.constant 768 : i32
    %sub3A_566 = vector.broadcast %sub3A_565 : i32 to vector<16xi32>
    %sub3A_567 = arith.subi %get3A_564, %sub3A_566 : vector<16xi32>
    %ge3A_568 = arith.constant 0 : i32
    %ge3A_569 = vector.broadcast %ge3A_568 : i32 to vector<16xi32>
    %ge3A_570 = arith.cmpi sge, %sub3A_567, %ge3A_569 : vector<16xi32>
    %lt3A_571 = arith.constant 232 : i32
    %lt3A_572 = vector.broadcast %lt3A_571 : i32 to vector<16xi32>
    %lt3A_573 = arith.cmpi slt, %sub3A_567, %lt3A_572 : vector<16xi32>
    %and3A_574 = arith.andi %ge3A_570, %lt3A_573 : vector<16xi1>
    %add3A_575 = arith.constant 32 : i32
    %add3A_576 = vector.broadcast %add3A_575 : i32 to vector<16xi32>
    %add3A_577 = arith.addi %iota3A, %add3A_576 : vector<16xi32>
    tpu.vector_store_idx %arg5[%sub3A_567, %add3A_577], %broadcast_in_dim3A_5 masked %and3A_574 : memref<256x128xf32, #tpu.memory_space<vmem>>[vector<16xi32>, vector<16xi32>], vector<16xf32>, vector<16xi1>
    %get3A_578 = arith.constant 48 : index
    %get3A_579 = tpu.vector_load %arg4[%get3A_578] {strides = array<i32>} : memref<512xi32, #tpu.memory_space<vmem>>, vector<16xi32>,
    %sub3A_580 = arith.constant 768 : i32
    %sub3A_581 = vector.broadcast %sub3A_580 : i32 to vector<16xi32>
    %sub3A_582 = arith.subi %get3A_579, %sub3A_581 : vector<16xi32>
    %ge3A_583 = arith.constant 0 : i32
    %ge3A_584 = vector.broadcast %ge3A_583 : i32 to vector<16xi32>
    %ge3A_585 = arith.cmpi sge, %sub3A_582, %ge3A_584 : vector<16xi32>
    %lt3A_586 = arith.constant 232 : i32
    %lt3A_587 = vector.broadcast %lt3A_586 : i32 to vector<16xi32>
    %lt3A_588 = arith.cmpi slt, %sub3A_582, %lt3A_587 : vector<16xi32>
    %and3A_589 = arith.andi %ge3A_585, %lt3A_588 : vector<16xi1>
    %add3A_590 = arith.constant 48 : i32
    %add3A_591 = vector.broadcast %add3A_590 : i32 to vector<16xi32>
    %add3A_592 = arith.addi %iota3A, %add3A_591 : vector<16xi32>
    tpu.vector_store_idx %arg5[%sub3A_582, %add3A_592], %broadcast_in_dim3A_5 masked %and3A_589 : memref<256x128xf32, #tpu.memory_space<vmem>>[vector<16xi32>, vector<16xi32>], vector<16xf32>, vector<16xi1>
    %get3A_593 = arith.constant 64 : index
    %get3A_594 = tpu.vector_load %arg4[%get3A_593] {strides = array<i32>} : memref<512xi32, #tpu.memory_space<vmem>>, vector<16xi32>,
    %sub3A_595 = arith.constant 768 : i32
    %sub3A_596 = vector.broadcast %sub3A_595 : i32 to vector<16xi32>
    %sub3A_597 = arith.subi %get3A_594, %sub3A_596 : vector<16xi32>
    %ge3A_598 = arith.constant 0 : i32
    %ge3A_599 = vector.broadcast %ge3A_598 : i32 to vector<16xi32>
    %ge3A_600 = arith.cmpi sge, %sub3A_597, %ge3A_599 : vector<16xi32>
    %lt3A_601 = arith.constant 232 : i32
    %lt3A_602 = vector.broadcast %lt3A_601 : i32 to vector<16xi32>
    %lt3A_603 = arith.cmpi slt, %sub3A_597, %lt3A_602 : vector<16xi32>
    %and3A_604 = arith.andi %ge3A_600, %lt3A_603 : vector<16xi1>
    %add3A_605 = arith.constant 64 : i32
    %add3A_606 = vector.broadcast %add3A_605 : i32 to vector<16xi32>
    %add3A_607 = arith.addi %iota3A, %add3A_606 : vector<16xi32>
    tpu.vector_store_idx %arg5[%sub3A_597, %add3A_607], %broadcast_in_dim3A_5 masked %and3A_604 : memref<256x128xf32, #tpu.memory_space<vmem>>[vector<16xi32>, vector<16xi32>], vector<16xf32>, vector<16xi1>
    %get3A_608 = arith.constant 80 : index
    %get3A_609 = tpu.vector_load %arg4[%get3A_608] {strides = array<i32>} : memref<512xi32, #tpu.memory_space<vmem>>, vector<16xi32>,
    %sub3A_610 = arith.constant 768 : i32
    %sub3A_611 = vector.broadcast %sub3A_610 : i32 to vector<16xi32>
    %sub3A_612 = arith.subi %get3A_609, %sub3A_611 : vector<16xi32>
    %ge3A_613 = arith.constant 0 : i32
    %ge3A_614 = vector.broadcast %ge3A_613 : i32 to vector<16xi32>
    %ge3A_615 = arith.cmpi sge, %sub3A_612, %ge3A_614 : vector<16xi32>
    %lt3A_616 = arith.constant 232 : i32
    %lt3A_617 = vector.broadcast %lt3A_616 : i32 to vector<16xi32>
    %lt3A_618 = arith.cmpi slt, %sub3A_612, %lt3A_617 : vector<16xi32>
    %and3A_619 = arith.andi %ge3A_615, %lt3A_618 : vector<16xi1>
    %add3A_620 = arith.constant 80 : i32
    %add3A_621 = vector.broadcast %add3A_620 : i32 to vector<16xi32>
    %add3A_622 = arith.addi %iota3A, %add3A_621 : vector<16xi32>
    tpu.vector_store_idx %arg5[%sub3A_612, %add3A_622], %broadcast_in_dim3A_5 masked %and3A_619 : memref<256x128xf32, #tpu.memory_space<vmem>>[vector<16xi32>, vector<16xi32>], vector<16xf32>, vector<16xi1>
    %get3A_623 = arith.constant 96 : index
    %get3A_624 = tpu.vector_load %arg4[%get3A_623] {strides = array<i32>} : memref<512xi32, #tpu.memory_space<vmem>>, vector<16xi32>,
    %sub3A_625 = arith.constant 768 : i32
    %sub3A_626 = vector.broadcast %sub3A_625 : i32 to vector<16xi32>
    %sub3A_627 = arith.subi %get3A_624, %sub3A_626 : vector<16xi32>
    %ge3A_628 = arith.constant 0 : i32
    %ge3A_629 = vector.broadcast %ge3A_628 : i32 to vector<16xi32>
    %ge3A_630 = arith.cmpi sge, %sub3A_627, %ge3A_629 : vector<16xi32>
    %lt3A_631 = arith.constant 232 : i32
    %lt3A_632 = vector.broadcast %lt3A_631 : i32 to vector<16xi32>
    %lt3A_633 = arith.cmpi slt, %sub3A_627, %lt3A_632 : vector<16xi32>
    %and3A_634 = arith.andi %ge3A_630, %lt3A_633 : vector<16xi1>
    %add3A_635 = arith.constant 96 : i32
    %add3A_636 = vector.broadcast %add3A_635 : i32 to vector<16xi32>
    %add3A_637 = arith.addi %iota3A, %add3A_636 : vector<16xi32>
    tpu.vector_store_idx %arg5[%sub3A_627, %add3A_637], %broadcast_in_dim3A_5 masked %and3A_634 : memref<256x128xf32, #tpu.memory_space<vmem>>[vector<16xi32>, vector<16xi32>], vector<16xf32>, vector<16xi1>
    %get3A_638 = arith.constant 112 : index
    %get3A_639 = tpu.vector_load %arg4[%get3A_638] {strides = array<i32>} : memref<512xi32, #tpu.memory_space<vmem>>, vector<16xi32>,
    %sub3A_640 = arith.constant 768 : i32
    %sub3A_641 = vector.broadcast %sub3A_640 : i32 to vector<16xi32>
    %sub3A_642 = arith.subi %get3A_639, %sub3A_641 : vector<16xi32>
    %ge3A_643 = arith.constant 0 : i32
    %ge3A_644 = vector.broadcast %ge3A_643 : i32 to vector<16xi32>
    %ge3A_645 = arith.cmpi sge, %sub3A_642, %ge3A_644 : vector<16xi32>
    %lt3A_646 = arith.constant 232 : i32
    %lt3A_647 = vector.broadcast %lt3A_646 : i32 to vector<16xi32>
    %lt3A_648 = arith.cmpi slt, %sub3A_642, %lt3A_647 : vector<16xi32>
    %and3A_649 = arith.andi %ge3A_645, %lt3A_648 : vector<16xi1>
    %add3A_650 = arith.constant 112 : i32
    %add3A_651 = vector.broadcast %add3A_650 : i32 to vector<16xi32>
    %add3A_652 = arith.addi %iota3A, %add3A_651 : vector<16xi32>
    tpu.vector_store_idx %arg5[%sub3A_642, %add3A_652], %broadcast_in_dim3A_5 masked %and3A_649 : memref<256x128xf32, #tpu.memory_space<vmem>>[vector<16xi32>, vector<16xi32>], vector<16xf32>, vector<16xi1>
    %add3A_653 = arith.constant 0 : i32
    %add3A_654 = arith.addi %mul3A_2, %add3A_653 : i32
    %dma_start3A_655 = arith.constant 0 : i32
    %dma_start3A_656 = arith.constant 0 : i32
    %dma_start3A_657 = tpu.memref_slice %arg5[%dma_start3A_655, %dma_start3A_656] : memref<256x128xf32, #tpu.memory_space<vmem>> -> memref<232x128xf32, #tpu.memory_space<vmem>>
    %dma_start3A_658 = arith.constant 768 : i32
    %dma_start3A_659 = tpu.memref_slice %arg3[%dma_start3A_658, %add3A_654] : memref<1000x16384xf32, #tpu.memory_space<hbm>> -> memref<232x128xf32, #tpu.memory_space<hbm>>
    %dma_start3A_660 = arith.constant 768 : i32
    %dma_start3A_661 = tpu.memref_slice %arg3[%dma_start3A_660, %add3A_654] : memref<1000x16384xf32, #tpu.memory_space<hbm>> -> memref<232x128xf32, #tpu.memory_space<hbm>>
    %dma_start3A_662 = arith.constant 0 : i32
    %dma_start3A_663 = arith.constant 0 : i32
    %dma_start3A_664 = tpu.memref_slice %arg5[%dma_start3A_662, %dma_start3A_663] : memref<256x128xf32, #tpu.memory_space<vmem>> -> memref<232x128xf32, #tpu.memory_space<vmem>>
    tpu.enqueue_dma source(%dma_start3A_664 : memref<232x128xf32, #tpu.memory_space<vmem>>) target(%dma_start3A_661 : memref<232x128xf32, #tpu.memory_space<hbm>>) target_semaphore(%arg8 : memref<!tpu.dma_semaphore, #tpu.memory_space<semaphore_mem>>)
    %dma_wait3A_665 = arith.constant 0 : i32
    %dma_wait3A_666 = arith.constant 0 : i32
    %dma_wait3A_667 = tpu.memref_slice %arg6[%dma_wait3A_665, %dma_wait3A_666] : memref<256x128xf32, #tpu.memory_space<vmem>> -> memref<256x128xf32, #tpu.memory_space<vmem>>
    %dma_wait3A_668 = arith.constant 256 : i32
    %dma_wait3A_669 = tpu.memref_slice %arg3[%dma_wait3A_668, %add3A_258] : memref<1000x16384xf32, #tpu.memory_space<hbm>> -> memref<256x128xf32, #tpu.memory_space<hbm>>
    %dma_wait3A_670 = arith.constant 256 : i32
    %dma_wait3A_671 = tpu.memref_slice %arg3[%dma_wait3A_670, %add3A_258] : memref<1000x16384xf32, #tpu.memory_space<hbm>> -> memref<256x128xf32, #tpu.memory_space<hbm>>
    %dma_wait3A_672 = arith.constant 0 : i32
    %dma_wait3A_673 = arith.constant 0 : i32
    %dma_wait3A_674 = tpu.memref_slice %arg6[%dma_wait3A_672, %dma_wait3A_673] : memref<256x128xf32, #tpu.memory_space<vmem>> -> memref<256x128xf32, #tpu.memory_space<vmem>>
    tpu.wait_dma2 semaphore(%arg9 : memref<!tpu.dma_semaphore, #tpu.memory_space<semaphore_mem>>) src(%dma_wait3A_674 : memref<256x128xf32, #tpu.memory_space<vmem>>) dst(%dma_wait3A_671 : memref<256x128xf32, #tpu.memory_space<hbm>>)
    %get3A_675 = arith.constant 0 : index
    %get3A_676 = tpu.vector_load %arg4[%get3A_675] {strides = array<i32>} : memref<512xi32, #tpu.memory_space<vmem>>, vector<16xi32>,
    %sub3A_677 = arith.constant 256 : i32
    %sub3A_678 = vector.broadcast %sub3A_677 : i32 to vector<16xi32>
    %sub3A_679 = arith.subi %get3A_676, %sub3A_678 : vector<16xi32>
    %ge3A_680 = arith.constant 0 : i32
    %ge3A_681 = vector.broadcast %ge3A_680 : i32 to vector<16xi32>
    %ge3A_682 = arith.cmpi sge, %sub3A_679, %ge3A_681 : vector<16xi32>
    %lt3A_683 = arith.constant 256 : i32
    %lt3A_684 = vector.broadcast %lt3A_683 : i32 to vector<16xi32>
    %lt3A_685 = arith.cmpi slt, %sub3A_679, %lt3A_684 : vector<16xi32>
    %and3A_686 = arith.andi %ge3A_682, %lt3A_685 : vector<16xi1>
    %add3A_687 = arith.constant 0 : i32
    %add3A_688 = vector.broadcast %add3A_687 : i32 to vector<16xi32>
    %add3A_689 = arith.addi %iota3A, %add3A_688 : vector<16xi32>
    tpu.vector_store_idx %arg6[%sub3A_679, %add3A_689], %broadcast_in_dim3A_3 masked %and3A_686 : memref<256x128xf32, #tpu.memory_space<vmem>>[vector<16xi32>, vector<16xi32>], vector<16xf32>, vector<16xi1>
    %get3A_690 = arith.constant 16 : index
    %get3A_691 = tpu.vector_load %arg4[%get3A_690] {strides = array<i32>} : memref<512xi32, #tpu.memory_space<vmem>>, vector<16xi32>,
    %sub3A_692 = arith.constant 256 : i32
    %sub3A_693 = vector.broadcast %sub3A_692 : i32 to vector<16xi32>
    %sub3A_694 = arith.subi %get3A_691, %sub3A_693 : vector<16xi32>
    %ge3A_695 = arith.constant 0 : i32
    %ge3A_696 = vector.broadcast %ge3A_695 : i32 to vector<16xi32>
    %ge3A_697 = arith.cmpi sge, %sub3A_694, %ge3A_696 : vector<16xi32>
    %lt3A_698 = arith.constant 256 : i32
    %lt3A_699 = vector.broadcast %lt3A_698 : i32 to vector<16xi32>
    %lt3A_700 = arith.cmpi slt, %sub3A_694, %lt3A_699 : vector<16xi32>
    %and3A_701 = arith.andi %ge3A_697, %lt3A_700 : vector<16xi1>
    %add3A_702 = arith.constant 16 : i32
    %add3A_703 = vector.broadcast %add3A_702 : i32 to vector<16xi32>
    %add3A_704 = arith.addi %iota3A, %add3A_703 : vector<16xi32>
    tpu.vector_store_idx %arg6[%sub3A_694, %add3A_704], %broadcast_in_dim3A_3 masked %and3A_701 : memref<256x128xf32, #tpu.memory_space<vmem>>[vector<16xi32>, vector<16xi32>], vector<16xf32>, vector<16xi1>
    %get3A_705 = arith.constant 32 : index
    %get3A_706 = tpu.vector_load %arg4[%get3A_705] {strides = array<i32>} : memref<512xi32, #tpu.memory_space<vmem>>, vector<16xi32>,
    %sub3A_707 = arith.constant 256 : i32
    %sub3A_708 = vector.broadcast %sub3A_707 : i32 to vector<16xi32>
    %sub3A_709 = arith.subi %get3A_706, %sub3A_708 : vector<16xi32>
    %ge3A_710 = arith.constant 0 : i32
    %ge3A_711 = vector.broadcast %ge3A_710 : i32 to vector<16xi32>
    %ge3A_712 = arith.cmpi sge, %sub3A_709, %ge3A_711 : vector<16xi32>
    %lt3A_713 = arith.constant 256 : i32
    %lt3A_714 = vector.broadcast %lt3A_713 : i32 to vector<16xi32>
    %lt3A_715 = arith.cmpi slt, %sub3A_709, %lt3A_714 : vector<16xi32>
    %and3A_716 = arith.andi %ge3A_712, %lt3A_715 : vector<16xi1>
    %add3A_717 = arith.constant 32 : i32
    %add3A_718 = vector.broadcast %add3A_717 : i32 to vector<16xi32>
    %add3A_719 = arith.addi %iota3A, %add3A_718 : vector<16xi32>
    tpu.vector_store_idx %arg6[%sub3A_709, %add3A_719], %broadcast_in_dim3A_3 masked %and3A_716 : memref<256x128xf32, #tpu.memory_space<vmem>>[vector<16xi32>, vector<16xi32>], vector<16xf32>, vector<16xi1>
    %get3A_720 = arith.constant 48 : index
    %get3A_721 = tpu.vector_load %arg4[%get3A_720] {strides = array<i32>} : memref<512xi32, #tpu.memory_space<vmem>>, vector<16xi32>,
    %sub3A_722 = arith.constant 256 : i32
    %sub3A_723 = vector.broadcast %sub3A_722 : i32 to vector<16xi32>
    %sub3A_724 = arith.subi %get3A_721, %sub3A_723 : vector<16xi32>
    %ge3A_725 = arith.constant 0 : i32
    %ge3A_726 = vector.broadcast %ge3A_725 : i32 to vector<16xi32>
    %ge3A_727 = arith.cmpi sge, %sub3A_724, %ge3A_726 : vector<16xi32>
    %lt3A_728 = arith.constant 256 : i32
    %lt3A_729 = vector.broadcast %lt3A_728 : i32 to vector<16xi32>
    %lt3A_730 = arith.cmpi slt, %sub3A_724, %lt3A_729 : vector<16xi32>
    %and3A_731 = arith.andi %ge3A_727, %lt3A_730 : vector<16xi1>
    %add3A_732 = arith.constant 48 : i32
    %add3A_733 = vector.broadcast %add3A_732 : i32 to vector<16xi32>
    %add3A_734 = arith.addi %iota3A, %add3A_733 : vector<16xi32>
    tpu.vector_store_idx %arg6[%sub3A_724, %add3A_734], %broadcast_in_dim3A_3 masked %and3A_731 : memref<256x128xf32, #tpu.memory_space<vmem>>[vector<16xi32>, vector<16xi32>], vector<16xf32>, vector<16xi1>
    %get3A_735 = arith.constant 64 : index
    %get3A_736 = tpu.vector_load %arg4[%get3A_735] {strides = array<i32>} : memref<512xi32, #tpu.memory_space<vmem>>, vector<16xi32>,
    %sub3A_737 = arith.constant 256 : i32
    %sub3A_738 = vector.broadcast %sub3A_737 : i32 to vector<16xi32>
    %sub3A_739 = arith.subi %get3A_736, %sub3A_738 : vector<16xi32>
    %ge3A_740 = arith.constant 0 : i32
    %ge3A_741 = vector.broadcast %ge3A_740 : i32 to vector<16xi32>
    %ge3A_742 = arith.cmpi sge, %sub3A_739, %ge3A_741 : vector<16xi32>
    %lt3A_743 = arith.constant 256 : i32
    %lt3A_744 = vector.broadcast %lt3A_743 : i32 to vector<16xi32>
    %lt3A_745 = arith.cmpi slt, %sub3A_739, %lt3A_744 : vector<16xi32>
    %and3A_746 = arith.andi %ge3A_742, %lt3A_745 : vector<16xi1>
    %add3A_747 = arith.constant 64 : i32
    %add3A_748 = vector.broadcast %add3A_747 : i32 to vector<16xi32>
    %add3A_749 = arith.addi %iota3A, %add3A_748 : vector<16xi32>
    tpu.vector_store_idx %arg6[%sub3A_739, %add3A_749], %broadcast_in_dim3A_3 masked %and3A_746 : memref<256x128xf32, #tpu.memory_space<vmem>>[vector<16xi32>, vector<16xi32>], vector<16xf32>, vector<16xi1>
    %get3A_750 = arith.constant 80 : index
    %get3A_751 = tpu.vector_load %arg4[%get3A_750] {strides = array<i32>} : memref<512xi32, #tpu.memory_space<vmem>>, vector<16xi32>,
    %sub3A_752 = arith.constant 256 : i32
    %sub3A_753 = vector.broadcast %sub3A_752 : i32 to vector<16xi32>
    %sub3A_754 = arith.subi %get3A_751, %sub3A_753 : vector<16xi32>
    %ge3A_755 = arith.constant 0 : i32
    %ge3A_756 = vector.broadcast %ge3A_755 : i32 to vector<16xi32>
    %ge3A_757 = arith.cmpi sge, %sub3A_754, %ge3A_756 : vector<16xi32>
    %lt3A_758 = arith.constant 256 : i32
    %lt3A_759 = vector.broadcast %lt3A_758 : i32 to vector<16xi32>
    %lt3A_760 = arith.cmpi slt, %sub3A_754, %lt3A_759 : vector<16xi32>
    %and3A_761 = arith.andi %ge3A_757, %lt3A_760 : vector<16xi1>
    %add3A_762 = arith.constant 80 : i32
    %add3A_763 = vector.broadcast %add3A_762 : i32 to vector<16xi32>
    %add3A_764 = arith.addi %iota3A, %add3A_763 : vector<16xi32>
    tpu.vector_store_idx %arg6[%sub3A_754, %add3A_764], %broadcast_in_dim3A_3 masked %and3A_761 : memref<256x128xf32, #tpu.memory_space<vmem>>[vector<16xi32>, vector<16xi32>], vector<16xf32>, vector<16xi1>
    %get3A_765 = arith.constant 96 : index
    %get3A_766 = tpu.vector_load %arg4[%get3A_765] {strides = array<i32>} : memref<512xi32, #tpu.memory_space<vmem>>, vector<16xi32>,
    %sub3A_767 = arith.constant 256 : i32
    %sub3A_768 = vector.broadcast %sub3A_767 : i32 to vector<16xi32>
    %sub3A_769 = arith.subi %get3A_766, %sub3A_768 : vector<16xi32>
    %ge3A_770 = arith.constant 0 : i32
    %ge3A_771 = vector.broadcast %ge3A_770 : i32 to vector<16xi32>
    %ge3A_772 = arith.cmpi sge, %sub3A_769, %ge3A_771 : vector<16xi32>
    %lt3A_773 = arith.constant 256 : i32
    %lt3A_774 = vector.broadcast %lt3A_773 : i32 to vector<16xi32>
    %lt3A_775 = arith.cmpi slt, %sub3A_769, %lt3A_774 : vector<16xi32>
    %and3A_776 = arith.andi %ge3A_772, %lt3A_775 : vector<16xi1>
    %add3A_777 = arith.constant 96 : i32
    %add3A_778 = vector.broadcast %add3A_777 : i32 to vector<16xi32>
    %add3A_779 = arith.addi %iota3A, %add3A_778 : vector<16xi32>
    tpu.vector_store_idx %arg6[%sub3A_769, %add3A_779], %broadcast_in_dim3A_3 masked %and3A_776 : memref<256x128xf32, #tpu.memory_space<vmem>>[vector<16xi32>, vector<16xi32>], vector<16xf32>, vector<16xi1>
    %get3A_780 = arith.constant 112 : index
    %get3A_781 = tpu.vector_load %arg4[%get3A_780] {strides = array<i32>} : memref<512xi32, #tpu.memory_space<vmem>>, vector<16xi32>,
    %sub3A_782 = arith.constant 256 : i32
    %sub3A_783 = vector.broadcast %sub3A_782 : i32 to vector<16xi32>
    %sub3A_784 = arith.subi %get3A_781, %sub3A_783 : vector<16xi32>
    %ge3A_785 = arith.constant 0 : i32
    %ge3A_786 = vector.broadcast %ge3A_785 : i32 to vector<16xi32>
    %ge3A_787 = arith.cmpi sge, %sub3A_784, %ge3A_786 : vector<16xi32>
    %lt3A_788 = arith.constant 256 : i32
    %lt3A_789 = vector.broadcast %lt3A_788 : i32 to vector<16xi32>
    %lt3A_790 = arith.cmpi slt, %sub3A_784, %lt3A_789 : vector<16xi32>
    %and3A_791 = arith.andi %ge3A_787, %lt3A_790 : vector<16xi1>
    %add3A_792 = arith.constant 112 : i32
    %add3A_793 = vector.broadcast %add3A_792 : i32 to vector<16xi32>
    %add3A_794 = arith.addi %iota3A, %add3A_793 : vector<16xi32>
    tpu.vector_store_idx %arg6[%sub3A_784, %add3A_794], %broadcast_in_dim3A_3 masked %and3A_791 : memref<256x128xf32, #tpu.memory_space<vmem>>[vector<16xi32>, vector<16xi32>], vector<16xf32>, vector<16xi1>
    %get3A_795 = arith.constant 128 : index
    %get3A_796 = tpu.vector_load %arg4[%get3A_795] {strides = array<i32>} : memref<512xi32, #tpu.memory_space<vmem>>, vector<16xi32>,
    %sub3A_797 = arith.constant 0 : i32
    %sub3A_798 = vector.broadcast %sub3A_797 : i32 to vector<16xi32>
    %sub3A_799 = arith.subi %get3A_796, %sub3A_798 : vector<16xi32>
    %ge3A_800 = arith.constant 0 : i32
    %ge3A_801 = vector.broadcast %ge3A_800 : i32 to vector<16xi32>
    %ge3A_802 = arith.cmpi sge, %sub3A_799, %ge3A_801 : vector<16xi32>
    %lt3A_803 = arith.constant 256 : i32
    %lt3A_804 = vector.broadcast %lt3A_803 : i32 to vector<16xi32>
    %lt3A_805 = arith.cmpi slt, %sub3A_799, %lt3A_804 : vector<16xi32>
    %and3A_806 = arith.andi %ge3A_802, %lt3A_805 : vector<16xi1>
    %add3A_807 = arith.constant 0 : i32
    %add3A_808 = vector.broadcast %add3A_807 : i32 to vector<16xi32>
    %add3A_809 = arith.addi %iota3A, %add3A_808 : vector<16xi32>
    tpu.vector_store_idx %arg6[%sub3A_799, %add3A_809], %broadcast_in_dim3A_5 masked %and3A_806 : memref<256x128xf32, #tpu.memory_space<vmem>>[vector<16xi32>, vector<16xi32>], vector<16xf32>, vector<16xi1>
    %get3A_810 = arith.constant 144 : index
    %get3A_811 = tpu.vector_load %arg4[%get3A_810] {strides = array<i32>} : memref<512xi32, #tpu.memory_space<vmem>>, vector<16xi32>,
    %sub3A_812 = arith.constant 0 : i32
    %sub3A_813 = vector.broadcast %sub3A_812 : i32 to vector<16xi32>
    %sub3A_814 = arith.subi %get3A_811, %sub3A_813 : vector<16xi32>
    %ge3A_815 = arith.constant 0 : i32
    %ge3A_816 = vector.broadcast %ge3A_815 : i32 to vector<16xi32>
    %ge3A_817 = arith.cmpi sge, %sub3A_814, %ge3A_816 : vector<16xi32>
    %lt3A_818 = arith.constant 256 : i32
    %lt3A_819 = vector.broadcast %lt3A_818 : i32 to vector<16xi32>
    %lt3A_820 = arith.cmpi slt, %sub3A_814, %lt3A_819 : vector<16xi32>
    %and3A_821 = arith.andi %ge3A_817, %lt3A_820 : vector<16xi1>
    %add3A_822 = arith.constant 16 : i32
    %add3A_823 = vector.broadcast %add3A_822 : i32 to vector<16xi32>
    %add3A_824 = arith.addi %iota3A, %add3A_823 : vector<16xi32>
    tpu.vector_store_idx %arg6[%sub3A_814, %add3A_824], %broadcast_in_dim3A_5 masked %and3A_821 : memref<256x128xf32, #tpu.memory_space<vmem>>[vector<16xi32>, vector<16xi32>], vector<16xf32>, vector<16xi1>
    %get3A_825 = arith.constant 160 : index
    %get3A_826 = tpu.vector_load %arg4[%get3A_825] {strides = array<i32>} : memref<512xi32, #tpu.memory_space<vmem>>, vector<16xi32>,
    %sub3A_827 = arith.constant 0 : i32
    %sub3A_828 = vector.broadcast %sub3A_827 : i32 to vector<16xi32>
    %sub3A_829 = arith.subi %get3A_826, %sub3A_828 : vector<16xi32>
    %ge3A_830 = arith.constant 0 : i32
    %ge3A_831 = vector.broadcast %ge3A_830 : i32 to vector<16xi32>
    %ge3A_832 = arith.cmpi sge, %sub3A_829, %ge3A_831 : vector<16xi32>
    %lt3A_833 = arith.constant 256 : i32
    %lt3A_834 = vector.broadcast %lt3A_833 : i32 to vector<16xi32>
    %lt3A_835 = arith.cmpi slt, %sub3A_829, %lt3A_834 : vector<16xi32>
    %and3A_836 = arith.andi %ge3A_832, %lt3A_835 : vector<16xi1>
    %add3A_837 = arith.constant 32 : i32
    %add3A_838 = vector.broadcast %add3A_837 : i32 to vector<16xi32>
    %add3A_839 = arith.addi %iota3A, %add3A_838 : vector<16xi32>
    tpu.vector_store_idx %arg6[%sub3A_829, %add3A_839], %broadcast_in_dim3A_5 masked %and3A_836 : memref<256x128xf32, #tpu.memory_space<vmem>>[vector<16xi32>, vector<16xi32>], vector<16xf32>, vector<16xi1>
    %get3A_840 = arith.constant 176 : index
    %get3A_841 = tpu.vector_load %arg4[%get3A_840] {strides = array<i32>} : memref<512xi32, #tpu.memory_space<vmem>>, vector<16xi32>,
    %sub3A_842 = arith.constant 0 : i32
    %sub3A_843 = vector.broadcast %sub3A_842 : i32 to vector<16xi32>
    %sub3A_844 = arith.subi %get3A_841, %sub3A_843 : vector<16xi32>
    %ge3A_845 = arith.constant 0 : i32
    %ge3A_846 = vector.broadcast %ge3A_845 : i32 to vector<16xi32>
    %ge3A_847 = arith.cmpi sge, %sub3A_844, %ge3A_846 : vector<16xi32>
    %lt3A_848 = arith.constant 256 : i32
    %lt3A_849 = vector.broadcast %lt3A_848 : i32 to vector<16xi32>
    %lt3A_850 = arith.cmpi slt, %sub3A_844, %lt3A_849 : vector<16xi32>
    %and3A_851 = arith.andi %ge3A_847, %lt3A_850 : vector<16xi1>
    %add3A_852 = arith.constant 48 : i32
    %add3A_853 = vector.broadcast %add3A_852 : i32 to vector<16xi32>
    %add3A_854 = arith.addi %iota3A, %add3A_853 : vector<16xi32>
    tpu.vector_store_idx %arg6[%sub3A_844, %add3A_854], %broadcast_in_dim3A_5 masked %and3A_851 : memref<256x128xf32, #tpu.memory_space<vmem>>[vector<16xi32>, vector<16xi32>], vector<16xf32>, vector<16xi1>
    %get3A_855 = arith.constant 192 : index
    %get3A_856 = tpu.vector_load %arg4[%get3A_855] {strides = array<i32>} : memref<512xi32, #tpu.memory_space<vmem>>, vector<16xi32>,
    %sub3A_857 = arith.constant 0 : i32
    %sub3A_858 = vector.broadcast %sub3A_857 : i32 to vector<16xi32>
    %sub3A_859 = arith.subi %get3A_856, %sub3A_858 : vector<16xi32>
    %ge3A_860 = arith.constant 0 : i32
    %ge3A_861 = vector.broadcast %ge3A_860 : i32 to vector<16xi32>
    %ge3A_862 = arith.cmpi sge, %sub3A_859, %ge3A_861 : vector<16xi32>
    %lt3A_863 = arith.constant 256 : i32
    %lt3A_864 = vector.broadcast %lt3A_863 : i32 to vector<16xi32>
    %lt3A_865 = arith.cmpi slt, %sub3A_859, %lt3A_864 : vector<16xi32>
    %and3A_866 = arith.andi %ge3A_862, %lt3A_865 : vector<16xi1>
    %add3A_867 = arith.constant 64 : i32
    %add3A_868 = vector.broadcast %add3A_867 : i32 to vector<16xi32>
    %add3A_869 = arith.addi %iota3A, %add3A_868 : vector<16xi32>
    tpu.vector_store_idx %arg6[%sub3A_859, %add3A_869], %broadcast_in_dim3A_5 masked %and3A_866 : memref<256x128xf32, #tpu.memory_space<vmem>>[vector<16xi32>, vector<16xi32>], vector<16xf32>, vector<16xi1>
    %get3A_870 = arith.constant 208 : index
    %get3A_871 = tpu.vector_load %arg4[%get3A_870] {strides = array<i32>} : memref<512xi32, #tpu.memory_space<vmem>>, vector<16xi32>,
    %sub3A_872 = arith.constant 0 : i32
    %sub3A_873 = vector.broadcast %sub3A_872 : i32 to vector<16xi32>
    %sub3A_874 = arith.subi %get3A_871, %sub3A_873 : vector<16xi32>
    %ge3A_875 = arith.constant 0 : i32
    %ge3A_876 = vector.broadcast %ge3A_875 : i32 to vector<16xi32>
    %ge3A_877 = arith.cmpi sge, %sub3A_874, %ge3A_876 : vector<16xi32>
    %lt3A_878 = arith.constant 256 : i32
    %lt3A_879 = vector.broadcast %lt3A_878 : i32 to vector<16xi32>
    %lt3A_880 = arith.cmpi slt, %sub3A_874, %lt3A_879 : vector<16xi32>
    %and3A_881 = arith.andi %ge3A_877, %lt3A_880 : vector<16xi1>
    %add3A_882 = arith.constant 80 : i32
    %add3A_883 = vector.broadcast %add3A_882 : i32 to vector<16xi32>
    %add3A_884 = arith.addi %iota3A, %add3A_883 : vector<16xi32>
    tpu.vector_store_idx %arg6[%sub3A_874, %add3A_884], %broadcast_in_dim3A_5 masked %and3A_881 : memref<256x128xf32, #tpu.memory_space<vmem>>[vector<16xi32>, vector<16xi32>], vector<16xf32>, vector<16xi1>
    %get3A_885 = arith.constant 224 : index
    %get3A_886 = tpu.vector_load %arg4[%get3A_885] {strides = array<i32>} : memref<512xi32, #tpu.memory_space<vmem>>, vector<16xi32>,
    %sub3A_887 = arith.constant 0 : i32
    %sub3A_888 = vector.broadcast %sub3A_887 : i32 to vector<16xi32>
    %sub3A_889 = arith.subi %get3A_886, %sub3A_888 : vector<16xi32>
    %ge3A_890 = arith.constant 0 : i32
    %ge3A_891 = vector.broadcast %ge3A_890 : i32 to vector<16xi32>
    %ge3A_892 = arith.cmpi sge, %sub3A_889, %ge3A_891 : vector<16xi32>
    %lt3A_893 = arith.constant 256 : i32
    %lt3A_894 = vector.broadcast %lt3A_893 : i32 to vector<16xi32>
    %lt3A_895 = arith.cmpi slt, %sub3A_889, %lt3A_894 : vector<16xi32>
    %and3A_896 = arith.andi %ge3A_892, %lt3A_895 : vector<16xi1>
    %add3A_897 = arith.constant 96 : i32
    %add3A_898 = vector.broadcast %add3A_897 : i32 to vector<16xi32>
    %add3A_899 = arith.addi %iota3A, %add3A_898 : vector<16xi32>
    tpu.vector_store_idx %arg6[%sub3A_889, %add3A_899], %broadcast_in_dim3A_5 masked %and3A_896 : memref<256x128xf32, #tpu.memory_space<vmem>>[vector<16xi32>, vector<16xi32>], vector<16xf32>, vector<16xi1>
    %get3A_900 = arith.constant 240 : index
    %get3A_901 = tpu.vector_load %arg4[%get3A_900] {strides = array<i32>} : memref<512xi32, #tpu.memory_space<vmem>>, vector<16xi32>,
    %sub3A_902 = arith.constant 0 : i32
    %sub3A_903 = vector.broadcast %sub3A_902 : i32 to vector<16xi32>
    %sub3A_904 = arith.subi %get3A_901, %sub3A_903 : vector<16xi32>
    %ge3A_905 = arith.constant 0 : i32
    %ge3A_906 = vector.broadcast %ge3A_905 : i32 to vector<16xi32>
    %ge3A_907 = arith.cmpi sge, %sub3A_904, %ge3A_906 : vector<16xi32>
    %lt3A_908 = arith.constant 256 : i32
    %lt3A_909 = vector.broadcast %lt3A_908 : i32 to vector<16xi32>
    %lt3A_910 = arith.cmpi slt, %sub3A_904, %lt3A_909 : vector<16xi32>
    %and3A_911 = arith.andi %ge3A_907, %lt3A_910 : vector<16xi1>
    %add3A_912 = arith.constant 112 : i32
    %add3A_913 = vector.broadcast %add3A_912 : i32 to vector<16xi32>
    %add3A_914 = arith.addi %iota3A, %add3A_913 : vector<16xi32>
    tpu.vector_store_idx %arg6[%sub3A_904, %add3A_914], %broadcast_in_dim3A_5 masked %and3A_911 : memref<256x128xf32, #tpu.memory_space<vmem>>[vector<16xi32>, vector<16xi32>], vector<16xf32>, vector<16xi1>
    %add3A_915 = arith.constant 128 : i32
    %add3A_916 = arith.addi %mul3A_2, %add3A_915 : i32
    %dma_start3A_917 = arith.constant 0 : i32
    %dma_start3A_918 = arith.constant 0 : i32
    %dma_start3A_919 = tpu.memref_slice %arg6[%dma_start3A_917, %dma_start3A_918] : memref<256x128xf32, #tpu.memory_space<vmem>> -> memref<256x128xf32, #tpu.memory_space<vmem>>
    %dma_start3A_920 = arith.constant 0 : i32
    %dma_start3A_921 = tpu.memref_slice %arg3[%dma_start3A_920, %add3A_916] : memref<1000x16384xf32, #tpu.memory_space<hbm>> -> memref<256x128xf32, #tpu.memory_space<hbm>>
    %dma_start3A_922 = arith.constant 0 : i32
    %dma_start3A_923 = tpu.memref_slice %arg3[%dma_start3A_922, %add3A_916] : memref<1000x16384xf32, #tpu.memory_space<hbm>> -> memref<256x128xf32, #tpu.memory_space<hbm>>
    %dma_start3A_924 = arith.constant 0 : i32
    %dma_start3A_925 = arith.constant 0 : i32
    %dma_start3A_926 = tpu.memref_slice %arg6[%dma_start3A_924, %dma_start3A_925] : memref<256x128xf32, #tpu.memory_space<vmem>> -> memref<256x128xf32, #tpu.memory_space<vmem>>
    tpu.enqueue_dma source(%dma_start3A_926 : memref<256x128xf32, #tpu.memory_space<vmem>>) target(%dma_start3A_923 : memref<256x128xf32, #tpu.memory_space<hbm>>) target_semaphore(%arg9 : memref<!tpu.dma_semaphore, #tpu.memory_space<semaphore_mem>>)
    %dma_wait3A_927 = arith.constant 0 : i32
    %dma_wait3A_928 = arith.constant 0 : i32
    %dma_wait3A_929 = tpu.memref_slice %arg7[%dma_wait3A_927, %dma_wait3A_928] : memref<256x128xf32, #tpu.memory_space<vmem>> -> memref<256x128xf32, #tpu.memory_space<vmem>>
    %dma_wait3A_930 = arith.constant 512 : i32
    %dma_wait3A_931 = tpu.memref_slice %arg3[%dma_wait3A_930, %add3A_393] : memref<1000x16384xf32, #tpu.memory_space<hbm>> -> memref<256x128xf32, #tpu.memory_space<hbm>>
    %dma_wait3A_932 = arith.constant 512 : i32
    %dma_wait3A_933 = tpu.memref_slice %arg3[%dma_wait3A_932, %add3A_393] : memref<1000x16384xf32, #tpu.memory_space<hbm>> -> memref<256x128xf32, #tpu.memory_space<hbm>>
    %dma_wait3A_934 = arith.constant 0 : i32
    %dma_wait3A_935 = arith.constant 0 : i32
    %dma_wait3A_936 = tpu.memref_slice %arg7[%dma_wait3A_934, %dma_wait3A_935] : memref<256x128xf32, #tpu.memory_space<vmem>> -> memref<256x128xf32, #tpu.memory_space<vmem>>
    tpu.wait_dma2 semaphore(%arg10 : memref<!tpu.dma_semaphore, #tpu.memory_space<semaphore_mem>>) src(%dma_wait3A_936 : memref<256x128xf32, #tpu.memory_space<vmem>>) dst(%dma_wait3A_933 : memref<256x128xf32, #tpu.memory_space<hbm>>)
    %get3A_937 = arith.constant 0 : index
    %get3A_938 = tpu.vector_load %arg4[%get3A_937] {strides = array<i32>} : memref<512xi32, #tpu.memory_space<vmem>>, vector<16xi32>,
    %sub3A_939 = arith.constant 512 : i32
    %sub3A_940 = vector.broadcast %sub3A_939 : i32 to vector<16xi32>
    %sub3A_941 = arith.subi %get3A_938, %sub3A_940 : vector<16xi32>
    %ge3A_942 = arith.constant 0 : i32
    %ge3A_943 = vector.broadcast %ge3A_942 : i32 to vector<16xi32>
    %ge3A_944 = arith.cmpi sge, %sub3A_941, %ge3A_943 : vector<16xi32>
    %lt3A_945 = arith.constant 256 : i32
    %lt3A_946 = vector.broadcast %lt3A_945 : i32 to vector<16xi32>
    %lt3A_947 = arith.cmpi slt, %sub3A_941, %lt3A_946 : vector<16xi32>
    %and3A_948 = arith.andi %ge3A_944, %lt3A_947 : vector<16xi1>
    %add3A_949 = arith.constant 0 : i32
    %add3A_950 = vector.broadcast %add3A_949 : i32 to vector<16xi32>
    %add3A_951 = arith.addi %iota3A, %add3A_950 : vector<16xi32>
    tpu.vector_store_idx %arg7[%sub3A_941, %add3A_951], %broadcast_in_dim3A_3 masked %and3A_948 : memref<256x128xf32, #tpu.memory_space<vmem>>[vector<16xi32>, vector<16xi32>], vector<16xf32>, vector<16xi1>
    %get3A_952 = arith.constant 16 : index
    %get3A_953 = tpu.vector_load %arg4[%get3A_952] {strides = array<i32>} : memref<512xi32, #tpu.memory_space<vmem>>, vector<16xi32>,
    %sub3A_954 = arith.constant 512 : i32
    %sub3A_955 = vector.broadcast %sub3A_954 : i32 to vector<16xi32>
    %sub3A_956 = arith.subi %get3A_953, %sub3A_955 : vector<16xi32>
    %ge3A_957 = arith.constant 0 : i32
    %ge3A_958 = vector.broadcast %ge3A_957 : i32 to vector<16xi32>
    %ge3A_959 = arith.cmpi sge, %sub3A_956, %ge3A_958 : vector<16xi32>
    %lt3A_960 = arith.constant 256 : i32
    %lt3A_961 = vector.broadcast %lt3A_960 : i32 to vector<16xi32>
    %lt3A_962 = arith.cmpi slt, %sub3A_956, %lt3A_961 : vector<16xi32>
    %and3A_963 = arith.andi %ge3A_959, %lt3A_962 : vector<16xi1>
    %add3A_964 = arith.constant 16 : i32
    %add3A_965 = vector.broadcast %add3A_964 : i32 to vector<16xi32>
    %add3A_966 = arith.addi %iota3A, %add3A_965 : vector<16xi32>
    tpu.vector_store_idx %arg7[%sub3A_956, %add3A_966], %broadcast_in_dim3A_3 masked %and3A_963 : memref<256x128xf32, #tpu.memory_space<vmem>>[vector<16xi32>, vector<16xi32>], vector<16xf32>, vector<16xi1>
    %get3A_967 = arith.constant 32 : index
    %get3A_968 = tpu.vector_load %arg4[%get3A_967] {strides = array<i32>} : memref<512xi32, #tpu.memory_space<vmem>>, vector<16xi32>,
    %sub3A_969 = arith.constant 512 : i32
    %sub3A_970 = vector.broadcast %sub3A_969 : i32 to vector<16xi32>
    %sub3A_971 = arith.subi %get3A_968, %sub3A_970 : vector<16xi32>
    %ge3A_972 = arith.constant 0 : i32
    %ge3A_973 = vector.broadcast %ge3A_972 : i32 to vector<16xi32>
    %ge3A_974 = arith.cmpi sge, %sub3A_971, %ge3A_973 : vector<16xi32>
    %lt3A_975 = arith.constant 256 : i32
    %lt3A_976 = vector.broadcast %lt3A_975 : i32 to vector<16xi32>
    %lt3A_977 = arith.cmpi slt, %sub3A_971, %lt3A_976 : vector<16xi32>
    %and3A_978 = arith.andi %ge3A_974, %lt3A_977 : vector<16xi1>
    %add3A_979 = arith.constant 32 : i32
    %add3A_980 = vector.broadcast %add3A_979 : i32 to vector<16xi32>
    %add3A_981 = arith.addi %iota3A, %add3A_980 : vector<16xi32>
    tpu.vector_store_idx %arg7[%sub3A_971, %add3A_981], %broadcast_in_dim3A_3 masked %and3A_978 : memref<256x128xf32, #tpu.memory_space<vmem>>[vector<16xi32>, vector<16xi32>], vector<16xf32>, vector<16xi1>
    %get3A_982 = arith.constant 48 : index
    %get3A_983 = tpu.vector_load %arg4[%get3A_982] {strides = array<i32>} : memref<512xi32, #tpu.memory_space<vmem>>, vector<16xi32>,
    %sub3A_984 = arith.constant 512 : i32
    %sub3A_985 = vector.broadcast %sub3A_984 : i32 to vector<16xi32>
    %sub3A_986 = arith.subi %get3A_983, %sub3A_985 : vector<16xi32>
    %ge3A_987 = arith.constant 0 : i32
    %ge3A_988 = vector.broadcast %ge3A_987 : i32 to vector<16xi32>
    %ge3A_989 = arith.cmpi sge, %sub3A_986, %ge3A_988 : vector<16xi32>
    %lt3A_990 = arith.constant 256 : i32
    %lt3A_991 = vector.broadcast %lt3A_990 : i32 to vector<16xi32>
    %lt3A_992 = arith.cmpi slt, %sub3A_986, %lt3A_991 : vector<16xi32>
    %and3A_993 = arith.andi %ge3A_989, %lt3A_992 : vector<16xi1>
    %add3A_994 = arith.constant 48 : i32
    %add3A_995 = vector.broadcast %add3A_994 : i32 to vector<16xi32>
    %add3A_996 = arith.addi %iota3A, %add3A_995 : vector<16xi32>
    tpu.vector_store_idx %arg7[%sub3A_986, %add3A_996], %broadcast_in_dim3A_3 masked %and3A_993 : memref<256x128xf32, #tpu.memory_space<vmem>>[vector<16xi32>, vector<16xi32>], vector<16xf32>, vector<16xi1>
    %get3A_997 = arith.constant 64 : index
    %get3A_998 = tpu.vector_load %arg4[%get3A_997] {strides = array<i32>} : memref<512xi32, #tpu.memory_space<vmem>>, vector<16xi32>,
    %sub3A_999 = arith.constant 512 : i32
    %sub3A_1000 = vector.broadcast %sub3A_999 : i32 to vector<16xi32>
    %sub3A_1001 = arith.subi %get3A_998, %sub3A_1000 : vector<16xi32>
    %ge3A_1002 = arith.constant 0 : i32
    %ge3A_1003 = vector.broadcast %ge3A_1002 : i32 to vector<16xi32>
    %ge3A_1004 = arith.cmpi sge, %sub3A_1001, %ge3A_1003 : vector<16xi32>
    %lt3A_1005 = arith.constant 256 : i32
    %lt3A_1006 = vector.broadcast %lt3A_1005 : i32 to vector<16xi32>
    %lt3A_1007 = arith.cmpi slt, %sub3A_1001, %lt3A_1006 : vector<16xi32>
    %and3A_1008 = arith.andi %ge3A_1004, %lt3A_1007 : vector<16xi1>
    %add3A_1009 = arith.constant 64 : i32
    %add3A_1010 = vector.broadcast %add3A_1009 : i32 to vector<16xi32>
    %add3A_1011 = arith.addi %iota3A, %add3A_1010 : vector<16xi32>
    tpu.vector_store_idx %arg7[%sub3A_1001, %add3A_1011], %broadcast_in_dim3A_3 masked %and3A_1008 : memref<256x128xf32, #tpu.memory_space<vmem>>[vector<16xi32>, vector<16xi32>], vector<16xf32>, vector<16xi1>
    %get3A_1012 = arith.constant 80 : index
    %get3A_1013 = tpu.vector_load %arg4[%get3A_1012] {strides = array<i32>} : memref<512xi32, #tpu.memory_space<vmem>>, vector<16xi32>,
    %sub3A_1014 = arith.constant 512 : i32
    %sub3A_1015 = vector.broadcast %sub3A_1014 : i32 to vector<16xi32>
    %sub3A_1016 = arith.subi %get3A_1013, %sub3A_1015 : vector<16xi32>
    %ge3A_1017 = arith.constant 0 : i32
    %ge3A_1018 = vector.broadcast %ge3A_1017 : i32 to vector<16xi32>
    %ge3A_1019 = arith.cmpi sge, %sub3A_1016, %ge3A_1018 : vector<16xi32>
    %lt3A_1020 = arith.constant 256 : i32
    %lt3A_1021 = vector.broadcast %lt3A_1020 : i32 to vector<16xi32>
    %lt3A_1022 = arith.cmpi slt, %sub3A_1016, %lt3A_1021 : vector<16xi32>
    %and3A_1023 = arith.andi %ge3A_1019, %lt3A_1022 : vector<16xi1>
    %add3A_1024 = arith.constant 80 : i32
    %add3A_1025 = vector.broadcast %add3A_1024 : i32 to vector<16xi32>
    %add3A_1026 = arith.addi %iota3A, %add3A_1025 : vector<16xi32>
    tpu.vector_store_idx %arg7[%sub3A_1016, %add3A_1026], %broadcast_in_dim3A_3 masked %and3A_1023 : memref<256x128xf32, #tpu.memory_space<vmem>>[vector<16xi32>, vector<16xi32>], vector<16xf32>, vector<16xi1>
    %get3A_1027 = arith.constant 96 : index
    %get3A_1028 = tpu.vector_load %arg4[%get3A_1027] {strides = array<i32>} : memref<512xi32, #tpu.memory_space<vmem>>, vector<16xi32>,
    %sub3A_1029 = arith.constant 512 : i32
    %sub3A_1030 = vector.broadcast %sub3A_1029 : i32 to vector<16xi32>
    %sub3A_1031 = arith.subi %get3A_1028, %sub3A_1030 : vector<16xi32>
    %ge3A_1032 = arith.constant 0 : i32
    %ge3A_1033 = vector.broadcast %ge3A_1032 : i32 to vector<16xi32>
    %ge3A_1034 = arith.cmpi sge, %sub3A_1031, %ge3A_1033 : vector<16xi32>
    %lt3A_1035 = arith.constant 256 : i32
    %lt3A_1036 = vector.broadcast %lt3A_1035 : i32 to vector<16xi32>
    %lt3A_1037 = arith.cmpi slt, %sub3A_1031, %lt3A_1036 : vector<16xi32>
    %and3A_1038 = arith.andi %ge3A_1034, %lt3A_1037 : vector<16xi1>
    %add3A_1039 = arith.constant 96 : i32
    %add3A_1040 = vector.broadcast %add3A_1039 : i32 to vector<16xi32>
    %add3A_1041 = arith.addi %iota3A, %add3A_1040 : vector<16xi32>
    tpu.vector_store_idx %arg7[%sub3A_1031, %add3A_1041], %broadcast_in_dim3A_3 masked %and3A_1038 : memref<256x128xf32, #tpu.memory_space<vmem>>[vector<16xi32>, vector<16xi32>], vector<16xf32>, vector<16xi1>
    %get3A_1042 = arith.constant 112 : index
    %get3A_1043 = tpu.vector_load %arg4[%get3A_1042] {strides = array<i32>} : memref<512xi32, #tpu.memory_space<vmem>>, vector<16xi32>,
    %sub3A_1044 = arith.constant 512 : i32
    %sub3A_1045 = vector.broadcast %sub3A_1044 : i32 to vector<16xi32>
    %sub3A_1046 = arith.subi %get3A_1043, %sub3A_1045 : vector<16xi32>
    %ge3A_1047 = arith.constant 0 : i32
    %ge3A_1048 = vector.broadcast %ge3A_1047 : i32 to vector<16xi32>
    %ge3A_1049 = arith.cmpi sge, %sub3A_1046, %ge3A_1048 : vector<16xi32>
    %lt3A_1050 = arith.constant 256 : i32
    %lt3A_1051 = vector.broadcast %lt3A_1050 : i32 to vector<16xi32>
    %lt3A_1052 = arith.cmpi slt, %sub3A_1046, %lt3A_1051 : vector<16xi32>
    %and3A_1053 = arith.andi %ge3A_1049, %lt3A_1052 : vector<16xi1>
    %add3A_1054 = arith.constant 112 : i32
    %add3A_1055 = vector.broadcast %add3A_1054 : i32 to vector<16xi32>
    %add3A_1056 = arith.addi %iota3A, %add3A_1055 : vector<16xi32>
    tpu.vector_store_idx %arg7[%sub3A_1046, %add3A_1056], %broadcast_in_dim3A_3 masked %and3A_1053 : memref<256x128xf32, #tpu.memory_space<vmem>>[vector<16xi32>, vector<16xi32>], vector<16xf32>, vector<16xi1>
    %get3A_1057 = arith.constant 128 : index
    %get3A_1058 = tpu.vector_load %arg4[%get3A_1057] {strides = array<i32>} : memref<512xi32, #tpu.memory_space<vmem>>, vector<16xi32>,
    %sub3A_1059 = arith.constant 256 : i32
    %sub3A_1060 = vector.broadcast %sub3A_1059 : i32 to vector<16xi32>
    %sub3A_1061 = arith.subi %get3A_1058, %sub3A_1060 : vector<16xi32>
    %ge3A_1062 = arith.constant 0 : i32
    %ge3A_1063 = vector.broadcast %ge3A_1062 : i32 to vector<16xi32>
    %ge3A_1064 = arith.cmpi sge, %sub3A_1061, %ge3A_1063 : vector<16xi32>
    %lt3A_1065 = arith.constant 256 : i32
    %lt3A_1066 = vector.broadcast %lt3A_1065 : i32 to vector<16xi32>
    %lt3A_1067 = arith.cmpi slt, %sub3A_1061, %lt3A_1066 : vector<16xi32>
    %and3A_1068 = arith.andi %ge3A_1064, %lt3A_1067 : vector<16xi1>
    %add3A_1069 = arith.constant 0 : i32
    %add3A_1070 = vector.broadcast %add3A_1069 : i32 to vector<16xi32>
    %add3A_1071 = arith.addi %iota3A, %add3A_1070 : vector<16xi32>
    tpu.vector_store_idx %arg7[%sub3A_1061, %add3A_1071], %broadcast_in_dim3A_5 masked %and3A_1068 : memref<256x128xf32, #tpu.memory_space<vmem>>[vector<16xi32>, vector<16xi32>], vector<16xf32>, vector<16xi1>
    %get3A_1072 = arith.constant 144 : index
    %get3A_1073 = tpu.vector_load %arg4[%get3A_1072] {strides = array<i32>} : memref<512xi32, #tpu.memory_space<vmem>>, vector<16xi32>,
    %sub3A_1074 = arith.constant 256 : i32
    %sub3A_1075 = vector.broadcast %sub3A_1074 : i32 to vector<16xi32>
    %sub3A_1076 = arith.subi %get3A_1073, %sub3A_1075 : vector<16xi32>
    %ge3A_1077 = arith.constant 0 : i32
    %ge3A_1078 = vector.broadcast %ge3A_1077 : i32 to vector<16xi32>
    %ge3A_1079 = arith.cmpi sge, %sub3A_1076, %ge3A_1078 : vector<16xi32>
    %lt3A_1080 = arith.constant 256 : i32
    %lt3A_1081 = vector.broadcast %lt3A_1080 : i32 to vector<16xi32>
    %lt3A_1082 = arith.cmpi slt, %sub3A_1076, %lt3A_1081 : vector<16xi32>
    %and3A_1083 = arith.andi %ge3A_1079, %lt3A_1082 : vector<16xi1>
    %add3A_1084 = arith.constant 16 : i32
    %add3A_1085 = vector.broadcast %add3A_1084 : i32 to vector<16xi32>
    %add3A_1086 = arith.addi %iota3A, %add3A_1085 : vector<16xi32>
    tpu.vector_store_idx %arg7[%sub3A_1076, %add3A_1086], %broadcast_in_dim3A_5 masked %and3A_1083 : memref<256x128xf32, #tpu.memory_space<vmem>>[vector<16xi32>, vector<16xi32>], vector<16xf32>, vector<16xi1>
    %get3A_1087 = arith.constant 160 : index
    %get3A_1088 = tpu.vector_load %arg4[%get3A_1087] {strides = array<i32>} : memref<512xi32, #tpu.memory_space<vmem>>, vector<16xi32>,
    %sub3A_1089 = arith.constant 256 : i32
    %sub3A_1090 = vector.broadcast %sub3A_1089 : i32 to vector<16xi32>
    %sub3A_1091 = arith.subi %get3A_1088, %sub3A_1090 : vector<16xi32>
    %ge3A_1092 = arith.constant 0 : i32
    %ge3A_1093 = vector.broadcast %ge3A_1092 : i32 to vector<16xi32>
    %ge3A_1094 = arith.cmpi sge, %sub3A_1091, %ge3A_1093 : vector<16xi32>
    %lt3A_1095 = arith.constant 256 : i32
    %lt3A_1096 = vector.broadcast %lt3A_1095 : i32 to vector<16xi32>
    %lt3A_1097 = arith.cmpi slt, %sub3A_1091, %lt3A_1096 : vector<16xi32>
    %and3A_1098 = arith.andi %ge3A_1094, %lt3A_1097 : vector<16xi1>
    %add3A_1099 = arith.constant 32 : i32
    %add3A_1100 = vector.broadcast %add3A_1099 : i32 to vector<16xi32>
    %add3A_1101 = arith.addi %iota3A, %add3A_1100 : vector<16xi32>
    tpu.vector_store_idx %arg7[%sub3A_1091, %add3A_1101], %broadcast_in_dim3A_5 masked %and3A_1098 : memref<256x128xf32, #tpu.memory_space<vmem>>[vector<16xi32>, vector<16xi32>], vector<16xf32>, vector<16xi1>
    %get3A_1102 = arith.constant 176 : index
    %get3A_1103 = tpu.vector_load %arg4[%get3A_1102] {strides = array<i32>} : memref<512xi32, #tpu.memory_space<vmem>>, vector<16xi32>,
    %sub3A_1104 = arith.constant 256 : i32
    %sub3A_1105 = vector.broadcast %sub3A_1104 : i32 to vector<16xi32>
    %sub3A_1106 = arith.subi %get3A_1103, %sub3A_1105 : vector<16xi32>
    %ge3A_1107 = arith.constant 0 : i32
    %ge3A_1108 = vector.broadcast %ge3A_1107 : i32 to vector<16xi32>
    %ge3A_1109 = arith.cmpi sge, %sub3A_1106, %ge3A_1108 : vector<16xi32>
    %lt3A_1110 = arith.constant 256 : i32
    %lt3A_1111 = vector.broadcast %lt3A_1110 : i32 to vector<16xi32>
    %lt3A_1112 = arith.cmpi slt, %sub3A_1106, %lt3A_1111 : vector<16xi32>
    %and3A_1113 = arith.andi %ge3A_1109, %lt3A_1112 : vector<16xi1>
    %add3A_1114 = arith.constant 48 : i32
    %add3A_1115 = vector.broadcast %add3A_1114 : i32 to vector<16xi32>
    %add3A_1116 = arith.addi %iota3A, %add3A_1115 : vector<16xi32>
    tpu.vector_store_idx %arg7[%sub3A_1106, %add3A_1116], %broadcast_in_dim3A_5 masked %and3A_1113 : memref<256x128xf32, #tpu.memory_space<vmem>>[vector<16xi32>, vector<16xi32>], vector<16xf32>, vector<16xi1>
    %get3A_1117 = arith.constant 192 : index
    %get3A_1118 = tpu.vector_load %arg4[%get3A_1117] {strides = array<i32>} : memref<512xi32, #tpu.memory_space<vmem>>, vector<16xi32>,
    %sub3A_1119 = arith.constant 256 : i32
    %sub3A_1120 = vector.broadcast %sub3A_1119 : i32 to vector<16xi32>
    %sub3A_1121 = arith.subi %get3A_1118, %sub3A_1120 : vector<16xi32>
    %ge3A_1122 = arith.constant 0 : i32
    %ge3A_1123 = vector.broadcast %ge3A_1122 : i32 to vector<16xi32>
    %ge3A_1124 = arith.cmpi sge, %sub3A_1121, %ge3A_1123 : vector<16xi32>
    %lt3A_1125 = arith.constant 256 : i32
    %lt3A_1126 = vector.broadcast %lt3A_1125 : i32 to vector<16xi32>
    %lt3A_1127 = arith.cmpi slt, %sub3A_1121, %lt3A_1126 : vector<16xi32>
    %and3A_1128 = arith.andi %ge3A_1124, %lt3A_1127 : vector<16xi1>
    %add3A_1129 = arith.constant 64 : i32
    %add3A_1130 = vector.broadcast %add3A_1129 : i32 to vector<16xi32>
    %add3A_1131 = arith.addi %iota3A, %add3A_1130 : vector<16xi32>
    tpu.vector_store_idx %arg7[%sub3A_1121, %add3A_1131], %broadcast_in_dim3A_5 masked %and3A_1128 : memref<256x128xf32, #tpu.memory_space<vmem>>[vector<16xi32>, vector<16xi32>], vector<16xf32>, vector<16xi1>
    %get3A_1132 = arith.constant 208 : index
    %get3A_1133 = tpu.vector_load %arg4[%get3A_1132] {strides = array<i32>} : memref<512xi32, #tpu.memory_space<vmem>>, vector<16xi32>,
    %sub3A_1134 = arith.constant 256 : i32
    %sub3A_1135 = vector.broadcast %sub3A_1134 : i32 to vector<16xi32>
    %sub3A_1136 = arith.subi %get3A_1133, %sub3A_1135 : vector<16xi32>
    %ge3A_1137 = arith.constant 0 : i32
    %ge3A_1138 = vector.broadcast %ge3A_1137 : i32 to vector<16xi32>
    %ge3A_1139 = arith.cmpi sge, %sub3A_1136, %ge3A_1138 : vector<16xi32>
    %lt3A_1140 = arith.constant 256 : i32
    %lt3A_1141 = vector.broadcast %lt3A_1140 : i32 to vector<16xi32>
    %lt3A_1142 = arith.cmpi slt, %sub3A_1136, %lt3A_1141 : vector<16xi32>
    %and3A_1143 = arith.andi %ge3A_1139, %lt3A_1142 : vector<16xi1>
    %add3A_1144 = arith.constant 80 : i32
    %add3A_1145 = vector.broadcast %add3A_1144 : i32 to vector<16xi32>
    %add3A_1146 = arith.addi %iota3A, %add3A_1145 : vector<16xi32>
    tpu.vector_store_idx %arg7[%sub3A_1136, %add3A_1146], %broadcast_in_dim3A_5 masked %and3A_1143 : memref<256x128xf32, #tpu.memory_space<vmem>>[vector<16xi32>, vector<16xi32>], vector<16xf32>, vector<16xi1>
    %get3A_1147 = arith.constant 224 : index
    %get3A_1148 = tpu.vector_load %arg4[%get3A_1147] {strides = array<i32>} : memref<512xi32, #tpu.memory_space<vmem>>, vector<16xi32>,
    %sub3A_1149 = arith.constant 256 : i32
    %sub3A_1150 = vector.broadcast %sub3A_1149 : i32 to vector<16xi32>
    %sub3A_1151 = arith.subi %get3A_1148, %sub3A_1150 : vector<16xi32>
    %ge3A_1152 = arith.constant 0 : i32
    %ge3A_1153 = vector.broadcast %ge3A_1152 : i32 to vector<16xi32>
    %ge3A_1154 = arith.cmpi sge, %sub3A_1151, %ge3A_1153 : vector<16xi32>
    %lt3A_1155 = arith.constant 256 : i32
    %lt3A_1156 = vector.broadcast %lt3A_1155 : i32 to vector<16xi32>
    %lt3A_1157 = arith.cmpi slt, %sub3A_1151, %lt3A_1156 : vector<16xi32>
    %and3A_1158 = arith.andi %ge3A_1154, %lt3A_1157 : vector<16xi1>
    %add3A_1159 = arith.constant 96 : i32
    %add3A_1160 = vector.broadcast %add3A_1159 : i32 to vector<16xi32>
    %add3A_1161 = arith.addi %iota3A, %add3A_1160 : vector<16xi32>
    tpu.vector_store_idx %arg7[%sub3A_1151, %add3A_1161], %broadcast_in_dim3A_5 masked %and3A_1158 : memref<256x128xf32, #tpu.memory_space<vmem>>[vector<16xi32>, vector<16xi32>], vector<16xf32>, vector<16xi1>
    %get3A_1162 = arith.constant 240 : index
    %get3A_1163 = tpu.vector_load %arg4[%get3A_1162] {strides = array<i32>} : memref<512xi32, #tpu.memory_space<vmem>>, vector<16xi32>,
    %sub3A_1164 = arith.constant 256 : i32
    %sub3A_1165 = vector.broadcast %sub3A_1164 : i32 to vector<16xi32>
    %sub3A_1166 = arith.subi %get3A_1163, %sub3A_1165 : vector<16xi32>
    %ge3A_1167 = arith.constant 0 : i32
    %ge3A_1168 = vector.broadcast %ge3A_1167 : i32 to vector<16xi32>
    %ge3A_1169 = arith.cmpi sge, %sub3A_1166, %ge3A_1168 : vector<16xi32>
    %lt3A_1170 = arith.constant 256 : i32
    %lt3A_1171 = vector.broadcast %lt3A_1170 : i32 to vector<16xi32>
    %lt3A_1172 = arith.cmpi slt, %sub3A_1166, %lt3A_1171 : vector<16xi32>
    %and3A_1173 = arith.andi %ge3A_1169, %lt3A_1172 : vector<16xi1>
    %add3A_1174 = arith.constant 112 : i32
    %add3A_1175 = vector.broadcast %add3A_1174 : i32 to vector<16xi32>
    %add3A_1176 = arith.addi %iota3A, %add3A_1175 : vector<16xi32>
    tpu.vector_store_idx %arg7[%sub3A_1166, %add3A_1176], %broadcast_in_dim3A_5 masked %and3A_1173 : memref<256x128xf32, #tpu.memory_space<vmem>>[vector<16xi32>, vector<16xi32>], vector<16xf32>, vector<16xi1>
    %add3A_1177 = arith.constant 128 : i32
    %add3A_1178 = arith.addi %mul3A_2, %add3A_1177 : i32
    %dma_start3A_1179 = arith.constant 0 : i32
    %dma_start3A_1180 = arith.constant 0 : i32
    %dma_start3A_1181 = tpu.memref_slice %arg7[%dma_start3A_1179, %dma_start3A_1180] : memref<256x128xf32, #tpu.memory_space<vmem>> -> memref<256x128xf32, #tpu.memory_space<vmem>>
    %dma_start3A_1182 = arith.constant 256 : i32
    %dma_start3A_1183 = tpu.memref_slice %arg3[%dma_start3A_1182, %add3A_1178] : memref<1000x16384xf32, #tpu.memory_space<hbm>> -> memref<256x128xf32, #tpu.memory_space<hbm>>
    %dma_start3A_1184 = arith.constant 256 : i32
    %dma_start3A_1185 = tpu.memref_slice %arg3[%dma_start3A_1184, %add3A_1178] : memref<1000x16384xf32, #tpu.memory_space<hbm>> -> memref<256x128xf32, #tpu.memory_space<hbm>>
    %dma_start3A_1186 = arith.constant 0 : i32
    %dma_start3A_1187 = arith.constant 0 : i32
    %dma_start3A_1188 = tpu.memref_slice %arg7[%dma_start3A_1186, %dma_start3A_1187] : memref<256x128xf32, #tpu.memory_space<vmem>> -> memref<256x128xf32, #tpu.memory_space<vmem>>
    tpu.enqueue_dma source(%dma_start3A_1188 : memref<256x128xf32, #tpu.memory_space<vmem>>) target(%dma_start3A_1185 : memref<256x128xf32, #tpu.memory_space<hbm>>) target_semaphore(%arg10 : memref<!tpu.dma_semaphore, #tpu.memory_space<semaphore_mem>>)
    %dma_wait3A_1189 = arith.constant 0 : i32
    %dma_wait3A_1190 = arith.constant 0 : i32
    %dma_wait3A_1191 = tpu.memref_slice %arg5[%dma_wait3A_1189, %dma_wait3A_1190] : memref<256x128xf32, #tpu.memory_space<vmem>> -> memref<232x128xf32, #tpu.memory_space<vmem>>
    %dma_wait3A_1192 = arith.constant 768 : i32
    %dma_wait3A_1193 = tpu.memref_slice %arg3[%dma_wait3A_1192, %add3A_654] : memref<1000x16384xf32, #tpu.memory_space<hbm>> -> memref<232x128xf32, #tpu.memory_space<hbm>>
    %dma_wait3A_1194 = arith.constant 768 : i32
    %dma_wait3A_1195 = tpu.memref_slice %arg3[%dma_wait3A_1194, %add3A_654] : memref<1000x16384xf32, #tpu.memory_space<hbm>> -> memref<232x128xf32, #tpu.memory_space<hbm>>
    %dma_wait3A_1196 = arith.constant 0 : i32
    %dma_wait3A_1197 = arith.constant 0 : i32
    %dma_wait3A_1198 = tpu.memref_slice %arg5[%dma_wait3A_1196, %dma_wait3A_1197] : memref<256x128xf32, #tpu.memory_space<vmem>> -> memref<232x128xf32, #tpu.memory_space<vmem>>
    tpu.wait_dma2 semaphore(%arg8 : memref<!tpu.dma_semaphore, #tpu.memory_space<semaphore_mem>>) src(%dma_wait3A_1198 : memref<232x128xf32, #tpu.memory_space<vmem>>) dst(%dma_wait3A_1195 : memref<232x128xf32, #tpu.memory_space<hbm>>)
    %get3A_1199 = arith.constant 0 : index
    %get3A_1200 = tpu.vector_load %arg4[%get3A_1199] {strides = array<i32>} : memref<512xi32, #tpu.memory_space<vmem>>, vector<16xi32>,
    %sub3A_1201 = arith.constant 768 : i32
    %sub3A_1202 = vector.broadcast %sub3A_1201 : i32 to vector<16xi32>
    %sub3A_1203 = arith.subi %get3A_1200, %sub3A_1202 : vector<16xi32>
    %ge3A_1204 = arith.constant 0 : i32
    %ge3A_1205 = vector.broadcast %ge3A_1204 : i32 to vector<16xi32>
    %ge3A_1206 = arith.cmpi sge, %sub3A_1203, %ge3A_1205 : vector<16xi32>
    %lt3A_1207 = arith.constant 232 : i32
    %lt3A_1208 = vector.broadcast %lt3A_1207 : i32 to vector<16xi32>
    %lt3A_1209 = arith.cmpi slt, %sub3A_1203, %lt3A_1208 : vector<16xi32>
    %and3A_1210 = arith.andi %ge3A_1206, %lt3A_1209 : vector<16xi1>
    %add3A_1211 = arith.constant 0 : i32
    %add3A_1212 = vector.broadcast %add3A_1211 : i32 to vector<16xi32>
    %add3A_1213 = arith.addi %iota3A, %add3A_1212 : vector<16xi32>
    tpu.vector_store_idx %arg5[%sub3A_1203, %add3A_1213], %broadcast_in_dim3A_3 masked %and3A_1210 : memref<256x128xf32, #tpu.memory_space<vmem>>[vector<16xi32>, vector<16xi32>], vector<16xf32>, vector<16xi1>
    %get3A_1214 = arith.constant 16 : index
    %get3A_1215 = tpu.vector_load %arg4[%get3A_1214] {strides = array<i32>} : memref<512xi32, #tpu.memory_space<vmem>>, vector<16xi32>,
    %sub3A_1216 = arith.constant 768 : i32
    %sub3A_1217 = vector.broadcast %sub3A_1216 : i32 to vector<16xi32>
    %sub3A_1218 = arith.subi %get3A_1215, %sub3A_1217 : vector<16xi32>
    %ge3A_1219 = arith.constant 0 : i32
    %ge3A_1220 = vector.broadcast %ge3A_1219 : i32 to vector<16xi32>
    %ge3A_1221 = arith.cmpi sge, %sub3A_1218, %ge3A_1220 : vector<16xi32>
    %lt3A_1222 = arith.constant 232 : i32
    %lt3A_1223 = vector.broadcast %lt3A_1222 : i32 to vector<16xi32>
    %lt3A_1224 = arith.cmpi slt, %sub3A_1218, %lt3A_1223 : vector<16xi32>
    %and3A_1225 = arith.andi %ge3A_1221, %lt3A_1224 : vector<16xi1>
    %add3A_1226 = arith.constant 16 : i32
    %add3A_1227 = vector.broadcast %add3A_1226 : i32 to vector<16xi32>
    %add3A_1228 = arith.addi %iota3A, %add3A_1227 : vector<16xi32>
    tpu.vector_store_idx %arg5[%sub3A_1218, %add3A_1228], %broadcast_in_dim3A_3 masked %and3A_1225 : memref<256x128xf32, #tpu.memory_space<vmem>>[vector<16xi32>, vector<16xi32>], vector<16xf32>, vector<16xi1>
    %get3A_1229 = arith.constant 32 : index
    %get3A_1230 = tpu.vector_load %arg4[%get3A_1229] {strides = array<i32>} : memref<512xi32, #tpu.memory_space<vmem>>, vector<16xi32>,
    %sub3A_1231 = arith.constant 768 : i32
    %sub3A_1232 = vector.broadcast %sub3A_1231 : i32 to vector<16xi32>
    %sub3A_1233 = arith.subi %get3A_1230, %sub3A_1232 : vector<16xi32>
    %ge3A_1234 = arith.constant 0 : i32
    %ge3A_1235 = vector.broadcast %ge3A_1234 : i32 to vector<16xi32>
    %ge3A_1236 = arith.cmpi sge, %sub3A_1233, %ge3A_1235 : vector<16xi32>
    %lt3A_1237 = arith.constant 232 : i32
    %lt3A_1238 = vector.broadcast %lt3A_1237 : i32 to vector<16xi32>
    %lt3A_1239 = arith.cmpi slt, %sub3A_1233, %lt3A_1238 : vector<16xi32>
    %and3A_1240 = arith.andi %ge3A_1236, %lt3A_1239 : vector<16xi1>
    %add3A_1241 = arith.constant 32 : i32
    %add3A_1242 = vector.broadcast %add3A_1241 : i32 to vector<16xi32>
    %add3A_1243 = arith.addi %iota3A, %add3A_1242 : vector<16xi32>
    tpu.vector_store_idx %arg5[%sub3A_1233, %add3A_1243], %broadcast_in_dim3A_3 masked %and3A_1240 : memref<256x128xf32, #tpu.memory_space<vmem>>[vector<16xi32>, vector<16xi32>], vector<16xf32>, vector<16xi1>
    %get3A_1244 = arith.constant 48 : index
    %get3A_1245 = tpu.vector_load %arg4[%get3A_1244] {strides = array<i32>} : memref<512xi32, #tpu.memory_space<vmem>>, vector<16xi32>,
    %sub3A_1246 = arith.constant 768 : i32
    %sub3A_1247 = vector.broadcast %sub3A_1246 : i32 to vector<16xi32>
    %sub3A_1248 = arith.subi %get3A_1245, %sub3A_1247 : vector<16xi32>
    %ge3A_1249 = arith.constant 0 : i32
    %ge3A_1250 = vector.broadcast %ge3A_1249 : i32 to vector<16xi32>
    %ge3A_1251 = arith.cmpi sge, %sub3A_1248, %ge3A_1250 : vector<16xi32>
    %lt3A_1252 = arith.constant 232 : i32
    %lt3A_1253 = vector.broadcast %lt3A_1252 : i32 to vector<16xi32>
    %lt3A_1254 = arith.cmpi slt, %sub3A_1248, %lt3A_1253 : vector<16xi32>
    %and3A_1255 = arith.andi %ge3A_1251, %lt3A_1254 : vector<16xi1>
    %add3A_1256 = arith.constant 48 : i32
    %add3A_1257 = vector.broadcast %add3A_1256 : i32 to vector<16xi32>
    %add3A_1258 = arith.addi %iota3A, %add3A_1257 : vector<16xi32>
    tpu.vector_store_idx %arg5[%sub3A_1248, %add3A_1258], %broadcast_in_dim3A_3 masked %and3A_1255 : memref<256x128xf32, #tpu.memory_space<vmem>>[vector<16xi32>, vector<16xi32>], vector<16xf32>, vector<16xi1>
    %get3A_1259 = arith.constant 64 : index
    %get3A_1260 = tpu.vector_load %arg4[%get3A_1259] {strides = array<i32>} : memref<512xi32, #tpu.memory_space<vmem>>, vector<16xi32>,
    %sub3A_1261 = arith.constant 768 : i32
    %sub3A_1262 = vector.broadcast %sub3A_1261 : i32 to vector<16xi32>
    %sub3A_1263 = arith.subi %get3A_1260, %sub3A_1262 : vector<16xi32>
    %ge3A_1264 = arith.constant 0 : i32
    %ge3A_1265 = vector.broadcast %ge3A_1264 : i32 to vector<16xi32>
    %ge3A_1266 = arith.cmpi sge, %sub3A_1263, %ge3A_1265 : vector<16xi32>
    %lt3A_1267 = arith.constant 232 : i32
    %lt3A_1268 = vector.broadcast %lt3A_1267 : i32 to vector<16xi32>
    %lt3A_1269 = arith.cmpi slt, %sub3A_1263, %lt3A_1268 : vector<16xi32>
    %and3A_1270 = arith.andi %ge3A_1266, %lt3A_1269 : vector<16xi1>
    %add3A_1271 = arith.constant 64 : i32
    %add3A_1272 = vector.broadcast %add3A_1271 : i32 to vector<16xi32>
    %add3A_1273 = arith.addi %iota3A, %add3A_1272 : vector<16xi32>
    tpu.vector_store_idx %arg5[%sub3A_1263, %add3A_1273], %broadcast_in_dim3A_3 masked %and3A_1270 : memref<256x128xf32, #tpu.memory_space<vmem>>[vector<16xi32>, vector<16xi32>], vector<16xf32>, vector<16xi1>
    %get3A_1274 = arith.constant 80 : index
    %get3A_1275 = tpu.vector_load %arg4[%get3A_1274] {strides = array<i32>} : memref<512xi32, #tpu.memory_space<vmem>>, vector<16xi32>,
    %sub3A_1276 = arith.constant 768 : i32
    %sub3A_1277 = vector.broadcast %sub3A_1276 : i32 to vector<16xi32>
    %sub3A_1278 = arith.subi %get3A_1275, %sub3A_1277 : vector<16xi32>
    %ge3A_1279 = arith.constant 0 : i32
    %ge3A_1280 = vector.broadcast %ge3A_1279 : i32 to vector<16xi32>
    %ge3A_1281 = arith.cmpi sge, %sub3A_1278, %ge3A_1280 : vector<16xi32>
    %lt3A_1282 = arith.constant 232 : i32
    %lt3A_1283 = vector.broadcast %lt3A_1282 : i32 to vector<16xi32>
    %lt3A_1284 = arith.cmpi slt, %sub3A_1278, %lt3A_1283 : vector<16xi32>
    %and3A_1285 = arith.andi %ge3A_1281, %lt3A_1284 : vector<16xi1>
    %add3A_1286 = arith.constant 80 : i32
    %add3A_1287 = vector.broadcast %add3A_1286 : i32 to vector<16xi32>
    %add3A_1288 = arith.addi %iota3A, %add3A_1287 : vector<16xi32>
    tpu.vector_store_idx %arg5[%sub3A_1278, %add3A_1288], %broadcast_in_dim3A_3 masked %and3A_1285 : memref<256x128xf32, #tpu.memory_space<vmem>>[vector<16xi32>, vector<16xi32>], vector<16xf32>, vector<16xi1>
    %get3A_1289 = arith.constant 96 : index
    %get3A_1290 = tpu.vector_load %arg4[%get3A_1289] {strides = array<i32>} : memref<512xi32, #tpu.memory_space<vmem>>, vector<16xi32>,
    %sub3A_1291 = arith.constant 768 : i32
    %sub3A_1292 = vector.broadcast %sub3A_1291 : i32 to vector<16xi32>
    %sub3A_1293 = arith.subi %get3A_1290, %sub3A_1292 : vector<16xi32>
    %ge3A_1294 = arith.constant 0 : i32
    %ge3A_1295 = vector.broadcast %ge3A_1294 : i32 to vector<16xi32>
    %ge3A_1296 = arith.cmpi sge, %sub3A_1293, %ge3A_1295 : vector<16xi32>
    %lt3A_1297 = arith.constant 232 : i32
    %lt3A_1298 = vector.broadcast %lt3A_1297 : i32 to vector<16xi32>
    %lt3A_1299 = arith.cmpi slt, %sub3A_1293, %lt3A_1298 : vector<16xi32>
    %and3A_1300 = arith.andi %ge3A_1296, %lt3A_1299 : vector<16xi1>
    %add3A_1301 = arith.constant 96 : i32
    %add3A_1302 = vector.broadcast %add3A_1301 : i32 to vector<16xi32>
    %add3A_1303 = arith.addi %iota3A, %add3A_1302 : vector<16xi32>
    tpu.vector_store_idx %arg5[%sub3A_1293, %add3A_1303], %broadcast_in_dim3A_3 masked %and3A_1300 : memref<256x128xf32, #tpu.memory_space<vmem>>[vector<16xi32>, vector<16xi32>], vector<16xf32>, vector<16xi1>
    %get3A_1304 = arith.constant 112 : index
    %get3A_1305 = tpu.vector_load %arg4[%get3A_1304] {strides = array<i32>} : memref<512xi32, #tpu.memory_space<vmem>>, vector<16xi32>,
    %sub3A_1306 = arith.constant 768 : i32
    %sub3A_1307 = vector.broadcast %sub3A_1306 : i32 to vector<16xi32>
    %sub3A_1308 = arith.subi %get3A_1305, %sub3A_1307 : vector<16xi32>
    %ge3A_1309 = arith.constant 0 : i32
    %ge3A_1310 = vector.broadcast %ge3A_1309 : i32 to vector<16xi32>
    %ge3A_1311 = arith.cmpi sge, %sub3A_1308, %ge3A_1310 : vector<16xi32>
    %lt3A_1312 = arith.constant 232 : i32
    %lt3A_1313 = vector.broadcast %lt3A_1312 : i32 to vector<16xi32>
    %lt3A_1314 = arith.cmpi slt, %sub3A_1308, %lt3A_1313 : vector<16xi32>
    %and3A_1315 = arith.andi %ge3A_1311, %lt3A_1314 : vector<16xi1>
    %add3A_1316 = arith.constant 112 : i32
    %add3A_1317 = vector.broadcast %add3A_1316 : i32 to vector<16xi32>
    %add3A_1318 = arith.addi %iota3A, %add3A_1317 : vector<16xi32>
    tpu.vector_store_idx %arg5[%sub3A_1308, %add3A_1318], %broadcast_in_dim3A_3 masked %and3A_1315 : memref<256x128xf32, #tpu.memory_space<vmem>>[vector<16xi32>, vector<16xi32>], vector<16xf32>, vector<16xi1>
    %get3A_1319 = arith.constant 128 : index
    %get3A_1320 = tpu.vector_load %arg4[%get3A_1319] {strides = array<i32>} : memref<512xi32, #tpu.memory_space<vmem>>, vector<16xi32>,
    %sub3A_1321 = arith.constant 512 : i32
    %sub3A_1322 = vector.broadcast %sub3A_1321 : i32 to vector<16xi32>
    %sub3A_1323 = arith.subi %get3A_1320, %sub3A_1322 : vector<16xi32>
    %ge3A_1324 = arith.constant 0 : i32
    %ge3A_1325 = vector.broadcast %ge3A_1324 : i32 to vector<16xi32>
    %ge3A_1326 = arith.cmpi sge, %sub3A_1323, %ge3A_1325 : vector<16xi32>
    %lt3A_1327 = arith.constant 256 : i32
    %lt3A_1328 = vector.broadcast %lt3A_1327 : i32 to vector<16xi32>
    %lt3A_1329 = arith.cmpi slt, %sub3A_1323, %lt3A_1328 : vector<16xi32>
    %and3A_1330 = arith.andi %ge3A_1326, %lt3A_1329 : vector<16xi1>
    %add3A_1331 = arith.constant 0 : i32
    %add3A_1332 = vector.broadcast %add3A_1331 : i32 to vector<16xi32>
    %add3A_1333 = arith.addi %iota3A, %add3A_1332 : vector<16xi32>
    tpu.vector_store_idx %arg5[%sub3A_1323, %add3A_1333], %broadcast_in_dim3A_5 masked %and3A_1330 : memref<256x128xf32, #tpu.memory_space<vmem>>[vector<16xi32>, vector<16xi32>], vector<16xf32>, vector<16xi1>
    %get3A_1334 = arith.constant 144 : index
    %get3A_1335 = tpu.vector_load %arg4[%get3A_1334] {strides = array<i32>} : memref<512xi32, #tpu.memory_space<vmem>>, vector<16xi32>,
    %sub3A_1336 = arith.constant 512 : i32
    %sub3A_1337 = vector.broadcast %sub3A_1336 : i32 to vector<16xi32>
    %sub3A_1338 = arith.subi %get3A_1335, %sub3A_1337 : vector<16xi32>
    %ge3A_1339 = arith.constant 0 : i32
    %ge3A_1340 = vector.broadcast %ge3A_1339 : i32 to vector<16xi32>
    %ge3A_1341 = arith.cmpi sge, %sub3A_1338, %ge3A_1340 : vector<16xi32>
    %lt3A_1342 = arith.constant 256 : i32
    %lt3A_1343 = vector.broadcast %lt3A_1342 : i32 to vector<16xi32>
    %lt3A_1344 = arith.cmpi slt, %sub3A_1338, %lt3A_1343 : vector<16xi32>
    %and3A_1345 = arith.andi %ge3A_1341, %lt3A_1344 : vector<16xi1>
    %add3A_1346 = arith.constant 16 : i32
    %add3A_1347 = vector.broadcast %add3A_1346 : i32 to vector<16xi32>
    %add3A_1348 = arith.addi %iota3A, %add3A_1347 : vector<16xi32>
    tpu.vector_store_idx %arg5[%sub3A_1338, %add3A_1348], %broadcast_in_dim3A_5 masked %and3A_1345 : memref<256x128xf32, #tpu.memory_space<vmem>>[vector<16xi32>, vector<16xi32>], vector<16xf32>, vector<16xi1>
    %get3A_1349 = arith.constant 160 : index
    %get3A_1350 = tpu.vector_load %arg4[%get3A_1349] {strides = array<i32>} : memref<512xi32, #tpu.memory_space<vmem>>, vector<16xi32>,
    %sub3A_1351 = arith.constant 512 : i32
    %sub3A_1352 = vector.broadcast %sub3A_1351 : i32 to vector<16xi32>
    %sub3A_1353 = arith.subi %get3A_1350, %sub3A_1352 : vector<16xi32>
    %ge3A_1354 = arith.constant 0 : i32
    %ge3A_1355 = vector.broadcast %ge3A_1354 : i32 to vector<16xi32>
    %ge3A_1356 = arith.cmpi sge, %sub3A_1353, %ge3A_1355 : vector<16xi32>
    %lt3A_1357 = arith.constant 256 : i32
    %lt3A_1358 = vector.broadcast %lt3A_1357 : i32 to vector<16xi32>
    %lt3A_1359 = arith.cmpi slt, %sub3A_1353, %lt3A_1358 : vector<16xi32>
    %and3A_1360 = arith.andi %ge3A_1356, %lt3A_1359 : vector<16xi1>
    %add3A_1361 = arith.constant 32 : i32
    %add3A_1362 = vector.broadcast %add3A_1361 : i32 to vector<16xi32>
    %add3A_1363 = arith.addi %iota3A, %add3A_1362 : vector<16xi32>
    tpu.vector_store_idx %arg5[%sub3A_1353, %add3A_1363], %broadcast_in_dim3A_5 masked %and3A_1360 : memref<256x128xf32, #tpu.memory_space<vmem>>[vector<16xi32>, vector<16xi32>], vector<16xf32>, vector<16xi1>
    %get3A_1364 = arith.constant 176 : index
    %get3A_1365 = tpu.vector_load %arg4[%get3A_1364] {strides = array<i32>} : memref<512xi32, #tpu.memory_space<vmem>>, vector<16xi32>,
    %sub3A_1366 = arith.constant 512 : i32
    %sub3A_1367 = vector.broadcast %sub3A_1366 : i32 to vector<16xi32>
    %sub3A_1368 = arith.subi %get3A_1365, %sub3A_1367 : vector<16xi32>
    %ge3A_1369 = arith.constant 0 : i32
    %ge3A_1370 = vector.broadcast %ge3A_1369 : i32 to vector<16xi32>
    %ge3A_1371 = arith.cmpi sge, %sub3A_1368, %ge3A_1370 : vector<16xi32>
    %lt3A_1372 = arith.constant 256 : i32
    %lt3A_1373 = vector.broadcast %lt3A_1372 : i32 to vector<16xi32>
    %lt3A_1374 = arith.cmpi slt, %sub3A_1368, %lt3A_1373 : vector<16xi32>
    %and3A_1375 = arith.andi %ge3A_1371, %lt3A_1374 : vector<16xi1>
    %add3A_1376 = arith.constant 48 : i32
    %add3A_1377 = vector.broadcast %add3A_1376 : i32 to vector<16xi32>
    %add3A_1378 = arith.addi %iota3A, %add3A_1377 : vector<16xi32>
    tpu.vector_store_idx %arg5[%sub3A_1368, %add3A_1378], %broadcast_in_dim3A_5 masked %and3A_1375 : memref<256x128xf32, #tpu.memory_space<vmem>>[vector<16xi32>, vector<16xi32>], vector<16xf32>, vector<16xi1>
    %get3A_1379 = arith.constant 192 : index
    %get3A_1380 = tpu.vector_load %arg4[%get3A_1379] {strides = array<i32>} : memref<512xi32, #tpu.memory_space<vmem>>, vector<16xi32>,
    %sub3A_1381 = arith.constant 512 : i32
    %sub3A_1382 = vector.broadcast %sub3A_1381 : i32 to vector<16xi32>
    %sub3A_1383 = arith.subi %get3A_1380, %sub3A_1382 : vector<16xi32>
    %ge3A_1384 = arith.constant 0 : i32
    %ge3A_1385 = vector.broadcast %ge3A_1384 : i32 to vector<16xi32>
    %ge3A_1386 = arith.cmpi sge, %sub3A_1383, %ge3A_1385 : vector<16xi32>
    %lt3A_1387 = arith.constant 256 : i32
    %lt3A_1388 = vector.broadcast %lt3A_1387 : i32 to vector<16xi32>
    %lt3A_1389 = arith.cmpi slt, %sub3A_1383, %lt3A_1388 : vector<16xi32>
    %and3A_1390 = arith.andi %ge3A_1386, %lt3A_1389 : vector<16xi1>
    %add3A_1391 = arith.constant 64 : i32
    %add3A_1392 = vector.broadcast %add3A_1391 : i32 to vector<16xi32>
    %add3A_1393 = arith.addi %iota3A, %add3A_1392 : vector<16xi32>
    tpu.vector_store_idx %arg5[%sub3A_1383, %add3A_1393], %broadcast_in_dim3A_5 masked %and3A_1390 : memref<256x128xf32, #tpu.memory_space<vmem>>[vector<16xi32>, vector<16xi32>], vector<16xf32>, vector<16xi1>
    %get3A_1394 = arith.constant 208 : index
    %get3A_1395 = tpu.vector_load %arg4[%get3A_1394] {strides = array<i32>} : memref<512xi32, #tpu.memory_space<vmem>>, vector<16xi32>,
    %sub3A_1396 = arith.constant 512 : i32
    %sub3A_1397 = vector.broadcast %sub3A_1396 : i32 to vector<16xi32>
    %sub3A_1398 = arith.subi %get3A_1395, %sub3A_1397 : vector<16xi32>
    %ge3A_1399 = arith.constant 0 : i32
    %ge3A_1400 = vector.broadcast %ge3A_1399 : i32 to vector<16xi32>
    %ge3A_1401 = arith.cmpi sge, %sub3A_1398, %ge3A_1400 : vector<16xi32>
    %lt3A_1402 = arith.constant 256 : i32
    %lt3A_1403 = vector.broadcast %lt3A_1402 : i32 to vector<16xi32>
    %lt3A_1404 = arith.cmpi slt, %sub3A_1398, %lt3A_1403 : vector<16xi32>
    %and3A_1405 = arith.andi %ge3A_1401, %lt3A_1404 : vector<16xi1>
    %add3A_1406 = arith.constant 80 : i32
    %add3A_1407 = vector.broadcast %add3A_1406 : i32 to vector<16xi32>
    %add3A_1408 = arith.addi %iota3A, %add3A_1407 : vector<16xi32>
    tpu.vector_store_idx %arg5[%sub3A_1398, %add3A_1408], %broadcast_in_dim3A_5 masked %and3A_1405 : memref<256x128xf32, #tpu.memory_space<vmem>>[vector<16xi32>, vector<16xi32>], vector<16xf32>, vector<16xi1>
    %get3A_1409 = arith.constant 224 : index
    %get3A_1410 = tpu.vector_load %arg4[%get3A_1409] {strides = array<i32>} : memref<512xi32, #tpu.memory_space<vmem>>, vector<16xi32>,
    %sub3A_1411 = arith.constant 512 : i32
    %sub3A_1412 = vector.broadcast %sub3A_1411 : i32 to vector<16xi32>
    %sub3A_1413 = arith.subi %get3A_1410, %sub3A_1412 : vector<16xi32>
    %ge3A_1414 = arith.constant 0 : i32
    %ge3A_1415 = vector.broadcast %ge3A_1414 : i32 to vector<16xi32>
    %ge3A_1416 = arith.cmpi sge, %sub3A_1413, %ge3A_1415 : vector<16xi32>
    %lt3A_1417 = arith.constant 256 : i32
    %lt3A_1418 = vector.broadcast %lt3A_1417 : i32 to vector<16xi32>
    %lt3A_1419 = arith.cmpi slt, %sub3A_1413, %lt3A_1418 : vector<16xi32>
    %and3A_1420 = arith.andi %ge3A_1416, %lt3A_1419 : vector<16xi1>
    %add3A_1421 = arith.constant 96 : i32
    %add3A_1422 = vector.broadcast %add3A_1421 : i32 to vector<16xi32>
    %add3A_1423 = arith.addi %iota3A, %add3A_1422 : vector<16xi32>
    tpu.vector_store_idx %arg5[%sub3A_1413, %add3A_1423], %broadcast_in_dim3A_5 masked %and3A_1420 : memref<256x128xf32, #tpu.memory_space<vmem>>[vector<16xi32>, vector<16xi32>], vector<16xf32>, vector<16xi1>
    %get3A_1424 = arith.constant 240 : index
    %get3A_1425 = tpu.vector_load %arg4[%get3A_1424] {strides = array<i32>} : memref<512xi32, #tpu.memory_space<vmem>>, vector<16xi32>,
    %sub3A_1426 = arith.constant 512 : i32
    %sub3A_1427 = vector.broadcast %sub3A_1426 : i32 to vector<16xi32>
    %sub3A_1428 = arith.subi %get3A_1425, %sub3A_1427 : vector<16xi32>
    %ge3A_1429 = arith.constant 0 : i32
    %ge3A_1430 = vector.broadcast %ge3A_1429 : i32 to vector<16xi32>
    %ge3A_1431 = arith.cmpi sge, %sub3A_1428, %ge3A_1430 : vector<16xi32>
    %lt3A_1432 = arith.constant 256 : i32
    %lt3A_1433 = vector.broadcast %lt3A_1432 : i32 to vector<16xi32>
    %lt3A_1434 = arith.cmpi slt, %sub3A_1428, %lt3A_1433 : vector<16xi32>
    %and3A_1435 = arith.andi %ge3A_1431, %lt3A_1434 : vector<16xi1>
    %add3A_1436 = arith.constant 112 : i32
    %add3A_1437 = vector.broadcast %add3A_1436 : i32 to vector<16xi32>
    %add3A_1438 = arith.addi %iota3A, %add3A_1437 : vector<16xi32>
    tpu.vector_store_idx %arg5[%sub3A_1428, %add3A_1438], %broadcast_in_dim3A_5 masked %and3A_1435 : memref<256x128xf32, #tpu.memory_space<vmem>>[vector<16xi32>, vector<16xi32>], vector<16xf32>, vector<16xi1>
    %add3A_1439 = arith.constant 128 : i32
    %add3A_1440 = arith.addi %mul3A_2, %add3A_1439 : i32
    %dma_start3A_1441 = arith.constant 0 : i32
    %dma_start3A_1442 = arith.constant 0 : i32
    %dma_start3A_1443 = tpu.memref_slice %arg5[%dma_start3A_1441, %dma_start3A_1442] : memref<256x128xf32, #tpu.memory_space<vmem>> -> memref<256x128xf32, #tpu.memory_space<vmem>>
    %dma_start3A_1444 = arith.constant 512 : i32
    %dma_start3A_1445 = tpu.memref_slice %arg3[%dma_start3A_1444, %add3A_1440] : memref<1000x16384xf32, #tpu.memory_space<hbm>> -> memref<256x128xf32, #tpu.memory_space<hbm>>
    %dma_start3A_1446 = arith.constant 512 : i32
    %dma_start3A_1447 = tpu.memref_slice %arg3[%dma_start3A_1446, %add3A_1440] : memref<1000x16384xf32, #tpu.memory_space<hbm>> -> memref<256x128xf32, #tpu.memory_space<hbm>>
    %dma_start3A_1448 = arith.constant 0 : i32
    %dma_start3A_1449 = arith.constant 0 : i32
    %dma_start3A_1450 = tpu.memref_slice %arg5[%dma_start3A_1448, %dma_start3A_1449] : memref<256x128xf32, #tpu.memory_space<vmem>> -> memref<256x128xf32, #tpu.memory_space<vmem>>
    tpu.enqueue_dma source(%dma_start3A_1450 : memref<256x128xf32, #tpu.memory_space<vmem>>) target(%dma_start3A_1447 : memref<256x128xf32, #tpu.memory_space<hbm>>) target_semaphore(%arg8 : memref<!tpu.dma_semaphore, #tpu.memory_space<semaphore_mem>>)
    %dma_wait3A_1451 = arith.constant 0 : i32
    %dma_wait3A_1452 = arith.constant 0 : i32
    %dma_wait3A_1453 = tpu.memref_slice %arg6[%dma_wait3A_1451, %dma_wait3A_1452] : memref<256x128xf32, #tpu.memory_space<vmem>> -> memref<256x128xf32, #tpu.memory_space<vmem>>
    %dma_wait3A_1454 = arith.constant 0 : i32
    %dma_wait3A_1455 = tpu.memref_slice %arg3[%dma_wait3A_1454, %add3A_916] : memref<1000x16384xf32, #tpu.memory_space<hbm>> -> memref<256x128xf32, #tpu.memory_space<hbm>>
    %dma_wait3A_1456 = arith.constant 0 : i32
    %dma_wait3A_1457 = tpu.memref_slice %arg3[%dma_wait3A_1456, %add3A_916] : memref<1000x16384xf32, #tpu.memory_space<hbm>> -> memref<256x128xf32, #tpu.memory_space<hbm>>
    %dma_wait3A_1458 = arith.constant 0 : i32
    %dma_wait3A_1459 = arith.constant 0 : i32
    %dma_wait3A_1460 = tpu.memref_slice %arg6[%dma_wait3A_1458, %dma_wait3A_1459] : memref<256x128xf32, #tpu.memory_space<vmem>> -> memref<256x128xf32, #tpu.memory_space<vmem>>
    tpu.wait_dma2 semaphore(%arg9 : memref<!tpu.dma_semaphore, #tpu.memory_space<semaphore_mem>>) src(%dma_wait3A_1460 : memref<256x128xf32, #tpu.memory_space<vmem>>) dst(%dma_wait3A_1457 : memref<256x128xf32, #tpu.memory_space<hbm>>)
    %get3A_1461 = arith.constant 128 : index
    %get3A_1462 = tpu.vector_load %arg4[%get3A_1461] {strides = array<i32>} : memref<512xi32, #tpu.memory_space<vmem>>, vector<16xi32>,
    %sub3A_1463 = arith.constant 0 : i32
    %sub3A_1464 = vector.broadcast %sub3A_1463 : i32 to vector<16xi32>
    %sub3A_1465 = arith.subi %get3A_1462, %sub3A_1464 : vector<16xi32>
    %ge3A_1466 = arith.constant 0 : i32
    %ge3A_1467 = vector.broadcast %ge3A_1466 : i32 to vector<16xi32>
    %ge3A_1468 = arith.cmpi sge, %sub3A_1465, %ge3A_1467 : vector<16xi32>
    %lt3A_1469 = arith.constant 256 : i32
    %lt3A_1470 = vector.broadcast %lt3A_1469 : i32 to vector<16xi32>
    %lt3A_1471 = arith.cmpi slt, %sub3A_1465, %lt3A_1470 : vector<16xi32>
    %and3A_1472 = arith.andi %ge3A_1468, %lt3A_1471 : vector<16xi1>
    %add3A_1473 = arith.constant 0 : i32
    %add3A_1474 = vector.broadcast %add3A_1473 : i32 to vector<16xi32>
    %add3A_1475 = arith.addi %iota3A, %add3A_1474 : vector<16xi32>
    tpu.vector_store_idx %arg6[%sub3A_1465, %add3A_1475], %broadcast_in_dim3A_3 masked %and3A_1472 : memref<256x128xf32, #tpu.memory_space<vmem>>[vector<16xi32>, vector<16xi32>], vector<16xf32>, vector<16xi1>
    %get3A_1476 = arith.constant 144 : index
    %get3A_1477 = tpu.vector_load %arg4[%get3A_1476] {strides = array<i32>} : memref<512xi32, #tpu.memory_space<vmem>>, vector<16xi32>,
    %sub3A_1478 = arith.constant 0 : i32
    %sub3A_1479 = vector.broadcast %sub3A_1478 : i32 to vector<16xi32>
    %sub3A_1480 = arith.subi %get3A_1477, %sub3A_1479 : vector<16xi32>
    %ge3A_1481 = arith.constant 0 : i32
    %ge3A_1482 = vector.broadcast %ge3A_1481 : i32 to vector<16xi32>
    %ge3A_1483 = arith.cmpi sge, %sub3A_1480, %ge3A_1482 : vector<16xi32>
    %lt3A_1484 = arith.constant 256 : i32
    %lt3A_1485 = vector.broadcast %lt3A_1484 : i32 to vector<16xi32>
    %lt3A_1486 = arith.cmpi slt, %sub3A_1480, %lt3A_1485 : vector<16xi32>
    %and3A_1487 = arith.andi %ge3A_1483, %lt3A_1486 : vector<16xi1>
    %add3A_1488 = arith.constant 16 : i32
    %add3A_1489 = vector.broadcast %add3A_1488 : i32 to vector<16xi32>
    %add3A_1490 = arith.addi %iota3A, %add3A_1489 : vector<16xi32>
    tpu.vector_store_idx %arg6[%sub3A_1480, %add3A_1490], %broadcast_in_dim3A_3 masked %and3A_1487 : memref<256x128xf32, #tpu.memory_space<vmem>>[vector<16xi32>, vector<16xi32>], vector<16xf32>, vector<16xi1>
    %get3A_1491 = arith.constant 160 : index
    %get3A_1492 = tpu.vector_load %arg4[%get3A_1491] {strides = array<i32>} : memref<512xi32, #tpu.memory_space<vmem>>, vector<16xi32>,
    %sub3A_1493 = arith.constant 0 : i32
    %sub3A_1494 = vector.broadcast %sub3A_1493 : i32 to vector<16xi32>
    %sub3A_1495 = arith.subi %get3A_1492, %sub3A_1494 : vector<16xi32>
    %ge3A_1496 = arith.constant 0 : i32
    %ge3A_1497 = vector.broadcast %ge3A_1496 : i32 to vector<16xi32>
    %ge3A_1498 = arith.cmpi sge, %sub3A_1495, %ge3A_1497 : vector<16xi32>
    %lt3A_1499 = arith.constant 256 : i32
    %lt3A_1500 = vector.broadcast %lt3A_1499 : i32 to vector<16xi32>
    %lt3A_1501 = arith.cmpi slt, %sub3A_1495, %lt3A_1500 : vector<16xi32>
    %and3A_1502 = arith.andi %ge3A_1498, %lt3A_1501 : vector<16xi1>
    %add3A_1503 = arith.constant 32 : i32
    %add3A_1504 = vector.broadcast %add3A_1503 : i32 to vector<16xi32>
    %add3A_1505 = arith.addi %iota3A, %add3A_1504 : vector<16xi32>
    tpu.vector_store_idx %arg6[%sub3A_1495, %add3A_1505], %broadcast_in_dim3A_3 masked %and3A_1502 : memref<256x128xf32, #tpu.memory_space<vmem>>[vector<16xi32>, vector<16xi32>], vector<16xf32>, vector<16xi1>
    %get3A_1506 = arith.constant 176 : index
    %get3A_1507 = tpu.vector_load %arg4[%get3A_1506] {strides = array<i32>} : memref<512xi32, #tpu.memory_space<vmem>>, vector<16xi32>,
    %sub3A_1508 = arith.constant 0 : i32
    %sub3A_1509 = vector.broadcast %sub3A_1508 : i32 to vector<16xi32>
    %sub3A_1510 = arith.subi %get3A_1507, %sub3A_1509 : vector<16xi32>
    %ge3A_1511 = arith.constant 0 : i32
    %ge3A_1512 = vector.broadcast %ge3A_1511 : i32 to vector<16xi32>
    %ge3A_1513 = arith.cmpi sge, %sub3A_1510, %ge3A_1512 : vector<16xi32>
    %lt3A_1514 = arith.constant 256 : i32
    %lt3A_1515 = vector.broadcast %lt3A_1514 : i32 to vector<16xi32>
    %lt3A_1516 = arith.cmpi slt, %sub3A_1510, %lt3A_1515 : vector<16xi32>
    %and3A_1517 = arith.andi %ge3A_1513, %lt3A_1516 : vector<16xi1>
    %add3A_1518 = arith.constant 48 : i32
    %add3A_1519 = vector.broadcast %add3A_1518 : i32 to vector<16xi32>
    %add3A_1520 = arith.addi %iota3A, %add3A_1519 : vector<16xi32>
    tpu.vector_store_idx %arg6[%sub3A_1510, %add3A_1520], %broadcast_in_dim3A_3 masked %and3A_1517 : memref<256x128xf32, #tpu.memory_space<vmem>>[vector<16xi32>, vector<16xi32>], vector<16xf32>, vector<16xi1>
    %get3A_1521 = arith.constant 192 : index
    %get3A_1522 = tpu.vector_load %arg4[%get3A_1521] {strides = array<i32>} : memref<512xi32, #tpu.memory_space<vmem>>, vector<16xi32>,
    %sub3A_1523 = arith.constant 0 : i32
    %sub3A_1524 = vector.broadcast %sub3A_1523 : i32 to vector<16xi32>
    %sub3A_1525 = arith.subi %get3A_1522, %sub3A_1524 : vector<16xi32>
    %ge3A_1526 = arith.constant 0 : i32
    %ge3A_1527 = vector.broadcast %ge3A_1526 : i32 to vector<16xi32>
    %ge3A_1528 = arith.cmpi sge, %sub3A_1525, %ge3A_1527 : vector<16xi32>
    %lt3A_1529 = arith.constant 256 : i32
    %lt3A_1530 = vector.broadcast %lt3A_1529 : i32 to vector<16xi32>
    %lt3A_1531 = arith.cmpi slt, %sub3A_1525, %lt3A_1530 : vector<16xi32>
    %and3A_1532 = arith.andi %ge3A_1528, %lt3A_1531 : vector<16xi1>
    %add3A_1533 = arith.constant 64 : i32
    %add3A_1534 = vector.broadcast %add3A_1533 : i32 to vector<16xi32>
    %add3A_1535 = arith.addi %iota3A, %add3A_1534 : vector<16xi32>
    tpu.vector_store_idx %arg6[%sub3A_1525, %add3A_1535], %broadcast_in_dim3A_3 masked %and3A_1532 : memref<256x128xf32, #tpu.memory_space<vmem>>[vector<16xi32>, vector<16xi32>], vector<16xf32>, vector<16xi1>
    %get3A_1536 = arith.constant 208 : index
    %get3A_1537 = tpu.vector_load %arg4[%get3A_1536] {strides = array<i32>} : memref<512xi32, #tpu.memory_space<vmem>>, vector<16xi32>,
    %sub3A_1538 = arith.constant 0 : i32
    %sub3A_1539 = vector.broadcast %sub3A_1538 : i32 to vector<16xi32>
    %sub3A_1540 = arith.subi %get3A_1537, %sub3A_1539 : vector<16xi32>
    %ge3A_1541 = arith.constant 0 : i32
    %ge3A_1542 = vector.broadcast %ge3A_1541 : i32 to vector<16xi32>
    %ge3A_1543 = arith.cmpi sge, %sub3A_1540, %ge3A_1542 : vector<16xi32>
    %lt3A_1544 = arith.constant 256 : i32
    %lt3A_1545 = vector.broadcast %lt3A_1544 : i32 to vector<16xi32>
    %lt3A_1546 = arith.cmpi slt, %sub3A_1540, %lt3A_1545 : vector<16xi32>
    %and3A_1547 = arith.andi %ge3A_1543, %lt3A_1546 : vector<16xi1>
    %add3A_1548 = arith.constant 80 : i32
    %add3A_1549 = vector.broadcast %add3A_1548 : i32 to vector<16xi32>
    %add3A_1550 = arith.addi %iota3A, %add3A_1549 : vector<16xi32>
    tpu.vector_store_idx %arg6[%sub3A_1540, %add3A_1550], %broadcast_in_dim3A_3 masked %and3A_1547 : memref<256x128xf32, #tpu.memory_space<vmem>>[vector<16xi32>, vector<16xi32>], vector<16xf32>, vector<16xi1>
    %get3A_1551 = arith.constant 224 : index
    %get3A_1552 = tpu.vector_load %arg4[%get3A_1551] {strides = array<i32>} : memref<512xi32, #tpu.memory_space<vmem>>, vector<16xi32>,
    %sub3A_1553 = arith.constant 0 : i32
    %sub3A_1554 = vector.broadcast %sub3A_1553 : i32 to vector<16xi32>
    %sub3A_1555 = arith.subi %get3A_1552, %sub3A_1554 : vector<16xi32>
    %ge3A_1556 = arith.constant 0 : i32
    %ge3A_1557 = vector.broadcast %ge3A_1556 : i32 to vector<16xi32>
    %ge3A_1558 = arith.cmpi sge, %sub3A_1555, %ge3A_1557 : vector<16xi32>
    %lt3A_1559 = arith.constant 256 : i32
    %lt3A_1560 = vector.broadcast %lt3A_1559 : i32 to vector<16xi32>
    %lt3A_1561 = arith.cmpi slt, %sub3A_1555, %lt3A_1560 : vector<16xi32>
    %and3A_1562 = arith.andi %ge3A_1558, %lt3A_1561 : vector<16xi1>
    %add3A_1563 = arith.constant 96 : i32
    %add3A_1564 = vector.broadcast %add3A_1563 : i32 to vector<16xi32>
    %add3A_1565 = arith.addi %iota3A, %add3A_1564 : vector<16xi32>
    tpu.vector_store_idx %arg6[%sub3A_1555, %add3A_1565], %broadcast_in_dim3A_3 masked %and3A_1562 : memref<256x128xf32, #tpu.memory_space<vmem>>[vector<16xi32>, vector<16xi32>], vector<16xf32>, vector<16xi1>
    %get3A_1566 = arith.constant 240 : index
    %get3A_1567 = tpu.vector_load %arg4[%get3A_1566] {strides = array<i32>} : memref<512xi32, #tpu.memory_space<vmem>>, vector<16xi32>,
    %sub3A_1568 = arith.constant 0 : i32
    %sub3A_1569 = vector.broadcast %sub3A_1568 : i32 to vector<16xi32>
    %sub3A_1570 = arith.subi %get3A_1567, %sub3A_1569 : vector<16xi32>
    %ge3A_1571 = arith.constant 0 : i32
    %ge3A_1572 = vector.broadcast %ge3A_1571 : i32 to vector<16xi32>
    %ge3A_1573 = arith.cmpi sge, %sub3A_1570, %ge3A_1572 : vector<16xi32>
    %lt3A_1574 = arith.constant 256 : i32
    %lt3A_1575 = vector.broadcast %lt3A_1574 : i32 to vector<16xi32>
    %lt3A_1576 = arith.cmpi slt, %sub3A_1570, %lt3A_1575 : vector<16xi32>
    %and3A_1577 = arith.andi %ge3A_1573, %lt3A_1576 : vector<16xi1>
    %add3A_1578 = arith.constant 112 : i32
    %add3A_1579 = vector.broadcast %add3A_1578 : i32 to vector<16xi32>
    %add3A_1580 = arith.addi %iota3A, %add3A_1579 : vector<16xi32>
    tpu.vector_store_idx %arg6[%sub3A_1570, %add3A_1580], %broadcast_in_dim3A_3 masked %and3A_1577 : memref<256x128xf32, #tpu.memory_space<vmem>>[vector<16xi32>, vector<16xi32>], vector<16xf32>, vector<16xi1>
    %get3A_1581 = arith.constant 128 : index
    %get3A_1582 = tpu.vector_load %arg4[%get3A_1581] {strides = array<i32>} : memref<512xi32, #tpu.memory_space<vmem>>, vector<16xi32>,
    %sub3A_1583 = arith.constant 768 : i32
    %sub3A_1584 = vector.broadcast %sub3A_1583 : i32 to vector<16xi32>
    %sub3A_1585 = arith.subi %get3A_1582, %sub3A_1584 : vector<16xi32>
    %ge3A_1586 = arith.constant 0 : i32
    %ge3A_1587 = vector.broadcast %ge3A_1586 : i32 to vector<16xi32>
    %ge3A_1588 = arith.cmpi sge, %sub3A_1585, %ge3A_1587 : vector<16xi32>
    %lt3A_1589 = arith.constant 232 : i32
    %lt3A_1590 = vector.broadcast %lt3A_1589 : i32 to vector<16xi32>
    %lt3A_1591 = arith.cmpi slt, %sub3A_1585, %lt3A_1590 : vector<16xi32>
    %and3A_1592 = arith.andi %ge3A_1588, %lt3A_1591 : vector<16xi1>
    %add3A_1593 = arith.constant 0 : i32
    %add3A_1594 = vector.broadcast %add3A_1593 : i32 to vector<16xi32>
    %add3A_1595 = arith.addi %iota3A, %add3A_1594 : vector<16xi32>
    tpu.vector_store_idx %arg6[%sub3A_1585, %add3A_1595], %broadcast_in_dim3A_5 masked %and3A_1592 : memref<256x128xf32, #tpu.memory_space<vmem>>[vector<16xi32>, vector<16xi32>], vector<16xf32>, vector<16xi1>
    %get3A_1596 = arith.constant 144 : index
    %get3A_1597 = tpu.vector_load %arg4[%get3A_1596] {strides = array<i32>} : memref<512xi32, #tpu.memory_space<vmem>>, vector<16xi32>,
    %sub3A_1598 = arith.constant 768 : i32
    %sub3A_1599 = vector.broadcast %sub3A_1598 : i32 to vector<16xi32>
    %sub3A_1600 = arith.subi %get3A_1597, %sub3A_1599 : vector<16xi32>
    %ge3A_1601 = arith.constant 0 : i32
    %ge3A_1602 = vector.broadcast %ge3A_1601 : i32 to vector<16xi32>
    %ge3A_1603 = arith.cmpi sge, %sub3A_1600, %ge3A_1602 : vector<16xi32>
    %lt3A_1604 = arith.constant 232 : i32
    %lt3A_1605 = vector.broadcast %lt3A_1604 : i32 to vector<16xi32>
    %lt3A_1606 = arith.cmpi slt, %sub3A_1600, %lt3A_1605 : vector<16xi32>
    %and3A_1607 = arith.andi %ge3A_1603, %lt3A_1606 : vector<16xi1>
    %add3A_1608 = arith.constant 16 : i32
    %add3A_1609 = vector.broadcast %add3A_1608 : i32 to vector<16xi32>
    %add3A_1610 = arith.addi %iota3A, %add3A_1609 : vector<16xi32>
    tpu.vector_store_idx %arg6[%sub3A_1600, %add3A_1610], %broadcast_in_dim3A_5 masked %and3A_1607 : memref<256x128xf32, #tpu.memory_space<vmem>>[vector<16xi32>, vector<16xi32>], vector<16xf32>, vector<16xi1>
    %get3A_1611 = arith.constant 160 : index
    %get3A_1612 = tpu.vector_load %arg4[%get3A_1611] {strides = array<i32>} : memref<512xi32, #tpu.memory_space<vmem>>, vector<16xi32>,
    %sub3A_1613 = arith.constant 768 : i32
    %sub3A_1614 = vector.broadcast %sub3A_1613 : i32 to vector<16xi32>
    %sub3A_1615 = arith.subi %get3A_1612, %sub3A_1614 : vector<16xi32>
    %ge3A_1616 = arith.constant 0 : i32
    %ge3A_1617 = vector.broadcast %ge3A_1616 : i32 to vector<16xi32>
    %ge3A_1618 = arith.cmpi sge, %sub3A_1615, %ge3A_1617 : vector<16xi32>
    %lt3A_1619 = arith.constant 232 : i32
    %lt3A_1620 = vector.broadcast %lt3A_1619 : i32 to vector<16xi32>
    %lt3A_1621 = arith.cmpi slt, %sub3A_1615, %lt3A_1620 : vector<16xi32>
    %and3A_1622 = arith.andi %ge3A_1618, %lt3A_1621 : vector<16xi1>
    %add3A_1623 = arith.constant 32 : i32
    %add3A_1624 = vector.broadcast %add3A_1623 : i32 to vector<16xi32>
    %add3A_1625 = arith.addi %iota3A, %add3A_1624 : vector<16xi32>
    tpu.vector_store_idx %arg6[%sub3A_1615, %add3A_1625], %broadcast_in_dim3A_5 masked %and3A_1622 : memref<256x128xf32, #tpu.memory_space<vmem>>[vector<16xi32>, vector<16xi32>], vector<16xf32>, vector<16xi1>
    %get3A_1626 = arith.constant 176 : index
    %get3A_1627 = tpu.vector_load %arg4[%get3A_1626] {strides = array<i32>} : memref<512xi32, #tpu.memory_space<vmem>>, vector<16xi32>,
    %sub3A_1628 = arith.constant 768 : i32
    %sub3A_1629 = vector.broadcast %sub3A_1628 : i32 to vector<16xi32>
    %sub3A_1630 = arith.subi %get3A_1627, %sub3A_1629 : vector<16xi32>
    %ge3A_1631 = arith.constant 0 : i32
    %ge3A_1632 = vector.broadcast %ge3A_1631 : i32 to vector<16xi32>
    %ge3A_1633 = arith.cmpi sge, %sub3A_1630, %ge3A_1632 : vector<16xi32>
    %lt3A_1634 = arith.constant 232 : i32
    %lt3A_1635 = vector.broadcast %lt3A_1634 : i32 to vector<16xi32>
    %lt3A_1636 = arith.cmpi slt, %sub3A_1630, %lt3A_1635 : vector<16xi32>
    %and3A_1637 = arith.andi %ge3A_1633, %lt3A_1636 : vector<16xi1>
    %add3A_1638 = arith.constant 48 : i32
    %add3A_1639 = vector.broadcast %add3A_1638 : i32 to vector<16xi32>
    %add3A_1640 = arith.addi %iota3A, %add3A_1639 : vector<16xi32>
    tpu.vector_store_idx %arg6[%sub3A_1630, %add3A_1640], %broadcast_in_dim3A_5 masked %and3A_1637 : memref<256x128xf32, #tpu.memory_space<vmem>>[vector<16xi32>, vector<16xi32>], vector<16xf32>, vector<16xi1>
    %get3A_1641 = arith.constant 192 : index
    %get3A_1642 = tpu.vector_load %arg4[%get3A_1641] {strides = array<i32>} : memref<512xi32, #tpu.memory_space<vmem>>, vector<16xi32>,
    %sub3A_1643 = arith.constant 768 : i32
    %sub3A_1644 = vector.broadcast %sub3A_1643 : i32 to vector<16xi32>
    %sub3A_1645 = arith.subi %get3A_1642, %sub3A_1644 : vector<16xi32>
    %ge3A_1646 = arith.constant 0 : i32
    %ge3A_1647 = vector.broadcast %ge3A_1646 : i32 to vector<16xi32>
    %ge3A_1648 = arith.cmpi sge, %sub3A_1645, %ge3A_1647 : vector<16xi32>
    %lt3A_1649 = arith.constant 232 : i32
    %lt3A_1650 = vector.broadcast %lt3A_1649 : i32 to vector<16xi32>
    %lt3A_1651 = arith.cmpi slt, %sub3A_1645, %lt3A_1650 : vector<16xi32>
    %and3A_1652 = arith.andi %ge3A_1648, %lt3A_1651 : vector<16xi1>
    %add3A_1653 = arith.constant 64 : i32
    %add3A_1654 = vector.broadcast %add3A_1653 : i32 to vector<16xi32>
    %add3A_1655 = arith.addi %iota3A, %add3A_1654 : vector<16xi32>
    tpu.vector_store_idx %arg6[%sub3A_1645, %add3A_1655], %broadcast_in_dim3A_5 masked %and3A_1652 : memref<256x128xf32, #tpu.memory_space<vmem>>[vector<16xi32>, vector<16xi32>], vector<16xf32>, vector<16xi1>
    %get3A_1656 = arith.constant 208 : index
    %get3A_1657 = tpu.vector_load %arg4[%get3A_1656] {strides = array<i32>} : memref<512xi32, #tpu.memory_space<vmem>>, vector<16xi32>,
    %sub3A_1658 = arith.constant 768 : i32
    %sub3A_1659 = vector.broadcast %sub3A_1658 : i32 to vector<16xi32>
    %sub3A_1660 = arith.subi %get3A_1657, %sub3A_1659 : vector<16xi32>
    %ge3A_1661 = arith.constant 0 : i32
    %ge3A_1662 = vector.broadcast %ge3A_1661 : i32 to vector<16xi32>
    %ge3A_1663 = arith.cmpi sge, %sub3A_1660, %ge3A_1662 : vector<16xi32>
    %lt3A_1664 = arith.constant 232 : i32
    %lt3A_1665 = vector.broadcast %lt3A_1664 : i32 to vector<16xi32>
    %lt3A_1666 = arith.cmpi slt, %sub3A_1660, %lt3A_1665 : vector<16xi32>
    %and3A_1667 = arith.andi %ge3A_1663, %lt3A_1666 : vector<16xi1>
    %add3A_1668 = arith.constant 80 : i32
    %add3A_1669 = vector.broadcast %add3A_1668 : i32 to vector<16xi32>
    %add3A_1670 = arith.addi %iota3A, %add3A_1669 : vector<16xi32>
    tpu.vector_store_idx %arg6[%sub3A_1660, %add3A_1670], %broadcast_in_dim3A_5 masked %and3A_1667 : memref<256x128xf32, #tpu.memory_space<vmem>>[vector<16xi32>, vector<16xi32>], vector<16xf32>, vector<16xi1>
    %get3A_1671 = arith.constant 224 : index
    %get3A_1672 = tpu.vector_load %arg4[%get3A_1671] {strides = array<i32>} : memref<512xi32, #tpu.memory_space<vmem>>, vector<16xi32>,
    %sub3A_1673 = arith.constant 768 : i32
    %sub3A_1674 = vector.broadcast %sub3A_1673 : i32 to vector<16xi32>
    %sub3A_1675 = arith.subi %get3A_1672, %sub3A_1674 : vector<16xi32>
    %ge3A_1676 = arith.constant 0 : i32
    %ge3A_1677 = vector.broadcast %ge3A_1676 : i32 to vector<16xi32>
    %ge3A_1678 = arith.cmpi sge, %sub3A_1675, %ge3A_1677 : vector<16xi32>
    %lt3A_1679 = arith.constant 232 : i32
    %lt3A_1680 = vector.broadcast %lt3A_1679 : i32 to vector<16xi32>
    %lt3A_1681 = arith.cmpi slt, %sub3A_1675, %lt3A_1680 : vector<16xi32>
    %and3A_1682 = arith.andi %ge3A_1678, %lt3A_1681 : vector<16xi1>
    %add3A_1683 = arith.constant 96 : i32
    %add3A_1684 = vector.broadcast %add3A_1683 : i32 to vector<16xi32>
    %add3A_1685 = arith.addi %iota3A, %add3A_1684 : vector<16xi32>
    tpu.vector_store_idx %arg6[%sub3A_1675, %add3A_1685], %broadcast_in_dim3A_5 masked %and3A_1682 : memref<256x128xf32, #tpu.memory_space<vmem>>[vector<16xi32>, vector<16xi32>], vector<16xf32>, vector<16xi1>
    %get3A_1686 = arith.constant 240 : index
    %get3A_1687 = tpu.vector_load %arg4[%get3A_1686] {strides = array<i32>} : memref<512xi32, #tpu.memory_space<vmem>>, vector<16xi32>,
    %sub3A_1688 = arith.constant 768 : i32
    %sub3A_1689 = vector.broadcast %sub3A_1688 : i32 to vector<16xi32>
    %sub3A_1690 = arith.subi %get3A_1687, %sub3A_1689 : vector<16xi32>
    %ge3A_1691 = arith.constant 0 : i32
    %ge3A_1692 = vector.broadcast %ge3A_1691 : i32 to vector<16xi32>
    %ge3A_1693 = arith.cmpi sge, %sub3A_1690, %ge3A_1692 : vector<16xi32>
    %lt3A_1694 = arith.constant 232 : i32
    %lt3A_1695 = vector.broadcast %lt3A_1694 : i32 to vector<16xi32>
    %lt3A_1696 = arith.cmpi slt, %sub3A_1690, %lt3A_1695 : vector<16xi32>
    %and3A_1697 = arith.andi %ge3A_1693, %lt3A_1696 : vector<16xi1>
    %add3A_1698 = arith.constant 112 : i32
    %add3A_1699 = vector.broadcast %add3A_1698 : i32 to vector<16xi32>
    %add3A_1700 = arith.addi %iota3A, %add3A_1699 : vector<16xi32>
    tpu.vector_store_idx %arg6[%sub3A_1690, %add3A_1700], %broadcast_in_dim3A_5 masked %and3A_1697 : memref<256x128xf32, #tpu.memory_space<vmem>>[vector<16xi32>, vector<16xi32>], vector<16xf32>, vector<16xi1>
    %add3A_1701 = arith.constant 128 : i32
    %add3A_1702 = arith.addi %mul3A_2, %add3A_1701 : i32
    %dma_start3A_1703 = arith.constant 0 : i32
    %dma_start3A_1704 = arith.constant 0 : i32
    %dma_start3A_1705 = tpu.memref_slice %arg6[%dma_start3A_1703, %dma_start3A_1704] : memref<256x128xf32, #tpu.memory_space<vmem>> -> memref<232x128xf32, #tpu.memory_space<vmem>>
    %dma_start3A_1706 = arith.constant 768 : i32
    %dma_start3A_1707 = tpu.memref_slice %arg3[%dma_start3A_1706, %add3A_1702] : memref<1000x16384xf32, #tpu.memory_space<hbm>> -> memref<232x128xf32, #tpu.memory_space<hbm>>
    %dma_start3A_1708 = arith.constant 768 : i32
    %dma_start3A_1709 = tpu.memref_slice %arg3[%dma_start3A_1708, %add3A_1702] : memref<1000x16384xf32, #tpu.memory_space<hbm>> -> memref<232x128xf32, #tpu.memory_space<hbm>>
    %dma_start3A_1710 = arith.constant 0 : i32
    %dma_start3A_1711 = arith.constant 0 : i32
    %dma_start3A_1712 = tpu.memref_slice %arg6[%dma_start3A_1710, %dma_start3A_1711] : memref<256x128xf32, #tpu.memory_space<vmem>> -> memref<232x128xf32, #tpu.memory_space<vmem>>
    tpu.enqueue_dma source(%dma_start3A_1712 : memref<232x128xf32, #tpu.memory_space<vmem>>) target(%dma_start3A_1709 : memref<232x128xf32, #tpu.memory_space<hbm>>) target_semaphore(%arg9 : memref<!tpu.dma_semaphore, #tpu.memory_space<semaphore_mem>>)
    %dma_wait3A_1713 = arith.constant 0 : i32
    %dma_wait3A_1714 = arith.constant 0 : i32
    %dma_wait3A_1715 = tpu.memref_slice %arg7[%dma_wait3A_1713, %dma_wait3A_1714] : memref<256x128xf32, #tpu.memory_space<vmem>> -> memref<256x128xf32, #tpu.memory_space<vmem>>
    %dma_wait3A_1716 = arith.constant 256 : i32
    %dma_wait3A_1717 = tpu.memref_slice %arg3[%dma_wait3A_1716, %add3A_1178] : memref<1000x16384xf32, #tpu.memory_space<hbm>> -> memref<256x128xf32, #tpu.memory_space<hbm>>
    %dma_wait3A_1718 = arith.constant 256 : i32
    %dma_wait3A_1719 = tpu.memref_slice %arg3[%dma_wait3A_1718, %add3A_1178] : memref<1000x16384xf32, #tpu.memory_space<hbm>> -> memref<256x128xf32, #tpu.memory_space<hbm>>
    %dma_wait3A_1720 = arith.constant 0 : i32
    %dma_wait3A_1721 = arith.constant 0 : i32
    %dma_wait3A_1722 = tpu.memref_slice %arg7[%dma_wait3A_1720, %dma_wait3A_1721] : memref<256x128xf32, #tpu.memory_space<vmem>> -> memref<256x128xf32, #tpu.memory_space<vmem>>
    tpu.wait_dma2 semaphore(%arg10 : memref<!tpu.dma_semaphore, #tpu.memory_space<semaphore_mem>>) src(%dma_wait3A_1722 : memref<256x128xf32, #tpu.memory_space<vmem>>) dst(%dma_wait3A_1719 : memref<256x128xf32, #tpu.memory_space<hbm>>)
    %get3A_1723 = arith.constant 128 : index
    %get3A_1724 = tpu.vector_load %arg4[%get3A_1723] {strides = array<i32>} : memref<512xi32, #tpu.memory_space<vmem>>, vector<16xi32>,
    %sub3A_1725 = arith.constant 256 : i32
    %sub3A_1726 = vector.broadcast %sub3A_1725 : i32 to vector<16xi32>
    %sub3A_1727 = arith.subi %get3A_1724, %sub3A_1726 : vector<16xi32>
    %ge3A_1728 = arith.constant 0 : i32
    %ge3A_1729 = vector.broadcast %ge3A_1728 : i32 to vector<16xi32>
    %ge3A_1730 = arith.cmpi sge, %sub3A_1727, %ge3A_1729 : vector<16xi32>
    %lt3A_1731 = arith.constant 256 : i32
    %lt3A_1732 = vector.broadcast %lt3A_1731 : i32 to vector<16xi32>
    %lt3A_1733 = arith.cmpi slt, %sub3A_1727, %lt3A_1732 : vector<16xi32>
    %and3A_1734 = arith.andi %ge3A_1730, %lt3A_1733 : vector<16xi1>
    %add3A_1735 = arith.constant 0 : i32
    %add3A_1736 = vector.broadcast %add3A_1735 : i32 to vector<16xi32>
    %add3A_1737 = arith.addi %iota3A, %add3A_1736 : vector<16xi32>
    tpu.vector_store_idx %arg7[%sub3A_1727, %add3A_1737], %broadcast_in_dim3A_3 masked %and3A_1734 : memref<256x128xf32, #tpu.memory_space<vmem>>[vector<16xi32>, vector<16xi32>], vector<16xf32>, vector<16xi1>
    %get3A_1738 = arith.constant 144 : index
    %get3A_1739 = tpu.vector_load %arg4[%get3A_1738] {strides = array<i32>} : memref<512xi32, #tpu.memory_space<vmem>>, vector<16xi32>,
    %sub3A_1740 = arith.constant 256 : i32
    %sub3A_1741 = vector.broadcast %sub3A_1740 : i32 to vector<16xi32>
    %sub3A_1742 = arith.subi %get3A_1739, %sub3A_1741 : vector<16xi32>
    %ge3A_1743 = arith.constant 0 : i32
    %ge3A_1744 = vector.broadcast %ge3A_1743 : i32 to vector<16xi32>
    %ge3A_1745 = arith.cmpi sge, %sub3A_1742, %ge3A_1744 : vector<16xi32>
    %lt3A_1746 = arith.constant 256 : i32
    %lt3A_1747 = vector.broadcast %lt3A_1746 : i32 to vector<16xi32>
    %lt3A_1748 = arith.cmpi slt, %sub3A_1742, %lt3A_1747 : vector<16xi32>
    %and3A_1749 = arith.andi %ge3A_1745, %lt3A_1748 : vector<16xi1>
    %add3A_1750 = arith.constant 16 : i32
    %add3A_1751 = vector.broadcast %add3A_1750 : i32 to vector<16xi32>
    %add3A_1752 = arith.addi %iota3A, %add3A_1751 : vector<16xi32>
    tpu.vector_store_idx %arg7[%sub3A_1742, %add3A_1752], %broadcast_in_dim3A_3 masked %and3A_1749 : memref<256x128xf32, #tpu.memory_space<vmem>>[vector<16xi32>, vector<16xi32>], vector<16xf32>, vector<16xi1>
    %get3A_1753 = arith.constant 160 : index
    %get3A_1754 = tpu.vector_load %arg4[%get3A_1753] {strides = array<i32>} : memref<512xi32, #tpu.memory_space<vmem>>, vector<16xi32>,
    %sub3A_1755 = arith.constant 256 : i32
    %sub3A_1756 = vector.broadcast %sub3A_1755 : i32 to vector<16xi32>
    %sub3A_1757 = arith.subi %get3A_1754, %sub3A_1756 : vector<16xi32>
    %ge3A_1758 = arith.constant 0 : i32
    %ge3A_1759 = vector.broadcast %ge3A_1758 : i32 to vector<16xi32>
    %ge3A_1760 = arith.cmpi sge, %sub3A_1757, %ge3A_1759 : vector<16xi32>
    %lt3A_1761 = arith.constant 256 : i32
    %lt3A_1762 = vector.broadcast %lt3A_1761 : i32 to vector<16xi32>
    %lt3A_1763 = arith.cmpi slt, %sub3A_1757, %lt3A_1762 : vector<16xi32>
    %and3A_1764 = arith.andi %ge3A_1760, %lt3A_1763 : vector<16xi1>
    %add3A_1765 = arith.constant 32 : i32
    %add3A_1766 = vector.broadcast %add3A_1765 : i32 to vector<16xi32>
    %add3A_1767 = arith.addi %iota3A, %add3A_1766 : vector<16xi32>
    tpu.vector_store_idx %arg7[%sub3A_1757, %add3A_1767], %broadcast_in_dim3A_3 masked %and3A_1764 : memref<256x128xf32, #tpu.memory_space<vmem>>[vector<16xi32>, vector<16xi32>], vector<16xf32>, vector<16xi1>
    %get3A_1768 = arith.constant 176 : index
    %get3A_1769 = tpu.vector_load %arg4[%get3A_1768] {strides = array<i32>} : memref<512xi32, #tpu.memory_space<vmem>>, vector<16xi32>,
    %sub3A_1770 = arith.constant 256 : i32
    %sub3A_1771 = vector.broadcast %sub3A_1770 : i32 to vector<16xi32>
    %sub3A_1772 = arith.subi %get3A_1769, %sub3A_1771 : vector<16xi32>
    %ge3A_1773 = arith.constant 0 : i32
    %ge3A_1774 = vector.broadcast %ge3A_1773 : i32 to vector<16xi32>
    %ge3A_1775 = arith.cmpi sge, %sub3A_1772, %ge3A_1774 : vector<16xi32>
    %lt3A_1776 = arith.constant 256 : i32
    %lt3A_1777 = vector.broadcast %lt3A_1776 : i32 to vector<16xi32>
    %lt3A_1778 = arith.cmpi slt, %sub3A_1772, %lt3A_1777 : vector<16xi32>
    %and3A_1779 = arith.andi %ge3A_1775, %lt3A_1778 : vector<16xi1>
    %add3A_1780 = arith.constant 48 : i32
    %add3A_1781 = vector.broadcast %add3A_1780 : i32 to vector<16xi32>
    %add3A_1782 = arith.addi %iota3A, %add3A_1781 : vector<16xi32>
    tpu.vector_store_idx %arg7[%sub3A_1772, %add3A_1782], %broadcast_in_dim3A_3 masked %and3A_1779 : memref<256x128xf32, #tpu.memory_space<vmem>>[vector<16xi32>, vector<16xi32>], vector<16xf32>, vector<16xi1>
    %get3A_1783 = arith.constant 192 : index
    %get3A_1784 = tpu.vector_load %arg4[%get3A_1783] {strides = array<i32>} : memref<512xi32, #tpu.memory_space<vmem>>, vector<16xi32>,
    %sub3A_1785 = arith.constant 256 : i32
    %sub3A_1786 = vector.broadcast %sub3A_1785 : i32 to vector<16xi32>
    %sub3A_1787 = arith.subi %get3A_1784, %sub3A_1786 : vector<16xi32>
    %ge3A_1788 = arith.constant 0 : i32
    %ge3A_1789 = vector.broadcast %ge3A_1788 : i32 to vector<16xi32>
    %ge3A_1790 = arith.cmpi sge, %sub3A_1787, %ge3A_1789 : vector<16xi32>
    %lt3A_1791 = arith.constant 256 : i32
    %lt3A_1792 = vector.broadcast %lt3A_1791 : i32 to vector<16xi32>
    %lt3A_1793 = arith.cmpi slt, %sub3A_1787, %lt3A_1792 : vector<16xi32>
    %and3A_1794 = arith.andi %ge3A_1790, %lt3A_1793 : vector<16xi1>
    %add3A_1795 = arith.constant 64 : i32
    %add3A_1796 = vector.broadcast %add3A_1795 : i32 to vector<16xi32>
    %add3A_1797 = arith.addi %iota3A, %add3A_1796 : vector<16xi32>
    tpu.vector_store_idx %arg7[%sub3A_1787, %add3A_1797], %broadcast_in_dim3A_3 masked %and3A_1794 : memref<256x128xf32, #tpu.memory_space<vmem>>[vector<16xi32>, vector<16xi32>], vector<16xf32>, vector<16xi1>
    %get3A_1798 = arith.constant 208 : index
    %get3A_1799 = tpu.vector_load %arg4[%get3A_1798] {strides = array<i32>} : memref<512xi32, #tpu.memory_space<vmem>>, vector<16xi32>,
    %sub3A_1800 = arith.constant 256 : i32
    %sub3A_1801 = vector.broadcast %sub3A_1800 : i32 to vector<16xi32>
    %sub3A_1802 = arith.subi %get3A_1799, %sub3A_1801 : vector<16xi32>
    %ge3A_1803 = arith.constant 0 : i32
    %ge3A_1804 = vector.broadcast %ge3A_1803 : i32 to vector<16xi32>
    %ge3A_1805 = arith.cmpi sge, %sub3A_1802, %ge3A_1804 : vector<16xi32>
    %lt3A_1806 = arith.constant 256 : i32
    %lt3A_1807 = vector.broadcast %lt3A_1806 : i32 to vector<16xi32>
    %lt3A_1808 = arith.cmpi slt, %sub3A_1802, %lt3A_1807 : vector<16xi32>
    %and3A_1809 = arith.andi %ge3A_1805, %lt3A_1808 : vector<16xi1>
    %add3A_1810 = arith.constant 80 : i32
    %add3A_1811 = vector.broadcast %add3A_1810 : i32 to vector<16xi32>
    %add3A_1812 = arith.addi %iota3A, %add3A_1811 : vector<16xi32>
    tpu.vector_store_idx %arg7[%sub3A_1802, %add3A_1812], %broadcast_in_dim3A_3 masked %and3A_1809 : memref<256x128xf32, #tpu.memory_space<vmem>>[vector<16xi32>, vector<16xi32>], vector<16xf32>, vector<16xi1>
    %get3A_1813 = arith.constant 224 : index
    %get3A_1814 = tpu.vector_load %arg4[%get3A_1813] {strides = array<i32>} : memref<512xi32, #tpu.memory_space<vmem>>, vector<16xi32>,
    %sub3A_1815 = arith.constant 256 : i32
    %sub3A_1816 = vector.broadcast %sub3A_1815 : i32 to vector<16xi32>
    %sub3A_1817 = arith.subi %get3A_1814, %sub3A_1816 : vector<16xi32>
    %ge3A_1818 = arith.constant 0 : i32
    %ge3A_1819 = vector.broadcast %ge3A_1818 : i32 to vector<16xi32>
    %ge3A_1820 = arith.cmpi sge, %sub3A_1817, %ge3A_1819 : vector<16xi32>
    %lt3A_1821 = arith.constant 256 : i32
    %lt3A_1822 = vector.broadcast %lt3A_1821 : i32 to vector<16xi32>
    %lt3A_1823 = arith.cmpi slt, %sub3A_1817, %lt3A_1822 : vector<16xi32>
    %and3A_1824 = arith.andi %ge3A_1820, %lt3A_1823 : vector<16xi1>
    %add3A_1825 = arith.constant 96 : i32
    %add3A_1826 = vector.broadcast %add3A_1825 : i32 to vector<16xi32>
    %add3A_1827 = arith.addi %iota3A, %add3A_1826 : vector<16xi32>
    tpu.vector_store_idx %arg7[%sub3A_1817, %add3A_1827], %broadcast_in_dim3A_3 masked %and3A_1824 : memref<256x128xf32, #tpu.memory_space<vmem>>[vector<16xi32>, vector<16xi32>], vector<16xf32>, vector<16xi1>
    %get3A_1828 = arith.constant 240 : index
    %get3A_1829 = tpu.vector_load %arg4[%get3A_1828] {strides = array<i32>} : memref<512xi32, #tpu.memory_space<vmem>>, vector<16xi32>,
    %sub3A_1830 = arith.constant 256 : i32
    %sub3A_1831 = vector.broadcast %sub3A_1830 : i32 to vector<16xi32>
    %sub3A_1832 = arith.subi %get3A_1829, %sub3A_1831 : vector<16xi32>
    %ge3A_1833 = arith.constant 0 : i32
    %ge3A_1834 = vector.broadcast %ge3A_1833 : i32 to vector<16xi32>
    %ge3A_1835 = arith.cmpi sge, %sub3A_1832, %ge3A_1834 : vector<16xi32>
    %lt3A_1836 = arith.constant 256 : i32
    %lt3A_1837 = vector.broadcast %lt3A_1836 : i32 to vector<16xi32>
    %lt3A_1838 = arith.cmpi slt, %sub3A_1832, %lt3A_1837 : vector<16xi32>
    %and3A_1839 = arith.andi %ge3A_1835, %lt3A_1838 : vector<16xi1>
    %add3A_1840 = arith.constant 112 : i32
    %add3A_1841 = vector.broadcast %add3A_1840 : i32 to vector<16xi32>
    %add3A_1842 = arith.addi %iota3A, %add3A_1841 : vector<16xi32>
    tpu.vector_store_idx %arg7[%sub3A_1832, %add3A_1842], %broadcast_in_dim3A_3 masked %and3A_1839 : memref<256x128xf32, #tpu.memory_space<vmem>>[vector<16xi32>, vector<16xi32>], vector<16xf32>, vector<16xi1>
    %get3A_1843 = arith.constant 256 : index
    %get3A_1844 = tpu.vector_load %arg4[%get3A_1843] {strides = array<i32>} : memref<512xi32, #tpu.memory_space<vmem>>, vector<16xi32>,
    %sub3A_1845 = arith.constant 0 : i32
    %sub3A_1846 = vector.broadcast %sub3A_1845 : i32 to vector<16xi32>
    %sub3A_1847 = arith.subi %get3A_1844, %sub3A_1846 : vector<16xi32>
    %ge3A_1848 = arith.constant 0 : i32
    %ge3A_1849 = vector.broadcast %ge3A_1848 : i32 to vector<16xi32>
    %ge3A_1850 = arith.cmpi sge, %sub3A_1847, %ge3A_1849 : vector<16xi32>
    %lt3A_1851 = arith.constant 256 : i32
    %lt3A_1852 = vector.broadcast %lt3A_1851 : i32 to vector<16xi32>
    %lt3A_1853 = arith.cmpi slt, %sub3A_1847, %lt3A_1852 : vector<16xi32>
    %and3A_1854 = arith.andi %ge3A_1850, %lt3A_1853 : vector<16xi1>
    %add3A_1855 = arith.constant 0 : i32
    %add3A_1856 = vector.broadcast %add3A_1855 : i32 to vector<16xi32>
    %add3A_1857 = arith.addi %iota3A, %add3A_1856 : vector<16xi32>
    tpu.vector_store_idx %arg7[%sub3A_1847, %add3A_1857], %broadcast_in_dim3A_5 masked %and3A_1854 : memref<256x128xf32, #tpu.memory_space<vmem>>[vector<16xi32>, vector<16xi32>], vector<16xf32>, vector<16xi1>
    %get3A_1858 = arith.constant 272 : index
    %get3A_1859 = tpu.vector_load %arg4[%get3A_1858] {strides = array<i32>} : memref<512xi32, #tpu.memory_space<vmem>>, vector<16xi32>,
    %sub3A_1860 = arith.constant 0 : i32
    %sub3A_1861 = vector.broadcast %sub3A_1860 : i32 to vector<16xi32>
    %sub3A_1862 = arith.subi %get3A_1859, %sub3A_1861 : vector<16xi32>
    %ge3A_1863 = arith.constant 0 : i32
    %ge3A_1864 = vector.broadcast %ge3A_1863 : i32 to vector<16xi32>
    %ge3A_1865 = arith.cmpi sge, %sub3A_1862, %ge3A_1864 : vector<16xi32>
    %lt3A_1866 = arith.constant 256 : i32
    %lt3A_1867 = vector.broadcast %lt3A_1866 : i32 to vector<16xi32>
    %lt3A_1868 = arith.cmpi slt, %sub3A_1862, %lt3A_1867 : vector<16xi32>
    %and3A_1869 = arith.andi %ge3A_1865, %lt3A_1868 : vector<16xi1>
    %add3A_1870 = arith.constant 16 : i32
    %add3A_1871 = vector.broadcast %add3A_1870 : i32 to vector<16xi32>
    %add3A_1872 = arith.addi %iota3A, %add3A_1871 : vector<16xi32>
    tpu.vector_store_idx %arg7[%sub3A_1862, %add3A_1872], %broadcast_in_dim3A_5 masked %and3A_1869 : memref<256x128xf32, #tpu.memory_space<vmem>>[vector<16xi32>, vector<16xi32>], vector<16xf32>, vector<16xi1>
    %get3A_1873 = arith.constant 288 : index
    %get3A_1874 = tpu.vector_load %arg4[%get3A_1873] {strides = array<i32>} : memref<512xi32, #tpu.memory_space<vmem>>, vector<16xi32>,
    %sub3A_1875 = arith.constant 0 : i32
    %sub3A_1876 = vector.broadcast %sub3A_1875 : i32 to vector<16xi32>
    %sub3A_1877 = arith.subi %get3A_1874, %sub3A_1876 : vector<16xi32>
    %ge3A_1878 = arith.constant 0 : i32
    %ge3A_1879 = vector.broadcast %ge3A_1878 : i32 to vector<16xi32>
    %ge3A_1880 = arith.cmpi sge, %sub3A_1877, %ge3A_1879 : vector<16xi32>
    %lt3A_1881 = arith.constant 256 : i32
    %lt3A_1882 = vector.broadcast %lt3A_1881 : i32 to vector<16xi32>
    %lt3A_1883 = arith.cmpi slt, %sub3A_1877, %lt3A_1882 : vector<16xi32>
    %and3A_1884 = arith.andi %ge3A_1880, %lt3A_1883 : vector<16xi1>
    %add3A_1885 = arith.constant 32 : i32
    %add3A_1886 = vector.broadcast %add3A_1885 : i32 to vector<16xi32>
    %add3A_1887 = arith.addi %iota3A, %add3A_1886 : vector<16xi32>
    tpu.vector_store_idx %arg7[%sub3A_1877, %add3A_1887], %broadcast_in_dim3A_5 masked %and3A_1884 : memref<256x128xf32, #tpu.memory_space<vmem>>[vector<16xi32>, vector<16xi32>], vector<16xf32>, vector<16xi1>
    %get3A_1888 = arith.constant 304 : index
    %get3A_1889 = tpu.vector_load %arg4[%get3A_1888] {strides = array<i32>} : memref<512xi32, #tpu.memory_space<vmem>>, vector<16xi32>,
    %sub3A_1890 = arith.constant 0 : i32
    %sub3A_1891 = vector.broadcast %sub3A_1890 : i32 to vector<16xi32>
    %sub3A_1892 = arith.subi %get3A_1889, %sub3A_1891 : vector<16xi32>
    %ge3A_1893 = arith.constant 0 : i32
    %ge3A_1894 = vector.broadcast %ge3A_1893 : i32 to vector<16xi32>
    %ge3A_1895 = arith.cmpi sge, %sub3A_1892, %ge3A_1894 : vector<16xi32>
    %lt3A_1896 = arith.constant 256 : i32
    %lt3A_1897 = vector.broadcast %lt3A_1896 : i32 to vector<16xi32>
    %lt3A_1898 = arith.cmpi slt, %sub3A_1892, %lt3A_1897 : vector<16xi32>
    %and3A_1899 = arith.andi %ge3A_1895, %lt3A_1898 : vector<16xi1>
    %add3A_1900 = arith.constant 48 : i32
    %add3A_1901 = vector.broadcast %add3A_1900 : i32 to vector<16xi32>
    %add3A_1902 = arith.addi %iota3A, %add3A_1901 : vector<16xi32>
    tpu.vector_store_idx %arg7[%sub3A_1892, %add3A_1902], %broadcast_in_dim3A_5 masked %and3A_1899 : memref<256x128xf32, #tpu.memory_space<vmem>>[vector<16xi32>, vector<16xi32>], vector<16xf32>, vector<16xi1>
    %get3A_1903 = arith.constant 320 : index
    %get3A_1904 = tpu.vector_load %arg4[%get3A_1903] {strides = array<i32>} : memref<512xi32, #tpu.memory_space<vmem>>, vector<16xi32>,
    %sub3A_1905 = arith.constant 0 : i32
    %sub3A_1906 = vector.broadcast %sub3A_1905 : i32 to vector<16xi32>
    %sub3A_1907 = arith.subi %get3A_1904, %sub3A_1906 : vector<16xi32>
    %ge3A_1908 = arith.constant 0 : i32
    %ge3A_1909 = vector.broadcast %ge3A_1908 : i32 to vector<16xi32>
    %ge3A_1910 = arith.cmpi sge, %sub3A_1907, %ge3A_1909 : vector<16xi32>
    %lt3A_1911 = arith.constant 256 : i32
    %lt3A_1912 = vector.broadcast %lt3A_1911 : i32 to vector<16xi32>
    %lt3A_1913 = arith.cmpi slt, %sub3A_1907, %lt3A_1912 : vector<16xi32>
    %and3A_1914 = arith.andi %ge3A_1910, %lt3A_1913 : vector<16xi1>
    %add3A_1915 = arith.constant 64 : i32
    %add3A_1916 = vector.broadcast %add3A_1915 : i32 to vector<16xi32>
    %add3A_1917 = arith.addi %iota3A, %add3A_1916 : vector<16xi32>
    tpu.vector_store_idx %arg7[%sub3A_1907, %add3A_1917], %broadcast_in_dim3A_5 masked %and3A_1914 : memref<256x128xf32, #tpu.memory_space<vmem>>[vector<16xi32>, vector<16xi32>], vector<16xf32>, vector<16xi1>
    %get3A_1918 = arith.constant 336 : index
    %get3A_1919 = tpu.vector_load %arg4[%get3A_1918] {strides = array<i32>} : memref<512xi32, #tpu.memory_space<vmem>>, vector<16xi32>,
    %sub3A_1920 = arith.constant 0 : i32
    %sub3A_1921 = vector.broadcast %sub3A_1920 : i32 to vector<16xi32>
    %sub3A_1922 = arith.subi %get3A_1919, %sub3A_1921 : vector<16xi32>
    %ge3A_1923 = arith.constant 0 : i32
    %ge3A_1924 = vector.broadcast %ge3A_1923 : i32 to vector<16xi32>
    %ge3A_1925 = arith.cmpi sge, %sub3A_1922, %ge3A_1924 : vector<16xi32>
    %lt3A_1926 = arith.constant 256 : i32
    %lt3A_1927 = vector.broadcast %lt3A_1926 : i32 to vector<16xi32>
    %lt3A_1928 = arith.cmpi slt, %sub3A_1922, %lt3A_1927 : vector<16xi32>
    %and3A_1929 = arith.andi %ge3A_1925, %lt3A_1928 : vector<16xi1>
    %add3A_1930 = arith.constant 80 : i32
    %add3A_1931 = vector.broadcast %add3A_1930 : i32 to vector<16xi32>
    %add3A_1932 = arith.addi %iota3A, %add3A_1931 : vector<16xi32>
    tpu.vector_store_idx %arg7[%sub3A_1922, %add3A_1932], %broadcast_in_dim3A_5 masked %and3A_1929 : memref<256x128xf32, #tpu.memory_space<vmem>>[vector<16xi32>, vector<16xi32>], vector<16xf32>, vector<16xi1>
    %get3A_1933 = arith.constant 352 : index
    %get3A_1934 = tpu.vector_load %arg4[%get3A_1933] {strides = array<i32>} : memref<512xi32, #tpu.memory_space<vmem>>, vector<16xi32>,
    %sub3A_1935 = arith.constant 0 : i32
    %sub3A_1936 = vector.broadcast %sub3A_1935 : i32 to vector<16xi32>
    %sub3A_1937 = arith.subi %get3A_1934, %sub3A_1936 : vector<16xi32>
    %ge3A_1938 = arith.constant 0 : i32
    %ge3A_1939 = vector.broadcast %ge3A_1938 : i32 to vector<16xi32>
    %ge3A_1940 = arith.cmpi sge, %sub3A_1937, %ge3A_1939 : vector<16xi32>
    %lt3A_1941 = arith.constant 256 : i32
    %lt3A_1942 = vector.broadcast %lt3A_1941 : i32 to vector<16xi32>
    %lt3A_1943 = arith.cmpi slt, %sub3A_1937, %lt3A_1942 : vector<16xi32>
    %and3A_1944 = arith.andi %ge3A_1940, %lt3A_1943 : vector<16xi1>
    %add3A_1945 = arith.constant 96 : i32
    %add3A_1946 = vector.broadcast %add3A_1945 : i32 to vector<16xi32>
    %add3A_1947 = arith.addi %iota3A, %add3A_1946 : vector<16xi32>
    tpu.vector_store_idx %arg7[%sub3A_1937, %add3A_1947], %broadcast_in_dim3A_5 masked %and3A_1944 : memref<256x128xf32, #tpu.memory_space<vmem>>[vector<16xi32>, vector<16xi32>], vector<16xf32>, vector<16xi1>
    %get3A_1948 = arith.constant 368 : index
    %get3A_1949 = tpu.vector_load %arg4[%get3A_1948] {strides = array<i32>} : memref<512xi32, #tpu.memory_space<vmem>>, vector<16xi32>,
    %sub3A_1950 = arith.constant 0 : i32
    %sub3A_1951 = vector.broadcast %sub3A_1950 : i32 to vector<16xi32>
    %sub3A_1952 = arith.subi %get3A_1949, %sub3A_1951 : vector<16xi32>
    %ge3A_1953 = arith.constant 0 : i32
    %ge3A_1954 = vector.broadcast %ge3A_1953 : i32 to vector<16xi32>
    %ge3A_1955 = arith.cmpi sge, %sub3A_1952, %ge3A_1954 : vector<16xi32>
    %lt3A_1956 = arith.constant 256 : i32
    %lt3A_1957 = vector.broadcast %lt3A_1956 : i32 to vector<16xi32>
    %lt3A_1958 = arith.cmpi slt, %sub3A_1952, %lt3A_1957 : vector<16xi32>
    %and3A_1959 = arith.andi %ge3A_1955, %lt3A_1958 : vector<16xi1>
    %add3A_1960 = arith.constant 112 : i32
    %add3A_1961 = vector.broadcast %add3A_1960 : i32 to vector<16xi32>
    %add3A_1962 = arith.addi %iota3A, %add3A_1961 : vector<16xi32>
    tpu.vector_store_idx %arg7[%sub3A_1952, %add3A_1962], %broadcast_in_dim3A_5 masked %and3A_1959 : memref<256x128xf32, #tpu.memory_space<vmem>>[vector<16xi32>, vector<16xi32>], vector<16xf32>, vector<16xi1>
    %add3A_1963 = arith.constant 256 : i32
    %add3A_1964 = arith.addi %mul3A_2, %add3A_1963 : i32
    %dma_start3A_1965 = arith.constant 0 : i32
    %dma_start3A_1966 = arith.constant 0 : i32
    %dma_start3A_1967 = tpu.memref_slice %arg7[%dma_start3A_1965, %dma_start3A_1966] : memref<256x128xf32, #tpu.memory_space<vmem>> -> memref<256x128xf32, #tpu.memory_space<vmem>>
    %dma_start3A_1968 = arith.constant 0 : i32
    %dma_start3A_1969 = tpu.memref_slice %arg3[%dma_start3A_1968, %add3A_1964] : memref<1000x16384xf32, #tpu.memory_space<hbm>> -> memref<256x128xf32, #tpu.memory_space<hbm>>
    %dma_start3A_1970 = arith.constant 0 : i32
    %dma_start3A_1971 = tpu.memref_slice %arg3[%dma_start3A_1970, %add3A_1964] : memref<1000x16384xf32, #tpu.memory_space<hbm>> -> memref<256x128xf32, #tpu.memory_space<hbm>>
    %dma_start3A_1972 = arith.constant 0 : i32
    %dma_start3A_1973 = arith.constant 0 : i32
    %dma_start3A_1974 = tpu.memref_slice %arg7[%dma_start3A_1972, %dma_start3A_1973] : memref<256x128xf32, #tpu.memory_space<vmem>> -> memref<256x128xf32, #tpu.memory_space<vmem>>
    tpu.enqueue_dma source(%dma_start3A_1974 : memref<256x128xf32, #tpu.memory_space<vmem>>) target(%dma_start3A_1971 : memref<256x128xf32, #tpu.memory_space<hbm>>) target_semaphore(%arg10 : memref<!tpu.dma_semaphore, #tpu.memory_space<semaphore_mem>>)
    %dma_wait3A_1975 = arith.constant 0 : i32
    %dma_wait3A_1976 = arith.constant 0 : i32
    %dma_wait3A_1977 = tpu.memref_slice %arg5[%dma_wait3A_1975, %dma_wait3A_1976] : memref<256x128xf32, #tpu.memory_space<vmem>> -> memref<256x128xf32, #tpu.memory_space<vmem>>
    %dma_wait3A_1978 = arith.constant 512 : i32
    %dma_wait3A_1979 = tpu.memref_slice %arg3[%dma_wait3A_1978, %add3A_1440] : memref<1000x16384xf32, #tpu.memory_space<hbm>> -> memref<256x128xf32, #tpu.memory_space<hbm>>
    %dma_wait3A_1980 = arith.constant 512 : i32
    %dma_wait3A_1981 = tpu.memref_slice %arg3[%dma_wait3A_1980, %add3A_1440] : memref<1000x16384xf32, #tpu.memory_space<hbm>> -> memref<256x128xf32, #tpu.memory_space<hbm>>
    %dma_wait3A_1982 = arith.constant 0 : i32
    %dma_wait3A_1983 = arith.constant 0 : i32
    %dma_wait3A_1984 = tpu.memref_slice %arg5[%dma_wait3A_1982, %dma_wait3A_1983] : memref<256x128xf32, #tpu.memory_space<vmem>> -> memref<256x128xf32, #tpu.memory_space<vmem>>
    tpu.wait_dma2 semaphore(%arg8 : memref<!tpu.dma_semaphore, #tpu.memory_space<semaphore_mem>>) src(%dma_wait3A_1984 : memref<256x128xf32, #tpu.memory_space<vmem>>) dst(%dma_wait3A_1981 : memref<256x128xf32, #tpu.memory_space<hbm>>)
    %get3A_1985 = arith.constant 128 : index
    %get3A_1986 = tpu.vector_load %arg4[%get3A_1985] {strides = array<i32>} : memref<512xi32, #tpu.memory_space<vmem>>, vector<16xi32>,
    %sub3A_1987 = arith.constant 512 : i32
    %sub3A_1988 = vector.broadcast %sub3A_1987 : i32 to vector<16xi32>
    %sub3A_1989 = arith.subi %get3A_1986, %sub3A_1988 : vector<16xi32>
    %ge3A_1990 = arith.constant 0 : i32
    %ge3A_1991 = vector.broadcast %ge3A_1990 : i32 to vector<16xi32>
    %ge3A_1992 = arith.cmpi sge, %sub3A_1989, %ge3A_1991 : vector<16xi32>
    %lt3A_1993 = arith.constant 256 : i32
    %lt3A_1994 = vector.broadcast %lt3A_1993 : i32 to vector<16xi32>
    %lt3A_1995 = arith.cmpi slt, %sub3A_1989, %lt3A_1994 : vector<16xi32>
    %and3A_1996 = arith.andi %ge3A_1992, %lt3A_1995 : vector<16xi1>
    %add3A_1997 = arith.constant 0 : i32
    %add3A_1998 = vector.broadcast %add3A_1997 : i32 to vector<16xi32>
    %add3A_1999 = arith.addi %iota3A, %add3A_1998 : vector<16xi32>
    tpu.vector_store_idx %arg5[%sub3A_1989, %add3A_1999], %broadcast_in_dim3A_3 masked %and3A_1996 : memref<256x128xf32, #tpu.memory_space<vmem>>[vector<16xi32>, vector<16xi32>], vector<16xf32>, vector<16xi1>
    %get3A_2000 = arith.constant 144 : index
    %get3A_2001 = tpu.vector_load %arg4[%get3A_2000] {strides = array<i32>} : memref<512xi32, #tpu.memory_space<vmem>>, vector<16xi32>,
    %sub3A_2002 = arith.constant 512 : i32
    %sub3A_2003 = vector.broadcast %sub3A_2002 : i32 to vector<16xi32>
    %sub3A_2004 = arith.subi %get3A_2001, %sub3A_2003 : vector<16xi32>
    %ge3A_2005 = arith.constant 0 : i32
    %ge3A_2006 = vector.broadcast %ge3A_2005 : i32 to vector<16xi32>
    %ge3A_2007 = arith.cmpi sge, %sub3A_2004, %ge3A_2006 : vector<16xi32>
    %lt3A_2008 = arith.constant 256 : i32
    %lt3A_2009 = vector.broadcast %lt3A_2008 : i32 to vector<16xi32>
    %lt3A_2010 = arith.cmpi slt, %sub3A_2004, %lt3A_2009 : vector<16xi32>
    %and3A_2011 = arith.andi %ge3A_2007, %lt3A_2010 : vector<16xi1>
    %add3A_2012 = arith.constant 16 : i32
    %add3A_2013 = vector.broadcast %add3A_2012 : i32 to vector<16xi32>
    %add3A_2014 = arith.addi %iota3A, %add3A_2013 : vector<16xi32>
    tpu.vector_store_idx %arg5[%sub3A_2004, %add3A_2014], %broadcast_in_dim3A_3 masked %and3A_2011 : memref<256x128xf32, #tpu.memory_space<vmem>>[vector<16xi32>, vector<16xi32>], vector<16xf32>, vector<16xi1>
    %get3A_2015 = arith.constant 160 : index
    %get3A_2016 = tpu.vector_load %arg4[%get3A_2015] {strides = array<i32>} : memref<512xi32, #tpu.memory_space<vmem>>, vector<16xi32>,
    %sub3A_2017 = arith.constant 512 : i32
    %sub3A_2018 = vector.broadcast %sub3A_2017 : i32 to vector<16xi32>
    %sub3A_2019 = arith.subi %get3A_2016, %sub3A_2018 : vector<16xi32>
    %ge3A_2020 = arith.constant 0 : i32
    %ge3A_2021 = vector.broadcast %ge3A_2020 : i32 to vector<16xi32>
    %ge3A_2022 = arith.cmpi sge, %sub3A_2019, %ge3A_2021 : vector<16xi32>
    %lt3A_2023 = arith.constant 256 : i32
    %lt3A_2024 = vector.broadcast %lt3A_2023 : i32 to vector<16xi32>
    %lt3A_2025 = arith.cmpi slt, %sub3A_2019, %lt3A_2024 : vector<16xi32>
    %and3A_2026 = arith.andi %ge3A_2022, %lt3A_2025 : vector<16xi1>
    %add3A_2027 = arith.constant 32 : i32
    %add3A_2028 = vector.broadcast %add3A_2027 : i32 to vector<16xi32>
    %add3A_2029 = arith.addi %iota3A, %add3A_2028 : vector<16xi32>
    tpu.vector_store_idx %arg5[%sub3A_2019, %add3A_2029], %broadcast_in_dim3A_3 masked %and3A_2026 : memref<256x128xf32, #tpu.memory_space<vmem>>[vector<16xi32>, vector<16xi32>], vector<16xf32>, vector<16xi1>
    %get3A_2030 = arith.constant 176 : index
    %get3A_2031 = tpu.vector_load %arg4[%get3A_2030] {strides = array<i32>} : memref<512xi32, #tpu.memory_space<vmem>>, vector<16xi32>,
    %sub3A_2032 = arith.constant 512 : i32
    %sub3A_2033 = vector.broadcast %sub3A_2032 : i32 to vector<16xi32>
    %sub3A_2034 = arith.subi %get3A_2031, %sub3A_2033 : vector<16xi32>
    %ge3A_2035 = arith.constant 0 : i32
    %ge3A_2036 = vector.broadcast %ge3A_2035 : i32 to vector<16xi32>
    %ge3A_2037 = arith.cmpi sge, %sub3A_2034, %ge3A_2036 : vector<16xi32>
    %lt3A_2038 = arith.constant 256 : i32
    %lt3A_2039 = vector.broadcast %lt3A_2038 : i32 to vector<16xi32>
    %lt3A_2040 = arith.cmpi slt, %sub3A_2034, %lt3A_2039 : vector<16xi32>
    %and3A_2041 = arith.andi %ge3A_2037, %lt3A_2040 : vector<16xi1>
    %add3A_2042 = arith.constant 48 : i32
    %add3A_2043 = vector.broadcast %add3A_2042 : i32 to vector<16xi32>
    %add3A_2044 = arith.addi %iota3A, %add3A_2043 : vector<16xi32>
    tpu.vector_store_idx %arg5[%sub3A_2034, %add3A_2044], %broadcast_in_dim3A_3 masked %and3A_2041 : memref<256x128xf32, #tpu.memory_space<vmem>>[vector<16xi32>, vector<16xi32>], vector<16xf32>, vector<16xi1>
    %get3A_2045 = arith.constant 192 : index
    %get3A_2046 = tpu.vector_load %arg4[%get3A_2045] {strides = array<i32>} : memref<512xi32, #tpu.memory_space<vmem>>, vector<16xi32>,
    %sub3A_2047 = arith.constant 512 : i32
    %sub3A_2048 = vector.broadcast %sub3A_2047 : i32 to vector<16xi32>
    %sub3A_2049 = arith.subi %get3A_2046, %sub3A_2048 : vector<16xi32>
    %ge3A_2050 = arith.constant 0 : i32
    %ge3A_2051 = vector.broadcast %ge3A_2050 : i32 to vector<16xi32>
    %ge3A_2052 = arith.cmpi sge, %sub3A_2049, %ge3A_2051 : vector<16xi32>
    %lt3A_2053 = arith.constant 256 : i32
    %lt3A_2054 = vector.broadcast %lt3A_2053 : i32 to vector<16xi32>
    %lt3A_2055 = arith.cmpi slt, %sub3A_2049, %lt3A_2054 : vector<16xi32>
    %and3A_2056 = arith.andi %ge3A_2052, %lt3A_2055 : vector<16xi1>
    %add3A_2057 = arith.constant 64 : i32
    %add3A_2058 = vector.broadcast %add3A_2057 : i32 to vector<16xi32>
    %add3A_2059 = arith.addi %iota3A, %add3A_2058 : vector<16xi32>
    tpu.vector_store_idx %arg5[%sub3A_2049, %add3A_2059], %broadcast_in_dim3A_3 masked %and3A_2056 : memref<256x128xf32, #tpu.memory_space<vmem>>[vector<16xi32>, vector<16xi32>], vector<16xf32>, vector<16xi1>
    %get3A_2060 = arith.constant 208 : index
    %get3A_2061 = tpu.vector_load %arg4[%get3A_2060] {strides = array<i32>} : memref<512xi32, #tpu.memory_space<vmem>>, vector<16xi32>,
    %sub3A_2062 = arith.constant 512 : i32
    %sub3A_2063 = vector.broadcast %sub3A_2062 : i32 to vector<16xi32>
    %sub3A_2064 = arith.subi %get3A_2061, %sub3A_2063 : vector<16xi32>
    %ge3A_2065 = arith.constant 0 : i32
    %ge3A_2066 = vector.broadcast %ge3A_2065 : i32 to vector<16xi32>
    %ge3A_2067 = arith.cmpi sge, %sub3A_2064, %ge3A_2066 : vector<16xi32>
    %lt3A_2068 = arith.constant 256 : i32
    %lt3A_2069 = vector.broadcast %lt3A_2068 : i32 to vector<16xi32>
    %lt3A_2070 = arith.cmpi slt, %sub3A_2064, %lt3A_2069 : vector<16xi32>
    %and3A_2071 = arith.andi %ge3A_2067, %lt3A_2070 : vector<16xi1>
    %add3A_2072 = arith.constant 80 : i32
    %add3A_2073 = vector.broadcast %add3A_2072 : i32 to vector<16xi32>
    %add3A_2074 = arith.addi %iota3A, %add3A_2073 : vector<16xi32>
    tpu.vector_store_idx %arg5[%sub3A_2064, %add3A_2074], %broadcast_in_dim3A_3 masked %and3A_2071 : memref<256x128xf32, #tpu.memory_space<vmem>>[vector<16xi32>, vector<16xi32>], vector<16xf32>, vector<16xi1>
    %get3A_2075 = arith.constant 224 : index
    %get3A_2076 = tpu.vector_load %arg4[%get3A_2075] {strides = array<i32>} : memref<512xi32, #tpu.memory_space<vmem>>, vector<16xi32>,
    %sub3A_2077 = arith.constant 512 : i32
    %sub3A_2078 = vector.broadcast %sub3A_2077 : i32 to vector<16xi32>
    %sub3A_2079 = arith.subi %get3A_2076, %sub3A_2078 : vector<16xi32>
    %ge3A_2080 = arith.constant 0 : i32
    %ge3A_2081 = vector.broadcast %ge3A_2080 : i32 to vector<16xi32>
    %ge3A_2082 = arith.cmpi sge, %sub3A_2079, %ge3A_2081 : vector<16xi32>
    %lt3A_2083 = arith.constant 256 : i32
    %lt3A_2084 = vector.broadcast %lt3A_2083 : i32 to vector<16xi32>
    %lt3A_2085 = arith.cmpi slt, %sub3A_2079, %lt3A_2084 : vector<16xi32>
    %and3A_2086 = arith.andi %ge3A_2082, %lt3A_2085 : vector<16xi1>
    %add3A_2087 = arith.constant 96 : i32
    %add3A_2088 = vector.broadcast %add3A_2087 : i32 to vector<16xi32>
    %add3A_2089 = arith.addi %iota3A, %add3A_2088 : vector<16xi32>
    tpu.vector_store_idx %arg5[%sub3A_2079, %add3A_2089], %broadcast_in_dim3A_3 masked %and3A_2086 : memref<256x128xf32, #tpu.memory_space<vmem>>[vector<16xi32>, vector<16xi32>], vector<16xf32>, vector<16xi1>
    %get3A_2090 = arith.constant 240 : index
    %get3A_2091 = tpu.vector_load %arg4[%get3A_2090] {strides = array<i32>} : memref<512xi32, #tpu.memory_space<vmem>>, vector<16xi32>,
    %sub3A_2092 = arith.constant 512 : i32
    %sub3A_2093 = vector.broadcast %sub3A_2092 : i32 to vector<16xi32>
    %sub3A_2094 = arith.subi %get3A_2091, %sub3A_2093 : vector<16xi32>
    %ge3A_2095 = arith.constant 0 : i32
    %ge3A_2096 = vector.broadcast %ge3A_2095 : i32 to vector<16xi32>
    %ge3A_2097 = arith.cmpi sge, %sub3A_2094, %ge3A_2096 : vector<16xi32>
    %lt3A_2098 = arith.constant 256 : i32
    %lt3A_2099 = vector.broadcast %lt3A_2098 : i32 to vector<16xi32>
    %lt3A_2100 = arith.cmpi slt, %sub3A_2094, %lt3A_2099 : vector<16xi32>
    %and3A_2101 = arith.andi %ge3A_2097, %lt3A_2100 : vector<16xi1>
    %add3A_2102 = arith.constant 112 : i32
    %add3A_2103 = vector.broadcast %add3A_2102 : i32 to vector<16xi32>
    %add3A_2104 = arith.addi %iota3A, %add3A_2103 : vector<16xi32>
    tpu.vector_store_idx %arg5[%sub3A_2094, %add3A_2104], %broadcast_in_dim3A_3 masked %and3A_2101 : memref<256x128xf32, #tpu.memory_space<vmem>>[vector<16xi32>, vector<16xi32>], vector<16xf32>, vector<16xi1>
    %get3A_2105 = arith.constant 256 : index
    %get3A_2106 = tpu.vector_load %arg4[%get3A_2105] {strides = array<i32>} : memref<512xi32, #tpu.memory_space<vmem>>, vector<16xi32>,
    %sub3A_2107 = arith.constant 256 : i32
    %sub3A_2108 = vector.broadcast %sub3A_2107 : i32 to vector<16xi32>
    %sub3A_2109 = arith.subi %get3A_2106, %sub3A_2108 : vector<16xi32>
    %ge3A_2110 = arith.constant 0 : i32
    %ge3A_2111 = vector.broadcast %ge3A_2110 : i32 to vector<16xi32>
    %ge3A_2112 = arith.cmpi sge, %sub3A_2109, %ge3A_2111 : vector<16xi32>
    %lt3A_2113 = arith.constant 256 : i32
    %lt3A_2114 = vector.broadcast %lt3A_2113 : i32 to vector<16xi32>
    %lt3A_2115 = arith.cmpi slt, %sub3A_2109, %lt3A_2114 : vector<16xi32>
    %and3A_2116 = arith.andi %ge3A_2112, %lt3A_2115 : vector<16xi1>
    %add3A_2117 = arith.constant 0 : i32
    %add3A_2118 = vector.broadcast %add3A_2117 : i32 to vector<16xi32>
    %add3A_2119 = arith.addi %iota3A, %add3A_2118 : vector<16xi32>
    tpu.vector_store_idx %arg5[%sub3A_2109, %add3A_2119], %broadcast_in_dim3A_5 masked %and3A_2116 : memref<256x128xf32, #tpu.memory_space<vmem>>[vector<16xi32>, vector<16xi32>], vector<16xf32>, vector<16xi1>
    %get3A_2120 = arith.constant 272 : index
    %get3A_2121 = tpu.vector_load %arg4[%get3A_2120] {strides = array<i32>} : memref<512xi32, #tpu.memory_space<vmem>>, vector<16xi32>,
    %sub3A_2122 = arith.constant 256 : i32
    %sub3A_2123 = vector.broadcast %sub3A_2122 : i32 to vector<16xi32>
    %sub3A_2124 = arith.subi %get3A_2121, %sub3A_2123 : vector<16xi32>
    %ge3A_2125 = arith.constant 0 : i32
    %ge3A_2126 = vector.broadcast %ge3A_2125 : i32 to vector<16xi32>
    %ge3A_2127 = arith.cmpi sge, %sub3A_2124, %ge3A_2126 : vector<16xi32>
    %lt3A_2128 = arith.constant 256 : i32
    %lt3A_2129 = vector.broadcast %lt3A_2128 : i32 to vector<16xi32>
    %lt3A_2130 = arith.cmpi slt, %sub3A_2124, %lt3A_2129 : vector<16xi32>
    %and3A_2131 = arith.andi %ge3A_2127, %lt3A_2130 : vector<16xi1>
    %add3A_2132 = arith.constant 16 : i32
    %add3A_2133 = vector.broadcast %add3A_2132 : i32 to vector<16xi32>
    %add3A_2134 = arith.addi %iota3A, %add3A_2133 : vector<16xi32>
    tpu.vector_store_idx %arg5[%sub3A_2124, %add3A_2134], %broadcast_in_dim3A_5 masked %and3A_2131 : memref<256x128xf32, #tpu.memory_space<vmem>>[vector<16xi32>, vector<16xi32>], vector<16xf32>, vector<16xi1>
    %get3A_2135 = arith.constant 288 : index
    %get3A_2136 = tpu.vector_load %arg4[%get3A_2135] {strides = array<i32>} : memref<512xi32, #tpu.memory_space<vmem>>, vector<16xi32>,
    %sub3A_2137 = arith.constant 256 : i32
    %sub3A_2138 = vector.broadcast %sub3A_2137 : i32 to vector<16xi32>
    %sub3A_2139 = arith.subi %get3A_2136, %sub3A_2138 : vector<16xi32>
    %ge3A_2140 = arith.constant 0 : i32
    %ge3A_2141 = vector.broadcast %ge3A_2140 : i32 to vector<16xi32>
    %ge3A_2142 = arith.cmpi sge, %sub3A_2139, %ge3A_2141 : vector<16xi32>
    %lt3A_2143 = arith.constant 256 : i32
    %lt3A_2144 = vector.broadcast %lt3A_2143 : i32 to vector<16xi32>
    %lt3A_2145 = arith.cmpi slt, %sub3A_2139, %lt3A_2144 : vector<16xi32>
    %and3A_2146 = arith.andi %ge3A_2142, %lt3A_2145 : vector<16xi1>
    %add3A_2147 = arith.constant 32 : i32
    %add3A_2148 = vector.broadcast %add3A_2147 : i32 to vector<16xi32>
    %add3A_2149 = arith.addi %iota3A, %add3A_2148 : vector<16xi32>
    tpu.vector_store_idx %arg5[%sub3A_2139, %add3A_2149], %broadcast_in_dim3A_5 masked %and3A_2146 : memref<256x128xf32, #tpu.memory_space<vmem>>[vector<16xi32>, vector<16xi32>], vector<16xf32>, vector<16xi1>
    %get3A_2150 = arith.constant 304 : index
    %get3A_2151 = tpu.vector_load %arg4[%get3A_2150] {strides = array<i32>} : memref<512xi32, #tpu.memory_space<vmem>>, vector<16xi32>,
    %sub3A_2152 = arith.constant 256 : i32
    %sub3A_2153 = vector.broadcast %sub3A_2152 : i32 to vector<16xi32>
    %sub3A_2154 = arith.subi %get3A_2151, %sub3A_2153 : vector<16xi32>
    %ge3A_2155 = arith.constant 0 : i32
    %ge3A_2156 = vector.broadcast %ge3A_2155 : i32 to vector<16xi32>
    %ge3A_2157 = arith.cmpi sge, %sub3A_2154, %ge3A_2156 : vector<16xi32>
    %lt3A_2158 = arith.constant 256 : i32
    %lt3A_2159 = vector.broadcast %lt3A_2158 : i32 to vector<16xi32>
    %lt3A_2160 = arith.cmpi slt, %sub3A_2154, %lt3A_2159 : vector<16xi32>
    %and3A_2161 = arith.andi %ge3A_2157, %lt3A_2160 : vector<16xi1>
    %add3A_2162 = arith.constant 48 : i32
    %add3A_2163 = vector.broadcast %add3A_2162 : i32 to vector<16xi32>
    %add3A_2164 = arith.addi %iota3A, %add3A_2163 : vector<16xi32>
    tpu.vector_store_idx %arg5[%sub3A_2154, %add3A_2164], %broadcast_in_dim3A_5 masked %and3A_2161 : memref<256x128xf32, #tpu.memory_space<vmem>>[vector<16xi32>, vector<16xi32>], vector<16xf32>, vector<16xi1>
    %get3A_2165 = arith.constant 320 : index
    %get3A_2166 = tpu.vector_load %arg4[%get3A_2165] {strides = array<i32>} : memref<512xi32, #tpu.memory_space<vmem>>, vector<16xi32>,
    %sub3A_2167 = arith.constant 256 : i32
    %sub3A_2168 = vector.broadcast %sub3A_2167 : i32 to vector<16xi32>
    %sub3A_2169 = arith.subi %get3A_2166, %sub3A_2168 : vector<16xi32>
    %ge3A_2170 = arith.constant 0 : i32
    %ge3A_2171 = vector.broadcast %ge3A_2170 : i32 to vector<16xi32>
    %ge3A_2172 = arith.cmpi sge, %sub3A_2169, %ge3A_2171 : vector<16xi32>
    %lt3A_2173 = arith.constant 256 : i32
    %lt3A_2174 = vector.broadcast %lt3A_2173 : i32 to vector<16xi32>
    %lt3A_2175 = arith.cmpi slt, %sub3A_2169, %lt3A_2174 : vector<16xi32>
    %and3A_2176 = arith.andi %ge3A_2172, %lt3A_2175 : vector<16xi1>
    %add3A_2177 = arith.constant 64 : i32
    %add3A_2178 = vector.broadcast %add3A_2177 : i32 to vector<16xi32>
    %add3A_2179 = arith.addi %iota3A, %add3A_2178 : vector<16xi32>
    tpu.vector_store_idx %arg5[%sub3A_2169, %add3A_2179], %broadcast_in_dim3A_5 masked %and3A_2176 : memref<256x128xf32, #tpu.memory_space<vmem>>[vector<16xi32>, vector<16xi32>], vector<16xf32>, vector<16xi1>
    %get3A_2180 = arith.constant 336 : index
    %get3A_2181 = tpu.vector_load %arg4[%get3A_2180] {strides = array<i32>} : memref<512xi32, #tpu.memory_space<vmem>>, vector<16xi32>,
    %sub3A_2182 = arith.constant 256 : i32
    %sub3A_2183 = vector.broadcast %sub3A_2182 : i32 to vector<16xi32>
    %sub3A_2184 = arith.subi %get3A_2181, %sub3A_2183 : vector<16xi32>
    %ge3A_2185 = arith.constant 0 : i32
    %ge3A_2186 = vector.broadcast %ge3A_2185 : i32 to vector<16xi32>
    %ge3A_2187 = arith.cmpi sge, %sub3A_2184, %ge3A_2186 : vector<16xi32>
    %lt3A_2188 = arith.constant 256 : i32
    %lt3A_2189 = vector.broadcast %lt3A_2188 : i32 to vector<16xi32>
    %lt3A_2190 = arith.cmpi slt, %sub3A_2184, %lt3A_2189 : vector<16xi32>
    %and3A_2191 = arith.andi %ge3A_2187, %lt3A_2190 : vector<16xi1>
    %add3A_2192 = arith.constant 80 : i32
    %add3A_2193 = vector.broadcast %add3A_2192 : i32 to vector<16xi32>
    %add3A_2194 = arith.addi %iota3A, %add3A_2193 : vector<16xi32>
    tpu.vector_store_idx %arg5[%sub3A_2184, %add3A_2194], %broadcast_in_dim3A_5 masked %and3A_2191 : memref<256x128xf32, #tpu.memory_space<vmem>>[vector<16xi32>, vector<16xi32>], vector<16xf32>, vector<16xi1>
    %get3A_2195 = arith.constant 352 : index
    %get3A_2196 = tpu.vector_load %arg4[%get3A_2195] {strides = array<i32>} : memref<512xi32, #tpu.memory_space<vmem>>, vector<16xi32>,
    %sub3A_2197 = arith.constant 256 : i32
    %sub3A_2198 = vector.broadcast %sub3A_2197 : i32 to vector<16xi32>
    %sub3A_2199 = arith.subi %get3A_2196, %sub3A_2198 : vector<16xi32>
    %ge3A_2200 = arith.constant 0 : i32
    %ge3A_2201 = vector.broadcast %ge3A_2200 : i32 to vector<16xi32>
    %ge3A_2202 = arith.cmpi sge, %sub3A_2199, %ge3A_2201 : vector<16xi32>
    %lt3A_2203 = arith.constant 256 : i32
    %lt3A_2204 = vector.broadcast %lt3A_2203 : i32 to vector<16xi32>
    %lt3A_2205 = arith.cmpi slt, %sub3A_2199, %lt3A_2204 : vector<16xi32>
    %and3A_2206 = arith.andi %ge3A_2202, %lt3A_2205 : vector<16xi1>
    %add3A_2207 = arith.constant 96 : i32
    %add3A_2208 = vector.broadcast %add3A_2207 : i32 to vector<16xi32>
    %add3A_2209 = arith.addi %iota3A, %add3A_2208 : vector<16xi32>
    tpu.vector_store_idx %arg5[%sub3A_2199, %add3A_2209], %broadcast_in_dim3A_5 masked %and3A_2206 : memref<256x128xf32, #tpu.memory_space<vmem>>[vector<16xi32>, vector<16xi32>], vector<16xf32>, vector<16xi1>
    %get3A_2210 = arith.constant 368 : index
    %get3A_2211 = tpu.vector_load %arg4[%get3A_2210] {strides = array<i32>} : memref<512xi32, #tpu.memory_space<vmem>>, vector<16xi32>,
    %sub3A_2212 = arith.constant 256 : i32
    %sub3A_2213 = vector.broadcast %sub3A_2212 : i32 to vector<16xi32>
    %sub3A_2214 = arith.subi %get3A_2211, %sub3A_2213 : vector<16xi32>
    %ge3A_2215 = arith.constant 0 : i32
    %ge3A_2216 = vector.broadcast %ge3A_2215 : i32 to vector<16xi32>
    %ge3A_2217 = arith.cmpi sge, %sub3A_2214, %ge3A_2216 : vector<16xi32>
    %lt3A_2218 = arith.constant 256 : i32
    %lt3A_2219 = vector.broadcast %lt3A_2218 : i32 to vector<16xi32>
    %lt3A_2220 = arith.cmpi slt, %sub3A_2214, %lt3A_2219 : vector<16xi32>
    %and3A_2221 = arith.andi %ge3A_2217, %lt3A_2220 : vector<16xi1>
    %add3A_2222 = arith.constant 112 : i32
    %add3A_2223 = vector.broadcast %add3A_2222 : i32 to vector<16xi32>
    %add3A_2224 = arith.addi %iota3A, %add3A_2223 : vector<16xi32>
    tpu.vector_store_idx %arg5[%sub3A_2214, %add3A_2224], %broadcast_in_dim3A_5 masked %and3A_2221 : memref<256x128xf32, #tpu.memory_space<vmem>>[vector<16xi32>, vector<16xi32>], vector<16xf32>, vector<16xi1>
    %add3A_2225 = arith.constant 256 : i32
    %add3A_2226 = arith.addi %mul3A_2, %add3A_2225 : i32
    %dma_start3A_2227 = arith.constant 0 : i32
    %dma_start3A_2228 = arith.constant 0 : i32
    %dma_start3A_2229 = tpu.memref_slice %arg5[%dma_start3A_2227, %dma_start3A_2228] : memref<256x128xf32, #tpu.memory_space<vmem>> -> memref<256x128xf32, #tpu.memory_space<vmem>>
    %dma_start3A_2230 = arith.constant 256 : i32
    %dma_start3A_2231 = tpu.memref_slice %arg3[%dma_start3A_2230, %add3A_2226] : memref<1000x16384xf32, #tpu.memory_space<hbm>> -> memref<256x128xf32, #tpu.memory_space<hbm>>
    %dma_start3A_2232 = arith.constant 256 : i32
    %dma_start3A_2233 = tpu.memref_slice %arg3[%dma_start3A_2232, %add3A_2226] : memref<1000x16384xf32, #tpu.memory_space<hbm>> -> memref<256x128xf32, #tpu.memory_space<hbm>>
    %dma_start3A_2234 = arith.constant 0 : i32
    %dma_start3A_2235 = arith.constant 0 : i32
    %dma_start3A_2236 = tpu.memref_slice %arg5[%dma_start3A_2234, %dma_start3A_2235] : memref<256x128xf32, #tpu.memory_space<vmem>> -> memref<256x128xf32, #tpu.memory_space<vmem>>
    tpu.enqueue_dma source(%dma_start3A_2236 : memref<256x128xf32, #tpu.memory_space<vmem>>) target(%dma_start3A_2233 : memref<256x128xf32, #tpu.memory_space<hbm>>) target_semaphore(%arg8 : memref<!tpu.dma_semaphore, #tpu.memory_space<semaphore_mem>>)
    %dma_wait3A_2237 = arith.constant 0 : i32
    %dma_wait3A_2238 = arith.constant 0 : i32
    %dma_wait3A_2239 = tpu.memref_slice %arg6[%dma_wait3A_2237, %dma_wait3A_2238] : memref<256x128xf32, #tpu.memory_space<vmem>> -> memref<232x128xf32, #tpu.memory_space<vmem>>
    %dma_wait3A_2240 = arith.constant 768 : i32
    %dma_wait3A_2241 = tpu.memref_slice %arg3[%dma_wait3A_2240, %add3A_1702] : memref<1000x16384xf32, #tpu.memory_space<hbm>> -> memref<232x128xf32, #tpu.memory_space<hbm>>
    %dma_wait3A_2242 = arith.constant 768 : i32
    %dma_wait3A_2243 = tpu.memref_slice %arg3[%dma_wait3A_2242, %add3A_1702] : memref<1000x16384xf32, #tpu.memory_space<hbm>> -> memref<232x128xf32, #tpu.memory_space<hbm>>
    %dma_wait3A_2244 = arith.constant 0 : i32
    %dma_wait3A_2245 = arith.constant 0 : i32
    %dma_wait3A_2246 = tpu.memref_slice %arg6[%dma_wait3A_2244, %dma_wait3A_2245] : memref<256x128xf32, #tpu.memory_space<vmem>> -> memref<232x128xf32, #tpu.memory_space<vmem>>
    tpu.wait_dma2 semaphore(%arg9 : memref<!tpu.dma_semaphore, #tpu.memory_space<semaphore_mem>>) src(%dma_wait3A_2246 : memref<232x128xf32, #tpu.memory_space<vmem>>) dst(%dma_wait3A_2243 : memref<232x128xf32, #tpu.memory_space<hbm>>)
    %get3A_2247 = arith.constant 128 : index
    %get3A_2248 = tpu.vector_load %arg4[%get3A_2247] {strides = array<i32>} : memref<512xi32, #tpu.memory_space<vmem>>, vector<16xi32>,
    %sub3A_2249 = arith.constant 768 : i32
    %sub3A_2250 = vector.broadcast %sub3A_2249 : i32 to vector<16xi32>
    %sub3A_2251 = arith.subi %get3A_2248, %sub3A_2250 : vector<16xi32>
    %ge3A_2252 = arith.constant 0 : i32
    %ge3A_2253 = vector.broadcast %ge3A_2252 : i32 to vector<16xi32>
    %ge3A_2254 = arith.cmpi sge, %sub3A_2251, %ge3A_2253 : vector<16xi32>
    %lt3A_2255 = arith.constant 232 : i32
    %lt3A_2256 = vector.broadcast %lt3A_2255 : i32 to vector<16xi32>
    %lt3A_2257 = arith.cmpi slt, %sub3A_2251, %lt3A_2256 : vector<16xi32>
    %and3A_2258 = arith.andi %ge3A_2254, %lt3A_2257 : vector<16xi1>
    %add3A_2259 = arith.constant 0 : i32
    %add3A_2260 = vector.broadcast %add3A_2259 : i32 to vector<16xi32>
    %add3A_2261 = arith.addi %iota3A, %add3A_2260 : vector<16xi32>
    tpu.vector_store_idx %arg6[%sub3A_2251, %add3A_2261], %broadcast_in_dim3A_3 masked %and3A_2258 : memref<256x128xf32, #tpu.memory_space<vmem>>[vector<16xi32>, vector<16xi32>], vector<16xf32>, vector<16xi1>
    %get3A_2262 = arith.constant 144 : index
    %get3A_2263 = tpu.vector_load %arg4[%get3A_2262] {strides = array<i32>} : memref<512xi32, #tpu.memory_space<vmem>>, vector<16xi32>,
    %sub3A_2264 = arith.constant 768 : i32
    %sub3A_2265 = vector.broadcast %sub3A_2264 : i32 to vector<16xi32>
    %sub3A_2266 = arith.subi %get3A_2263, %sub3A_2265 : vector<16xi32>
    %ge3A_2267 = arith.constant 0 : i32
    %ge3A_2268 = vector.broadcast %ge3A_2267 : i32 to vector<16xi32>
    %ge3A_2269 = arith.cmpi sge, %sub3A_2266, %ge3A_2268 : vector<16xi32>
    %lt3A_2270 = arith.constant 232 : i32
    %lt3A_2271 = vector.broadcast %lt3A_2270 : i32 to vector<16xi32>
    %lt3A_2272 = arith.cmpi slt, %sub3A_2266, %lt3A_2271 : vector<16xi32>
    %and3A_2273 = arith.andi %ge3A_2269, %lt3A_2272 : vector<16xi1>
    %add3A_2274 = arith.constant 16 : i32
    %add3A_2275 = vector.broadcast %add3A_2274 : i32 to vector<16xi32>
    %add3A_2276 = arith.addi %iota3A, %add3A_2275 : vector<16xi32>
    tpu.vector_store_idx %arg6[%sub3A_2266, %add3A_2276], %broadcast_in_dim3A_3 masked %and3A_2273 : memref<256x128xf32, #tpu.memory_space<vmem>>[vector<16xi32>, vector<16xi32>], vector<16xf32>, vector<16xi1>
    %get3A_2277 = arith.constant 160 : index
    %get3A_2278 = tpu.vector_load %arg4[%get3A_2277] {strides = array<i32>} : memref<512xi32, #tpu.memory_space<vmem>>, vector<16xi32>,
    %sub3A_2279 = arith.constant 768 : i32
    %sub3A_2280 = vector.broadcast %sub3A_2279 : i32 to vector<16xi32>
    %sub3A_2281 = arith.subi %get3A_2278, %sub3A_2280 : vector<16xi32>
    %ge3A_2282 = arith.constant 0 : i32
    %ge3A_2283 = vector.broadcast %ge3A_2282 : i32 to vector<16xi32>
    %ge3A_2284 = arith.cmpi sge, %sub3A_2281, %ge3A_2283 : vector<16xi32>
    %lt3A_2285 = arith.constant 232 : i32
    %lt3A_2286 = vector.broadcast %lt3A_2285 : i32 to vector<16xi32>
    %lt3A_2287 = arith.cmpi slt, %sub3A_2281, %lt3A_2286 : vector<16xi32>
    %and3A_2288 = arith.andi %ge3A_2284, %lt3A_2287 : vector<16xi1>
    %add3A_2289 = arith.constant 32 : i32
    %add3A_2290 = vector.broadcast %add3A_2289 : i32 to vector<16xi32>
    %add3A_2291 = arith.addi %iota3A, %add3A_2290 : vector<16xi32>
    tpu.vector_store_idx %arg6[%sub3A_2281, %add3A_2291], %broadcast_in_dim3A_3 masked %and3A_2288 : memref<256x128xf32, #tpu.memory_space<vmem>>[vector<16xi32>, vector<16xi32>], vector<16xf32>, vector<16xi1>
    %get3A_2292 = arith.constant 176 : index
    %get3A_2293 = tpu.vector_load %arg4[%get3A_2292] {strides = array<i32>} : memref<512xi32, #tpu.memory_space<vmem>>, vector<16xi32>,
    %sub3A_2294 = arith.constant 768 : i32
    %sub3A_2295 = vector.broadcast %sub3A_2294 : i32 to vector<16xi32>
    %sub3A_2296 = arith.subi %get3A_2293, %sub3A_2295 : vector<16xi32>
    %ge3A_2297 = arith.constant 0 : i32
    %ge3A_2298 = vector.broadcast %ge3A_2297 : i32 to vector<16xi32>
    %ge3A_2299 = arith.cmpi sge, %sub3A_2296, %ge3A_2298 : vector<16xi32>
    %lt3A_2300 = arith.constant 232 : i32
    %lt3A_2301 = vector.broadcast %lt3A_2300 : i32 to vector<16xi32>
    %lt3A_2302 = arith.cmpi slt, %sub3A_2296, %lt3A_2301 : vector<16xi32>
    %and3A_2303 = arith.andi %ge3A_2299, %lt3A_2302 : vector<16xi1>
    %add3A_2304 = arith.constant 48 : i32
    %add3A_2305 = vector.broadcast %add3A_2304 : i32 to vector<16xi32>
    %add3A_2306 = arith.addi %iota3A, %add3A_2305 : vector<16xi32>
    tpu.vector_store_idx %arg6[%sub3A_2296, %add3A_2306], %broadcast_in_dim3A_3 masked %and3A_2303 : memref<256x128xf32, #tpu.memory_space<vmem>>[vector<16xi32>, vector<16xi32>], vector<16xf32>, vector<16xi1>
    %get3A_2307 = arith.constant 192 : index
    %get3A_2308 = tpu.vector_load %arg4[%get3A_2307] {strides = array<i32>} : memref<512xi32, #tpu.memory_space<vmem>>, vector<16xi32>,
    %sub3A_2309 = arith.constant 768 : i32
    %sub3A_2310 = vector.broadcast %sub3A_2309 : i32 to vector<16xi32>
    %sub3A_2311 = arith.subi %get3A_2308, %sub3A_2310 : vector<16xi32>
    %ge3A_2312 = arith.constant 0 : i32
    %ge3A_2313 = vector.broadcast %ge3A_2312 : i32 to vector<16xi32>
    %ge3A_2314 = arith.cmpi sge, %sub3A_2311, %ge3A_2313 : vector<16xi32>
    %lt3A_2315 = arith.constant 232 : i32
    %lt3A_2316 = vector.broadcast %lt3A_2315 : i32 to vector<16xi32>
    %lt3A_2317 = arith.cmpi slt, %sub3A_2311, %lt3A_2316 : vector<16xi32>
    %and3A_2318 = arith.andi %ge3A_2314, %lt3A_2317 : vector<16xi1>
    %add3A_2319 = arith.constant 64 : i32
    %add3A_2320 = vector.broadcast %add3A_2319 : i32 to vector<16xi32>
    %add3A_2321 = arith.addi %iota3A, %add3A_2320 : vector<16xi32>
    tpu.vector_store_idx %arg6[%sub3A_2311, %add3A_2321], %broadcast_in_dim3A_3 masked %and3A_2318 : memref<256x128xf32, #tpu.memory_space<vmem>>[vector<16xi32>, vector<16xi32>], vector<16xf32>, vector<16xi1>
    %get3A_2322 = arith.constant 208 : index
    %get3A_2323 = tpu.vector_load %arg4[%get3A_2322] {strides = array<i32>} : memref<512xi32, #tpu.memory_space<vmem>>, vector<16xi32>,
    %sub3A_2324 = arith.constant 768 : i32
    %sub3A_2325 = vector.broadcast %sub3A_2324 : i32 to vector<16xi32>
    %sub3A_2326 = arith.subi %get3A_2323, %sub3A_2325 : vector<16xi32>
    %ge3A_2327 = arith.constant 0 : i32
    %ge3A_2328 = vector.broadcast %ge3A_2327 : i32 to vector<16xi32>
    %ge3A_2329 = arith.cmpi sge, %sub3A_2326, %ge3A_2328 : vector<16xi32>
    %lt3A_2330 = arith.constant 232 : i32
    %lt3A_2331 = vector.broadcast %lt3A_2330 : i32 to vector<16xi32>
    %lt3A_2332 = arith.cmpi slt, %sub3A_2326, %lt3A_2331 : vector<16xi32>
    %and3A_2333 = arith.andi %ge3A_2329, %lt3A_2332 : vector<16xi1>
    %add3A_2334 = arith.constant 80 : i32
    %add3A_2335 = vector.broadcast %add3A_2334 : i32 to vector<16xi32>
    %add3A_2336 = arith.addi %iota3A, %add3A_2335 : vector<16xi32>
    tpu.vector_store_idx %arg6[%sub3A_2326, %add3A_2336], %broadcast_in_dim3A_3 masked %and3A_2333 : memref<256x128xf32, #tpu.memory_space<vmem>>[vector<16xi32>, vector<16xi32>], vector<16xf32>, vector<16xi1>
    %get3A_2337 = arith.constant 224 : index
    %get3A_2338 = tpu.vector_load %arg4[%get3A_2337] {strides = array<i32>} : memref<512xi32, #tpu.memory_space<vmem>>, vector<16xi32>,
    %sub3A_2339 = arith.constant 768 : i32
    %sub3A_2340 = vector.broadcast %sub3A_2339 : i32 to vector<16xi32>
    %sub3A_2341 = arith.subi %get3A_2338, %sub3A_2340 : vector<16xi32>
    %ge3A_2342 = arith.constant 0 : i32
    %ge3A_2343 = vector.broadcast %ge3A_2342 : i32 to vector<16xi32>
    %ge3A_2344 = arith.cmpi sge, %sub3A_2341, %ge3A_2343 : vector<16xi32>
    %lt3A_2345 = arith.constant 232 : i32
    %lt3A_2346 = vector.broadcast %lt3A_2345 : i32 to vector<16xi32>
    %lt3A_2347 = arith.cmpi slt, %sub3A_2341, %lt3A_2346 : vector<16xi32>
    %and3A_2348 = arith.andi %ge3A_2344, %lt3A_2347 : vector<16xi1>
    %add3A_2349 = arith.constant 96 : i32
    %add3A_2350 = vector.broadcast %add3A_2349 : i32 to vector<16xi32>
    %add3A_2351 = arith.addi %iota3A, %add3A_2350 : vector<16xi32>
    tpu.vector_store_idx %arg6[%sub3A_2341, %add3A_2351], %broadcast_in_dim3A_3 masked %and3A_2348 : memref<256x128xf32, #tpu.memory_space<vmem>>[vector<16xi32>, vector<16xi32>], vector<16xf32>, vector<16xi1>
    %get3A_2352 = arith.constant 240 : index
    %get3A_2353 = tpu.vector_load %arg4[%get3A_2352] {strides = array<i32>} : memref<512xi32, #tpu.memory_space<vmem>>, vector<16xi32>,
    %sub3A_2354 = arith.constant 768 : i32
    %sub3A_2355 = vector.broadcast %sub3A_2354 : i32 to vector<16xi32>
    %sub3A_2356 = arith.subi %get3A_2353, %sub3A_2355 : vector<16xi32>
    %ge3A_2357 = arith.constant 0 : i32
    %ge3A_2358 = vector.broadcast %ge3A_2357 : i32 to vector<16xi32>
    %ge3A_2359 = arith.cmpi sge, %sub3A_2356, %ge3A_2358 : vector<16xi32>
    %lt3A_2360 = arith.constant 232 : i32
    %lt3A_2361 = vector.broadcast %lt3A_2360 : i32 to vector<16xi32>
    %lt3A_2362 = arith.cmpi slt, %sub3A_2356, %lt3A_2361 : vector<16xi32>
    %and3A_2363 = arith.andi %ge3A_2359, %lt3A_2362 : vector<16xi1>
    %add3A_2364 = arith.constant 112 : i32
    %add3A_2365 = vector.broadcast %add3A_2364 : i32 to vector<16xi32>
    %add3A_2366 = arith.addi %iota3A, %add3A_2365 : vector<16xi32>
    tpu.vector_store_idx %arg6[%sub3A_2356, %add3A_2366], %broadcast_in_dim3A_3 masked %and3A_2363 : memref<256x128xf32, #tpu.memory_space<vmem>>[vector<16xi32>, vector<16xi32>], vector<16xf32>, vector<16xi1>
    %get3A_2367 = arith.constant 256 : index
    %get3A_2368 = tpu.vector_load %arg4[%get3A_2367] {strides = array<i32>} : memref<512xi32, #tpu.memory_space<vmem>>, vector<16xi32>,
    %sub3A_2369 = arith.constant 512 : i32
    %sub3A_2370 = vector.broadcast %sub3A_2369 : i32 to vector<16xi32>
    %sub3A_2371 = arith.subi %get3A_2368, %sub3A_2370 : vector<16xi32>
    %ge3A_2372 = arith.constant 0 : i32
    %ge3A_2373 = vector.broadcast %ge3A_2372 : i32 to vector<16xi32>
    %ge3A_2374 = arith.cmpi sge, %sub3A_2371, %ge3A_2373 : vector<16xi32>
    %lt3A_2375 = arith.constant 256 : i32
    %lt3A_2376 = vector.broadcast %lt3A_2375 : i32 to vector<16xi32>
    %lt3A_2377 = arith.cmpi slt, %sub3A_2371, %lt3A_2376 : vector<16xi32>
    %and3A_2378 = arith.andi %ge3A_2374, %lt3A_2377 : vector<16xi1>
    %add3A_2379 = arith.constant 0 : i32
    %add3A_2380 = vector.broadcast %add3A_2379 : i32 to vector<16xi32>
    %add3A_2381 = arith.addi %iota3A, %add3A_2380 : vector<16xi32>
    tpu.vector_store_idx %arg6[%sub3A_2371, %add3A_2381], %broadcast_in_dim3A_5 masked %and3A_2378 : memref<256x128xf32, #tpu.memory_space<vmem>>[vector<16xi32>, vector<16xi32>], vector<16xf32>, vector<16xi1>
    %get3A_2382 = arith.constant 272 : index
    %get3A_2383 = tpu.vector_load %arg4[%get3A_2382] {strides = array<i32>} : memref<512xi32, #tpu.memory_space<vmem>>, vector<16xi32>,
    %sub3A_2384 = arith.constant 512 : i32
    %sub3A_2385 = vector.broadcast %sub3A_2384 : i32 to vector<16xi32>
    %sub3A_2386 = arith.subi %get3A_2383, %sub3A_2385 : vector<16xi32>
    %ge3A_2387 = arith.constant 0 : i32
    %ge3A_2388 = vector.broadcast %ge3A_2387 : i32 to vector<16xi32>
    %ge3A_2389 = arith.cmpi sge, %sub3A_2386, %ge3A_2388 : vector<16xi32>
    %lt3A_2390 = arith.constant 256 : i32
    %lt3A_2391 = vector.broadcast %lt3A_2390 : i32 to vector<16xi32>
    %lt3A_2392 = arith.cmpi slt, %sub3A_2386, %lt3A_2391 : vector<16xi32>
    %and3A_2393 = arith.andi %ge3A_2389, %lt3A_2392 : vector<16xi1>
    %add3A_2394 = arith.constant 16 : i32
    %add3A_2395 = vector.broadcast %add3A_2394 : i32 to vector<16xi32>
    %add3A_2396 = arith.addi %iota3A, %add3A_2395 : vector<16xi32>
    tpu.vector_store_idx %arg6[%sub3A_2386, %add3A_2396], %broadcast_in_dim3A_5 masked %and3A_2393 : memref<256x128xf32, #tpu.memory_space<vmem>>[vector<16xi32>, vector<16xi32>], vector<16xf32>, vector<16xi1>
    %get3A_2397 = arith.constant 288 : index
    %get3A_2398 = tpu.vector_load %arg4[%get3A_2397] {strides = array<i32>} : memref<512xi32, #tpu.memory_space<vmem>>, vector<16xi32>,
    %sub3A_2399 = arith.constant 512 : i32
    %sub3A_2400 = vector.broadcast %sub3A_2399 : i32 to vector<16xi32>
    %sub3A_2401 = arith.subi %get3A_2398, %sub3A_2400 : vector<16xi32>
    %ge3A_2402 = arith.constant 0 : i32
    %ge3A_2403 = vector.broadcast %ge3A_2402 : i32 to vector<16xi32>
    %ge3A_2404 = arith.cmpi sge, %sub3A_2401, %ge3A_2403 : vector<16xi32>
    %lt3A_2405 = arith.constant 256 : i32
    %lt3A_2406 = vector.broadcast %lt3A_2405 : i32 to vector<16xi32>
    %lt3A_2407 = arith.cmpi slt, %sub3A_2401, %lt3A_2406 : vector<16xi32>
    %and3A_2408 = arith.andi %ge3A_2404, %lt3A_2407 : vector<16xi1>
    %add3A_2409 = arith.constant 32 : i32
    %add3A_2410 = vector.broadcast %add3A_2409 : i32 to vector<16xi32>
    %add3A_2411 = arith.addi %iota3A, %add3A_2410 : vector<16xi32>
    tpu.vector_store_idx %arg6[%sub3A_2401, %add3A_2411], %broadcast_in_dim3A_5 masked %and3A_2408 : memref<256x128xf32, #tpu.memory_space<vmem>>[vector<16xi32>, vector<16xi32>], vector<16xf32>, vector<16xi1>
    %get3A_2412 = arith.constant 304 : index
    %get3A_2413 = tpu.vector_load %arg4[%get3A_2412] {strides = array<i32>} : memref<512xi32, #tpu.memory_space<vmem>>, vector<16xi32>,
    %sub3A_2414 = arith.constant 512 : i32
    %sub3A_2415 = vector.broadcast %sub3A_2414 : i32 to vector<16xi32>
    %sub3A_2416 = arith.subi %get3A_2413, %sub3A_2415 : vector<16xi32>
    %ge3A_2417 = arith.constant 0 : i32
    %ge3A_2418 = vector.broadcast %ge3A_2417 : i32 to vector<16xi32>
    %ge3A_2419 = arith.cmpi sge, %sub3A_2416, %ge3A_2418 : vector<16xi32>
    %lt3A_2420 = arith.constant 256 : i32
    %lt3A_2421 = vector.broadcast %lt3A_2420 : i32 to vector<16xi32>
    %lt3A_2422 = arith.cmpi slt, %sub3A_2416, %lt3A_2421 : vector<16xi32>
    %and3A_2423 = arith.andi %ge3A_2419, %lt3A_2422 : vector<16xi1>
    %add3A_2424 = arith.constant 48 : i32
    %add3A_2425 = vector.broadcast %add3A_2424 : i32 to vector<16xi32>
    %add3A_2426 = arith.addi %iota3A, %add3A_2425 : vector<16xi32>
    tpu.vector_store_idx %arg6[%sub3A_2416, %add3A_2426], %broadcast_in_dim3A_5 masked %and3A_2423 : memref<256x128xf32, #tpu.memory_space<vmem>>[vector<16xi32>, vector<16xi32>], vector<16xf32>, vector<16xi1>
    %get3A_2427 = arith.constant 320 : index
    %get3A_2428 = tpu.vector_load %arg4[%get3A_2427] {strides = array<i32>} : memref<512xi32, #tpu.memory_space<vmem>>, vector<16xi32>,
    %sub3A_2429 = arith.constant 512 : i32
    %sub3A_2430 = vector.broadcast %sub3A_2429 : i32 to vector<16xi32>
    %sub3A_2431 = arith.subi %get3A_2428, %sub3A_2430 : vector<16xi32>
    %ge3A_2432 = arith.constant 0 : i32
    %ge3A_2433 = vector.broadcast %ge3A_2432 : i32 to vector<16xi32>
    %ge3A_2434 = arith.cmpi sge, %sub3A_2431, %ge3A_2433 : vector<16xi32>
    %lt3A_2435 = arith.constant 256 : i32
    %lt3A_2436 = vector.broadcast %lt3A_2435 : i32 to vector<16xi32>
    %lt3A_2437 = arith.cmpi slt, %sub3A_2431, %lt3A_2436 : vector<16xi32>
    %and3A_2438 = arith.andi %ge3A_2434, %lt3A_2437 : vector<16xi1>
    %add3A_2439 = arith.constant 64 : i32
    %add3A_2440 = vector.broadcast %add3A_2439 : i32 to vector<16xi32>
    %add3A_2441 = arith.addi %iota3A, %add3A_2440 : vector<16xi32>
    tpu.vector_store_idx %arg6[%sub3A_2431, %add3A_2441], %broadcast_in_dim3A_5 masked %and3A_2438 : memref<256x128xf32, #tpu.memory_space<vmem>>[vector<16xi32>, vector<16xi32>], vector<16xf32>, vector<16xi1>
    %get3A_2442 = arith.constant 336 : index
    %get3A_2443 = tpu.vector_load %arg4[%get3A_2442] {strides = array<i32>} : memref<512xi32, #tpu.memory_space<vmem>>, vector<16xi32>,
    %sub3A_2444 = arith.constant 512 : i32
    %sub3A_2445 = vector.broadcast %sub3A_2444 : i32 to vector<16xi32>
    %sub3A_2446 = arith.subi %get3A_2443, %sub3A_2445 : vector<16xi32>
    %ge3A_2447 = arith.constant 0 : i32
    %ge3A_2448 = vector.broadcast %ge3A_2447 : i32 to vector<16xi32>
    %ge3A_2449 = arith.cmpi sge, %sub3A_2446, %ge3A_2448 : vector<16xi32>
    %lt3A_2450 = arith.constant 256 : i32
    %lt3A_2451 = vector.broadcast %lt3A_2450 : i32 to vector<16xi32>
    %lt3A_2452 = arith.cmpi slt, %sub3A_2446, %lt3A_2451 : vector<16xi32>
    %and3A_2453 = arith.andi %ge3A_2449, %lt3A_2452 : vector<16xi1>
    %add3A_2454 = arith.constant 80 : i32
    %add3A_2455 = vector.broadcast %add3A_2454 : i32 to vector<16xi32>
    %add3A_2456 = arith.addi %iota3A, %add3A_2455 : vector<16xi32>
    tpu.vector_store_idx %arg6[%sub3A_2446, %add3A_2456], %broadcast_in_dim3A_5 masked %and3A_2453 : memref<256x128xf32, #tpu.memory_space<vmem>>[vector<16xi32>, vector<16xi32>], vector<16xf32>, vector<16xi1>
    %get3A_2457 = arith.constant 352 : index
    %get3A_2458 = tpu.vector_load %arg4[%get3A_2457] {strides = array<i32>} : memref<512xi32, #tpu.memory_space<vmem>>, vector<16xi32>,
    %sub3A_2459 = arith.constant 512 : i32
    %sub3A_2460 = vector.broadcast %sub3A_2459 : i32 to vector<16xi32>
    %sub3A_2461 = arith.subi %get3A_2458, %sub3A_2460 : vector<16xi32>
    %ge3A_2462 = arith.constant 0 : i32
    %ge3A_2463 = vector.broadcast %ge3A_2462 : i32 to vector<16xi32>
    %ge3A_2464 = arith.cmpi sge, %sub3A_2461, %ge3A_2463 : vector<16xi32>
    %lt3A_2465 = arith.constant 256 : i32
    %lt3A_2466 = vector.broadcast %lt3A_2465 : i32 to vector<16xi32>
    %lt3A_2467 = arith.cmpi slt, %sub3A_2461, %lt3A_2466 : vector<16xi32>
    %and3A_2468 = arith.andi %ge3A_2464, %lt3A_2467 : vector<16xi1>
    %add3A_2469 = arith.constant 96 : i32
    %add3A_2470 = vector.broadcast %add3A_2469 : i32 to vector<16xi32>
    %add3A_2471 = arith.addi %iota3A, %add3A_2470 : vector<16xi32>
    tpu.vector_store_idx %arg6[%sub3A_2461, %add3A_2471], %broadcast_in_dim3A_5 masked %and3A_2468 : memref<256x128xf32, #tpu.memory_space<vmem>>[vector<16xi32>, vector<16xi32>], vector<16xf32>, vector<16xi1>
    %get3A_2472 = arith.constant 368 : index
    %get3A_2473 = tpu.vector_load %arg4[%get3A_2472] {strides = array<i32>} : memref<512xi32, #tpu.memory_space<vmem>>, vector<16xi32>,
    %sub3A_2474 = arith.constant 512 : i32
    %sub3A_2475 = vector.broadcast %sub3A_2474 : i32 to vector<16xi32>
    %sub3A_2476 = arith.subi %get3A_2473, %sub3A_2475 : vector<16xi32>
    %ge3A_2477 = arith.constant 0 : i32
    %ge3A_2478 = vector.broadcast %ge3A_2477 : i32 to vector<16xi32>
    %ge3A_2479 = arith.cmpi sge, %sub3A_2476, %ge3A_2478 : vector<16xi32>
    %lt3A_2480 = arith.constant 256 : i32
    %lt3A_2481 = vector.broadcast %lt3A_2480 : i32 to vector<16xi32>
    %lt3A_2482 = arith.cmpi slt, %sub3A_2476, %lt3A_2481 : vector<16xi32>
    %and3A_2483 = arith.andi %ge3A_2479, %lt3A_2482 : vector<16xi1>
    %add3A_2484 = arith.constant 112 : i32
    %add3A_2485 = vector.broadcast %add3A_2484 : i32 to vector<16xi32>
    %add3A_2486 = arith.addi %iota3A, %add3A_2485 : vector<16xi32>
    tpu.vector_store_idx %arg6[%sub3A_2476, %add3A_2486], %broadcast_in_dim3A_5 masked %and3A_2483 : memref<256x128xf32, #tpu.memory_space<vmem>>[vector<16xi32>, vector<16xi32>], vector<16xf32>, vector<16xi1>
    %add3A_2487 = arith.constant 256 : i32
    %add3A_2488 = arith.addi %mul3A_2, %add3A_2487 : i32
    %dma_start3A_2489 = arith.constant 0 : i32
    %dma_start3A_2490 = arith.constant 0 : i32
    %dma_start3A_2491 = tpu.memref_slice %arg6[%dma_start3A_2489, %dma_start3A_2490] : memref<256x128xf32, #tpu.memory_space<vmem>> -> memref<256x128xf32, #tpu.memory_space<vmem>>
    %dma_start3A_2492 = arith.constant 512 : i32
    %dma_start3A_2493 = tpu.memref_slice %arg3[%dma_start3A_2492, %add3A_2488] : memref<1000x16384xf32, #tpu.memory_space<hbm>> -> memref<256x128xf32, #tpu.memory_space<hbm>>
    %dma_start3A_2494 = arith.constant 512 : i32
    %dma_start3A_2495 = tpu.memref_slice %arg3[%dma_start3A_2494, %add3A_2488] : memref<1000x16384xf32, #tpu.memory_space<hbm>> -> memref<256x128xf32, #tpu.memory_space<hbm>>
    %dma_start3A_2496 = arith.constant 0 : i32
    %dma_start3A_2497 = arith.constant 0 : i32
    %dma_start3A_2498 = tpu.memref_slice %arg6[%dma_start3A_2496, %dma_start3A_2497] : memref<256x128xf32, #tpu.memory_space<vmem>> -> memref<256x128xf32, #tpu.memory_space<vmem>>
    tpu.enqueue_dma source(%dma_start3A_2498 : memref<256x128xf32, #tpu.memory_space<vmem>>) target(%dma_start3A_2495 : memref<256x128xf32, #tpu.memory_space<hbm>>) target_semaphore(%arg9 : memref<!tpu.dma_semaphore, #tpu.memory_space<semaphore_mem>>)
    %dma_wait3A_2499 = arith.constant 0 : i32
    %dma_wait3A_2500 = arith.constant 0 : i32
    %dma_wait3A_2501 = tpu.memref_slice %arg7[%dma_wait3A_2499, %dma_wait3A_2500] : memref<256x128xf32, #tpu.memory_space<vmem>> -> memref<256x128xf32, #tpu.memory_space<vmem>>
    %dma_wait3A_2502 = arith.constant 0 : i32
    %dma_wait3A_2503 = tpu.memref_slice %arg3[%dma_wait3A_2502, %add3A_1964] : memref<1000x16384xf32, #tpu.memory_space<hbm>> -> memref<256x128xf32, #tpu.memory_space<hbm>>
    %dma_wait3A_2504 = arith.constant 0 : i32
    %dma_wait3A_2505 = tpu.memref_slice %arg3[%dma_wait3A_2504, %add3A_1964] : memref<1000x16384xf32, #tpu.memory_space<hbm>> -> memref<256x128xf32, #tpu.memory_space<hbm>>
    %dma_wait3A_2506 = arith.constant 0 : i32
    %dma_wait3A_2507 = arith.constant 0 : i32
    %dma_wait3A_2508 = tpu.memref_slice %arg7[%dma_wait3A_2506, %dma_wait3A_2507] : memref<256x128xf32, #tpu.memory_space<vmem>> -> memref<256x128xf32, #tpu.memory_space<vmem>>
    tpu.wait_dma2 semaphore(%arg10 : memref<!tpu.dma_semaphore, #tpu.memory_space<semaphore_mem>>) src(%dma_wait3A_2508 : memref<256x128xf32, #tpu.memory_space<vmem>>) dst(%dma_wait3A_2505 : memref<256x128xf32, #tpu.memory_space<hbm>>)
    %get3A_2509 = arith.constant 256 : index
    %get3A_2510 = tpu.vector_load %arg4[%get3A_2509] {strides = array<i32>} : memref<512xi32, #tpu.memory_space<vmem>>, vector<16xi32>,
    %sub3A_2511 = arith.constant 0 : i32
    %sub3A_2512 = vector.broadcast %sub3A_2511 : i32 to vector<16xi32>
    %sub3A_2513 = arith.subi %get3A_2510, %sub3A_2512 : vector<16xi32>
    %ge3A_2514 = arith.constant 0 : i32
    %ge3A_2515 = vector.broadcast %ge3A_2514 : i32 to vector<16xi32>
    %ge3A_2516 = arith.cmpi sge, %sub3A_2513, %ge3A_2515 : vector<16xi32>
    %lt3A_2517 = arith.constant 256 : i32
    %lt3A_2518 = vector.broadcast %lt3A_2517 : i32 to vector<16xi32>
    %lt3A_2519 = arith.cmpi slt, %sub3A_2513, %lt3A_2518 : vector<16xi32>
    %and3A_2520 = arith.andi %ge3A_2516, %lt3A_2519 : vector<16xi1>
    %add3A_2521 = arith.constant 0 : i32
    %add3A_2522 = vector.broadcast %add3A_2521 : i32 to vector<16xi32>
    %add3A_2523 = arith.addi %iota3A, %add3A_2522 : vector<16xi32>
    tpu.vector_store_idx %arg7[%sub3A_2513, %add3A_2523], %broadcast_in_dim3A_3 masked %and3A_2520 : memref<256x128xf32, #tpu.memory_space<vmem>>[vector<16xi32>, vector<16xi32>], vector<16xf32>, vector<16xi1>
    %get3A_2524 = arith.constant 272 : index
    %get3A_2525 = tpu.vector_load %arg4[%get3A_2524] {strides = array<i32>} : memref<512xi32, #tpu.memory_space<vmem>>, vector<16xi32>,
    %sub3A_2526 = arith.constant 0 : i32
    %sub3A_2527 = vector.broadcast %sub3A_2526 : i32 to vector<16xi32>
    %sub3A_2528 = arith.subi %get3A_2525, %sub3A_2527 : vector<16xi32>
    %ge3A_2529 = arith.constant 0 : i32
    %ge3A_2530 = vector.broadcast %ge3A_2529 : i32 to vector<16xi32>
    %ge3A_2531 = arith.cmpi sge, %sub3A_2528, %ge3A_2530 : vector<16xi32>
    %lt3A_2532 = arith.constant 256 : i32
    %lt3A_2533 = vector.broadcast %lt3A_2532 : i32 to vector<16xi32>
    %lt3A_2534 = arith.cmpi slt, %sub3A_2528, %lt3A_2533 : vector<16xi32>
    %and3A_2535 = arith.andi %ge3A_2531, %lt3A_2534 : vector<16xi1>
    %add3A_2536 = arith.constant 16 : i32
    %add3A_2537 = vector.broadcast %add3A_2536 : i32 to vector<16xi32>
    %add3A_2538 = arith.addi %iota3A, %add3A_2537 : vector<16xi32>
    tpu.vector_store_idx %arg7[%sub3A_2528, %add3A_2538], %broadcast_in_dim3A_3 masked %and3A_2535 : memref<256x128xf32, #tpu.memory_space<vmem>>[vector<16xi32>, vector<16xi32>], vector<16xf32>, vector<16xi1>
    %get3A_2539 = arith.constant 288 : index
    %get3A_2540 = tpu.vector_load %arg4[%get3A_2539] {strides = array<i32>} : memref<512xi32, #tpu.memory_space<vmem>>, vector<16xi32>,
    %sub3A_2541 = arith.constant 0 : i32
    %sub3A_2542 = vector.broadcast %sub3A_2541 : i32 to vector<16xi32>
    %sub3A_2543 = arith.subi %get3A_2540, %sub3A_2542 : vector<16xi32>
    %ge3A_2544 = arith.constant 0 : i32
    %ge3A_2545 = vector.broadcast %ge3A_2544 : i32 to vector<16xi32>
    %ge3A_2546 = arith.cmpi sge, %sub3A_2543, %ge3A_2545 : vector<16xi32>
    %lt3A_2547 = arith.constant 256 : i32
    %lt3A_2548 = vector.broadcast %lt3A_2547 : i32 to vector<16xi32>
    %lt3A_2549 = arith.cmpi slt, %sub3A_2543, %lt3A_2548 : vector<16xi32>
    %and3A_2550 = arith.andi %ge3A_2546, %lt3A_2549 : vector<16xi1>
    %add3A_2551 = arith.constant 32 : i32
    %add3A_2552 = vector.broadcast %add3A_2551 : i32 to vector<16xi32>
    %add3A_2553 = arith.addi %iota3A, %add3A_2552 : vector<16xi32>
    tpu.vector_store_idx %arg7[%sub3A_2543, %add3A_2553], %broadcast_in_dim3A_3 masked %and3A_2550 : memref<256x128xf32, #tpu.memory_space<vmem>>[vector<16xi32>, vector<16xi32>], vector<16xf32>, vector<16xi1>
    %get3A_2554 = arith.constant 304 : index
    %get3A_2555 = tpu.vector_load %arg4[%get3A_2554] {strides = array<i32>} : memref<512xi32, #tpu.memory_space<vmem>>, vector<16xi32>,
    %sub3A_2556 = arith.constant 0 : i32
    %sub3A_2557 = vector.broadcast %sub3A_2556 : i32 to vector<16xi32>
    %sub3A_2558 = arith.subi %get3A_2555, %sub3A_2557 : vector<16xi32>
    %ge3A_2559 = arith.constant 0 : i32
    %ge3A_2560 = vector.broadcast %ge3A_2559 : i32 to vector<16xi32>
    %ge3A_2561 = arith.cmpi sge, %sub3A_2558, %ge3A_2560 : vector<16xi32>
    %lt3A_2562 = arith.constant 256 : i32
    %lt3A_2563 = vector.broadcast %lt3A_2562 : i32 to vector<16xi32>
    %lt3A_2564 = arith.cmpi slt, %sub3A_2558, %lt3A_2563 : vector<16xi32>
    %and3A_2565 = arith.andi %ge3A_2561, %lt3A_2564 : vector<16xi1>
    %add3A_2566 = arith.constant 48 : i32
    %add3A_2567 = vector.broadcast %add3A_2566 : i32 to vector<16xi32>
    %add3A_2568 = arith.addi %iota3A, %add3A_2567 : vector<16xi32>
    tpu.vector_store_idx %arg7[%sub3A_2558, %add3A_2568], %broadcast_in_dim3A_3 masked %and3A_2565 : memref<256x128xf32, #tpu.memory_space<vmem>>[vector<16xi32>, vector<16xi32>], vector<16xf32>, vector<16xi1>
    %get3A_2569 = arith.constant 320 : index
    %get3A_2570 = tpu.vector_load %arg4[%get3A_2569] {strides = array<i32>} : memref<512xi32, #tpu.memory_space<vmem>>, vector<16xi32>,
    %sub3A_2571 = arith.constant 0 : i32
    %sub3A_2572 = vector.broadcast %sub3A_2571 : i32 to vector<16xi32>
    %sub3A_2573 = arith.subi %get3A_2570, %sub3A_2572 : vector<16xi32>
    %ge3A_2574 = arith.constant 0 : i32
    %ge3A_2575 = vector.broadcast %ge3A_2574 : i32 to vector<16xi32>
    %ge3A_2576 = arith.cmpi sge, %sub3A_2573, %ge3A_2575 : vector<16xi32>
    %lt3A_2577 = arith.constant 256 : i32
    %lt3A_2578 = vector.broadcast %lt3A_2577 : i32 to vector<16xi32>
    %lt3A_2579 = arith.cmpi slt, %sub3A_2573, %lt3A_2578 : vector<16xi32>
    %and3A_2580 = arith.andi %ge3A_2576, %lt3A_2579 : vector<16xi1>
    %add3A_2581 = arith.constant 64 : i32
    %add3A_2582 = vector.broadcast %add3A_2581 : i32 to vector<16xi32>
    %add3A_2583 = arith.addi %iota3A, %add3A_2582 : vector<16xi32>
    tpu.vector_store_idx %arg7[%sub3A_2573, %add3A_2583], %broadcast_in_dim3A_3 masked %and3A_2580 : memref<256x128xf32, #tpu.memory_space<vmem>>[vector<16xi32>, vector<16xi32>], vector<16xf32>, vector<16xi1>
    %get3A_2584 = arith.constant 336 : index
    %get3A_2585 = tpu.vector_load %arg4[%get3A_2584] {strides = array<i32>} : memref<512xi32, #tpu.memory_space<vmem>>, vector<16xi32>,
    %sub3A_2586 = arith.constant 0 : i32
    %sub3A_2587 = vector.broadcast %sub3A_2586 : i32 to vector<16xi32>
    %sub3A_2588 = arith.subi %get3A_2585, %sub3A_2587 : vector<16xi32>
    %ge3A_2589 = arith.constant 0 : i32
    %ge3A_2590 = vector.broadcast %ge3A_2589 : i32 to vector<16xi32>
    %ge3A_2591 = arith.cmpi sge, %sub3A_2588, %ge3A_2590 : vector<16xi32>
    %lt3A_2592 = arith.constant 256 : i32
    %lt3A_2593 = vector.broadcast %lt3A_2592 : i32 to vector<16xi32>
    %lt3A_2594 = arith.cmpi slt, %sub3A_2588, %lt3A_2593 : vector<16xi32>
    %and3A_2595 = arith.andi %ge3A_2591, %lt3A_2594 : vector<16xi1>
    %add3A_2596 = arith.constant 80 : i32
    %add3A_2597 = vector.broadcast %add3A_2596 : i32 to vector<16xi32>
    %add3A_2598 = arith.addi %iota3A, %add3A_2597 : vector<16xi32>
    tpu.vector_store_idx %arg7[%sub3A_2588, %add3A_2598], %broadcast_in_dim3A_3 masked %and3A_2595 : memref<256x128xf32, #tpu.memory_space<vmem>>[vector<16xi32>, vector<16xi32>], vector<16xf32>, vector<16xi1>
    %get3A_2599 = arith.constant 352 : index
    %get3A_2600 = tpu.vector_load %arg4[%get3A_2599] {strides = array<i32>} : memref<512xi32, #tpu.memory_space<vmem>>, vector<16xi32>,
    %sub3A_2601 = arith.constant 0 : i32
    %sub3A_2602 = vector.broadcast %sub3A_2601 : i32 to vector<16xi32>
    %sub3A_2603 = arith.subi %get3A_2600, %sub3A_2602 : vector<16xi32>
    %ge3A_2604 = arith.constant 0 : i32
    %ge3A_2605 = vector.broadcast %ge3A_2604 : i32 to vector<16xi32>
    %ge3A_2606 = arith.cmpi sge, %sub3A_2603, %ge3A_2605 : vector<16xi32>
    %lt3A_2607 = arith.constant 256 : i32
    %lt3A_2608 = vector.broadcast %lt3A_2607 : i32 to vector<16xi32>
    %lt3A_2609 = arith.cmpi slt, %sub3A_2603, %lt3A_2608 : vector<16xi32>
    %and3A_2610 = arith.andi %ge3A_2606, %lt3A_2609 : vector<16xi1>
    %add3A_2611 = arith.constant 96 : i32
    %add3A_2612 = vector.broadcast %add3A_2611 : i32 to vector<16xi32>
    %add3A_2613 = arith.addi %iota3A, %add3A_2612 : vector<16xi32>
    tpu.vector_store_idx %arg7[%sub3A_2603, %add3A_2613], %broadcast_in_dim3A_3 masked %and3A_2610 : memref<256x128xf32, #tpu.memory_space<vmem>>[vector<16xi32>, vector<16xi32>], vector<16xf32>, vector<16xi1>
    %get3A_2614 = arith.constant 368 : index
    %get3A_2615 = tpu.vector_load %arg4[%get3A_2614] {strides = array<i32>} : memref<512xi32, #tpu.memory_space<vmem>>, vector<16xi32>,
    %sub3A_2616 = arith.constant 0 : i32
    %sub3A_2617 = vector.broadcast %sub3A_2616 : i32 to vector<16xi32>
    %sub3A_2618 = arith.subi %get3A_2615, %sub3A_2617 : vector<16xi32>
    %ge3A_2619 = arith.constant 0 : i32
    %ge3A_2620 = vector.broadcast %ge3A_2619 : i32 to vector<16xi32>
    %ge3A_2621 = arith.cmpi sge, %sub3A_2618, %ge3A_2620 : vector<16xi32>
    %lt3A_2622 = arith.constant 256 : i32
    %lt3A_2623 = vector.broadcast %lt3A_2622 : i32 to vector<16xi32>
    %lt3A_2624 = arith.cmpi slt, %sub3A_2618, %lt3A_2623 : vector<16xi32>
    %and3A_2625 = arith.andi %ge3A_2621, %lt3A_2624 : vector<16xi1>
    %add3A_2626 = arith.constant 112 : i32
    %add3A_2627 = vector.broadcast %add3A_2626 : i32 to vector<16xi32>
    %add3A_2628 = arith.addi %iota3A, %add3A_2627 : vector<16xi32>
    tpu.vector_store_idx %arg7[%sub3A_2618, %add3A_2628], %broadcast_in_dim3A_3 masked %and3A_2625 : memref<256x128xf32, #tpu.memory_space<vmem>>[vector<16xi32>, vector<16xi32>], vector<16xf32>, vector<16xi1>
    %get3A_2629 = arith.constant 256 : index
    %get3A_2630 = tpu.vector_load %arg4[%get3A_2629] {strides = array<i32>} : memref<512xi32, #tpu.memory_space<vmem>>, vector<16xi32>,
    %sub3A_2631 = arith.constant 768 : i32
    %sub3A_2632 = vector.broadcast %sub3A_2631 : i32 to vector<16xi32>
    %sub3A_2633 = arith.subi %get3A_2630, %sub3A_2632 : vector<16xi32>
    %ge3A_2634 = arith.constant 0 : i32
    %ge3A_2635 = vector.broadcast %ge3A_2634 : i32 to vector<16xi32>
    %ge3A_2636 = arith.cmpi sge, %sub3A_2633, %ge3A_2635 : vector<16xi32>
    %lt3A_2637 = arith.constant 232 : i32
    %lt3A_2638 = vector.broadcast %lt3A_2637 : i32 to vector<16xi32>
    %lt3A_2639 = arith.cmpi slt, %sub3A_2633, %lt3A_2638 : vector<16xi32>
    %and3A_2640 = arith.andi %ge3A_2636, %lt3A_2639 : vector<16xi1>
    %add3A_2641 = arith.constant 0 : i32
    %add3A_2642 = vector.broadcast %add3A_2641 : i32 to vector<16xi32>
    %add3A_2643 = arith.addi %iota3A, %add3A_2642 : vector<16xi32>
    tpu.vector_store_idx %arg7[%sub3A_2633, %add3A_2643], %broadcast_in_dim3A_5 masked %and3A_2640 : memref<256x128xf32, #tpu.memory_space<vmem>>[vector<16xi32>, vector<16xi32>], vector<16xf32>, vector<16xi1>
    %get3A_2644 = arith.constant 272 : index
    %get3A_2645 = tpu.vector_load %arg4[%get3A_2644] {strides = array<i32>} : memref<512xi32, #tpu.memory_space<vmem>>, vector<16xi32>,
    %sub3A_2646 = arith.constant 768 : i32
    %sub3A_2647 = vector.broadcast %sub3A_2646 : i32 to vector<16xi32>
    %sub3A_2648 = arith.subi %get3A_2645, %sub3A_2647 : vector<16xi32>
    %ge3A_2649 = arith.constant 0 : i32
    %ge3A_2650 = vector.broadcast %ge3A_2649 : i32 to vector<16xi32>
    %ge3A_2651 = arith.cmpi sge, %sub3A_2648, %ge3A_2650 : vector<16xi32>
    %lt3A_2652 = arith.constant 232 : i32
    %lt3A_2653 = vector.broadcast %lt3A_2652 : i32 to vector<16xi32>
    %lt3A_2654 = arith.cmpi slt, %sub3A_2648, %lt3A_2653 : vector<16xi32>
    %and3A_2655 = arith.andi %ge3A_2651, %lt3A_2654 : vector<16xi1>
    %add3A_2656 = arith.constant 16 : i32
    %add3A_2657 = vector.broadcast %add3A_2656 : i32 to vector<16xi32>
    %add3A_2658 = arith.addi %iota3A, %add3A_2657 : vector<16xi32>
    tpu.vector_store_idx %arg7[%sub3A_2648, %add3A_2658], %broadcast_in_dim3A_5 masked %and3A_2655 : memref<256x128xf32, #tpu.memory_space<vmem>>[vector<16xi32>, vector<16xi32>], vector<16xf32>, vector<16xi1>
    %get3A_2659 = arith.constant 288 : index
    %get3A_2660 = tpu.vector_load %arg4[%get3A_2659] {strides = array<i32>} : memref<512xi32, #tpu.memory_space<vmem>>, vector<16xi32>,
    %sub3A_2661 = arith.constant 768 : i32
    %sub3A_2662 = vector.broadcast %sub3A_2661 : i32 to vector<16xi32>
    %sub3A_2663 = arith.subi %get3A_2660, %sub3A_2662 : vector<16xi32>
    %ge3A_2664 = arith.constant 0 : i32
    %ge3A_2665 = vector.broadcast %ge3A_2664 : i32 to vector<16xi32>
    %ge3A_2666 = arith.cmpi sge, %sub3A_2663, %ge3A_2665 : vector<16xi32>
    %lt3A_2667 = arith.constant 232 : i32
    %lt3A_2668 = vector.broadcast %lt3A_2667 : i32 to vector<16xi32>
    %lt3A_2669 = arith.cmpi slt, %sub3A_2663, %lt3A_2668 : vector<16xi32>
    %and3A_2670 = arith.andi %ge3A_2666, %lt3A_2669 : vector<16xi1>
    %add3A_2671 = arith.constant 32 : i32
    %add3A_2672 = vector.broadcast %add3A_2671 : i32 to vector<16xi32>
    %add3A_2673 = arith.addi %iota3A, %add3A_2672 : vector<16xi32>
    tpu.vector_store_idx %arg7[%sub3A_2663, %add3A_2673], %broadcast_in_dim3A_5 masked %and3A_2670 : memref<256x128xf32, #tpu.memory_space<vmem>>[vector<16xi32>, vector<16xi32>], vector<16xf32>, vector<16xi1>
    %get3A_2674 = arith.constant 304 : index
    %get3A_2675 = tpu.vector_load %arg4[%get3A_2674] {strides = array<i32>} : memref<512xi32, #tpu.memory_space<vmem>>, vector<16xi32>,
    %sub3A_2676 = arith.constant 768 : i32
    %sub3A_2677 = vector.broadcast %sub3A_2676 : i32 to vector<16xi32>
    %sub3A_2678 = arith.subi %get3A_2675, %sub3A_2677 : vector<16xi32>
    %ge3A_2679 = arith.constant 0 : i32
    %ge3A_2680 = vector.broadcast %ge3A_2679 : i32 to vector<16xi32>
    %ge3A_2681 = arith.cmpi sge, %sub3A_2678, %ge3A_2680 : vector<16xi32>
    %lt3A_2682 = arith.constant 232 : i32
    %lt3A_2683 = vector.broadcast %lt3A_2682 : i32 to vector<16xi32>
    %lt3A_2684 = arith.cmpi slt, %sub3A_2678, %lt3A_2683 : vector<16xi32>
    %and3A_2685 = arith.andi %ge3A_2681, %lt3A_2684 : vector<16xi1>
    %add3A_2686 = arith.constant 48 : i32
    %add3A_2687 = vector.broadcast %add3A_2686 : i32 to vector<16xi32>
    %add3A_2688 = arith.addi %iota3A, %add3A_2687 : vector<16xi32>
    tpu.vector_store_idx %arg7[%sub3A_2678, %add3A_2688], %broadcast_in_dim3A_5 masked %and3A_2685 : memref<256x128xf32, #tpu.memory_space<vmem>>[vector<16xi32>, vector<16xi32>], vector<16xf32>, vector<16xi1>
    %get3A_2689 = arith.constant 320 : index
    %get3A_2690 = tpu.vector_load %arg4[%get3A_2689] {strides = array<i32>} : memref<512xi32, #tpu.memory_space<vmem>>, vector<16xi32>,
    %sub3A_2691 = arith.constant 768 : i32
    %sub3A_2692 = vector.broadcast %sub3A_2691 : i32 to vector<16xi32>
    %sub3A_2693 = arith.subi %get3A_2690, %sub3A_2692 : vector<16xi32>
    %ge3A_2694 = arith.constant 0 : i32
    %ge3A_2695 = vector.broadcast %ge3A_2694 : i32 to vector<16xi32>
    %ge3A_2696 = arith.cmpi sge, %sub3A_2693, %ge3A_2695 : vector<16xi32>
    %lt3A_2697 = arith.constant 232 : i32
    %lt3A_2698 = vector.broadcast %lt3A_2697 : i32 to vector<16xi32>
    %lt3A_2699 = arith.cmpi slt, %sub3A_2693, %lt3A_2698 : vector<16xi32>
    %and3A_2700 = arith.andi %ge3A_2696, %lt3A_2699 : vector<16xi1>
    %add3A_2701 = arith.constant 64 : i32
    %add3A_2702 = vector.broadcast %add3A_2701 : i32 to vector<16xi32>
    %add3A_2703 = arith.addi %iota3A, %add3A_2702 : vector<16xi32>
    tpu.vector_store_idx %arg7[%sub3A_2693, %add3A_2703], %broadcast_in_dim3A_5 masked %and3A_2700 : memref<256x128xf32, #tpu.memory_space<vmem>>[vector<16xi32>, vector<16xi32>], vector<16xf32>, vector<16xi1>
    %get3A_2704 = arith.constant 336 : index
    %get3A_2705 = tpu.vector_load %arg4[%get3A_2704] {strides = array<i32>} : memref<512xi32, #tpu.memory_space<vmem>>, vector<16xi32>,
    %sub3A_2706 = arith.constant 768 : i32
    %sub3A_2707 = vector.broadcast %sub3A_2706 : i32 to vector<16xi32>
    %sub3A_2708 = arith.subi %get3A_2705, %sub3A_2707 : vector<16xi32>
    %ge3A_2709 = arith.constant 0 : i32
    %ge3A_2710 = vector.broadcast %ge3A_2709 : i32 to vector<16xi32>
    %ge3A_2711 = arith.cmpi sge, %sub3A_2708, %ge3A_2710 : vector<16xi32>
    %lt3A_2712 = arith.constant 232 : i32
    %lt3A_2713 = vector.broadcast %lt3A_2712 : i32 to vector<16xi32>
    %lt3A_2714 = arith.cmpi slt, %sub3A_2708, %lt3A_2713 : vector<16xi32>
    %and3A_2715 = arith.andi %ge3A_2711, %lt3A_2714 : vector<16xi1>
    %add3A_2716 = arith.constant 80 : i32
    %add3A_2717 = vector.broadcast %add3A_2716 : i32 to vector<16xi32>
    %add3A_2718 = arith.addi %iota3A, %add3A_2717 : vector<16xi32>
    tpu.vector_store_idx %arg7[%sub3A_2708, %add3A_2718], %broadcast_in_dim3A_5 masked %and3A_2715 : memref<256x128xf32, #tpu.memory_space<vmem>>[vector<16xi32>, vector<16xi32>], vector<16xf32>, vector<16xi1>
    %get3A_2719 = arith.constant 352 : index
    %get3A_2720 = tpu.vector_load %arg4[%get3A_2719] {strides = array<i32>} : memref<512xi32, #tpu.memory_space<vmem>>, vector<16xi32>,
    %sub3A_2721 = arith.constant 768 : i32
    %sub3A_2722 = vector.broadcast %sub3A_2721 : i32 to vector<16xi32>
    %sub3A_2723 = arith.subi %get3A_2720, %sub3A_2722 : vector<16xi32>
    %ge3A_2724 = arith.constant 0 : i32
    %ge3A_2725 = vector.broadcast %ge3A_2724 : i32 to vector<16xi32>
    %ge3A_2726 = arith.cmpi sge, %sub3A_2723, %ge3A_2725 : vector<16xi32>
    %lt3A_2727 = arith.constant 232 : i32
    %lt3A_2728 = vector.broadcast %lt3A_2727 : i32 to vector<16xi32>
    %lt3A_2729 = arith.cmpi slt, %sub3A_2723, %lt3A_2728 : vector<16xi32>
    %and3A_2730 = arith.andi %ge3A_2726, %lt3A_2729 : vector<16xi1>
    %add3A_2731 = arith.constant 96 : i32
    %add3A_2732 = vector.broadcast %add3A_2731 : i32 to vector<16xi32>
    %add3A_2733 = arith.addi %iota3A, %add3A_2732 : vector<16xi32>
    tpu.vector_store_idx %arg7[%sub3A_2723, %add3A_2733], %broadcast_in_dim3A_5 masked %and3A_2730 : memref<256x128xf32, #tpu.memory_space<vmem>>[vector<16xi32>, vector<16xi32>], vector<16xf32>, vector<16xi1>
    %get3A_2734 = arith.constant 368 : index
    %get3A_2735 = tpu.vector_load %arg4[%get3A_2734] {strides = array<i32>} : memref<512xi32, #tpu.memory_space<vmem>>, vector<16xi32>,
    %sub3A_2736 = arith.constant 768 : i32
    %sub3A_2737 = vector.broadcast %sub3A_2736 : i32 to vector<16xi32>
    %sub3A_2738 = arith.subi %get3A_2735, %sub3A_2737 : vector<16xi32>
    %ge3A_2739 = arith.constant 0 : i32
    %ge3A_2740 = vector.broadcast %ge3A_2739 : i32 to vector<16xi32>
    %ge3A_2741 = arith.cmpi sge, %sub3A_2738, %ge3A_2740 : vector<16xi32>
    %lt3A_2742 = arith.constant 232 : i32
    %lt3A_2743 = vector.broadcast %lt3A_2742 : i32 to vector<16xi32>
    %lt3A_2744 = arith.cmpi slt, %sub3A_2738, %lt3A_2743 : vector<16xi32>
    %and3A_2745 = arith.andi %ge3A_2741, %lt3A_2744 : vector<16xi1>
    %add3A_2746 = arith.constant 112 : i32
    %add3A_2747 = vector.broadcast %add3A_2746 : i32 to vector<16xi32>
    %add3A_2748 = arith.addi %iota3A, %add3A_2747 : vector<16xi32>
    tpu.vector_store_idx %arg7[%sub3A_2738, %add3A_2748], %broadcast_in_dim3A_5 masked %and3A_2745 : memref<256x128xf32, #tpu.memory_space<vmem>>[vector<16xi32>, vector<16xi32>], vector<16xf32>, vector<16xi1>
    %add3A_2749 = arith.constant 256 : i32
    %add3A_2750 = arith.addi %mul3A_2, %add3A_2749 : i32
    %dma_start3A_2751 = arith.constant 0 : i32
    %dma_start3A_2752 = arith.constant 0 : i32
    %dma_start3A_2753 = tpu.memref_slice %arg7[%dma_start3A_2751, %dma_start3A_2752] : memref<256x128xf32, #tpu.memory_space<vmem>> -> memref<232x128xf32, #tpu.memory_space<vmem>>
    %dma_start3A_2754 = arith.constant 768 : i32
    %dma_start3A_2755 = tpu.memref_slice %arg3[%dma_start3A_2754, %add3A_2750] : memref<1000x16384xf32, #tpu.memory_space<hbm>> -> memref<232x128xf32, #tpu.memory_space<hbm>>
    %dma_start3A_2756 = arith.constant 768 : i32
    %dma_start3A_2757 = tpu.memref_slice %arg3[%dma_start3A_2756, %add3A_2750] : memref<1000x16384xf32, #tpu.memory_space<hbm>> -> memref<232x128xf32, #tpu.memory_space<hbm>>
    %dma_start3A_2758 = arith.constant 0 : i32
    %dma_start3A_2759 = arith.constant 0 : i32
    %dma_start3A_2760 = tpu.memref_slice %arg7[%dma_start3A_2758, %dma_start3A_2759] : memref<256x128xf32, #tpu.memory_space<vmem>> -> memref<232x128xf32, #tpu.memory_space<vmem>>
    tpu.enqueue_dma source(%dma_start3A_2760 : memref<232x128xf32, #tpu.memory_space<vmem>>) target(%dma_start3A_2757 : memref<232x128xf32, #tpu.memory_space<hbm>>) target_semaphore(%arg10 : memref<!tpu.dma_semaphore, #tpu.memory_space<semaphore_mem>>)
    %dma_wait3A_2761 = arith.constant 0 : i32
    %dma_wait3A_2762 = arith.constant 0 : i32
    %dma_wait3A_2763 = tpu.memref_slice %arg5[%dma_wait3A_2761, %dma_wait3A_2762] : memref<256x128xf32, #tpu.memory_space<vmem>> -> memref<256x128xf32, #tpu.memory_space<vmem>>
    %dma_wait3A_2764 = arith.constant 256 : i32
    %dma_wait3A_2765 = tpu.memref_slice %arg3[%dma_wait3A_2764, %add3A_2226] : memref<1000x16384xf32, #tpu.memory_space<hbm>> -> memref<256x128xf32, #tpu.memory_space<hbm>>
    %dma_wait3A_2766 = arith.constant 256 : i32
    %dma_wait3A_2767 = tpu.memref_slice %arg3[%dma_wait3A_2766, %add3A_2226] : memref<1000x16384xf32, #tpu.memory_space<hbm>> -> memref<256x128xf32, #tpu.memory_space<hbm>>
    %dma_wait3A_2768 = arith.constant 0 : i32
    %dma_wait3A_2769 = arith.constant 0 : i32
    %dma_wait3A_2770 = tpu.memref_slice %arg5[%dma_wait3A_2768, %dma_wait3A_2769] : memref<256x128xf32, #tpu.memory_space<vmem>> -> memref<256x128xf32, #tpu.memory_space<vmem>>
    tpu.wait_dma2 semaphore(%arg8 : memref<!tpu.dma_semaphore, #tpu.memory_space<semaphore_mem>>) src(%dma_wait3A_2770 : memref<256x128xf32, #tpu.memory_space<vmem>>) dst(%dma_wait3A_2767 : memref<256x128xf32, #tpu.memory_space<hbm>>)
    %get3A_2771 = arith.constant 256 : index
    %get3A_2772 = tpu.vector_load %arg4[%get3A_2771] {strides = array<i32>} : memref<512xi32, #tpu.memory_space<vmem>>, vector<16xi32>,
    %sub3A_2773 = arith.constant 256 : i32
    %sub3A_2774 = vector.broadcast %sub3A_2773 : i32 to vector<16xi32>
    %sub3A_2775 = arith.subi %get3A_2772, %sub3A_2774 : vector<16xi32>
    %ge3A_2776 = arith.constant 0 : i32
    %ge3A_2777 = vector.broadcast %ge3A_2776 : i32 to vector<16xi32>
    %ge3A_2778 = arith.cmpi sge, %sub3A_2775, %ge3A_2777 : vector<16xi32>
    %lt3A_2779 = arith.constant 256 : i32
    %lt3A_2780 = vector.broadcast %lt3A_2779 : i32 to vector<16xi32>
    %lt3A_2781 = arith.cmpi slt, %sub3A_2775, %lt3A_2780 : vector<16xi32>
    %and3A_2782 = arith.andi %ge3A_2778, %lt3A_2781 : vector<16xi1>
    %add3A_2783 = arith.constant 0 : i32
    %add3A_2784 = vector.broadcast %add3A_2783 : i32 to vector<16xi32>
    %add3A_2785 = arith.addi %iota3A, %add3A_2784 : vector<16xi32>
    tpu.vector_store_idx %arg5[%sub3A_2775, %add3A_2785], %broadcast_in_dim3A_3 masked %and3A_2782 : memref<256x128xf32, #tpu.memory_space<vmem>>[vector<16xi32>, vector<16xi32>], vector<16xf32>, vector<16xi1>
    %get3A_2786 = arith.constant 272 : index
    %get3A_2787 = tpu.vector_load %arg4[%get3A_2786] {strides = array<i32>} : memref<512xi32, #tpu.memory_space<vmem>>, vector<16xi32>,
    %sub3A_2788 = arith.constant 256 : i32
    %sub3A_2789 = vector.broadcast %sub3A_2788 : i32 to vector<16xi32>
    %sub3A_2790 = arith.subi %get3A_2787, %sub3A_2789 : vector<16xi32>
    %ge3A_2791 = arith.constant 0 : i32
    %ge3A_2792 = vector.broadcast %ge3A_2791 : i32 to vector<16xi32>
    %ge3A_2793 = arith.cmpi sge, %sub3A_2790, %ge3A_2792 : vector<16xi32>
    %lt3A_2794 = arith.constant 256 : i32
    %lt3A_2795 = vector.broadcast %lt3A_2794 : i32 to vector<16xi32>
    %lt3A_2796 = arith.cmpi slt, %sub3A_2790, %lt3A_2795 : vector<16xi32>
    %and3A_2797 = arith.andi %ge3A_2793, %lt3A_2796 : vector<16xi1>
    %add3A_2798 = arith.constant 16 : i32
    %add3A_2799 = vector.broadcast %add3A_2798 : i32 to vector<16xi32>
    %add3A_2800 = arith.addi %iota3A, %add3A_2799 : vector<16xi32>
    tpu.vector_store_idx %arg5[%sub3A_2790, %add3A_2800], %broadcast_in_dim3A_3 masked %and3A_2797 : memref<256x128xf32, #tpu.memory_space<vmem>>[vector<16xi32>, vector<16xi32>], vector<16xf32>, vector<16xi1>
    %get3A_2801 = arith.constant 288 : index
    %get3A_2802 = tpu.vector_load %arg4[%get3A_2801] {strides = array<i32>} : memref<512xi32, #tpu.memory_space<vmem>>, vector<16xi32>,
    %sub3A_2803 = arith.constant 256 : i32
    %sub3A_2804 = vector.broadcast %sub3A_2803 : i32 to vector<16xi32>
    %sub3A_2805 = arith.subi %get3A_2802, %sub3A_2804 : vector<16xi32>
    %ge3A_2806 = arith.constant 0 : i32
    %ge3A_2807 = vector.broadcast %ge3A_2806 : i32 to vector<16xi32>
    %ge3A_2808 = arith.cmpi sge, %sub3A_2805, %ge3A_2807 : vector<16xi32>
    %lt3A_2809 = arith.constant 256 : i32
    %lt3A_2810 = vector.broadcast %lt3A_2809 : i32 to vector<16xi32>
    %lt3A_2811 = arith.cmpi slt, %sub3A_2805, %lt3A_2810 : vector<16xi32>
    %and3A_2812 = arith.andi %ge3A_2808, %lt3A_2811 : vector<16xi1>
    %add3A_2813 = arith.constant 32 : i32
    %add3A_2814 = vector.broadcast %add3A_2813 : i32 to vector<16xi32>
    %add3A_2815 = arith.addi %iota3A, %add3A_2814 : vector<16xi32>
    tpu.vector_store_idx %arg5[%sub3A_2805, %add3A_2815], %broadcast_in_dim3A_3 masked %and3A_2812 : memref<256x128xf32, #tpu.memory_space<vmem>>[vector<16xi32>, vector<16xi32>], vector<16xf32>, vector<16xi1>
    %get3A_2816 = arith.constant 304 : index
    %get3A_2817 = tpu.vector_load %arg4[%get3A_2816] {strides = array<i32>} : memref<512xi32, #tpu.memory_space<vmem>>, vector<16xi32>,
    %sub3A_2818 = arith.constant 256 : i32
    %sub3A_2819 = vector.broadcast %sub3A_2818 : i32 to vector<16xi32>
    %sub3A_2820 = arith.subi %get3A_2817, %sub3A_2819 : vector<16xi32>
    %ge3A_2821 = arith.constant 0 : i32
    %ge3A_2822 = vector.broadcast %ge3A_2821 : i32 to vector<16xi32>
    %ge3A_2823 = arith.cmpi sge, %sub3A_2820, %ge3A_2822 : vector<16xi32>
    %lt3A_2824 = arith.constant 256 : i32
    %lt3A_2825 = vector.broadcast %lt3A_2824 : i32 to vector<16xi32>
    %lt3A_2826 = arith.cmpi slt, %sub3A_2820, %lt3A_2825 : vector<16xi32>
    %and3A_2827 = arith.andi %ge3A_2823, %lt3A_2826 : vector<16xi1>
    %add3A_2828 = arith.constant 48 : i32
    %add3A_2829 = vector.broadcast %add3A_2828 : i32 to vector<16xi32>
    %add3A_2830 = arith.addi %iota3A, %add3A_2829 : vector<16xi32>
    tpu.vector_store_idx %arg5[%sub3A_2820, %add3A_2830], %broadcast_in_dim3A_3 masked %and3A_2827 : memref<256x128xf32, #tpu.memory_space<vmem>>[vector<16xi32>, vector<16xi32>], vector<16xf32>, vector<16xi1>
    %get3A_2831 = arith.constant 320 : index
    %get3A_2832 = tpu.vector_load %arg4[%get3A_2831] {strides = array<i32>} : memref<512xi32, #tpu.memory_space<vmem>>, vector<16xi32>,
    %sub3A_2833 = arith.constant 256 : i32
    %sub3A_2834 = vector.broadcast %sub3A_2833 : i32 to vector<16xi32>
    %sub3A_2835 = arith.subi %get3A_2832, %sub3A_2834 : vector<16xi32>
    %ge3A_2836 = arith.constant 0 : i32
    %ge3A_2837 = vector.broadcast %ge3A_2836 : i32 to vector<16xi32>
    %ge3A_2838 = arith.cmpi sge, %sub3A_2835, %ge3A_2837 : vector<16xi32>
    %lt3A_2839 = arith.constant 256 : i32
    %lt3A_2840 = vector.broadcast %lt3A_2839 : i32 to vector<16xi32>
    %lt3A_2841 = arith.cmpi slt, %sub3A_2835, %lt3A_2840 : vector<16xi32>
    %and3A_2842 = arith.andi %ge3A_2838, %lt3A_2841 : vector<16xi1>
    %add3A_2843 = arith.constant 64 : i32
    %add3A_2844 = vector.broadcast %add3A_2843 : i32 to vector<16xi32>
    %add3A_2845 = arith.addi %iota3A, %add3A_2844 : vector<16xi32>
    tpu.vector_store_idx %arg5[%sub3A_2835, %add3A_2845], %broadcast_in_dim3A_3 masked %and3A_2842 : memref<256x128xf32, #tpu.memory_space<vmem>>[vector<16xi32>, vector<16xi32>], vector<16xf32>, vector<16xi1>
    %get3A_2846 = arith.constant 336 : index
    %get3A_2847 = tpu.vector_load %arg4[%get3A_2846] {strides = array<i32>} : memref<512xi32, #tpu.memory_space<vmem>>, vector<16xi32>,
    %sub3A_2848 = arith.constant 256 : i32
    %sub3A_2849 = vector.broadcast %sub3A_2848 : i32 to vector<16xi32>
    %sub3A_2850 = arith.subi %get3A_2847, %sub3A_2849 : vector<16xi32>
    %ge3A_2851 = arith.constant 0 : i32
    %ge3A_2852 = vector.broadcast %ge3A_2851 : i32 to vector<16xi32>
    %ge3A_2853 = arith.cmpi sge, %sub3A_2850, %ge3A_2852 : vector<16xi32>
    %lt3A_2854 = arith.constant 256 : i32
    %lt3A_2855 = vector.broadcast %lt3A_2854 : i32 to vector<16xi32>
    %lt3A_2856 = arith.cmpi slt, %sub3A_2850, %lt3A_2855 : vector<16xi32>
    %and3A_2857 = arith.andi %ge3A_2853, %lt3A_2856 : vector<16xi1>
    %add3A_2858 = arith.constant 80 : i32
    %add3A_2859 = vector.broadcast %add3A_2858 : i32 to vector<16xi32>
    %add3A_2860 = arith.addi %iota3A, %add3A_2859 : vector<16xi32>
    tpu.vector_store_idx %arg5[%sub3A_2850, %add3A_2860], %broadcast_in_dim3A_3 masked %and3A_2857 : memref<256x128xf32, #tpu.memory_space<vmem>>[vector<16xi32>, vector<16xi32>], vector<16xf32>, vector<16xi1>
    %get3A_2861 = arith.constant 352 : index
    %get3A_2862 = tpu.vector_load %arg4[%get3A_2861] {strides = array<i32>} : memref<512xi32, #tpu.memory_space<vmem>>, vector<16xi32>,
    %sub3A_2863 = arith.constant 256 : i32
    %sub3A_2864 = vector.broadcast %sub3A_2863 : i32 to vector<16xi32>
    %sub3A_2865 = arith.subi %get3A_2862, %sub3A_2864 : vector<16xi32>
    %ge3A_2866 = arith.constant 0 : i32
    %ge3A_2867 = vector.broadcast %ge3A_2866 : i32 to vector<16xi32>
    %ge3A_2868 = arith.cmpi sge, %sub3A_2865, %ge3A_2867 : vector<16xi32>
    %lt3A_2869 = arith.constant 256 : i32
    %lt3A_2870 = vector.broadcast %lt3A_2869 : i32 to vector<16xi32>
    %lt3A_2871 = arith.cmpi slt, %sub3A_2865, %lt3A_2870 : vector<16xi32>
    %and3A_2872 = arith.andi %ge3A_2868, %lt3A_2871 : vector<16xi1>
    %add3A_2873 = arith.constant 96 : i32
    %add3A_2874 = vector.broadcast %add3A_2873 : i32 to vector<16xi32>
    %add3A_2875 = arith.addi %iota3A, %add3A_2874 : vector<16xi32>
    tpu.vector_store_idx %arg5[%sub3A_2865, %add3A_2875], %broadcast_in_dim3A_3 masked %and3A_2872 : memref<256x128xf32, #tpu.memory_space<vmem>>[vector<16xi32>, vector<16xi32>], vector<16xf32>, vector<16xi1>
    %get3A_2876 = arith.constant 368 : index
    %get3A_2877 = tpu.vector_load %arg4[%get3A_2876] {strides = array<i32>} : memref<512xi32, #tpu.memory_space<vmem>>, vector<16xi32>,
    %sub3A_2878 = arith.constant 256 : i32
    %sub3A_2879 = vector.broadcast %sub3A_2878 : i32 to vector<16xi32>
    %sub3A_2880 = arith.subi %get3A_2877, %sub3A_2879 : vector<16xi32>
    %ge3A_2881 = arith.constant 0 : i32
    %ge3A_2882 = vector.broadcast %ge3A_2881 : i32 to vector<16xi32>
    %ge3A_2883 = arith.cmpi sge, %sub3A_2880, %ge3A_2882 : vector<16xi32>
    %lt3A_2884 = arith.constant 256 : i32
    %lt3A_2885 = vector.broadcast %lt3A_2884 : i32 to vector<16xi32>
    %lt3A_2886 = arith.cmpi slt, %sub3A_2880, %lt3A_2885 : vector<16xi32>
    %and3A_2887 = arith.andi %ge3A_2883, %lt3A_2886 : vector<16xi1>
    %add3A_2888 = arith.constant 112 : i32
    %add3A_2889 = vector.broadcast %add3A_2888 : i32 to vector<16xi32>
    %add3A_2890 = arith.addi %iota3A, %add3A_2889 : vector<16xi32>
    tpu.vector_store_idx %arg5[%sub3A_2880, %add3A_2890], %broadcast_in_dim3A_3 masked %and3A_2887 : memref<256x128xf32, #tpu.memory_space<vmem>>[vector<16xi32>, vector<16xi32>], vector<16xf32>, vector<16xi1>
    %get3A_2891 = arith.constant 384 : index
    %get3A_2892 = tpu.vector_load %arg4[%get3A_2891] {strides = array<i32>} : memref<512xi32, #tpu.memory_space<vmem>>, vector<16xi32>,
    %sub3A_2893 = arith.constant 0 : i32
    %sub3A_2894 = vector.broadcast %sub3A_2893 : i32 to vector<16xi32>
    %sub3A_2895 = arith.subi %get3A_2892, %sub3A_2894 : vector<16xi32>
    %ge3A_2896 = arith.constant 0 : i32
    %ge3A_2897 = vector.broadcast %ge3A_2896 : i32 to vector<16xi32>
    %ge3A_2898 = arith.cmpi sge, %sub3A_2895, %ge3A_2897 : vector<16xi32>
    %lt3A_2899 = arith.constant 256 : i32
    %lt3A_2900 = vector.broadcast %lt3A_2899 : i32 to vector<16xi32>
    %lt3A_2901 = arith.cmpi slt, %sub3A_2895, %lt3A_2900 : vector<16xi32>
    %and3A_2902 = arith.andi %ge3A_2898, %lt3A_2901 : vector<16xi1>
    %add3A_2903 = arith.constant 0 : i32
    %add3A_2904 = vector.broadcast %add3A_2903 : i32 to vector<16xi32>
    %add3A_2905 = arith.addi %iota3A, %add3A_2904 : vector<16xi32>
    tpu.vector_store_idx %arg5[%sub3A_2895, %add3A_2905], %broadcast_in_dim3A_5 masked %and3A_2902 : memref<256x128xf32, #tpu.memory_space<vmem>>[vector<16xi32>, vector<16xi32>], vector<16xf32>, vector<16xi1>
    %get3A_2906 = arith.constant 400 : index
    %get3A_2907 = tpu.vector_load %arg4[%get3A_2906] {strides = array<i32>} : memref<512xi32, #tpu.memory_space<vmem>>, vector<16xi32>,
    %sub3A_2908 = arith.constant 0 : i32
    %sub3A_2909 = vector.broadcast %sub3A_2908 : i32 to vector<16xi32>
    %sub3A_2910 = arith.subi %get3A_2907, %sub3A_2909 : vector<16xi32>
    %ge3A_2911 = arith.constant 0 : i32
    %ge3A_2912 = vector.broadcast %ge3A_2911 : i32 to vector<16xi32>
    %ge3A_2913 = arith.cmpi sge, %sub3A_2910, %ge3A_2912 : vector<16xi32>
    %lt3A_2914 = arith.constant 256 : i32
    %lt3A_2915 = vector.broadcast %lt3A_2914 : i32 to vector<16xi32>
    %lt3A_2916 = arith.cmpi slt, %sub3A_2910, %lt3A_2915 : vector<16xi32>
    %and3A_2917 = arith.andi %ge3A_2913, %lt3A_2916 : vector<16xi1>
    %add3A_2918 = arith.constant 16 : i32
    %add3A_2919 = vector.broadcast %add3A_2918 : i32 to vector<16xi32>
    %add3A_2920 = arith.addi %iota3A, %add3A_2919 : vector<16xi32>
    tpu.vector_store_idx %arg5[%sub3A_2910, %add3A_2920], %broadcast_in_dim3A_5 masked %and3A_2917 : memref<256x128xf32, #tpu.memory_space<vmem>>[vector<16xi32>, vector<16xi32>], vector<16xf32>, vector<16xi1>
    %get3A_2921 = arith.constant 416 : index
    %get3A_2922 = tpu.vector_load %arg4[%get3A_2921] {strides = array<i32>} : memref<512xi32, #tpu.memory_space<vmem>>, vector<16xi32>,
    %sub3A_2923 = arith.constant 0 : i32
    %sub3A_2924 = vector.broadcast %sub3A_2923 : i32 to vector<16xi32>
    %sub3A_2925 = arith.subi %get3A_2922, %sub3A_2924 : vector<16xi32>
    %ge3A_2926 = arith.constant 0 : i32
    %ge3A_2927 = vector.broadcast %ge3A_2926 : i32 to vector<16xi32>
    %ge3A_2928 = arith.cmpi sge, %sub3A_2925, %ge3A_2927 : vector<16xi32>
    %lt3A_2929 = arith.constant 256 : i32
    %lt3A_2930 = vector.broadcast %lt3A_2929 : i32 to vector<16xi32>
    %lt3A_2931 = arith.cmpi slt, %sub3A_2925, %lt3A_2930 : vector<16xi32>
    %and3A_2932 = arith.andi %ge3A_2928, %lt3A_2931 : vector<16xi1>
    %add3A_2933 = arith.constant 32 : i32
    %add3A_2934 = vector.broadcast %add3A_2933 : i32 to vector<16xi32>
    %add3A_2935 = arith.addi %iota3A, %add3A_2934 : vector<16xi32>
    tpu.vector_store_idx %arg5[%sub3A_2925, %add3A_2935], %broadcast_in_dim3A_5 masked %and3A_2932 : memref<256x128xf32, #tpu.memory_space<vmem>>[vector<16xi32>, vector<16xi32>], vector<16xf32>, vector<16xi1>
    %get3A_2936 = arith.constant 432 : index
    %get3A_2937 = tpu.vector_load %arg4[%get3A_2936] {strides = array<i32>} : memref<512xi32, #tpu.memory_space<vmem>>, vector<16xi32>,
    %sub3A_2938 = arith.constant 0 : i32
    %sub3A_2939 = vector.broadcast %sub3A_2938 : i32 to vector<16xi32>
    %sub3A_2940 = arith.subi %get3A_2937, %sub3A_2939 : vector<16xi32>
    %ge3A_2941 = arith.constant 0 : i32
    %ge3A_2942 = vector.broadcast %ge3A_2941 : i32 to vector<16xi32>
    %ge3A_2943 = arith.cmpi sge, %sub3A_2940, %ge3A_2942 : vector<16xi32>
    %lt3A_2944 = arith.constant 256 : i32
    %lt3A_2945 = vector.broadcast %lt3A_2944 : i32 to vector<16xi32>
    %lt3A_2946 = arith.cmpi slt, %sub3A_2940, %lt3A_2945 : vector<16xi32>
    %and3A_2947 = arith.andi %ge3A_2943, %lt3A_2946 : vector<16xi1>
    %add3A_2948 = arith.constant 48 : i32
    %add3A_2949 = vector.broadcast %add3A_2948 : i32 to vector<16xi32>
    %add3A_2950 = arith.addi %iota3A, %add3A_2949 : vector<16xi32>
    tpu.vector_store_idx %arg5[%sub3A_2940, %add3A_2950], %broadcast_in_dim3A_5 masked %and3A_2947 : memref<256x128xf32, #tpu.memory_space<vmem>>[vector<16xi32>, vector<16xi32>], vector<16xf32>, vector<16xi1>
    %get3A_2951 = arith.constant 448 : index
    %get3A_2952 = tpu.vector_load %arg4[%get3A_2951] {strides = array<i32>} : memref<512xi32, #tpu.memory_space<vmem>>, vector<16xi32>,
    %sub3A_2953 = arith.constant 0 : i32
    %sub3A_2954 = vector.broadcast %sub3A_2953 : i32 to vector<16xi32>
    %sub3A_2955 = arith.subi %get3A_2952, %sub3A_2954 : vector<16xi32>
    %ge3A_2956 = arith.constant 0 : i32
    %ge3A_2957 = vector.broadcast %ge3A_2956 : i32 to vector<16xi32>
    %ge3A_2958 = arith.cmpi sge, %sub3A_2955, %ge3A_2957 : vector<16xi32>
    %lt3A_2959 = arith.constant 256 : i32
    %lt3A_2960 = vector.broadcast %lt3A_2959 : i32 to vector<16xi32>
    %lt3A_2961 = arith.cmpi slt, %sub3A_2955, %lt3A_2960 : vector<16xi32>
    %and3A_2962 = arith.andi %ge3A_2958, %lt3A_2961 : vector<16xi1>
    %add3A_2963 = arith.constant 64 : i32
    %add3A_2964 = vector.broadcast %add3A_2963 : i32 to vector<16xi32>
    %add3A_2965 = arith.addi %iota3A, %add3A_2964 : vector<16xi32>
    tpu.vector_store_idx %arg5[%sub3A_2955, %add3A_2965], %broadcast_in_dim3A_5 masked %and3A_2962 : memref<256x128xf32, #tpu.memory_space<vmem>>[vector<16xi32>, vector<16xi32>], vector<16xf32>, vector<16xi1>
    %get3A_2966 = arith.constant 464 : index
    %get3A_2967 = tpu.vector_load %arg4[%get3A_2966] {strides = array<i32>} : memref<512xi32, #tpu.memory_space<vmem>>, vector<16xi32>,
    %sub3A_2968 = arith.constant 0 : i32
    %sub3A_2969 = vector.broadcast %sub3A_2968 : i32 to vector<16xi32>
    %sub3A_2970 = arith.subi %get3A_2967, %sub3A_2969 : vector<16xi32>
    %ge3A_2971 = arith.constant 0 : i32
    %ge3A_2972 = vector.broadcast %ge3A_2971 : i32 to vector<16xi32>
    %ge3A_2973 = arith.cmpi sge, %sub3A_2970, %ge3A_2972 : vector<16xi32>
    %lt3A_2974 = arith.constant 256 : i32
    %lt3A_2975 = vector.broadcast %lt3A_2974 : i32 to vector<16xi32>
    %lt3A_2976 = arith.cmpi slt, %sub3A_2970, %lt3A_2975 : vector<16xi32>
    %and3A_2977 = arith.andi %ge3A_2973, %lt3A_2976 : vector<16xi1>
    %add3A_2978 = arith.constant 80 : i32
    %add3A_2979 = vector.broadcast %add3A_2978 : i32 to vector<16xi32>
    %add3A_2980 = arith.addi %iota3A, %add3A_2979 : vector<16xi32>
    tpu.vector_store_idx %arg5[%sub3A_2970, %add3A_2980], %broadcast_in_dim3A_5 masked %and3A_2977 : memref<256x128xf32, #tpu.memory_space<vmem>>[vector<16xi32>, vector<16xi32>], vector<16xf32>, vector<16xi1>
    %get3A_2981 = arith.constant 480 : index
    %get3A_2982 = tpu.vector_load %arg4[%get3A_2981] {strides = array<i32>} : memref<512xi32, #tpu.memory_space<vmem>>, vector<16xi32>,
    %sub3A_2983 = arith.constant 0 : i32
    %sub3A_2984 = vector.broadcast %sub3A_2983 : i32 to vector<16xi32>
    %sub3A_2985 = arith.subi %get3A_2982, %sub3A_2984 : vector<16xi32>
    %ge3A_2986 = arith.constant 0 : i32
    %ge3A_2987 = vector.broadcast %ge3A_2986 : i32 to vector<16xi32>
    %ge3A_2988 = arith.cmpi sge, %sub3A_2985, %ge3A_2987 : vector<16xi32>
    %lt3A_2989 = arith.constant 256 : i32
    %lt3A_2990 = vector.broadcast %lt3A_2989 : i32 to vector<16xi32>
    %lt3A_2991 = arith.cmpi slt, %sub3A_2985, %lt3A_2990 : vector<16xi32>
    %and3A_2992 = arith.andi %ge3A_2988, %lt3A_2991 : vector<16xi1>
    %add3A_2993 = arith.constant 96 : i32
    %add3A_2994 = vector.broadcast %add3A_2993 : i32 to vector<16xi32>
    %add3A_2995 = arith.addi %iota3A, %add3A_2994 : vector<16xi32>
    tpu.vector_store_idx %arg5[%sub3A_2985, %add3A_2995], %broadcast_in_dim3A_5 masked %and3A_2992 : memref<256x128xf32, #tpu.memory_space<vmem>>[vector<16xi32>, vector<16xi32>], vector<16xf32>, vector<16xi1>
    %get3A_2996 = arith.constant 496 : index
    %get3A_2997 = tpu.vector_load %arg4[%get3A_2996] {strides = array<i32>} : memref<512xi32, #tpu.memory_space<vmem>>, vector<16xi32>,
    %sub3A_2998 = arith.constant 0 : i32
    %sub3A_2999 = vector.broadcast %sub3A_2998 : i32 to vector<16xi32>
    %sub3A_3000 = arith.subi %get3A_2997, %sub3A_2999 : vector<16xi32>
    %ge3A_3001 = arith.constant 0 : i32
    %ge3A_3002 = vector.broadcast %ge3A_3001 : i32 to vector<16xi32>
    %ge3A_3003 = arith.cmpi sge, %sub3A_3000, %ge3A_3002 : vector<16xi32>
    %lt3A_3004 = arith.constant 256 : i32
    %lt3A_3005 = vector.broadcast %lt3A_3004 : i32 to vector<16xi32>
    %lt3A_3006 = arith.cmpi slt, %sub3A_3000, %lt3A_3005 : vector<16xi32>
    %and3A_3007 = arith.andi %ge3A_3003, %lt3A_3006 : vector<16xi1>
    %add3A_3008 = arith.constant 112 : i32
    %add3A_3009 = vector.broadcast %add3A_3008 : i32 to vector<16xi32>
    %add3A_3010 = arith.addi %iota3A, %add3A_3009 : vector<16xi32>
    tpu.vector_store_idx %arg5[%sub3A_3000, %add3A_3010], %broadcast_in_dim3A_5 masked %and3A_3007 : memref<256x128xf32, #tpu.memory_space<vmem>>[vector<16xi32>, vector<16xi32>], vector<16xf32>, vector<16xi1>
    %add3A_3011 = arith.constant 384 : i32
    %add3A_3012 = arith.addi %mul3A_2, %add3A_3011 : i32
    %dma_start3A_3013 = arith.constant 0 : i32
    %dma_start3A_3014 = arith.constant 0 : i32
    %dma_start3A_3015 = tpu.memref_slice %arg5[%dma_start3A_3013, %dma_start3A_3014] : memref<256x128xf32, #tpu.memory_space<vmem>> -> memref<256x128xf32, #tpu.memory_space<vmem>>
    %dma_start3A_3016 = arith.constant 0 : i32
    %dma_start3A_3017 = tpu.memref_slice %arg3[%dma_start3A_3016, %add3A_3012] : memref<1000x16384xf32, #tpu.memory_space<hbm>> -> memref<256x128xf32, #tpu.memory_space<hbm>>
    %dma_start3A_3018 = arith.constant 0 : i32
    %dma_start3A_3019 = tpu.memref_slice %arg3[%dma_start3A_3018, %add3A_3012] : memref<1000x16384xf32, #tpu.memory_space<hbm>> -> memref<256x128xf32, #tpu.memory_space<hbm>>
    %dma_start3A_3020 = arith.constant 0 : i32
    %dma_start3A_3021 = arith.constant 0 : i32
    %dma_start3A_3022 = tpu.memref_slice %arg5[%dma_start3A_3020, %dma_start3A_3021] : memref<256x128xf32, #tpu.memory_space<vmem>> -> memref<256x128xf32, #tpu.memory_space<vmem>>
    tpu.enqueue_dma source(%dma_start3A_3022 : memref<256x128xf32, #tpu.memory_space<vmem>>) target(%dma_start3A_3019 : memref<256x128xf32, #tpu.memory_space<hbm>>) target_semaphore(%arg8 : memref<!tpu.dma_semaphore, #tpu.memory_space<semaphore_mem>>)
    %dma_wait3A_3023 = arith.constant 0 : i32
    %dma_wait3A_3024 = arith.constant 0 : i32
    %dma_wait3A_3025 = tpu.memref_slice %arg6[%dma_wait3A_3023, %dma_wait3A_3024] : memref<256x128xf32, #tpu.memory_space<vmem>> -> memref<256x128xf32, #tpu.memory_space<vmem>>
    %dma_wait3A_3026 = arith.constant 512 : i32
    %dma_wait3A_3027 = tpu.memref_slice %arg3[%dma_wait3A_3026, %add3A_2488] : memref<1000x16384xf32, #tpu.memory_space<hbm>> -> memref<256x128xf32, #tpu.memory_space<hbm>>
    %dma_wait3A_3028 = arith.constant 512 : i32
    %dma_wait3A_3029 = tpu.memref_slice %arg3[%dma_wait3A_3028, %add3A_2488] : memref<1000x16384xf32, #tpu.memory_space<hbm>> -> memref<256x128xf32, #tpu.memory_space<hbm>>
    %dma_wait3A_3030 = arith.constant 0 : i32
    %dma_wait3A_3031 = arith.constant 0 : i32
    %dma_wait3A_3032 = tpu.memref_slice %arg6[%dma_wait3A_3030, %dma_wait3A_3031] : memref<256x128xf32, #tpu.memory_space<vmem>> -> memref<256x128xf32, #tpu.memory_space<vmem>>
    tpu.wait_dma2 semaphore(%arg9 : memref<!tpu.dma_semaphore, #tpu.memory_space<semaphore_mem>>) src(%dma_wait3A_3032 : memref<256x128xf32, #tpu.memory_space<vmem>>) dst(%dma_wait3A_3029 : memref<256x128xf32, #tpu.memory_space<hbm>>)
    %get3A_3033 = arith.constant 256 : index
    %get3A_3034 = tpu.vector_load %arg4[%get3A_3033] {strides = array<i32>} : memref<512xi32, #tpu.memory_space<vmem>>, vector<16xi32>,
    %sub3A_3035 = arith.constant 512 : i32
    %sub3A_3036 = vector.broadcast %sub3A_3035 : i32 to vector<16xi32>
    %sub3A_3037 = arith.subi %get3A_3034, %sub3A_3036 : vector<16xi32>
    %ge3A_3038 = arith.constant 0 : i32
    %ge3A_3039 = vector.broadcast %ge3A_3038 : i32 to vector<16xi32>
    %ge3A_3040 = arith.cmpi sge, %sub3A_3037, %ge3A_3039 : vector<16xi32>
    %lt3A_3041 = arith.constant 256 : i32
    %lt3A_3042 = vector.broadcast %lt3A_3041 : i32 to vector<16xi32>
    %lt3A_3043 = arith.cmpi slt, %sub3A_3037, %lt3A_3042 : vector<16xi32>
    %and3A_3044 = arith.andi %ge3A_3040, %lt3A_3043 : vector<16xi1>
    %add3A_3045 = arith.constant 0 : i32
    %add3A_3046 = vector.broadcast %add3A_3045 : i32 to vector<16xi32>
    %add3A_3047 = arith.addi %iota3A, %add3A_3046 : vector<16xi32>
    tpu.vector_store_idx %arg6[%sub3A_3037, %add3A_3047], %broadcast_in_dim3A_3 masked %and3A_3044 : memref<256x128xf32, #tpu.memory_space<vmem>>[vector<16xi32>, vector<16xi32>], vector<16xf32>, vector<16xi1>
    %get3A_3048 = arith.constant 272 : index
    %get3A_3049 = tpu.vector_load %arg4[%get3A_3048] {strides = array<i32>} : memref<512xi32, #tpu.memory_space<vmem>>, vector<16xi32>,
    %sub3A_3050 = arith.constant 512 : i32
    %sub3A_3051 = vector.broadcast %sub3A_3050 : i32 to vector<16xi32>
    %sub3A_3052 = arith.subi %get3A_3049, %sub3A_3051 : vector<16xi32>
    %ge3A_3053 = arith.constant 0 : i32
    %ge3A_3054 = vector.broadcast %ge3A_3053 : i32 to vector<16xi32>
    %ge3A_3055 = arith.cmpi sge, %sub3A_3052, %ge3A_3054 : vector<16xi32>
    %lt3A_3056 = arith.constant 256 : i32
    %lt3A_3057 = vector.broadcast %lt3A_3056 : i32 to vector<16xi32>
    %lt3A_3058 = arith.cmpi slt, %sub3A_3052, %lt3A_3057 : vector<16xi32>
    %and3A_3059 = arith.andi %ge3A_3055, %lt3A_3058 : vector<16xi1>
    %add3A_3060 = arith.constant 16 : i32
    %add3A_3061 = vector.broadcast %add3A_3060 : i32 to vector<16xi32>
    %add3A_3062 = arith.addi %iota3A, %add3A_3061 : vector<16xi32>
    tpu.vector_store_idx %arg6[%sub3A_3052, %add3A_3062], %broadcast_in_dim3A_3 masked %and3A_3059 : memref<256x128xf32, #tpu.memory_space<vmem>>[vector<16xi32>, vector<16xi32>], vector<16xf32>, vector<16xi1>
    %get3A_3063 = arith.constant 288 : index
    %get3A_3064 = tpu.vector_load %arg4[%get3A_3063] {strides = array<i32>} : memref<512xi32, #tpu.memory_space<vmem>>, vector<16xi32>,
    %sub3A_3065 = arith.constant 512 : i32
    %sub3A_3066 = vector.broadcast %sub3A_3065 : i32 to vector<16xi32>
    %sub3A_3067 = arith.subi %get3A_3064, %sub3A_3066 : vector<16xi32>
    %ge3A_3068 = arith.constant 0 : i32
    %ge3A_3069 = vector.broadcast %ge3A_3068 : i32 to vector<16xi32>
    %ge3A_3070 = arith.cmpi sge, %sub3A_3067, %ge3A_3069 : vector<16xi32>
    %lt3A_3071 = arith.constant 256 : i32
    %lt3A_3072 = vector.broadcast %lt3A_3071 : i32 to vector<16xi32>
    %lt3A_3073 = arith.cmpi slt, %sub3A_3067, %lt3A_3072 : vector<16xi32>
    %and3A_3074 = arith.andi %ge3A_3070, %lt3A_3073 : vector<16xi1>
    %add3A_3075 = arith.constant 32 : i32
    %add3A_3076 = vector.broadcast %add3A_3075 : i32 to vector<16xi32>
    %add3A_3077 = arith.addi %iota3A, %add3A_3076 : vector<16xi32>
    tpu.vector_store_idx %arg6[%sub3A_3067, %add3A_3077], %broadcast_in_dim3A_3 masked %and3A_3074 : memref<256x128xf32, #tpu.memory_space<vmem>>[vector<16xi32>, vector<16xi32>], vector<16xf32>, vector<16xi1>
    %get3A_3078 = arith.constant 304 : index
    %get3A_3079 = tpu.vector_load %arg4[%get3A_3078] {strides = array<i32>} : memref<512xi32, #tpu.memory_space<vmem>>, vector<16xi32>,
    %sub3A_3080 = arith.constant 512 : i32
    %sub3A_3081 = vector.broadcast %sub3A_3080 : i32 to vector<16xi32>
    %sub3A_3082 = arith.subi %get3A_3079, %sub3A_3081 : vector<16xi32>
    %ge3A_3083 = arith.constant 0 : i32
    %ge3A_3084 = vector.broadcast %ge3A_3083 : i32 to vector<16xi32>
    %ge3A_3085 = arith.cmpi sge, %sub3A_3082, %ge3A_3084 : vector<16xi32>
    %lt3A_3086 = arith.constant 256 : i32
    %lt3A_3087 = vector.broadcast %lt3A_3086 : i32 to vector<16xi32>
    %lt3A_3088 = arith.cmpi slt, %sub3A_3082, %lt3A_3087 : vector<16xi32>
    %and3A_3089 = arith.andi %ge3A_3085, %lt3A_3088 : vector<16xi1>
    %add3A_3090 = arith.constant 48 : i32
    %add3A_3091 = vector.broadcast %add3A_3090 : i32 to vector<16xi32>
    %add3A_3092 = arith.addi %iota3A, %add3A_3091 : vector<16xi32>
    tpu.vector_store_idx %arg6[%sub3A_3082, %add3A_3092], %broadcast_in_dim3A_3 masked %and3A_3089 : memref<256x128xf32, #tpu.memory_space<vmem>>[vector<16xi32>, vector<16xi32>], vector<16xf32>, vector<16xi1>
    %get3A_3093 = arith.constant 320 : index
    %get3A_3094 = tpu.vector_load %arg4[%get3A_3093] {strides = array<i32>} : memref<512xi32, #tpu.memory_space<vmem>>, vector<16xi32>,
    %sub3A_3095 = arith.constant 512 : i32
    %sub3A_3096 = vector.broadcast %sub3A_3095 : i32 to vector<16xi32>
    %sub3A_3097 = arith.subi %get3A_3094, %sub3A_3096 : vector<16xi32>
    %ge3A_3098 = arith.constant 0 : i32
    %ge3A_3099 = vector.broadcast %ge3A_3098 : i32 to vector<16xi32>
    %ge3A_3100 = arith.cmpi sge, %sub3A_3097, %ge3A_3099 : vector<16xi32>
    %lt3A_3101 = arith.constant 256 : i32
    %lt3A_3102 = vector.broadcast %lt3A_3101 : i32 to vector<16xi32>
    %lt3A_3103 = arith.cmpi slt, %sub3A_3097, %lt3A_3102 : vector<16xi32>
    %and3A_3104 = arith.andi %ge3A_3100, %lt3A_3103 : vector<16xi1>
    %add3A_3105 = arith.constant 64 : i32
    %add3A_3106 = vector.broadcast %add3A_3105 : i32 to vector<16xi32>
    %add3A_3107 = arith.addi %iota3A, %add3A_3106 : vector<16xi32>
    tpu.vector_store_idx %arg6[%sub3A_3097, %add3A_3107], %broadcast_in_dim3A_3 masked %and3A_3104 : memref<256x128xf32, #tpu.memory_space<vmem>>[vector<16xi32>, vector<16xi32>], vector<16xf32>, vector<16xi1>
    %get3A_3108 = arith.constant 336 : index
    %get3A_3109 = tpu.vector_load %arg4[%get3A_3108] {strides = array<i32>} : memref<512xi32, #tpu.memory_space<vmem>>, vector<16xi32>,
    %sub3A_3110 = arith.constant 512 : i32
    %sub3A_3111 = vector.broadcast %sub3A_3110 : i32 to vector<16xi32>
    %sub3A_3112 = arith.subi %get3A_3109, %sub3A_3111 : vector<16xi32>
    %ge3A_3113 = arith.constant 0 : i32
    %ge3A_3114 = vector.broadcast %ge3A_3113 : i32 to vector<16xi32>
    %ge3A_3115 = arith.cmpi sge, %sub3A_3112, %ge3A_3114 : vector<16xi32>
    %lt3A_3116 = arith.constant 256 : i32
    %lt3A_3117 = vector.broadcast %lt3A_3116 : i32 to vector<16xi32>
    %lt3A_3118 = arith.cmpi slt, %sub3A_3112, %lt3A_3117 : vector<16xi32>
    %and3A_3119 = arith.andi %ge3A_3115, %lt3A_3118 : vector<16xi1>
    %add3A_3120 = arith.constant 80 : i32
    %add3A_3121 = vector.broadcast %add3A_3120 : i32 to vector<16xi32>
    %add3A_3122 = arith.addi %iota3A, %add3A_3121 : vector<16xi32>
    tpu.vector_store_idx %arg6[%sub3A_3112, %add3A_3122], %broadcast_in_dim3A_3 masked %and3A_3119 : memref<256x128xf32, #tpu.memory_space<vmem>>[vector<16xi32>, vector<16xi32>], vector<16xf32>, vector<16xi1>
    %get3A_3123 = arith.constant 352 : index
    %get3A_3124 = tpu.vector_load %arg4[%get3A_3123] {strides = array<i32>} : memref<512xi32, #tpu.memory_space<vmem>>, vector<16xi32>,
    %sub3A_3125 = arith.constant 512 : i32
    %sub3A_3126 = vector.broadcast %sub3A_3125 : i32 to vector<16xi32>
    %sub3A_3127 = arith.subi %get3A_3124, %sub3A_3126 : vector<16xi32>
    %ge3A_3128 = arith.constant 0 : i32
    %ge3A_3129 = vector.broadcast %ge3A_3128 : i32 to vector<16xi32>
    %ge3A_3130 = arith.cmpi sge, %sub3A_3127, %ge3A_3129 : vector<16xi32>
    %lt3A_3131 = arith.constant 256 : i32
    %lt3A_3132 = vector.broadcast %lt3A_3131 : i32 to vector<16xi32>
    %lt3A_3133 = arith.cmpi slt, %sub3A_3127, %lt3A_3132 : vector<16xi32>
    %and3A_3134 = arith.andi %ge3A_3130, %lt3A_3133 : vector<16xi1>
    %add3A_3135 = arith.constant 96 : i32
    %add3A_3136 = vector.broadcast %add3A_3135 : i32 to vector<16xi32>
    %add3A_3137 = arith.addi %iota3A, %add3A_3136 : vector<16xi32>
    tpu.vector_store_idx %arg6[%sub3A_3127, %add3A_3137], %broadcast_in_dim3A_3 masked %and3A_3134 : memref<256x128xf32, #tpu.memory_space<vmem>>[vector<16xi32>, vector<16xi32>], vector<16xf32>, vector<16xi1>
    %get3A_3138 = arith.constant 368 : index
    %get3A_3139 = tpu.vector_load %arg4[%get3A_3138] {strides = array<i32>} : memref<512xi32, #tpu.memory_space<vmem>>, vector<16xi32>,
    %sub3A_3140 = arith.constant 512 : i32
    %sub3A_3141 = vector.broadcast %sub3A_3140 : i32 to vector<16xi32>
    %sub3A_3142 = arith.subi %get3A_3139, %sub3A_3141 : vector<16xi32>
    %ge3A_3143 = arith.constant 0 : i32
    %ge3A_3144 = vector.broadcast %ge3A_3143 : i32 to vector<16xi32>
    %ge3A_3145 = arith.cmpi sge, %sub3A_3142, %ge3A_3144 : vector<16xi32>
    %lt3A_3146 = arith.constant 256 : i32
    %lt3A_3147 = vector.broadcast %lt3A_3146 : i32 to vector<16xi32>
    %lt3A_3148 = arith.cmpi slt, %sub3A_3142, %lt3A_3147 : vector<16xi32>
    %and3A_3149 = arith.andi %ge3A_3145, %lt3A_3148 : vector<16xi1>
    %add3A_3150 = arith.constant 112 : i32
    %add3A_3151 = vector.broadcast %add3A_3150 : i32 to vector<16xi32>
    %add3A_3152 = arith.addi %iota3A, %add3A_3151 : vector<16xi32>
    tpu.vector_store_idx %arg6[%sub3A_3142, %add3A_3152], %broadcast_in_dim3A_3 masked %and3A_3149 : memref<256x128xf32, #tpu.memory_space<vmem>>[vector<16xi32>, vector<16xi32>], vector<16xf32>, vector<16xi1>
    %get3A_3153 = arith.constant 384 : index
    %get3A_3154 = tpu.vector_load %arg4[%get3A_3153] {strides = array<i32>} : memref<512xi32, #tpu.memory_space<vmem>>, vector<16xi32>,
    %sub3A_3155 = arith.constant 256 : i32
    %sub3A_3156 = vector.broadcast %sub3A_3155 : i32 to vector<16xi32>
    %sub3A_3157 = arith.subi %get3A_3154, %sub3A_3156 : vector<16xi32>
    %ge3A_3158 = arith.constant 0 : i32
    %ge3A_3159 = vector.broadcast %ge3A_3158 : i32 to vector<16xi32>
    %ge3A_3160 = arith.cmpi sge, %sub3A_3157, %ge3A_3159 : vector<16xi32>
    %lt3A_3161 = arith.constant 256 : i32
    %lt3A_3162 = vector.broadcast %lt3A_3161 : i32 to vector<16xi32>
    %lt3A_3163 = arith.cmpi slt, %sub3A_3157, %lt3A_3162 : vector<16xi32>
    %and3A_3164 = arith.andi %ge3A_3160, %lt3A_3163 : vector<16xi1>
    %add3A_3165 = arith.constant 0 : i32
    %add3A_3166 = vector.broadcast %add3A_3165 : i32 to vector<16xi32>
    %add3A_3167 = arith.addi %iota3A, %add3A_3166 : vector<16xi32>
    tpu.vector_store_idx %arg6[%sub3A_3157, %add3A_3167], %broadcast_in_dim3A_5 masked %and3A_3164 : memref<256x128xf32, #tpu.memory_space<vmem>>[vector<16xi32>, vector<16xi32>], vector<16xf32>, vector<16xi1>
    %get3A_3168 = arith.constant 400 : index
    %get3A_3169 = tpu.vector_load %arg4[%get3A_3168] {strides = array<i32>} : memref<512xi32, #tpu.memory_space<vmem>>, vector<16xi32>,
    %sub3A_3170 = arith.constant 256 : i32
    %sub3A_3171 = vector.broadcast %sub3A_3170 : i32 to vector<16xi32>
    %sub3A_3172 = arith.subi %get3A_3169, %sub3A_3171 : vector<16xi32>
    %ge3A_3173 = arith.constant 0 : i32
    %ge3A_3174 = vector.broadcast %ge3A_3173 : i32 to vector<16xi32>
    %ge3A_3175 = arith.cmpi sge, %sub3A_3172, %ge3A_3174 : vector<16xi32>
    %lt3A_3176 = arith.constant 256 : i32
    %lt3A_3177 = vector.broadcast %lt3A_3176 : i32 to vector<16xi32>
    %lt3A_3178 = arith.cmpi slt, %sub3A_3172, %lt3A_3177 : vector<16xi32>
    %and3A_3179 = arith.andi %ge3A_3175, %lt3A_3178 : vector<16xi1>
    %add3A_3180 = arith.constant 16 : i32
    %add3A_3181 = vector.broadcast %add3A_3180 : i32 to vector<16xi32>
    %add3A_3182 = arith.addi %iota3A, %add3A_3181 : vector<16xi32>
    tpu.vector_store_idx %arg6[%sub3A_3172, %add3A_3182], %broadcast_in_dim3A_5 masked %and3A_3179 : memref<256x128xf32, #tpu.memory_space<vmem>>[vector<16xi32>, vector<16xi32>], vector<16xf32>, vector<16xi1>
    %get3A_3183 = arith.constant 416 : index
    %get3A_3184 = tpu.vector_load %arg4[%get3A_3183] {strides = array<i32>} : memref<512xi32, #tpu.memory_space<vmem>>, vector<16xi32>,
    %sub3A_3185 = arith.constant 256 : i32
    %sub3A_3186 = vector.broadcast %sub3A_3185 : i32 to vector<16xi32>
    %sub3A_3187 = arith.subi %get3A_3184, %sub3A_3186 : vector<16xi32>
    %ge3A_3188 = arith.constant 0 : i32
    %ge3A_3189 = vector.broadcast %ge3A_3188 : i32 to vector<16xi32>
    %ge3A_3190 = arith.cmpi sge, %sub3A_3187, %ge3A_3189 : vector<16xi32>
    %lt3A_3191 = arith.constant 256 : i32
    %lt3A_3192 = vector.broadcast %lt3A_3191 : i32 to vector<16xi32>
    %lt3A_3193 = arith.cmpi slt, %sub3A_3187, %lt3A_3192 : vector<16xi32>
    %and3A_3194 = arith.andi %ge3A_3190, %lt3A_3193 : vector<16xi1>
    %add3A_3195 = arith.constant 32 : i32
    %add3A_3196 = vector.broadcast %add3A_3195 : i32 to vector<16xi32>
    %add3A_3197 = arith.addi %iota3A, %add3A_3196 : vector<16xi32>
    tpu.vector_store_idx %arg6[%sub3A_3187, %add3A_3197], %broadcast_in_dim3A_5 masked %and3A_3194 : memref<256x128xf32, #tpu.memory_space<vmem>>[vector<16xi32>, vector<16xi32>], vector<16xf32>, vector<16xi1>
    %get3A_3198 = arith.constant 432 : index
    %get3A_3199 = tpu.vector_load %arg4[%get3A_3198] {strides = array<i32>} : memref<512xi32, #tpu.memory_space<vmem>>, vector<16xi32>,
    %sub3A_3200 = arith.constant 256 : i32
    %sub3A_3201 = vector.broadcast %sub3A_3200 : i32 to vector<16xi32>
    %sub3A_3202 = arith.subi %get3A_3199, %sub3A_3201 : vector<16xi32>
    %ge3A_3203 = arith.constant 0 : i32
    %ge3A_3204 = vector.broadcast %ge3A_3203 : i32 to vector<16xi32>
    %ge3A_3205 = arith.cmpi sge, %sub3A_3202, %ge3A_3204 : vector<16xi32>
    %lt3A_3206 = arith.constant 256 : i32
    %lt3A_3207 = vector.broadcast %lt3A_3206 : i32 to vector<16xi32>
    %lt3A_3208 = arith.cmpi slt, %sub3A_3202, %lt3A_3207 : vector<16xi32>
    %and3A_3209 = arith.andi %ge3A_3205, %lt3A_3208 : vector<16xi1>
    %add3A_3210 = arith.constant 48 : i32
    %add3A_3211 = vector.broadcast %add3A_3210 : i32 to vector<16xi32>
    %add3A_3212 = arith.addi %iota3A, %add3A_3211 : vector<16xi32>
    tpu.vector_store_idx %arg6[%sub3A_3202, %add3A_3212], %broadcast_in_dim3A_5 masked %and3A_3209 : memref<256x128xf32, #tpu.memory_space<vmem>>[vector<16xi32>, vector<16xi32>], vector<16xf32>, vector<16xi1>
    %get3A_3213 = arith.constant 448 : index
    %get3A_3214 = tpu.vector_load %arg4[%get3A_3213] {strides = array<i32>} : memref<512xi32, #tpu.memory_space<vmem>>, vector<16xi32>,
    %sub3A_3215 = arith.constant 256 : i32
    %sub3A_3216 = vector.broadcast %sub3A_3215 : i32 to vector<16xi32>
    %sub3A_3217 = arith.subi %get3A_3214, %sub3A_3216 : vector<16xi32>
    %ge3A_3218 = arith.constant 0 : i32
    %ge3A_3219 = vector.broadcast %ge3A_3218 : i32 to vector<16xi32>
    %ge3A_3220 = arith.cmpi sge, %sub3A_3217, %ge3A_3219 : vector<16xi32>
    %lt3A_3221 = arith.constant 256 : i32
    %lt3A_3222 = vector.broadcast %lt3A_3221 : i32 to vector<16xi32>
    %lt3A_3223 = arith.cmpi slt, %sub3A_3217, %lt3A_3222 : vector<16xi32>
    %and3A_3224 = arith.andi %ge3A_3220, %lt3A_3223 : vector<16xi1>
    %add3A_3225 = arith.constant 64 : i32
    %add3A_3226 = vector.broadcast %add3A_3225 : i32 to vector<16xi32>
    %add3A_3227 = arith.addi %iota3A, %add3A_3226 : vector<16xi32>
    tpu.vector_store_idx %arg6[%sub3A_3217, %add3A_3227], %broadcast_in_dim3A_5 masked %and3A_3224 : memref<256x128xf32, #tpu.memory_space<vmem>>[vector<16xi32>, vector<16xi32>], vector<16xf32>, vector<16xi1>
    %get3A_3228 = arith.constant 464 : index
    %get3A_3229 = tpu.vector_load %arg4[%get3A_3228] {strides = array<i32>} : memref<512xi32, #tpu.memory_space<vmem>>, vector<16xi32>,
    %sub3A_3230 = arith.constant 256 : i32
    %sub3A_3231 = vector.broadcast %sub3A_3230 : i32 to vector<16xi32>
    %sub3A_3232 = arith.subi %get3A_3229, %sub3A_3231 : vector<16xi32>
    %ge3A_3233 = arith.constant 0 : i32
    %ge3A_3234 = vector.broadcast %ge3A_3233 : i32 to vector<16xi32>
    %ge3A_3235 = arith.cmpi sge, %sub3A_3232, %ge3A_3234 : vector<16xi32>
    %lt3A_3236 = arith.constant 256 : i32
    %lt3A_3237 = vector.broadcast %lt3A_3236 : i32 to vector<16xi32>
    %lt3A_3238 = arith.cmpi slt, %sub3A_3232, %lt3A_3237 : vector<16xi32>
    %and3A_3239 = arith.andi %ge3A_3235, %lt3A_3238 : vector<16xi1>
    %add3A_3240 = arith.constant 80 : i32
    %add3A_3241 = vector.broadcast %add3A_3240 : i32 to vector<16xi32>
    %add3A_3242 = arith.addi %iota3A, %add3A_3241 : vector<16xi32>
    tpu.vector_store_idx %arg6[%sub3A_3232, %add3A_3242], %broadcast_in_dim3A_5 masked %and3A_3239 : memref<256x128xf32, #tpu.memory_space<vmem>>[vector<16xi32>, vector<16xi32>], vector<16xf32>, vector<16xi1>
    %get3A_3243 = arith.constant 480 : index
    %get3A_3244 = tpu.vector_load %arg4[%get3A_3243] {strides = array<i32>} : memref<512xi32, #tpu.memory_space<vmem>>, vector<16xi32>,
    %sub3A_3245 = arith.constant 256 : i32
    %sub3A_3246 = vector.broadcast %sub3A_3245 : i32 to vector<16xi32>
    %sub3A_3247 = arith.subi %get3A_3244, %sub3A_3246 : vector<16xi32>
    %ge3A_3248 = arith.constant 0 : i32
    %ge3A_3249 = vector.broadcast %ge3A_3248 : i32 to vector<16xi32>
    %ge3A_3250 = arith.cmpi sge, %sub3A_3247, %ge3A_3249 : vector<16xi32>
    %lt3A_3251 = arith.constant 256 : i32
    %lt3A_3252 = vector.broadcast %lt3A_3251 : i32 to vector<16xi32>
    %lt3A_3253 = arith.cmpi slt, %sub3A_3247, %lt3A_3252 : vector<16xi32>
    %and3A_3254 = arith.andi %ge3A_3250, %lt3A_3253 : vector<16xi1>
    %add3A_3255 = arith.constant 96 : i32
    %add3A_3256 = vector.broadcast %add3A_3255 : i32 to vector<16xi32>
    %add3A_3257 = arith.addi %iota3A, %add3A_3256 : vector<16xi32>
    tpu.vector_store_idx %arg6[%sub3A_3247, %add3A_3257], %broadcast_in_dim3A_5 masked %and3A_3254 : memref<256x128xf32, #tpu.memory_space<vmem>>[vector<16xi32>, vector<16xi32>], vector<16xf32>, vector<16xi1>
    %get3A_3258 = arith.constant 496 : index
    %get3A_3259 = tpu.vector_load %arg4[%get3A_3258] {strides = array<i32>} : memref<512xi32, #tpu.memory_space<vmem>>, vector<16xi32>,
    %sub3A_3260 = arith.constant 256 : i32
    %sub3A_3261 = vector.broadcast %sub3A_3260 : i32 to vector<16xi32>
    %sub3A_3262 = arith.subi %get3A_3259, %sub3A_3261 : vector<16xi32>
    %ge3A_3263 = arith.constant 0 : i32
    %ge3A_3264 = vector.broadcast %ge3A_3263 : i32 to vector<16xi32>
    %ge3A_3265 = arith.cmpi sge, %sub3A_3262, %ge3A_3264 : vector<16xi32>
    %lt3A_3266 = arith.constant 256 : i32
    %lt3A_3267 = vector.broadcast %lt3A_3266 : i32 to vector<16xi32>
    %lt3A_3268 = arith.cmpi slt, %sub3A_3262, %lt3A_3267 : vector<16xi32>
    %and3A_3269 = arith.andi %ge3A_3265, %lt3A_3268 : vector<16xi1>
    %add3A_3270 = arith.constant 112 : i32
    %add3A_3271 = vector.broadcast %add3A_3270 : i32 to vector<16xi32>
    %add3A_3272 = arith.addi %iota3A, %add3A_3271 : vector<16xi32>
    tpu.vector_store_idx %arg6[%sub3A_3262, %add3A_3272], %broadcast_in_dim3A_5 masked %and3A_3269 : memref<256x128xf32, #tpu.memory_space<vmem>>[vector<16xi32>, vector<16xi32>], vector<16xf32>, vector<16xi1>
    %add3A_3273 = arith.constant 384 : i32
    %add3A_3274 = arith.addi %mul3A_2, %add3A_3273 : i32
    %dma_start3A_3275 = arith.constant 0 : i32
    %dma_start3A_3276 = arith.constant 0 : i32
    %dma_start3A_3277 = tpu.memref_slice %arg6[%dma_start3A_3275, %dma_start3A_3276] : memref<256x128xf32, #tpu.memory_space<vmem>> -> memref<256x128xf32, #tpu.memory_space<vmem>>
    %dma_start3A_3278 = arith.constant 256 : i32
    %dma_start3A_3279 = tpu.memref_slice %arg3[%dma_start3A_3278, %add3A_3274] : memref<1000x16384xf32, #tpu.memory_space<hbm>> -> memref<256x128xf32, #tpu.memory_space<hbm>>
    %dma_start3A_3280 = arith.constant 256 : i32
    %dma_start3A_3281 = tpu.memref_slice %arg3[%dma_start3A_3280, %add3A_3274] : memref<1000x16384xf32, #tpu.memory_space<hbm>> -> memref<256x128xf32, #tpu.memory_space<hbm>>
    %dma_start3A_3282 = arith.constant 0 : i32
    %dma_start3A_3283 = arith.constant 0 : i32
    %dma_start3A_3284 = tpu.memref_slice %arg6[%dma_start3A_3282, %dma_start3A_3283] : memref<256x128xf32, #tpu.memory_space<vmem>> -> memref<256x128xf32, #tpu.memory_space<vmem>>
    tpu.enqueue_dma source(%dma_start3A_3284 : memref<256x128xf32, #tpu.memory_space<vmem>>) target(%dma_start3A_3281 : memref<256x128xf32, #tpu.memory_space<hbm>>) target_semaphore(%arg9 : memref<!tpu.dma_semaphore, #tpu.memory_space<semaphore_mem>>)
    %dma_wait3A_3285 = arith.constant 0 : i32
    %dma_wait3A_3286 = arith.constant 0 : i32
    %dma_wait3A_3287 = tpu.memref_slice %arg7[%dma_wait3A_3285, %dma_wait3A_3286] : memref<256x128xf32, #tpu.memory_space<vmem>> -> memref<232x128xf32, #tpu.memory_space<vmem>>
    %dma_wait3A_3288 = arith.constant 768 : i32
    %dma_wait3A_3289 = tpu.memref_slice %arg3[%dma_wait3A_3288, %add3A_2750] : memref<1000x16384xf32, #tpu.memory_space<hbm>> -> memref<232x128xf32, #tpu.memory_space<hbm>>
    %dma_wait3A_3290 = arith.constant 768 : i32
    %dma_wait3A_3291 = tpu.memref_slice %arg3[%dma_wait3A_3290, %add3A_2750] : memref<1000x16384xf32, #tpu.memory_space<hbm>> -> memref<232x128xf32, #tpu.memory_space<hbm>>
    %dma_wait3A_3292 = arith.constant 0 : i32
    %dma_wait3A_3293 = arith.constant 0 : i32
    %dma_wait3A_3294 = tpu.memref_slice %arg7[%dma_wait3A_3292, %dma_wait3A_3293] : memref<256x128xf32, #tpu.memory_space<vmem>> -> memref<232x128xf32, #tpu.memory_space<vmem>>
    tpu.wait_dma2 semaphore(%arg10 : memref<!tpu.dma_semaphore, #tpu.memory_space<semaphore_mem>>) src(%dma_wait3A_3294 : memref<232x128xf32, #tpu.memory_space<vmem>>) dst(%dma_wait3A_3291 : memref<232x128xf32, #tpu.memory_space<hbm>>)
    %get3A_3295 = arith.constant 256 : index
    %get3A_3296 = tpu.vector_load %arg4[%get3A_3295] {strides = array<i32>} : memref<512xi32, #tpu.memory_space<vmem>>, vector<16xi32>,
    %sub3A_3297 = arith.constant 768 : i32
    %sub3A_3298 = vector.broadcast %sub3A_3297 : i32 to vector<16xi32>
    %sub3A_3299 = arith.subi %get3A_3296, %sub3A_3298 : vector<16xi32>
    %ge3A_3300 = arith.constant 0 : i32
    %ge3A_3301 = vector.broadcast %ge3A_3300 : i32 to vector<16xi32>
    %ge3A_3302 = arith.cmpi sge, %sub3A_3299, %ge3A_3301 : vector<16xi32>
    %lt3A_3303 = arith.constant 232 : i32
    %lt3A_3304 = vector.broadcast %lt3A_3303 : i32 to vector<16xi32>
    %lt3A_3305 = arith.cmpi slt, %sub3A_3299, %lt3A_3304 : vector<16xi32>
    %and3A_3306 = arith.andi %ge3A_3302, %lt3A_3305 : vector<16xi1>
    %add3A_3307 = arith.constant 0 : i32
    %add3A_3308 = vector.broadcast %add3A_3307 : i32 to vector<16xi32>
    %add3A_3309 = arith.addi %iota3A, %add3A_3308 : vector<16xi32>
    tpu.vector_store_idx %arg7[%sub3A_3299, %add3A_3309], %broadcast_in_dim3A_3 masked %and3A_3306 : memref<256x128xf32, #tpu.memory_space<vmem>>[vector<16xi32>, vector<16xi32>], vector<16xf32>, vector<16xi1>
    %get3A_3310 = arith.constant 272 : index
    %get3A_3311 = tpu.vector_load %arg4[%get3A_3310] {strides = array<i32>} : memref<512xi32, #tpu.memory_space<vmem>>, vector<16xi32>,
    %sub3A_3312 = arith.constant 768 : i32
    %sub3A_3313 = vector.broadcast %sub3A_3312 : i32 to vector<16xi32>
    %sub3A_3314 = arith.subi %get3A_3311, %sub3A_3313 : vector<16xi32>
    %ge3A_3315 = arith.constant 0 : i32
    %ge3A_3316 = vector.broadcast %ge3A_3315 : i32 to vector<16xi32>
    %ge3A_3317 = arith.cmpi sge, %sub3A_3314, %ge3A_3316 : vector<16xi32>
    %lt3A_3318 = arith.constant 232 : i32
    %lt3A_3319 = vector.broadcast %lt3A_3318 : i32 to vector<16xi32>
    %lt3A_3320 = arith.cmpi slt, %sub3A_3314, %lt3A_3319 : vector<16xi32>
    %and3A_3321 = arith.andi %ge3A_3317, %lt3A_3320 : vector<16xi1>
    %add3A_3322 = arith.constant 16 : i32
    %add3A_3323 = vector.broadcast %add3A_3322 : i32 to vector<16xi32>
    %add3A_3324 = arith.addi %iota3A, %add3A_3323 : vector<16xi32>
    tpu.vector_store_idx %arg7[%sub3A_3314, %add3A_3324], %broadcast_in_dim3A_3 masked %and3A_3321 : memref<256x128xf32, #tpu.memory_space<vmem>>[vector<16xi32>, vector<16xi32>], vector<16xf32>, vector<16xi1>
    %get3A_3325 = arith.constant 288 : index
    %get3A_3326 = tpu.vector_load %arg4[%get3A_3325] {strides = array<i32>} : memref<512xi32, #tpu.memory_space<vmem>>, vector<16xi32>,
    %sub3A_3327 = arith.constant 768 : i32
    %sub3A_3328 = vector.broadcast %sub3A_3327 : i32 to vector<16xi32>
    %sub3A_3329 = arith.subi %get3A_3326, %sub3A_3328 : vector<16xi32>
    %ge3A_3330 = arith.constant 0 : i32
    %ge3A_3331 = vector.broadcast %ge3A_3330 : i32 to vector<16xi32>
    %ge3A_3332 = arith.cmpi sge, %sub3A_3329, %ge3A_3331 : vector<16xi32>
    %lt3A_3333 = arith.constant 232 : i32
    %lt3A_3334 = vector.broadcast %lt3A_3333 : i32 to vector<16xi32>
    %lt3A_3335 = arith.cmpi slt, %sub3A_3329, %lt3A_3334 : vector<16xi32>
    %and3A_3336 = arith.andi %ge3A_3332, %lt3A_3335 : vector<16xi1>
    %add3A_3337 = arith.constant 32 : i32
    %add3A_3338 = vector.broadcast %add3A_3337 : i32 to vector<16xi32>
    %add3A_3339 = arith.addi %iota3A, %add3A_3338 : vector<16xi32>
    tpu.vector_store_idx %arg7[%sub3A_3329, %add3A_3339], %broadcast_in_dim3A_3 masked %and3A_3336 : memref<256x128xf32, #tpu.memory_space<vmem>>[vector<16xi32>, vector<16xi32>], vector<16xf32>, vector<16xi1>
    %get3A_3340 = arith.constant 304 : index
    %get3A_3341 = tpu.vector_load %arg4[%get3A_3340] {strides = array<i32>} : memref<512xi32, #tpu.memory_space<vmem>>, vector<16xi32>,
    %sub3A_3342 = arith.constant 768 : i32
    %sub3A_3343 = vector.broadcast %sub3A_3342 : i32 to vector<16xi32>
    %sub3A_3344 = arith.subi %get3A_3341, %sub3A_3343 : vector<16xi32>
    %ge3A_3345 = arith.constant 0 : i32
    %ge3A_3346 = vector.broadcast %ge3A_3345 : i32 to vector<16xi32>
    %ge3A_3347 = arith.cmpi sge, %sub3A_3344, %ge3A_3346 : vector<16xi32>
    %lt3A_3348 = arith.constant 232 : i32
    %lt3A_3349 = vector.broadcast %lt3A_3348 : i32 to vector<16xi32>
    %lt3A_3350 = arith.cmpi slt, %sub3A_3344, %lt3A_3349 : vector<16xi32>
    %and3A_3351 = arith.andi %ge3A_3347, %lt3A_3350 : vector<16xi1>
    %add3A_3352 = arith.constant 48 : i32
    %add3A_3353 = vector.broadcast %add3A_3352 : i32 to vector<16xi32>
    %add3A_3354 = arith.addi %iota3A, %add3A_3353 : vector<16xi32>
    tpu.vector_store_idx %arg7[%sub3A_3344, %add3A_3354], %broadcast_in_dim3A_3 masked %and3A_3351 : memref<256x128xf32, #tpu.memory_space<vmem>>[vector<16xi32>, vector<16xi32>], vector<16xf32>, vector<16xi1>
    %get3A_3355 = arith.constant 320 : index
    %get3A_3356 = tpu.vector_load %arg4[%get3A_3355] {strides = array<i32>} : memref<512xi32, #tpu.memory_space<vmem>>, vector<16xi32>,
    %sub3A_3357 = arith.constant 768 : i32
    %sub3A_3358 = vector.broadcast %sub3A_3357 : i32 to vector<16xi32>
    %sub3A_3359 = arith.subi %get3A_3356, %sub3A_3358 : vector<16xi32>
    %ge3A_3360 = arith.constant 0 : i32
    %ge3A_3361 = vector.broadcast %ge3A_3360 : i32 to vector<16xi32>
    %ge3A_3362 = arith.cmpi sge, %sub3A_3359, %ge3A_3361 : vector<16xi32>
    %lt3A_3363 = arith.constant 232 : i32
    %lt3A_3364 = vector.broadcast %lt3A_3363 : i32 to vector<16xi32>
    %lt3A_3365 = arith.cmpi slt, %sub3A_3359, %lt3A_3364 : vector<16xi32>
    %and3A_3366 = arith.andi %ge3A_3362, %lt3A_3365 : vector<16xi1>
    %add3A_3367 = arith.constant 64 : i32
    %add3A_3368 = vector.broadcast %add3A_3367 : i32 to vector<16xi32>
    %add3A_3369 = arith.addi %iota3A, %add3A_3368 : vector<16xi32>
    tpu.vector_store_idx %arg7[%sub3A_3359, %add3A_3369], %broadcast_in_dim3A_3 masked %and3A_3366 : memref<256x128xf32, #tpu.memory_space<vmem>>[vector<16xi32>, vector<16xi32>], vector<16xf32>, vector<16xi1>
    %get3A_3370 = arith.constant 336 : index
    %get3A_3371 = tpu.vector_load %arg4[%get3A_3370] {strides = array<i32>} : memref<512xi32, #tpu.memory_space<vmem>>, vector<16xi32>,
    %sub3A_3372 = arith.constant 768 : i32
    %sub3A_3373 = vector.broadcast %sub3A_3372 : i32 to vector<16xi32>
    %sub3A_3374 = arith.subi %get3A_3371, %sub3A_3373 : vector<16xi32>
    %ge3A_3375 = arith.constant 0 : i32
    %ge3A_3376 = vector.broadcast %ge3A_3375 : i32 to vector<16xi32>
    %ge3A_3377 = arith.cmpi sge, %sub3A_3374, %ge3A_3376 : vector<16xi32>
    %lt3A_3378 = arith.constant 232 : i32
    %lt3A_3379 = vector.broadcast %lt3A_3378 : i32 to vector<16xi32>
    %lt3A_3380 = arith.cmpi slt, %sub3A_3374, %lt3A_3379 : vector<16xi32>
    %and3A_3381 = arith.andi %ge3A_3377, %lt3A_3380 : vector<16xi1>
    %add3A_3382 = arith.constant 80 : i32
    %add3A_3383 = vector.broadcast %add3A_3382 : i32 to vector<16xi32>
    %add3A_3384 = arith.addi %iota3A, %add3A_3383 : vector<16xi32>
    tpu.vector_store_idx %arg7[%sub3A_3374, %add3A_3384], %broadcast_in_dim3A_3 masked %and3A_3381 : memref<256x128xf32, #tpu.memory_space<vmem>>[vector<16xi32>, vector<16xi32>], vector<16xf32>, vector<16xi1>
    %get3A_3385 = arith.constant 352 : index
    %get3A_3386 = tpu.vector_load %arg4[%get3A_3385] {strides = array<i32>} : memref<512xi32, #tpu.memory_space<vmem>>, vector<16xi32>,
    %sub3A_3387 = arith.constant 768 : i32
    %sub3A_3388 = vector.broadcast %sub3A_3387 : i32 to vector<16xi32>
    %sub3A_3389 = arith.subi %get3A_3386, %sub3A_3388 : vector<16xi32>
    %ge3A_3390 = arith.constant 0 : i32
    %ge3A_3391 = vector.broadcast %ge3A_3390 : i32 to vector<16xi32>
    %ge3A_3392 = arith.cmpi sge, %sub3A_3389, %ge3A_3391 : vector<16xi32>
    %lt3A_3393 = arith.constant 232 : i32
    %lt3A_3394 = vector.broadcast %lt3A_3393 : i32 to vector<16xi32>
    %lt3A_3395 = arith.cmpi slt, %sub3A_3389, %lt3A_3394 : vector<16xi32>
    %and3A_3396 = arith.andi %ge3A_3392, %lt3A_3395 : vector<16xi1>
    %add3A_3397 = arith.constant 96 : i32
    %add3A_3398 = vector.broadcast %add3A_3397 : i32 to vector<16xi32>
    %add3A_3399 = arith.addi %iota3A, %add3A_3398 : vector<16xi32>
    tpu.vector_store_idx %arg7[%sub3A_3389, %add3A_3399], %broadcast_in_dim3A_3 masked %and3A_3396 : memref<256x128xf32, #tpu.memory_space<vmem>>[vector<16xi32>, vector<16xi32>], vector<16xf32>, vector<16xi1>
    %get3A_3400 = arith.constant 368 : index
    %get3A_3401 = tpu.vector_load %arg4[%get3A_3400] {strides = array<i32>} : memref<512xi32, #tpu.memory_space<vmem>>, vector<16xi32>,
    %sub3A_3402 = arith.constant 768 : i32
    %sub3A_3403 = vector.broadcast %sub3A_3402 : i32 to vector<16xi32>
    %sub3A_3404 = arith.subi %get3A_3401, %sub3A_3403 : vector<16xi32>
    %ge3A_3405 = arith.constant 0 : i32
    %ge3A_3406 = vector.broadcast %ge3A_3405 : i32 to vector<16xi32>
    %ge3A_3407 = arith.cmpi sge, %sub3A_3404, %ge3A_3406 : vector<16xi32>
    %lt3A_3408 = arith.constant 232 : i32
    %lt3A_3409 = vector.broadcast %lt3A_3408 : i32 to vector<16xi32>
    %lt3A_3410 = arith.cmpi slt, %sub3A_3404, %lt3A_3409 : vector<16xi32>
    %and3A_3411 = arith.andi %ge3A_3407, %lt3A_3410 : vector<16xi1>
    %add3A_3412 = arith.constant 112 : i32
    %add3A_3413 = vector.broadcast %add3A_3412 : i32 to vector<16xi32>
    %add3A_3414 = arith.addi %iota3A, %add3A_3413 : vector<16xi32>
    tpu.vector_store_idx %arg7[%sub3A_3404, %add3A_3414], %broadcast_in_dim3A_3 masked %and3A_3411 : memref<256x128xf32, #tpu.memory_space<vmem>>[vector<16xi32>, vector<16xi32>], vector<16xf32>, vector<16xi1>
    %get3A_3415 = arith.constant 384 : index
    %get3A_3416 = tpu.vector_load %arg4[%get3A_3415] {strides = array<i32>} : memref<512xi32, #tpu.memory_space<vmem>>, vector<16xi32>,
    %sub3A_3417 = arith.constant 512 : i32
    %sub3A_3418 = vector.broadcast %sub3A_3417 : i32 to vector<16xi32>
    %sub3A_3419 = arith.subi %get3A_3416, %sub3A_3418 : vector<16xi32>
    %ge3A_3420 = arith.constant 0 : i32
    %ge3A_3421 = vector.broadcast %ge3A_3420 : i32 to vector<16xi32>
    %ge3A_3422 = arith.cmpi sge, %sub3A_3419, %ge3A_3421 : vector<16xi32>
    %lt3A_3423 = arith.constant 256 : i32
    %lt3A_3424 = vector.broadcast %lt3A_3423 : i32 to vector<16xi32>
    %lt3A_3425 = arith.cmpi slt, %sub3A_3419, %lt3A_3424 : vector<16xi32>
    %and3A_3426 = arith.andi %ge3A_3422, %lt3A_3425 : vector<16xi1>
    %add3A_3427 = arith.constant 0 : i32
    %add3A_3428 = vector.broadcast %add3A_3427 : i32 to vector<16xi32>
    %add3A_3429 = arith.addi %iota3A, %add3A_3428 : vector<16xi32>
    tpu.vector_store_idx %arg7[%sub3A_3419, %add3A_3429], %broadcast_in_dim3A_5 masked %and3A_3426 : memref<256x128xf32, #tpu.memory_space<vmem>>[vector<16xi32>, vector<16xi32>], vector<16xf32>, vector<16xi1>
    %get3A_3430 = arith.constant 400 : index
    %get3A_3431 = tpu.vector_load %arg4[%get3A_3430] {strides = array<i32>} : memref<512xi32, #tpu.memory_space<vmem>>, vector<16xi32>,
    %sub3A_3432 = arith.constant 512 : i32
    %sub3A_3433 = vector.broadcast %sub3A_3432 : i32 to vector<16xi32>
    %sub3A_3434 = arith.subi %get3A_3431, %sub3A_3433 : vector<16xi32>
    %ge3A_3435 = arith.constant 0 : i32
    %ge3A_3436 = vector.broadcast %ge3A_3435 : i32 to vector<16xi32>
    %ge3A_3437 = arith.cmpi sge, %sub3A_3434, %ge3A_3436 : vector<16xi32>
    %lt3A_3438 = arith.constant 256 : i32
    %lt3A_3439 = vector.broadcast %lt3A_3438 : i32 to vector<16xi32>
    %lt3A_3440 = arith.cmpi slt, %sub3A_3434, %lt3A_3439 : vector<16xi32>
    %and3A_3441 = arith.andi %ge3A_3437, %lt3A_3440 : vector<16xi1>
    %add3A_3442 = arith.constant 16 : i32
    %add3A_3443 = vector.broadcast %add3A_3442 : i32 to vector<16xi32>
    %add3A_3444 = arith.addi %iota3A, %add3A_3443 : vector<16xi32>
    tpu.vector_store_idx %arg7[%sub3A_3434, %add3A_3444], %broadcast_in_dim3A_5 masked %and3A_3441 : memref<256x128xf32, #tpu.memory_space<vmem>>[vector<16xi32>, vector<16xi32>], vector<16xf32>, vector<16xi1>
    %get3A_3445 = arith.constant 416 : index
    %get3A_3446 = tpu.vector_load %arg4[%get3A_3445] {strides = array<i32>} : memref<512xi32, #tpu.memory_space<vmem>>, vector<16xi32>,
    %sub3A_3447 = arith.constant 512 : i32
    %sub3A_3448 = vector.broadcast %sub3A_3447 : i32 to vector<16xi32>
    %sub3A_3449 = arith.subi %get3A_3446, %sub3A_3448 : vector<16xi32>
    %ge3A_3450 = arith.constant 0 : i32
    %ge3A_3451 = vector.broadcast %ge3A_3450 : i32 to vector<16xi32>
    %ge3A_3452 = arith.cmpi sge, %sub3A_3449, %ge3A_3451 : vector<16xi32>
    %lt3A_3453 = arith.constant 256 : i32
    %lt3A_3454 = vector.broadcast %lt3A_3453 : i32 to vector<16xi32>
    %lt3A_3455 = arith.cmpi slt, %sub3A_3449, %lt3A_3454 : vector<16xi32>
    %and3A_3456 = arith.andi %ge3A_3452, %lt3A_3455 : vector<16xi1>
    %add3A_3457 = arith.constant 32 : i32
    %add3A_3458 = vector.broadcast %add3A_3457 : i32 to vector<16xi32>
    %add3A_3459 = arith.addi %iota3A, %add3A_3458 : vector<16xi32>
    tpu.vector_store_idx %arg7[%sub3A_3449, %add3A_3459], %broadcast_in_dim3A_5 masked %and3A_3456 : memref<256x128xf32, #tpu.memory_space<vmem>>[vector<16xi32>, vector<16xi32>], vector<16xf32>, vector<16xi1>
    %get3A_3460 = arith.constant 432 : index
    %get3A_3461 = tpu.vector_load %arg4[%get3A_3460] {strides = array<i32>} : memref<512xi32, #tpu.memory_space<vmem>>, vector<16xi32>,
    %sub3A_3462 = arith.constant 512 : i32
    %sub3A_3463 = vector.broadcast %sub3A_3462 : i32 to vector<16xi32>
    %sub3A_3464 = arith.subi %get3A_3461, %sub3A_3463 : vector<16xi32>
    %ge3A_3465 = arith.constant 0 : i32
    %ge3A_3466 = vector.broadcast %ge3A_3465 : i32 to vector<16xi32>
    %ge3A_3467 = arith.cmpi sge, %sub3A_3464, %ge3A_3466 : vector<16xi32>
    %lt3A_3468 = arith.constant 256 : i32
    %lt3A_3469 = vector.broadcast %lt3A_3468 : i32 to vector<16xi32>
    %lt3A_3470 = arith.cmpi slt, %sub3A_3464, %lt3A_3469 : vector<16xi32>
    %and3A_3471 = arith.andi %ge3A_3467, %lt3A_3470 : vector<16xi1>
    %add3A_3472 = arith.constant 48 : i32
    %add3A_3473 = vector.broadcast %add3A_3472 : i32 to vector<16xi32>
    %add3A_3474 = arith.addi %iota3A, %add3A_3473 : vector<16xi32>
    tpu.vector_store_idx %arg7[%sub3A_3464, %add3A_3474], %broadcast_in_dim3A_5 masked %and3A_3471 : memref<256x128xf32, #tpu.memory_space<vmem>>[vector<16xi32>, vector<16xi32>], vector<16xf32>, vector<16xi1>
    %get3A_3475 = arith.constant 448 : index
    %get3A_3476 = tpu.vector_load %arg4[%get3A_3475] {strides = array<i32>} : memref<512xi32, #tpu.memory_space<vmem>>, vector<16xi32>,
    %sub3A_3477 = arith.constant 512 : i32
    %sub3A_3478 = vector.broadcast %sub3A_3477 : i32 to vector<16xi32>
    %sub3A_3479 = arith.subi %get3A_3476, %sub3A_3478 : vector<16xi32>
    %ge3A_3480 = arith.constant 0 : i32
    %ge3A_3481 = vector.broadcast %ge3A_3480 : i32 to vector<16xi32>
    %ge3A_3482 = arith.cmpi sge, %sub3A_3479, %ge3A_3481 : vector<16xi32>
    %lt3A_3483 = arith.constant 256 : i32
    %lt3A_3484 = vector.broadcast %lt3A_3483 : i32 to vector<16xi32>
    %lt3A_3485 = arith.cmpi slt, %sub3A_3479, %lt3A_3484 : vector<16xi32>
    %and3A_3486 = arith.andi %ge3A_3482, %lt3A_3485 : vector<16xi1>
    %add3A_3487 = arith.constant 64 : i32
    %add3A_3488 = vector.broadcast %add3A_3487 : i32 to vector<16xi32>
    %add3A_3489 = arith.addi %iota3A, %add3A_3488 : vector<16xi32>
    tpu.vector_store_idx %arg7[%sub3A_3479, %add3A_3489], %broadcast_in_dim3A_5 masked %and3A_3486 : memref<256x128xf32, #tpu.memory_space<vmem>>[vector<16xi32>, vector<16xi32>], vector<16xf32>, vector<16xi1>
    %get3A_3490 = arith.constant 464 : index
    %get3A_3491 = tpu.vector_load %arg4[%get3A_3490] {strides = array<i32>} : memref<512xi32, #tpu.memory_space<vmem>>, vector<16xi32>,
    %sub3A_3492 = arith.constant 512 : i32
    %sub3A_3493 = vector.broadcast %sub3A_3492 : i32 to vector<16xi32>
    %sub3A_3494 = arith.subi %get3A_3491, %sub3A_3493 : vector<16xi32>
    %ge3A_3495 = arith.constant 0 : i32
    %ge3A_3496 = vector.broadcast %ge3A_3495 : i32 to vector<16xi32>
    %ge3A_3497 = arith.cmpi sge, %sub3A_3494, %ge3A_3496 : vector<16xi32>
    %lt3A_3498 = arith.constant 256 : i32
    %lt3A_3499 = vector.broadcast %lt3A_3498 : i32 to vector<16xi32>
    %lt3A_3500 = arith.cmpi slt, %sub3A_3494, %lt3A_3499 : vector<16xi32>
    %and3A_3501 = arith.andi %ge3A_3497, %lt3A_3500 : vector<16xi1>
    %add3A_3502 = arith.constant 80 : i32
    %add3A_3503 = vector.broadcast %add3A_3502 : i32 to vector<16xi32>
    %add3A_3504 = arith.addi %iota3A, %add3A_3503 : vector<16xi32>
    tpu.vector_store_idx %arg7[%sub3A_3494, %add3A_3504], %broadcast_in_dim3A_5 masked %and3A_3501 : memref<256x128xf32, #tpu.memory_space<vmem>>[vector<16xi32>, vector<16xi32>], vector<16xf32>, vector<16xi1>
    %get3A_3505 = arith.constant 480 : index
    %get3A_3506 = tpu.vector_load %arg4[%get3A_3505] {strides = array<i32>} : memref<512xi32, #tpu.memory_space<vmem>>, vector<16xi32>,
    %sub3A_3507 = arith.constant 512 : i32
    %sub3A_3508 = vector.broadcast %sub3A_3507 : i32 to vector<16xi32>
    %sub3A_3509 = arith.subi %get3A_3506, %sub3A_3508 : vector<16xi32>
    %ge3A_3510 = arith.constant 0 : i32
    %ge3A_3511 = vector.broadcast %ge3A_3510 : i32 to vector<16xi32>
    %ge3A_3512 = arith.cmpi sge, %sub3A_3509, %ge3A_3511 : vector<16xi32>
    %lt3A_3513 = arith.constant 256 : i32
    %lt3A_3514 = vector.broadcast %lt3A_3513 : i32 to vector<16xi32>
    %lt3A_3515 = arith.cmpi slt, %sub3A_3509, %lt3A_3514 : vector<16xi32>
    %and3A_3516 = arith.andi %ge3A_3512, %lt3A_3515 : vector<16xi1>
    %add3A_3517 = arith.constant 96 : i32
    %add3A_3518 = vector.broadcast %add3A_3517 : i32 to vector<16xi32>
    %add3A_3519 = arith.addi %iota3A, %add3A_3518 : vector<16xi32>
    tpu.vector_store_idx %arg7[%sub3A_3509, %add3A_3519], %broadcast_in_dim3A_5 masked %and3A_3516 : memref<256x128xf32, #tpu.memory_space<vmem>>[vector<16xi32>, vector<16xi32>], vector<16xf32>, vector<16xi1>
    %get3A_3520 = arith.constant 496 : index
    %get3A_3521 = tpu.vector_load %arg4[%get3A_3520] {strides = array<i32>} : memref<512xi32, #tpu.memory_space<vmem>>, vector<16xi32>,
    %sub3A_3522 = arith.constant 512 : i32
    %sub3A_3523 = vector.broadcast %sub3A_3522 : i32 to vector<16xi32>
    %sub3A_3524 = arith.subi %get3A_3521, %sub3A_3523 : vector<16xi32>
    %ge3A_3525 = arith.constant 0 : i32
    %ge3A_3526 = vector.broadcast %ge3A_3525 : i32 to vector<16xi32>
    %ge3A_3527 = arith.cmpi sge, %sub3A_3524, %ge3A_3526 : vector<16xi32>
    %lt3A_3528 = arith.constant 256 : i32
    %lt3A_3529 = vector.broadcast %lt3A_3528 : i32 to vector<16xi32>
    %lt3A_3530 = arith.cmpi slt, %sub3A_3524, %lt3A_3529 : vector<16xi32>
    %and3A_3531 = arith.andi %ge3A_3527, %lt3A_3530 : vector<16xi1>
    %add3A_3532 = arith.constant 112 : i32
    %add3A_3533 = vector.broadcast %add3A_3532 : i32 to vector<16xi32>
    %add3A_3534 = arith.addi %iota3A, %add3A_3533 : vector<16xi32>
    tpu.vector_store_idx %arg7[%sub3A_3524, %add3A_3534], %broadcast_in_dim3A_5 masked %and3A_3531 : memref<256x128xf32, #tpu.memory_space<vmem>>[vector<16xi32>, vector<16xi32>], vector<16xf32>, vector<16xi1>
    %add3A_3535 = arith.constant 384 : i32
    %add3A_3536 = arith.addi %mul3A_2, %add3A_3535 : i32
    %dma_start3A_3537 = arith.constant 0 : i32
    %dma_start3A_3538 = arith.constant 0 : i32
    %dma_start3A_3539 = tpu.memref_slice %arg7[%dma_start3A_3537, %dma_start3A_3538] : memref<256x128xf32, #tpu.memory_space<vmem>> -> memref<256x128xf32, #tpu.memory_space<vmem>>
    %dma_start3A_3540 = arith.constant 512 : i32
    %dma_start3A_3541 = tpu.memref_slice %arg3[%dma_start3A_3540, %add3A_3536] : memref<1000x16384xf32, #tpu.memory_space<hbm>> -> memref<256x128xf32, #tpu.memory_space<hbm>>
    %dma_start3A_3542 = arith.constant 512 : i32
    %dma_start3A_3543 = tpu.memref_slice %arg3[%dma_start3A_3542, %add3A_3536] : memref<1000x16384xf32, #tpu.memory_space<hbm>> -> memref<256x128xf32, #tpu.memory_space<hbm>>
    %dma_start3A_3544 = arith.constant 0 : i32
    %dma_start3A_3545 = arith.constant 0 : i32
    %dma_start3A_3546 = tpu.memref_slice %arg7[%dma_start3A_3544, %dma_start3A_3545] : memref<256x128xf32, #tpu.memory_space<vmem>> -> memref<256x128xf32, #tpu.memory_space<vmem>>
    tpu.enqueue_dma source(%dma_start3A_3546 : memref<256x128xf32, #tpu.memory_space<vmem>>) target(%dma_start3A_3543 : memref<256x128xf32, #tpu.memory_space<hbm>>) target_semaphore(%arg10 : memref<!tpu.dma_semaphore, #tpu.memory_space<semaphore_mem>>)
    %dma_wait3A_3547 = arith.constant 0 : i32
    %dma_wait3A_3548 = arith.constant 0 : i32
    %dma_wait3A_3549 = tpu.memref_slice %arg5[%dma_wait3A_3547, %dma_wait3A_3548] : memref<256x128xf32, #tpu.memory_space<vmem>> -> memref<256x128xf32, #tpu.memory_space<vmem>>
    %dma_wait3A_3550 = arith.constant 0 : i32
    %dma_wait3A_3551 = tpu.memref_slice %arg3[%dma_wait3A_3550, %add3A_3012] : memref<1000x16384xf32, #tpu.memory_space<hbm>> -> memref<256x128xf32, #tpu.memory_space<hbm>>
    %dma_wait3A_3552 = arith.constant 0 : i32
    %dma_wait3A_3553 = tpu.memref_slice %arg3[%dma_wait3A_3552, %add3A_3012] : memref<1000x16384xf32, #tpu.memory_space<hbm>> -> memref<256x128xf32, #tpu.memory_space<hbm>>
    %dma_wait3A_3554 = arith.constant 0 : i32
    %dma_wait3A_3555 = arith.constant 0 : i32
    %dma_wait3A_3556 = tpu.memref_slice %arg5[%dma_wait3A_3554, %dma_wait3A_3555] : memref<256x128xf32, #tpu.memory_space<vmem>> -> memref<256x128xf32, #tpu.memory_space<vmem>>
    tpu.wait_dma2 semaphore(%arg8 : memref<!tpu.dma_semaphore, #tpu.memory_space<semaphore_mem>>) src(%dma_wait3A_3556 : memref<256x128xf32, #tpu.memory_space<vmem>>) dst(%dma_wait3A_3553 : memref<256x128xf32, #tpu.memory_space<hbm>>)
    %get3A_3557 = arith.constant 384 : index
    %get3A_3558 = tpu.vector_load %arg4[%get3A_3557] {strides = array<i32>} : memref<512xi32, #tpu.memory_space<vmem>>, vector<16xi32>,
    %sub3A_3559 = arith.constant 0 : i32
    %sub3A_3560 = vector.broadcast %sub3A_3559 : i32 to vector<16xi32>
    %sub3A_3561 = arith.subi %get3A_3558, %sub3A_3560 : vector<16xi32>
    %ge3A_3562 = arith.constant 0 : i32
    %ge3A_3563 = vector.broadcast %ge3A_3562 : i32 to vector<16xi32>
    %ge3A_3564 = arith.cmpi sge, %sub3A_3561, %ge3A_3563 : vector<16xi32>
    %lt3A_3565 = arith.constant 256 : i32
    %lt3A_3566 = vector.broadcast %lt3A_3565 : i32 to vector<16xi32>
    %lt3A_3567 = arith.cmpi slt, %sub3A_3561, %lt3A_3566 : vector<16xi32>
    %and3A_3568 = arith.andi %ge3A_3564, %lt3A_3567 : vector<16xi1>
    %add3A_3569 = arith.constant 0 : i32
    %add3A_3570 = vector.broadcast %add3A_3569 : i32 to vector<16xi32>
    %add3A_3571 = arith.addi %iota3A, %add3A_3570 : vector<16xi32>
    tpu.vector_store_idx %arg5[%sub3A_3561, %add3A_3571], %broadcast_in_dim3A_3 masked %and3A_3568 : memref<256x128xf32, #tpu.memory_space<vmem>>[vector<16xi32>, vector<16xi32>], vector<16xf32>, vector<16xi1>
    %get3A_3572 = arith.constant 400 : index
    %get3A_3573 = tpu.vector_load %arg4[%get3A_3572] {strides = array<i32>} : memref<512xi32, #tpu.memory_space<vmem>>, vector<16xi32>,
    %sub3A_3574 = arith.constant 0 : i32
    %sub3A_3575 = vector.broadcast %sub3A_3574 : i32 to vector<16xi32>
    %sub3A_3576 = arith.subi %get3A_3573, %sub3A_3575 : vector<16xi32>
    %ge3A_3577 = arith.constant 0 : i32
    %ge3A_3578 = vector.broadcast %ge3A_3577 : i32 to vector<16xi32>
    %ge3A_3579 = arith.cmpi sge, %sub3A_3576, %ge3A_3578 : vector<16xi32>
    %lt3A_3580 = arith.constant 256 : i32
    %lt3A_3581 = vector.broadcast %lt3A_3580 : i32 to vector<16xi32>
    %lt3A_3582 = arith.cmpi slt, %sub3A_3576, %lt3A_3581 : vector<16xi32>
    %and3A_3583 = arith.andi %ge3A_3579, %lt3A_3582 : vector<16xi1>
    %add3A_3584 = arith.constant 16 : i32
    %add3A_3585 = vector.broadcast %add3A_3584 : i32 to vector<16xi32>
    %add3A_3586 = arith.addi %iota3A, %add3A_3585 : vector<16xi32>
    tpu.vector_store_idx %arg5[%sub3A_3576, %add3A_3586], %broadcast_in_dim3A_3 masked %and3A_3583 : memref<256x128xf32, #tpu.memory_space<vmem>>[vector<16xi32>, vector<16xi32>], vector<16xf32>, vector<16xi1>
    %get3A_3587 = arith.constant 416 : index
    %get3A_3588 = tpu.vector_load %arg4[%get3A_3587] {strides = array<i32>} : memref<512xi32, #tpu.memory_space<vmem>>, vector<16xi32>,
    %sub3A_3589 = arith.constant 0 : i32
    %sub3A_3590 = vector.broadcast %sub3A_3589 : i32 to vector<16xi32>
    %sub3A_3591 = arith.subi %get3A_3588, %sub3A_3590 : vector<16xi32>
    %ge3A_3592 = arith.constant 0 : i32
    %ge3A_3593 = vector.broadcast %ge3A_3592 : i32 to vector<16xi32>
    %ge3A_3594 = arith.cmpi sge, %sub3A_3591, %ge3A_3593 : vector<16xi32>
    %lt3A_3595 = arith.constant 256 : i32
    %lt3A_3596 = vector.broadcast %lt3A_3595 : i32 to vector<16xi32>
    %lt3A_3597 = arith.cmpi slt, %sub3A_3591, %lt3A_3596 : vector<16xi32>
    %and3A_3598 = arith.andi %ge3A_3594, %lt3A_3597 : vector<16xi1>
    %add3A_3599 = arith.constant 32 : i32
    %add3A_3600 = vector.broadcast %add3A_3599 : i32 to vector<16xi32>
    %add3A_3601 = arith.addi %iota3A, %add3A_3600 : vector<16xi32>
    tpu.vector_store_idx %arg5[%sub3A_3591, %add3A_3601], %broadcast_in_dim3A_3 masked %and3A_3598 : memref<256x128xf32, #tpu.memory_space<vmem>>[vector<16xi32>, vector<16xi32>], vector<16xf32>, vector<16xi1>
    %get3A_3602 = arith.constant 432 : index
    %get3A_3603 = tpu.vector_load %arg4[%get3A_3602] {strides = array<i32>} : memref<512xi32, #tpu.memory_space<vmem>>, vector<16xi32>,
    %sub3A_3604 = arith.constant 0 : i32
    %sub3A_3605 = vector.broadcast %sub3A_3604 : i32 to vector<16xi32>
    %sub3A_3606 = arith.subi %get3A_3603, %sub3A_3605 : vector<16xi32>
    %ge3A_3607 = arith.constant 0 : i32
    %ge3A_3608 = vector.broadcast %ge3A_3607 : i32 to vector<16xi32>
    %ge3A_3609 = arith.cmpi sge, %sub3A_3606, %ge3A_3608 : vector<16xi32>
    %lt3A_3610 = arith.constant 256 : i32
    %lt3A_3611 = vector.broadcast %lt3A_3610 : i32 to vector<16xi32>
    %lt3A_3612 = arith.cmpi slt, %sub3A_3606, %lt3A_3611 : vector<16xi32>
    %and3A_3613 = arith.andi %ge3A_3609, %lt3A_3612 : vector<16xi1>
    %add3A_3614 = arith.constant 48 : i32
    %add3A_3615 = vector.broadcast %add3A_3614 : i32 to vector<16xi32>
    %add3A_3616 = arith.addi %iota3A, %add3A_3615 : vector<16xi32>
    tpu.vector_store_idx %arg5[%sub3A_3606, %add3A_3616], %broadcast_in_dim3A_3 masked %and3A_3613 : memref<256x128xf32, #tpu.memory_space<vmem>>[vector<16xi32>, vector<16xi32>], vector<16xf32>, vector<16xi1>
    %get3A_3617 = arith.constant 448 : index
    %get3A_3618 = tpu.vector_load %arg4[%get3A_3617] {strides = array<i32>} : memref<512xi32, #tpu.memory_space<vmem>>, vector<16xi32>,
    %sub3A_3619 = arith.constant 0 : i32
    %sub3A_3620 = vector.broadcast %sub3A_3619 : i32 to vector<16xi32>
    %sub3A_3621 = arith.subi %get3A_3618, %sub3A_3620 : vector<16xi32>
    %ge3A_3622 = arith.constant 0 : i32
    %ge3A_3623 = vector.broadcast %ge3A_3622 : i32 to vector<16xi32>
    %ge3A_3624 = arith.cmpi sge, %sub3A_3621, %ge3A_3623 : vector<16xi32>
    %lt3A_3625 = arith.constant 256 : i32
    %lt3A_3626 = vector.broadcast %lt3A_3625 : i32 to vector<16xi32>
    %lt3A_3627 = arith.cmpi slt, %sub3A_3621, %lt3A_3626 : vector<16xi32>
    %and3A_3628 = arith.andi %ge3A_3624, %lt3A_3627 : vector<16xi1>
    %add3A_3629 = arith.constant 64 : i32
    %add3A_3630 = vector.broadcast %add3A_3629 : i32 to vector<16xi32>
    %add3A_3631 = arith.addi %iota3A, %add3A_3630 : vector<16xi32>
    tpu.vector_store_idx %arg5[%sub3A_3621, %add3A_3631], %broadcast_in_dim3A_3 masked %and3A_3628 : memref<256x128xf32, #tpu.memory_space<vmem>>[vector<16xi32>, vector<16xi32>], vector<16xf32>, vector<16xi1>
    %get3A_3632 = arith.constant 464 : index
    %get3A_3633 = tpu.vector_load %arg4[%get3A_3632] {strides = array<i32>} : memref<512xi32, #tpu.memory_space<vmem>>, vector<16xi32>,
    %sub3A_3634 = arith.constant 0 : i32
    %sub3A_3635 = vector.broadcast %sub3A_3634 : i32 to vector<16xi32>
    %sub3A_3636 = arith.subi %get3A_3633, %sub3A_3635 : vector<16xi32>
    %ge3A_3637 = arith.constant 0 : i32
    %ge3A_3638 = vector.broadcast %ge3A_3637 : i32 to vector<16xi32>
    %ge3A_3639 = arith.cmpi sge, %sub3A_3636, %ge3A_3638 : vector<16xi32>
    %lt3A_3640 = arith.constant 256 : i32
    %lt3A_3641 = vector.broadcast %lt3A_3640 : i32 to vector<16xi32>
    %lt3A_3642 = arith.cmpi slt, %sub3A_3636, %lt3A_3641 : vector<16xi32>
    %and3A_3643 = arith.andi %ge3A_3639, %lt3A_3642 : vector<16xi1>
    %add3A_3644 = arith.constant 80 : i32
    %add3A_3645 = vector.broadcast %add3A_3644 : i32 to vector<16xi32>
    %add3A_3646 = arith.addi %iota3A, %add3A_3645 : vector<16xi32>
    tpu.vector_store_idx %arg5[%sub3A_3636, %add3A_3646], %broadcast_in_dim3A_3 masked %and3A_3643 : memref<256x128xf32, #tpu.memory_space<vmem>>[vector<16xi32>, vector<16xi32>], vector<16xf32>, vector<16xi1>
    %get3A_3647 = arith.constant 480 : index
    %get3A_3648 = tpu.vector_load %arg4[%get3A_3647] {strides = array<i32>} : memref<512xi32, #tpu.memory_space<vmem>>, vector<16xi32>,
    %sub3A_3649 = arith.constant 0 : i32
    %sub3A_3650 = vector.broadcast %sub3A_3649 : i32 to vector<16xi32>
    %sub3A_3651 = arith.subi %get3A_3648, %sub3A_3650 : vector<16xi32>
    %ge3A_3652 = arith.constant 0 : i32
    %ge3A_3653 = vector.broadcast %ge3A_3652 : i32 to vector<16xi32>
    %ge3A_3654 = arith.cmpi sge, %sub3A_3651, %ge3A_3653 : vector<16xi32>
    %lt3A_3655 = arith.constant 256 : i32
    %lt3A_3656 = vector.broadcast %lt3A_3655 : i32 to vector<16xi32>
    %lt3A_3657 = arith.cmpi slt, %sub3A_3651, %lt3A_3656 : vector<16xi32>
    %and3A_3658 = arith.andi %ge3A_3654, %lt3A_3657 : vector<16xi1>
    %add3A_3659 = arith.constant 96 : i32
    %add3A_3660 = vector.broadcast %add3A_3659 : i32 to vector<16xi32>
    %add3A_3661 = arith.addi %iota3A, %add3A_3660 : vector<16xi32>
    tpu.vector_store_idx %arg5[%sub3A_3651, %add3A_3661], %broadcast_in_dim3A_3 masked %and3A_3658 : memref<256x128xf32, #tpu.memory_space<vmem>>[vector<16xi32>, vector<16xi32>], vector<16xf32>, vector<16xi1>
    %get3A_3662 = arith.constant 496 : index
    %get3A_3663 = tpu.vector_load %arg4[%get3A_3662] {strides = array<i32>} : memref<512xi32, #tpu.memory_space<vmem>>, vector<16xi32>,
    %sub3A_3664 = arith.constant 0 : i32
    %sub3A_3665 = vector.broadcast %sub3A_3664 : i32 to vector<16xi32>
    %sub3A_3666 = arith.subi %get3A_3663, %sub3A_3665 : vector<16xi32>
    %ge3A_3667 = arith.constant 0 : i32
    %ge3A_3668 = vector.broadcast %ge3A_3667 : i32 to vector<16xi32>
    %ge3A_3669 = arith.cmpi sge, %sub3A_3666, %ge3A_3668 : vector<16xi32>
    %lt3A_3670 = arith.constant 256 : i32
    %lt3A_3671 = vector.broadcast %lt3A_3670 : i32 to vector<16xi32>
    %lt3A_3672 = arith.cmpi slt, %sub3A_3666, %lt3A_3671 : vector<16xi32>
    %and3A_3673 = arith.andi %ge3A_3669, %lt3A_3672 : vector<16xi1>
    %add3A_3674 = arith.constant 112 : i32
    %add3A_3675 = vector.broadcast %add3A_3674 : i32 to vector<16xi32>
    %add3A_3676 = arith.addi %iota3A, %add3A_3675 : vector<16xi32>
    tpu.vector_store_idx %arg5[%sub3A_3666, %add3A_3676], %broadcast_in_dim3A_3 masked %and3A_3673 : memref<256x128xf32, #tpu.memory_space<vmem>>[vector<16xi32>, vector<16xi32>], vector<16xf32>, vector<16xi1>
    %get3A_3677 = arith.constant 384 : index
    %get3A_3678 = tpu.vector_load %arg4[%get3A_3677] {strides = array<i32>} : memref<512xi32, #tpu.memory_space<vmem>>, vector<16xi32>,
    %sub3A_3679 = arith.constant 768 : i32
    %sub3A_3680 = vector.broadcast %sub3A_3679 : i32 to vector<16xi32>
    %sub3A_3681 = arith.subi %get3A_3678, %sub3A_3680 : vector<16xi32>
    %ge3A_3682 = arith.constant 0 : i32
    %ge3A_3683 = vector.broadcast %ge3A_3682 : i32 to vector<16xi32>
    %ge3A_3684 = arith.cmpi sge, %sub3A_3681, %ge3A_3683 : vector<16xi32>
    %lt3A_3685 = arith.constant 232 : i32
    %lt3A_3686 = vector.broadcast %lt3A_3685 : i32 to vector<16xi32>
    %lt3A_3687 = arith.cmpi slt, %sub3A_3681, %lt3A_3686 : vector<16xi32>
    %and3A_3688 = arith.andi %ge3A_3684, %lt3A_3687 : vector<16xi1>
    %add3A_3689 = arith.constant 0 : i32
    %add3A_3690 = vector.broadcast %add3A_3689 : i32 to vector<16xi32>
    %add3A_3691 = arith.addi %iota3A, %add3A_3690 : vector<16xi32>
    tpu.vector_store_idx %arg5[%sub3A_3681, %add3A_3691], %broadcast_in_dim3A_5 masked %and3A_3688 : memref<256x128xf32, #tpu.memory_space<vmem>>[vector<16xi32>, vector<16xi32>], vector<16xf32>, vector<16xi1>
    %get3A_3692 = arith.constant 400 : index
    %get3A_3693 = tpu.vector_load %arg4[%get3A_3692] {strides = array<i32>} : memref<512xi32, #tpu.memory_space<vmem>>, vector<16xi32>,
    %sub3A_3694 = arith.constant 768 : i32
    %sub3A_3695 = vector.broadcast %sub3A_3694 : i32 to vector<16xi32>
    %sub3A_3696 = arith.subi %get3A_3693, %sub3A_3695 : vector<16xi32>
    %ge3A_3697 = arith.constant 0 : i32
    %ge3A_3698 = vector.broadcast %ge3A_3697 : i32 to vector<16xi32>
    %ge3A_3699 = arith.cmpi sge, %sub3A_3696, %ge3A_3698 : vector<16xi32>
    %lt3A_3700 = arith.constant 232 : i32
    %lt3A_3701 = vector.broadcast %lt3A_3700 : i32 to vector<16xi32>
    %lt3A_3702 = arith.cmpi slt, %sub3A_3696, %lt3A_3701 : vector<16xi32>
    %and3A_3703 = arith.andi %ge3A_3699, %lt3A_3702 : vector<16xi1>
    %add3A_3704 = arith.constant 16 : i32
    %add3A_3705 = vector.broadcast %add3A_3704 : i32 to vector<16xi32>
    %add3A_3706 = arith.addi %iota3A, %add3A_3705 : vector<16xi32>
    tpu.vector_store_idx %arg5[%sub3A_3696, %add3A_3706], %broadcast_in_dim3A_5 masked %and3A_3703 : memref<256x128xf32, #tpu.memory_space<vmem>>[vector<16xi32>, vector<16xi32>], vector<16xf32>, vector<16xi1>
    %get3A_3707 = arith.constant 416 : index
    %get3A_3708 = tpu.vector_load %arg4[%get3A_3707] {strides = array<i32>} : memref<512xi32, #tpu.memory_space<vmem>>, vector<16xi32>,
    %sub3A_3709 = arith.constant 768 : i32
    %sub3A_3710 = vector.broadcast %sub3A_3709 : i32 to vector<16xi32>
    %sub3A_3711 = arith.subi %get3A_3708, %sub3A_3710 : vector<16xi32>
    %ge3A_3712 = arith.constant 0 : i32
    %ge3A_3713 = vector.broadcast %ge3A_3712 : i32 to vector<16xi32>
    %ge3A_3714 = arith.cmpi sge, %sub3A_3711, %ge3A_3713 : vector<16xi32>
    %lt3A_3715 = arith.constant 232 : i32
    %lt3A_3716 = vector.broadcast %lt3A_3715 : i32 to vector<16xi32>
    %lt3A_3717 = arith.cmpi slt, %sub3A_3711, %lt3A_3716 : vector<16xi32>
    %and3A_3718 = arith.andi %ge3A_3714, %lt3A_3717 : vector<16xi1>
    %add3A_3719 = arith.constant 32 : i32
    %add3A_3720 = vector.broadcast %add3A_3719 : i32 to vector<16xi32>
    %add3A_3721 = arith.addi %iota3A, %add3A_3720 : vector<16xi32>
    tpu.vector_store_idx %arg5[%sub3A_3711, %add3A_3721], %broadcast_in_dim3A_5 masked %and3A_3718 : memref<256x128xf32, #tpu.memory_space<vmem>>[vector<16xi32>, vector<16xi32>], vector<16xf32>, vector<16xi1>
    %get3A_3722 = arith.constant 432 : index
    %get3A_3723 = tpu.vector_load %arg4[%get3A_3722] {strides = array<i32>} : memref<512xi32, #tpu.memory_space<vmem>>, vector<16xi32>,
    %sub3A_3724 = arith.constant 768 : i32
    %sub3A_3725 = vector.broadcast %sub3A_3724 : i32 to vector<16xi32>
    %sub3A_3726 = arith.subi %get3A_3723, %sub3A_3725 : vector<16xi32>
    %ge3A_3727 = arith.constant 0 : i32
    %ge3A_3728 = vector.broadcast %ge3A_3727 : i32 to vector<16xi32>
    %ge3A_3729 = arith.cmpi sge, %sub3A_3726, %ge3A_3728 : vector<16xi32>
    %lt3A_3730 = arith.constant 232 : i32
    %lt3A_3731 = vector.broadcast %lt3A_3730 : i32 to vector<16xi32>
    %lt3A_3732 = arith.cmpi slt, %sub3A_3726, %lt3A_3731 : vector<16xi32>
    %and3A_3733 = arith.andi %ge3A_3729, %lt3A_3732 : vector<16xi1>
    %add3A_3734 = arith.constant 48 : i32
    %add3A_3735 = vector.broadcast %add3A_3734 : i32 to vector<16xi32>
    %add3A_3736 = arith.addi %iota3A, %add3A_3735 : vector<16xi32>
    tpu.vector_store_idx %arg5[%sub3A_3726, %add3A_3736], %broadcast_in_dim3A_5 masked %and3A_3733 : memref<256x128xf32, #tpu.memory_space<vmem>>[vector<16xi32>, vector<16xi32>], vector<16xf32>, vector<16xi1>
    %get3A_3737 = arith.constant 448 : index
    %get3A_3738 = tpu.vector_load %arg4[%get3A_3737] {strides = array<i32>} : memref<512xi32, #tpu.memory_space<vmem>>, vector<16xi32>,
    %sub3A_3739 = arith.constant 768 : i32
    %sub3A_3740 = vector.broadcast %sub3A_3739 : i32 to vector<16xi32>
    %sub3A_3741 = arith.subi %get3A_3738, %sub3A_3740 : vector<16xi32>
    %ge3A_3742 = arith.constant 0 : i32
    %ge3A_3743 = vector.broadcast %ge3A_3742 : i32 to vector<16xi32>
    %ge3A_3744 = arith.cmpi sge, %sub3A_3741, %ge3A_3743 : vector<16xi32>
    %lt3A_3745 = arith.constant 232 : i32
    %lt3A_3746 = vector.broadcast %lt3A_3745 : i32 to vector<16xi32>
    %lt3A_3747 = arith.cmpi slt, %sub3A_3741, %lt3A_3746 : vector<16xi32>
    %and3A_3748 = arith.andi %ge3A_3744, %lt3A_3747 : vector<16xi1>
    %add3A_3749 = arith.constant 64 : i32
    %add3A_3750 = vector.broadcast %add3A_3749 : i32 to vector<16xi32>
    %add3A_3751 = arith.addi %iota3A, %add3A_3750 : vector<16xi32>
    tpu.vector_store_idx %arg5[%sub3A_3741, %add3A_3751], %broadcast_in_dim3A_5 masked %and3A_3748 : memref<256x128xf32, #tpu.memory_space<vmem>>[vector<16xi32>, vector<16xi32>], vector<16xf32>, vector<16xi1>
    %get3A_3752 = arith.constant 464 : index
    %get3A_3753 = tpu.vector_load %arg4[%get3A_3752] {strides = array<i32>} : memref<512xi32, #tpu.memory_space<vmem>>, vector<16xi32>,
    %sub3A_3754 = arith.constant 768 : i32
    %sub3A_3755 = vector.broadcast %sub3A_3754 : i32 to vector<16xi32>
    %sub3A_3756 = arith.subi %get3A_3753, %sub3A_3755 : vector<16xi32>
    %ge3A_3757 = arith.constant 0 : i32
    %ge3A_3758 = vector.broadcast %ge3A_3757 : i32 to vector<16xi32>
    %ge3A_3759 = arith.cmpi sge, %sub3A_3756, %ge3A_3758 : vector<16xi32>
    %lt3A_3760 = arith.constant 232 : i32
    %lt3A_3761 = vector.broadcast %lt3A_3760 : i32 to vector<16xi32>
    %lt3A_3762 = arith.cmpi slt, %sub3A_3756, %lt3A_3761 : vector<16xi32>
    %and3A_3763 = arith.andi %ge3A_3759, %lt3A_3762 : vector<16xi1>
    %add3A_3764 = arith.constant 80 : i32
    %add3A_3765 = vector.broadcast %add3A_3764 : i32 to vector<16xi32>
    %add3A_3766 = arith.addi %iota3A, %add3A_3765 : vector<16xi32>
    tpu.vector_store_idx %arg5[%sub3A_3756, %add3A_3766], %broadcast_in_dim3A_5 masked %and3A_3763 : memref<256x128xf32, #tpu.memory_space<vmem>>[vector<16xi32>, vector<16xi32>], vector<16xf32>, vector<16xi1>
    %get3A_3767 = arith.constant 480 : index
    %get3A_3768 = tpu.vector_load %arg4[%get3A_3767] {strides = array<i32>} : memref<512xi32, #tpu.memory_space<vmem>>, vector<16xi32>,
    %sub3A_3769 = arith.constant 768 : i32
    %sub3A_3770 = vector.broadcast %sub3A_3769 : i32 to vector<16xi32>
    %sub3A_3771 = arith.subi %get3A_3768, %sub3A_3770 : vector<16xi32>
    %ge3A_3772 = arith.constant 0 : i32
    %ge3A_3773 = vector.broadcast %ge3A_3772 : i32 to vector<16xi32>
    %ge3A_3774 = arith.cmpi sge, %sub3A_3771, %ge3A_3773 : vector<16xi32>
    %lt3A_3775 = arith.constant 232 : i32
    %lt3A_3776 = vector.broadcast %lt3A_3775 : i32 to vector<16xi32>
    %lt3A_3777 = arith.cmpi slt, %sub3A_3771, %lt3A_3776 : vector<16xi32>
    %and3A_3778 = arith.andi %ge3A_3774, %lt3A_3777 : vector<16xi1>
    %add3A_3779 = arith.constant 96 : i32
    %add3A_3780 = vector.broadcast %add3A_3779 : i32 to vector<16xi32>
    %add3A_3781 = arith.addi %iota3A, %add3A_3780 : vector<16xi32>
    tpu.vector_store_idx %arg5[%sub3A_3771, %add3A_3781], %broadcast_in_dim3A_5 masked %and3A_3778 : memref<256x128xf32, #tpu.memory_space<vmem>>[vector<16xi32>, vector<16xi32>], vector<16xf32>, vector<16xi1>
    %get3A_3782 = arith.constant 496 : index
    %get3A_3783 = tpu.vector_load %arg4[%get3A_3782] {strides = array<i32>} : memref<512xi32, #tpu.memory_space<vmem>>, vector<16xi32>,
    %sub3A_3784 = arith.constant 768 : i32
    %sub3A_3785 = vector.broadcast %sub3A_3784 : i32 to vector<16xi32>
    %sub3A_3786 = arith.subi %get3A_3783, %sub3A_3785 : vector<16xi32>
    %ge3A_3787 = arith.constant 0 : i32
    %ge3A_3788 = vector.broadcast %ge3A_3787 : i32 to vector<16xi32>
    %ge3A_3789 = arith.cmpi sge, %sub3A_3786, %ge3A_3788 : vector<16xi32>
    %lt3A_3790 = arith.constant 232 : i32
    %lt3A_3791 = vector.broadcast %lt3A_3790 : i32 to vector<16xi32>
    %lt3A_3792 = arith.cmpi slt, %sub3A_3786, %lt3A_3791 : vector<16xi32>
    %and3A_3793 = arith.andi %ge3A_3789, %lt3A_3792 : vector<16xi1>
    %add3A_3794 = arith.constant 112 : i32
    %add3A_3795 = vector.broadcast %add3A_3794 : i32 to vector<16xi32>
    %add3A_3796 = arith.addi %iota3A, %add3A_3795 : vector<16xi32>
    tpu.vector_store_idx %arg5[%sub3A_3786, %add3A_3796], %broadcast_in_dim3A_5 masked %and3A_3793 : memref<256x128xf32, #tpu.memory_space<vmem>>[vector<16xi32>, vector<16xi32>], vector<16xf32>, vector<16xi1>
    %add3A_3797 = arith.constant 384 : i32
    %add3A_3798 = arith.addi %mul3A_2, %add3A_3797 : i32
    %dma_start3A_3799 = arith.constant 0 : i32
    %dma_start3A_3800 = arith.constant 0 : i32
    %dma_start3A_3801 = tpu.memref_slice %arg5[%dma_start3A_3799, %dma_start3A_3800] : memref<256x128xf32, #tpu.memory_space<vmem>> -> memref<232x128xf32, #tpu.memory_space<vmem>>
    %dma_start3A_3802 = arith.constant 768 : i32
    %dma_start3A_3803 = tpu.memref_slice %arg3[%dma_start3A_3802, %add3A_3798] : memref<1000x16384xf32, #tpu.memory_space<hbm>> -> memref<232x128xf32, #tpu.memory_space<hbm>>
    %dma_start3A_3804 = arith.constant 768 : i32
    %dma_start3A_3805 = tpu.memref_slice %arg3[%dma_start3A_3804, %add3A_3798] : memref<1000x16384xf32, #tpu.memory_space<hbm>> -> memref<232x128xf32, #tpu.memory_space<hbm>>
    %dma_start3A_3806 = arith.constant 0 : i32
    %dma_start3A_3807 = arith.constant 0 : i32
    %dma_start3A_3808 = tpu.memref_slice %arg5[%dma_start3A_3806, %dma_start3A_3807] : memref<256x128xf32, #tpu.memory_space<vmem>> -> memref<232x128xf32, #tpu.memory_space<vmem>>
    tpu.enqueue_dma source(%dma_start3A_3808 : memref<232x128xf32, #tpu.memory_space<vmem>>) target(%dma_start3A_3805 : memref<232x128xf32, #tpu.memory_space<hbm>>) target_semaphore(%arg8 : memref<!tpu.dma_semaphore, #tpu.memory_space<semaphore_mem>>)
    %dma_wait3A_3809 = arith.constant 0 : i32
    %dma_wait3A_3810 = arith.constant 0 : i32
    %dma_wait3A_3811 = tpu.memref_slice %arg5[%dma_wait3A_3809, %dma_wait3A_3810] : memref<256x128xf32, #tpu.memory_space<vmem>> -> memref<232x128xf32, #tpu.memory_space<vmem>>
    %dma_wait3A_3812 = arith.constant 768 : i32
    %dma_wait3A_3813 = tpu.memref_slice %arg3[%dma_wait3A_3812, %add3A_3798] : memref<1000x16384xf32, #tpu.memory_space<hbm>> -> memref<232x128xf32, #tpu.memory_space<hbm>>
    %dma_wait3A_3814 = arith.constant 768 : i32
    %dma_wait3A_3815 = tpu.memref_slice %arg3[%dma_wait3A_3814, %add3A_3798] : memref<1000x16384xf32, #tpu.memory_space<hbm>> -> memref<232x128xf32, #tpu.memory_space<hbm>>
    %dma_wait3A_3816 = arith.constant 0 : i32
    %dma_wait3A_3817 = arith.constant 0 : i32
    %dma_wait3A_3818 = tpu.memref_slice %arg5[%dma_wait3A_3816, %dma_wait3A_3817] : memref<256x128xf32, #tpu.memory_space<vmem>> -> memref<232x128xf32, #tpu.memory_space<vmem>>
    tpu.wait_dma2 semaphore(%arg8 : memref<!tpu.dma_semaphore, #tpu.memory_space<semaphore_mem>>) src(%dma_wait3A_3818 : memref<232x128xf32, #tpu.memory_space<vmem>>) dst(%dma_wait3A_3815 : memref<232x128xf32, #tpu.memory_space<hbm>>)
    %dma_wait3A_3819 = arith.constant 0 : i32
    %dma_wait3A_3820 = arith.constant 0 : i32
    %dma_wait3A_3821 = tpu.memref_slice %arg6[%dma_wait3A_3819, %dma_wait3A_3820] : memref<256x128xf32, #tpu.memory_space<vmem>> -> memref<256x128xf32, #tpu.memory_space<vmem>>
    %dma_wait3A_3822 = arith.constant 256 : i32
    %dma_wait3A_3823 = tpu.memref_slice %arg3[%dma_wait3A_3822, %add3A_3274] : memref<1000x16384xf32, #tpu.memory_space<hbm>> -> memref<256x128xf32, #tpu.memory_space<hbm>>
    %dma_wait3A_3824 = arith.constant 256 : i32
    %dma_wait3A_3825 = tpu.memref_slice %arg3[%dma_wait3A_3824, %add3A_3274] : memref<1000x16384xf32, #tpu.memory_space<hbm>> -> memref<256x128xf32, #tpu.memory_space<hbm>>
    %dma_wait3A_3826 = arith.constant 0 : i32
    %dma_wait3A_3827 = arith.constant 0 : i32
    %dma_wait3A_3828 = tpu.memref_slice %arg6[%dma_wait3A_3826, %dma_wait3A_3827] : memref<256x128xf32, #tpu.memory_space<vmem>> -> memref<256x128xf32, #tpu.memory_space<vmem>>
    tpu.wait_dma2 semaphore(%arg9 : memref<!tpu.dma_semaphore, #tpu.memory_space<semaphore_mem>>) src(%dma_wait3A_3828 : memref<256x128xf32, #tpu.memory_space<vmem>>) dst(%dma_wait3A_3825 : memref<256x128xf32, #tpu.memory_space<hbm>>)
    %dma_wait3A_3829 = arith.constant 0 : i32
    %dma_wait3A_3830 = arith.constant 0 : i32
    %dma_wait3A_3831 = tpu.memref_slice %arg7[%dma_wait3A_3829, %dma_wait3A_3830] : memref<256x128xf32, #tpu.memory_space<vmem>> -> memref<256x128xf32, #tpu.memory_space<vmem>>
    %dma_wait3A_3832 = arith.constant 512 : i32
    %dma_wait3A_3833 = tpu.memref_slice %arg3[%dma_wait3A_3832, %add3A_3536] : memref<1000x16384xf32, #tpu.memory_space<hbm>> -> memref<256x128xf32, #tpu.memory_space<hbm>>
    %dma_wait3A_3834 = arith.constant 512 : i32
    %dma_wait3A_3835 = tpu.memref_slice %arg3[%dma_wait3A_3834, %add3A_3536] : memref<1000x16384xf32, #tpu.memory_space<hbm>> -> memref<256x128xf32, #tpu.memory_space<hbm>>
    %dma_wait3A_3836 = arith.constant 0 : i32
    %dma_wait3A_3837 = arith.constant 0 : i32
    %dma_wait3A_3838 = tpu.memref_slice %arg7[%dma_wait3A_3836, %dma_wait3A_3837] : memref<256x128xf32, #tpu.memory_space<vmem>> -> memref<256x128xf32, #tpu.memory_space<vmem>>
    tpu.wait_dma2 semaphore(%arg10 : memref<!tpu.dma_semaphore, #tpu.memory_space<semaphore_mem>>) src(%dma_wait3A_3838 : memref<256x128xf32, #tpu.memory_space<vmem>>) dst(%dma_wait3A_3835 : memref<256x128xf32, #tpu.memory_space<hbm>>)
    return
  }
}

</mosaic_0001>

<sc_bundles>
// kernel: kernel.3.cloned.1.call-start
scs
__scs_entry_jumppad:
0x0: {  	(pc) =	sbr.rel $0x88, $3  }
0x1: {  	(tag) =	ssettag $0x0;
	lr =	simm.s32 $0x1  }
0x2: {  	[smem:$0x3FA0] =	sst lr;
	_ =	strace $0xD0000000  }
0x3: {  	_ = 	snop  }
0x4: {  	_ = 	snop  }
0x5: {  	_ = 	snop  }
0x6: {  	_ = 	snop  }
0x7: {  	_ = 	snop  }
__scs_overlays_trampoline_lowered:
0x8: {  	[smem:$0x3FAF] =	sst s0  }
0x9: {  	[smem:$0x3FB0] =	sst s1  }
0xa: {  	[smem:$0x3FB1] =	sst s2  }
0xb: {  	[smem:$0x3FB2] =	sst s3  }
0xc: {  	[smem:$0x3FB3] =	sst s4  }
0xd: {  	[smem:$0x3FB4] =	sst s5  }
0xe: {  	[smem:$0x3FB5] =	sst s6  }
0xf: {  	[smem:$0x3FB6] =	sst s7  }
0x10: {  	[smem:$0x3FB7] =	sst s8  }
0x11: {  	[smem:$0x3FB8] =	sst s9;
	s0 =	simm.s32 @!p0 $0x0  }
0x12: {  	s1 =	sld [smem:$0x3F9E];
	s0 =	simm.s32 @p0 $0x1  }
0x13: {  	[smem:$0x3FB9] =	sst s0;
	s0 =	simm.s32 @!p1 $0x0  }
0x14: {  	s2 =	sld [smem:$0x3F9D];
	s0 =	simm.s32 @p1 $0x1  }
0x15: {  	[smem:$0x3FBA] =	sst s0;
	s0 =	simm.s32 @!p2 $0x0  }
0x16: {  	s3 =	sld [smem:$0x3FDB];
	s0 =	simm.s32 @p2 $0x1  }
0x17: {  	s4 =	simm.s32 $0x1BF5;
	[smem:$0x3FBC] =	sst s0  }
0x18: {  	s0 =	sld [smem:$0x3F9F];
	_ =	swait.ge [sflag:s4], $0x0  }
0x19: {  	s7 =	sld [smem:$0x3FA0]  }
0x1a: {  	s8 =	sadd.s32 $0xFFFFE003, lr  }
0x1b: {  	s9 =	sadd.s32 $0xFFFFFEF7, lr;
	s5 =	simm.s32 $0xFFFFFFFF;
	p2 =	slt.u32 s8, $0xFFFFF086  }
0x1c: {  	p1 =	slt.u32 s9, $0xF7A;
	s5 =	simm.s32 @!p2 $0x0  }
0x1d: {  	s5 =	simm.s32 @p1 $0x1;
	p0 =	seq.s32 s7, s2  }
0x1e: {  	s7 =	smul.u32 @!p0 $0xF7A, s2;
	p2 =	seq.s32 @!p0 s5, $0x0  }
0x1f: {  	s9 =	smul.u32 $0xF7A, s1;
	s8 =	simm.s32 @!p0 $0x1BF5;
	p2 =	por !p2, p0  }
0x20: {  	[sflag:s8] =	ssyncset.s32 @!p0 $0xFFFFF086;
	s6 =	sadd.s32 @!p0 s3, s7;
	s7 =	simm.s32 @!p0 $0x108  }
0x21: {  	s3 =	sadd.s32 s3, s9;
	s6 =	sadd.s32 @!p0 $0x88, s6;
	s7 =	simm.s32 @p2 $0x1082  }
0x22: {  	[simem:s7], [sflag:s8] =	dma.local @!p0 [hbm:s6], $0xF7A  }
0x23: {  	s9 =	sor.u32 $0xD0000000, s2;
	s6 =	simm.s32 $0x108;
	_ =	swait.ge @!p0 [sflag:s8], $0x0  }
0x24: {  	s3 =	sadd.s32 $0x88, s3;
	s6 =	simm.s32 @!p1 $0x1082;
	[sflag:s4] =	ssyncset.s32 $0xFFFFF086  }
0x25: {  	[simem:s6], [sflag:s4] =	dma.local [hbm:s3], $0xF7A  }
0x26: {  	[smem:$0x3FA0] =	sst s1;
	(tag) =	ssettag s2;
	_ =	strace s9  }
0x27: {  	s1 =	sld [smem:$0x3FB0]  }
0x28: {  	s2 =	sld [smem:$0x3FB1]  }
0x29: {  	s4 =	sld [smem:$0x3FB3]  }
0x2a: {  	p0 =	seq.s32 s5, $0x0;
	s5 =	sld [smem:$0x3FB4]  }
0x2b: {  	s6 =	sld [smem:$0x3FB5]  }
0x2c: {  	s7 =	sld [smem:$0x3FB6]  }
0x2d: {  	s3 =	simm.s32 $0x108;
	s8 =	sld [smem:$0x3FB7]  }
0x2e: {  	s3 =	simm.s32 @!p0 $0x1082;
	s9 =	sld [smem:$0x3FB8]  }
0x2f: {  	lr =	sadd.s32 s0, s3;
	s0 =	sld [smem:$0x3FAF]  }
0x30: {  	s3 =	sld [smem:$0x3FB2]  }
0x31: {  	[smem:$0x3FBB] =	sst s10  }
0x32: {  	s10 =	sld [smem:$0x3FB9];
	_ =	sdelay $0x3  }
0x33: {  	p0 =	seq.s32 s10, $0x1;
	s10 =	sld [smem:$0x3FBB];
	_ =	sdelay $0x3  }
0x34: {  	[smem:$0x3FBB] =	sst s10  }
0x35: {  	s10 =	sld [smem:$0x3FBA];
	_ =	sdelay $0x3  }
0x36: {  	p1 =	seq.s32 s10, $0x1;
	s10 =	sld [smem:$0x3FBB];
	_ =	sdelay $0x3  }
0x37: {  	[smem:$0x3FBB] =	sst s10  }
0x38: {  	s10 =	sld [smem:$0x3FBC]  }
0x39: {  	_ = 	snop;
	(pc) =	sbr.ind lr, $3  }
0x3a: {  	_ = 	snop  }
0x3b: {  	_ = 	snop  }
0x3c: {  	p2 =	seq.s32 s10, $0x1;
	s10 =	sld [smem:$0x3FBB]  }
0x3d: {  	_ =	shalt  }
0x3e: {  	_ =	shalt  }
0x3f: {  	_ =	shalt  }
0x40: {  	_ =	shalt  }
0x41: {  	_ =	shalt  }
0x42: {  	_ =	shalt  }
0x43: {  	_ =	shalt  }
0x44: {  	_ =	shalt  }
0x45: {  	_ =	shalt  }
0x46: {  	_ =	shalt  }
0x47: {  	_ =	shalt  }
0x48: {  	_ =	shalt  }
0x49: {  	_ =	shalt  }
0x4a: {  	_ =	shalt  }
0x4b: {  	_ =	shalt  }
0x4c: {  	_ =	shalt  }
0x4d: {  	_ =	shalt  }
0x4e: {  	_ =	shalt  }
0x4f: {  	_ =	shalt  }
0x50: {  	_ =	shalt  }
0x51: {  	_ =	shalt  }
0x52: {  	_ =	shalt  }
0x53: {  	_ =	shalt  }
0x54: {  	_ =	shalt  }
0x55: {  	_ =	shalt  }
0x56: {  	_ =	shalt  }
0x57: {  	_ =	shalt  }
0x58: {  	_ =	shalt  }
0x59: {  	_ =	shalt  }
0x5a: {  	_ =	shalt  }
0x5b: {  	_ =	shalt  }
0x5c: {  	_ =	shalt  }
0x5d: {  	_ =	shalt  }
0x5e: {  	_ =	shalt  }
0x5f: {  	_ =	shalt  }
0x60: {  	_ =	shalt  }
0x61: {  	_ =	shalt  }
0x62: {  	_ =	shalt  }
0x63: {  	_ =	shalt  }
0x64: {  	_ =	shalt  }
0x65: {  	_ =	shalt  }
0x66: {  	_ =	shalt  }
0x67: {  	_ =	shalt  }
0x68: {  	_ =	shalt  }
0x69: {  	_ =	shalt  }
0x6a: {  	_ =	shalt  }
0x6b: {  	_ =	shalt  }
0x6c: {  	_ =	shalt  }
0x6d: {  	_ =	shalt  }
0x6e: {  	_ =	shalt  }
0x6f: {  	_ =	shalt  }
0x70: {  	_ =	shalt  }
0x71: {  	_ =	shalt  }
0x72: {  	_ =	shalt  }
0x73: {  	_ =	shalt  }
0x74: {  	_ =	shalt  }
0x75: {  	_ =	shalt  }
0x76: {  	_ =	shalt  }
0x77: {  	_ =	shalt  }
0x78: {  	_ =	shalt  }
0x79: {  	_ =	shalt  }
0x7a: {  	_ =	shalt  }
0x7b: {  	_ =	shalt  }
0x7c: {  	_ =	shalt  }
0x7d: {  	_ =	shalt  }
0x7e: {  	_ =	shalt  }
0x7f: {  	_ =	shalt  }
0x80: {  	_ =	shalt  }
0x81: {  	_ =	shalt  }
0x82: {  	_ =	shalt  }
0x83: {  	_ =	shalt  }
0x84: {  	_ =	shalt  }
0x85: {  	_ =	shalt  }
0x86: {  	_ =	shalt  }
0x87: {  	_ =	shalt  }
.Lfunc_end0:
.L_simem_size_0:
called_computation_lowered:
.L_overlay_start_0:
0x88: {  	s2 =	sld [smem:$0x3FD9]  }
0x89: {  	s3 =	sld [smem:$0x3FFE];
	_ =	sdelay $0x1  }
0x8a: {  	s1 =	srdreg.scid  }
0x8b: {  	s0 =	sand.u32 $0x1, s1  }
0x8c: {  	s18 =	sshll.u32 s0, $0xA;
	s2 =	sadd.s32 s3, s2  }
0x8d: {  	s2 =	sadd.s32 s2, s18  }
0x8e: {  	[smem:$0x3FC7] =	sst s2  }
0x8f: {  	_ = 	snop  }
0x90: {  	s2 =	sld [smem:$0x3FC9]  }
0x91: {  	s19 =	sld [smem:$0x3FD0];
	(tm) =	ssettm $0x1  }
0x92: {  	s4 =	sld [smem:$0x3FFB];
	_ =	sdelay $0x3  }
0x93: {  	_ =	strace s4  }
0x94: {  	s4 =	sld [smem:$0x3FFC];
	_ =	sdelay $0x3  }
0x95: {  	_ =	strace s4  }
0x96: {  	s4 =	sld [smem:$0x3FFD];
	_ =	sdelay $0x3  }
0x97: {  	_ =	strace s4  }
0x98: {  	_ =	strace $0x8FFFFFFF  }
0x99: {  	s20 =	sld [smem:$0x3FDB];
	_ =	sdelay $0x1  }
0x9a: {  	s5 =	simm.s32 $_scs_section_size  }
0x9b: {  	s6 =	simm.s32 $_size__tile_overlayer_lowered;
	s7 =	simm.s32 $_tile_overlayer_lowered  }
0x9c: {  	s23 =	simm.s32 $0x1BFF;
	s22 =	sshll.u32 s7, $0x1;
	s4 =	sadd.s32 s5, s20  }
0x9d: {  	s8 =	simm.s32 $0x0;
	s21 =	sshll.u32 s6, $0x1;
	s6 =	sadd.s32 s22, s4  }
0x9e: {  	[timem:s8], [sflag:s23] =	dma.local [hbm:s6], s21  }
0x9f: {  	_ =	swait.ge [sflag:s23], s21  }
0xa0: {  	s5 =	ssub.s32 $0x0, s21;
	[sflag:s23] =	ssyncset.done $0x0  }
0xa1: {  	[sflag:s23] =	ssyncadd.s32 s5;
	_ =	sdelay $0x1  }
0xa2: {  	s24 =	simm.s32 $0x1B8B  }
0xa3: {  	_ =	swait.ge [sflag:s24], $0x1  }
0xa4: {  	[sflag:s24] =	ssyncset.done $0x0  }
0xa5: {  	s25 =	simm.s32 $0x1B8E;
	[sflag:s24] =	ssyncadd.s32 $0xFFFFFFFF  }
0xa6: {  	s26 =	simm.s32 $execute0_lowered;
	[smem:$0x3FD2] =	sst s25  }
0xa7: {  	s5 =	sshll.u32 s26, $0x1;
	_ =	strace $0x80000046;
	[dreg:$0x1] =	wrdreg $0xFFFFFFFF  }
0xa8: {  	s28 =	simm.s32 $_size_execute0_lowered;
	s4 =	sadd.s32 s4, s5;
	[dreg:$0x0] =	wrdreg $0x0  }
0xa9: {  	s5 =	sshll.u32 s28, $0x1;
	[dreg:$0x2] =	wrdreg s4  }
0xaa: {  	[dreg:$0x3] =	wrdreg s5  }
0xab: {  	[dreg:$0x4] =	wrdreg $0xC0  }
0xac: {  	_ =	task [dreg:s8], $0x5FFFF  }
0xad: {  	[dreg:$0x1] =	wrdreg $0xFFFFFFFF  }
0xae: {  	[dreg:$0x0] =	wrdreg $0x60  }
0xaf: {  	[dreg:$0x2] =	wrdreg s2  }
0xb0: {  	[dreg:$0x3] =	wrdreg s19  }
0xb1: {  	[dreg:$0x4] =	wrdreg $0x9  }
0xb2: {  	_ =	task.clear_ibuf [dreg:s8], $0x5FFFF;
	_ =	strace $0x90000046  }
0xb3: {  	s29 =	simm.s32 $0x9;
	_ =	strace $0x80000048  }
0xb4: {  	_ =	swait.ge [sflag:s29], $0x1  }
0xb5: {  	[sflag:s29] =	ssyncadd.s32 $0xFFFFFFFF  }
0xb6: {  	_ =	strace $0x90000048  }
0xb7: {  	_ =	sfence  }
0xb8: {  	s30 =	sld [smem:$0x0];
	_ =	sdelay $0x2  }
0xb9: {  	s31 =	sshll.u32 s1, $0xD;
	s1 =	sshrl.u32 s1, $0x2  }
0xba: {  	s3 =	sand.u32 $0x4000, s31;
	s1 =	sadd.s32 s1, s30  }
0xbb: {  	s0 =	sor.u32 s3, s0;
	s1 =	sshll.u32 s1, $0x11  }
0xbc: {  	s0 =	sor.u32 s1, s0  }
0xbd: {  	s0 =	sadd.s32 $0x8F2B, s0  }
0xbe: {  	[sflag:s0] =	ssyncadd.remote.s32 $0x1  }
0xbf: {  	_ =	sfence.sel $0xFFFF  }
0xc0: {  	[dreg:$0x0] =	wrdreg $0xFFFFFFFF;
	(pc) =	sbr.abs _section_cstart, $3  }
0xc1: {  	[dreg:$0x1] =	wrdreg $0xFFFFFFFF  }
0xc2: {  	_ =	task.clear_ibuf [dreg:s8], $0x2FFFF;
	_ =	strace $0x9FFFFFFF  }
0xc3: {  	(tm) =	ssettm $0x7FFFFFFF  }
tec
execute0_lowered:
.L_overlay_start_1:
0x0: {  	(tag) =	ssettag $0x1  }
0x1: {  	s0 =	rddreg [dreg:$0x0];
	s1 =	srdreg.scid  }
0x2: {  	s2 =	rddreg [dreg:$0x1];
	s4 =	stileid.u32  }
0x3: {  	s21 =	simm.s32 $0x4;
	s22 =	simm.s32 $0x200;
	s23 =	simm.s32 $0x400  }
0x4: {  	v0 =	vlaneseq.u32;
	s24 =	simm.s32 $0x20000;
	s28 =	simm.s32 $0x1;
	s29 =	simm.s32 $0x2  }
0x5: {  	v1 =	vimm.f32 $9.999999740e-05;
	v2 =	vimm.f32 $8.999999760e-01;
	s30 =	simm.s32 $0x3;
	s31 =	simm.s32 $0x0;
	s3 =	sand.u32 $0x1, s1;
	v4 =	vor.u32 $0x20, v0  }
0x6: {  	s1 =	simm.s32 $0x0;
	s4 =	sshll.u32 s4, $0xA;
	v5 =	vor.u32 $0x30, v0;
	v6 =	vor.u32 $0x40, v0;
	v7 =	vor.u32 $0x50, v0;
	s5 =	sshll.u32 s3, $0x9  }
0x7: {  	v8 =	vor.u32 $0x60, v0;
	v9 =	vor.u32 $0x70, v0;
	v10 =	vor.u32 $0xFFFF8000, v0;
	[smem:$0x7FF] =	sst s1;
	s6 =	ssub.s32 $0x2, s3;
	s5 =	sor.u32 s5, s4  }
0x8: {  	v11 =	vor.u32 $0xFFFF8010, v0;
	v12 =	vor.u32 $0xFFFF8020, v0;
	v13 =	vor.u32 $0xFFFF8030, v0;
	s25 =	sshrl.u32 s6, $0x1;
	_ =	strace $0x80000047;
	s3 =	sadd.s32 s2, s5  }
0x9: {  	v14 =	vor.u32 $0xFFFF8040, v0;
	v15 =	vor.u32 $0xFFFF8050, v0;
	v16 =	vor.u32 $0xFFFF8060, v0;
	s26 =	ssub.s32 s6, s25;
	s7 =	sshrl.u32 s5, $0x3;
	s25 =	simm.s32 $0x8200  }
0xa: {  	v3 =	vor.u32 $0x10, v0;
	v17 =	vor.u32 $0xFFFF8070, v0;
	v18 =	vor.u32 $0xFFFF0000, v0;
	s4 =	sadd.s32 $0x80000, s3;
	s5 =	sadd.s32 $0x100000, s3;
	s6 =	sadd.s32 $0x100080, s3  }
0xb: {  	v19 =	vor.u32 $0xFFFF0010, v0;
	v20 =	vor.u32 $0xFFFF0020, v0;
	v21 =	vor.u32 $0xFFFF0030, v0;
	s7 =	sadd.s32 s0, s7;
	s8 =	sadd.s32 $0x180000, s3;
	s9 =	sadd.s32 $0x180080, s3  }
0xc: {  	v22 =	vor.u32 $0xFFFF0040, v0;
	v23 =	vor.u32 $0xFFFF0050, v0;
	v24 =	vor.u32 $0xFFFF0060, v0;
	s10 =	sadd.s32 $0x80, s3;
	s11 =	sadd.s32 $0x80080, s3;
	s12 =	sadd.s32 $0x100100, s3  }
0xd: {  	v25 =	vor.u32 $0xFFFF0070, v0;
	v26 =	vor.u32 $0xFFFE8000, v0;
	v27 =	vor.u32 $0xFFFE8010, v0;
	s13 =	sadd.s32 $0x100, s3;
	s14 =	sadd.s32 $0x80100, s3;
	s15 =	sadd.s32 $0x180100, s3  }
0xe: {  	v28 =	vor.u32 $0xFFFE8020, v0;
	v29 =	vor.u32 $0xFFFE8030, v0;
	v30 =	vor.u32 $0xFFFE8040, v0;
	s16 =	sadd.s32 $0x180, s3;
	s17 =	sadd.s32 $0x80180, s3;
	s18 =	sadd.s32 $0x100180, s3  }
0xf: {  	v31 =	vor.u32 $0xFFFE8050, v0;
	v32 =	vor.u32 $0xFFFE8060, v0;
	v33 =	vor.u32 $0xFFFE8070, v0;
	s19 =	sadd.s32 $0x180180, s3;
	s20 =	smax.u32 s26, $0x1;
	s26 =	simm.s32 $0x10200  }
.LBB2_1:
0x10: {  	[tilespmem:s1], [sflag:$0x4] =	stream.linear.gather [hbm4b:s7+s1], $0x200, $0x38;
	[tilespmem:$0x18200] =	vst v63  }
0x11: {  	_ =	swait.ge [sflag:s21], $0x200  }
0x12: {  	[sflag:s21] =	ssyncset.done $0x0  }
0x13: {  	s2 =	simm.s32 $0x240;
	[sflag:s21] =	ssyncadd.s32 $0xFFFFFE00  }
0x14: {  	[tilespmem:s2+$0xFFFFFFC0] =	vst v1  }
0x15: {  	[tilespmem:s2+$0x30] =	vst v1  }
0x16: {  	[tilespmem:s2+$0x20] =	vst v1  }
0x17: {  	[tilespmem:s2+$0x10] =	vst v1  }
0x18: {  	[tilespmem:s2+$0x0] =	vst v1  }
0x19: {  	[tilespmem:s2+$0xFFFFFFF0] =	vst v1  }
0x1a: {  	s0 =	simm.s32 $0x0;
	[tilespmem:s2+$0xFFFFFFE0] =	vst v1  }
.LBB2_2:
0x1b: {  	s0 =	sadd.s32 $0x8, s0;
	[tilespmem:s2+$0xFFFFFFD0] =	vst v1;
	s2 =	sadd.s32 $0x80, s2  }
0x1c: {  	[tilespmem:s2+$0xFFFFFFC0] =	vst v1;
	p0 =	slt.u32 s0, $0x7F8  }
0x1d: {  	[tilespmem:s2+$0x30] =	vst v1  }
.Ltmp0:
0x1e: {  	[tilespmem:s2+$0x20] =	vst v1;
	(pc) =	sbr.rel @p0 .LBB2_2-.Ltmp0, $4  }
0x1f: {  	[tilespmem:s2+$0x10] =	vst v1  }
0x20: {  	[tilespmem:s2+$0x0] =	vst v1  }
0x21: {  	[tilespmem:s2+$0xFFFFFFF0] =	vst v1  }
0x22: {  	[tilespmem:s2+$0xFFFFFFE0] =	vst v1  }
0x23: {  	[tilespmem:s2+$0xFFFFFFD0] =	vst v1  }
0x24: {  	v34 =	vld [tilespmem:$0x0];
	_ =	sdelay $0x4  }
0x25: {  	vm0 =	vlt.u32 v34, $0x100;
	v34 =	vshll.u32 v34, $0x7  }
0x26: {  	v34 =	vor.u32 v0, v34;
	_ =	sdelay $0x4  }
0x27: {  	[tilespmem:v34+s22+$0x0] =	vst.idx.msk vm0, v2  }
0x28: {  	v34 =	vld [tilespmem:$0x10];
	_ =	sdelay $0x4  }
0x29: {  	vm9 =	vlt.u32 v34, $0x100;
	v34 =	vshll.u32 v34, $0x7  }
0x2a: {  	v34 =	vor.u32 v3, v34;
	_ =	sdelay $0x4  }
0x2b: {  	[tilespmem:v34+s22+$0x0] =	vst.idx.msk vm9, v2  }
0x2c: {  	v34 =	vld [tilespmem:$0x20];
	_ =	sdelay $0x4  }
0x2d: {  	vm10 =	vlt.u32 v34, $0x100;
	v34 =	vshll.u32 v34, $0x7  }
0x2e: {  	v34 =	vor.u32 v4, v34;
	_ =	sdelay $0x4  }
0x2f: {  	[tilespmem:v34+s22+$0x0] =	vst.idx.msk vm10, v2  }
0x30: {  	v34 =	vld [tilespmem:$0x30];
	_ =	sdelay $0x4  }
0x31: {  	vm11 =	vlt.u32 v34, $0x100;
	v34 =	vshll.u32 v34, $0x7  }
0x32: {  	v34 =	vor.u32 v5, v34;
	_ =	sdelay $0x4  }
0x33: {  	[tilespmem:v34+s22+$0x0] =	vst.idx.msk vm11, v2  }
0x34: {  	v34 =	vld [tilespmem:$0x40];
	_ =	sdelay $0x4  }
0x35: {  	vm12 =	vlt.u32 v34, $0x100;
	v34 =	vshll.u32 v34, $0x7  }
0x36: {  	v34 =	vor.u32 v6, v34;
	_ =	sdelay $0x4  }
0x37: {  	[tilespmem:v34+s22+$0x0] =	vst.idx.msk vm12, v2  }
0x38: {  	v34 =	vld [tilespmem:$0x50];
	_ =	sdelay $0x4  }
0x39: {  	vm13 =	vlt.u32 v34, $0x100;
	v34 =	vshll.u32 v34, $0x7  }
0x3a: {  	v34 =	vor.u32 v7, v34;
	_ =	sdelay $0x4  }
0x3b: {  	[tilespmem:v34+s22+$0x0] =	vst.idx.msk vm13, v2  }
0x3c: {  	v34 =	vld [tilespmem:$0x60];
	_ =	sdelay $0x4  }
0x3d: {  	vm14 =	vlt.u32 v34, $0x100;
	v34 =	vshll.u32 v34, $0x7  }
0x3e: {  	v34 =	vor.u32 v8, v34;
	_ =	sdelay $0x4  }
0x3f: {  	[tilespmem:v34+s22+$0x0] =	vst.idx.msk vm14, v2  }
0x40: {  	v34 =	vld [tilespmem:$0x70];
	_ =	sdelay $0x4  }
0x41: {  	vm15 =	vlt.u32 v34, $0x100;
	v34 =	vshll.u32 v34, $0x7  }
0x42: {  	v34 =	vor.u32 v9, v34;
	_ =	sdelay $0x4  }
0x43: {  	s2 =	simm.s32 $0x8240;
	[tilespmem:v34+s22+$0x0] =	vst.idx.msk vm15, v2  }
0x44: {  	[hbm4b:s3+s23] =	stream.strided.scatter [tilespmem:s22], [sflag:$0x1], $0x8000, s24, s23, $0x38;
	[tilespmem:$0x18200] =	vst v63  }
0x45: {  	[tilespmem:s2+$0xFFFFFFC0] =	vst v1  }
0x46: {  	[tilespmem:s2+$0x30] =	vst v1  }
0x47: {  	[tilespmem:s2+$0x20] =	vst v1  }
0x48: {  	[tilespmem:s2+$0x10] =	vst v1  }
0x49: {  	[tilespmem:s2+$0x0] =	vst v1  }
0x4a: {  	[tilespmem:s2+$0xFFFFFFF0] =	vst v1  }
0x4b: {  	s0 =	simm.s32 $0x0;
	[tilespmem:s2+$0xFFFFFFE0] =	vst v1  }
.LBB2_4:
0x4c: {  	s0 =	sadd.s32 $0x8, s0;
	[tilespmem:s2+$0xFFFFFFD0] =	vst v1;
	s2 =	sadd.s32 $0x80, s2  }
0x4d: {  	[tilespmem:s2+$0xFFFFFFC0] =	vst v1;
	p0 =	slt.u32 s0, $0x7F8  }
0x4e: {  	[tilespmem:s2+$0x30] =	vst v1  }
.Ltmp1:
0x4f: {  	[tilespmem:s2+$0x20] =	vst v1;
	(pc) =	sbr.rel @p0 .LBB2_4-.Ltmp1, $4  }
0x50: {  	[tilespmem:s2+$0x10] =	vst v1  }
0x51: {  	[tilespmem:s2+$0x0] =	vst v1  }
0x52: {  	[tilespmem:s2+$0xFFFFFFF0] =	vst v1  }
0x53: {  	[tilespmem:s2+$0xFFFFFFE0] =	vst v1  }
0x54: {  	[tilespmem:s2+$0xFFFFFFD0] =	vst v1  }
0x55: {  	v34 =	vld [tilespmem:$0x0];
	_ =	sdelay $0x4  }
0x56: {  	v35 =	vand.u32 $0xFFFFFF00, v34  }
0x57: {  	v34 =	vshll.u32 v34, $0x7;
	vm0 =	veq.s32 v35, $0x100  }
0x58: {  	v34 =	vadd.s32 v10, v34;
	_ =	sdelay $0x4  }
0x59: {  	[tilespmem:v34+s25+$0x0] =	vst.idx.msk vm0, v2  }
0x5a: {  	v34 =	vld [tilespmem:$0x10];
	_ =	sdelay $0x4  }
0x5b: {  	v57 =	vand.u32 $0xFFFFFF00, v34  }
0x5c: {  	v34 =	vshll.u32 v34, $0x7;
	vm9 =	veq.s32 v57, $0x100  }
0x5d: {  	v34 =	vadd.s32 v11, v34;
	_ =	sdelay $0x4  }
0x5e: {  	[tilespmem:v34+s25+$0x0] =	vst.idx.msk vm9, v2  }
0x5f: {  	v34 =	vld [tilespmem:$0x20];
	_ =	sdelay $0x4  }
0x60: {  	v58 =	vand.u32 $0xFFFFFF00, v34  }
0x61: {  	v34 =	vshll.u32 v34, $0x7;
	vm10 =	veq.s32 v58, $0x100  }
0x62: {  	v34 =	vadd.s32 v12, v34;
	_ =	sdelay $0x4  }
0x63: {  	[tilespmem:v34+s25+$0x0] =	vst.idx.msk vm10, v2  }
0x64: {  	v34 =	vld [tilespmem:$0x30];
	_ =	sdelay $0x4  }
0x65: {  	v59 =	vand.u32 $0xFFFFFF00, v34  }
0x66: {  	v34 =	vshll.u32 v34, $0x7;
	vm11 =	veq.s32 v59, $0x100  }
0x67: {  	v34 =	vadd.s32 v13, v34;
	_ =	sdelay $0x4  }
0x68: {  	[tilespmem:v34+s25+$0x0] =	vst.idx.msk vm11, v2  }
0x69: {  	v34 =	vld [tilespmem:$0x40];
	_ =	sdelay $0x4  }
0x6a: {  	v60 =	vand.u32 $0xFFFFFF00, v34  }
0x6b: {  	v34 =	vshll.u32 v34, $0x7;
	vm12 =	veq.s32 v60, $0x100  }
0x6c: {  	v34 =	vadd.s32 v14, v34;
	_ =	sdelay $0x4  }
0x6d: {  	[tilespmem:v34+s25+$0x0] =	vst.idx.msk vm12, v2  }
0x6e: {  	v34 =	vld [tilespmem:$0x50];
	_ =	sdelay $0x4  }
0x6f: {  	v61 =	vand.u32 $0xFFFFFF00, v34  }
0x70: {  	v34 =	vshll.u32 v34, $0x7;
	vm13 =	veq.s32 v61, $0x100  }
0x71: {  	v34 =	vadd.s32 v15, v34;
	_ =	sdelay $0x4  }
0x72: {  	[tilespmem:v34+s25+$0x0] =	vst.idx.msk vm13, v2  }
0x73: {  	v34 =	vld [tilespmem:$0x60];
	_ =	sdelay $0x4  }
0x74: {  	v62 =	vand.u32 $0xFFFFFF00, v34  }
0x75: {  	v34 =	vshll.u32 v34, $0x7;
	vm14 =	veq.s32 v62, $0x100  }
0x76: {  	v34 =	vadd.s32 v16, v34;
	_ =	sdelay $0x4  }
0x77: {  	[tilespmem:v34+s25+$0x0] =	vst.idx.msk vm14, v2  }
0x78: {  	v34 =	vld [tilespmem:$0x70];
	_ =	sdelay $0x4  }
0x79: {  	v63 =	vand.u32 $0xFFFFFF00, v34  }
0x7a: {  	v34 =	vshll.u32 v34, $0x7;
	vm15 =	veq.s32 v63, $0x100  }
0x7b: {  	v34 =	vadd.s32 v17, v34;
	_ =	sdelay $0x4  }
0x7c: {  	s2 =	simm.s32 $0x10240;
	[tilespmem:v34+s25+$0x0] =	vst.idx.msk vm15, v2  }
0x7d: {  	[hbm4b:s4+s23] =	stream.strided.scatter [tilespmem:s25], [sflag:$0x2], $0x8000, s24, s23, $0x38;
	[tilespmem:$0x18200] =	vst v63  }
0x7e: {  	[tilespmem:s2+$0xFFFFFFC0] =	vst v1  }
0x7f: {  	[tilespmem:s2+$0x30] =	vst v1  }
0x80: {  	[tilespmem:s2+$0x20] =	vst v1  }
0x81: {  	[tilespmem:s2+$0x10] =	vst v1  }
0x82: {  	[tilespmem:s2+$0x0] =	vst v1  }
0x83: {  	[tilespmem:s2+$0xFFFFFFF0] =	vst v1  }
0x84: {  	s0 =	simm.s32 $0x0;
	[tilespmem:s2+$0xFFFFFFE0] =	vst v1  }
.LBB2_6:
0x85: {  	s0 =	sadd.s32 $0x8, s0;
	[tilespmem:s2+$0xFFFFFFD0] =	vst v1;
	s2 =	sadd.s32 $0x80, s2  }
0x86: {  	[tilespmem:s2+$0xFFFFFFC0] =	vst v1;
	p0 =	slt.u32 s0, $0x7F8  }
0x87: {  	[tilespmem:s2+$0x30] =	vst v1  }
.Ltmp2:
0x88: {  	[tilespmem:s2+$0x20] =	vst v1;
	(pc) =	sbr.rel @p0 .LBB2_6-.Ltmp2, $4  }
0x89: {  	[tilespmem:s2+$0x10] =	vst v1  }
0x8a: {  	[tilespmem:s2+$0x0] =	vst v1  }
0x8b: {  	[tilespmem:s2+$0xFFFFFFF0] =	vst v1  }
0x8c: {  	[tilespmem:s2+$0xFFFFFFE0] =	vst v1  }
0x8d: {  	[tilespmem:s2+$0xFFFFFFD0] =	vst v1  }
0x8e: {  	v34 =	vld [tilespmem:$0x0];
	_ =	sdelay $0x4  }
0x8f: {  	v35 =	vand.u32 $0xFFFFFF00, v34  }
0x90: {  	v34 =	vshll.u32 v34, $0x7;
	vm0 =	veq.s32 v35, $0x200  }
0x91: {  	v34 =	vadd.s32 v18, v34;
	_ =	sdelay $0x4  }
0x92: {  	[tilespmem:v34+s26+$0x0] =	vst.idx.msk vm0, v2  }
0x93: {  	v34 =	vld [tilespmem:$0x10];
	_ =	sdelay $0x4  }
0x94: {  	v60 =	vand.u32 $0xFFFFFF00, v34  }
0x95: {  	v34 =	vshll.u32 v34, $0x7;
	vm5 =	veq.s32 v60, $0x200  }
0x96: {  	v34 =	vadd.s32 v19, v34;
	_ =	sdelay $0x4  }
0x97: {  	[tilespmem:v34+s26+$0x0] =	vst.idx.msk vm5, v2  }
0x98: {  	v34 =	vld [tilespmem:$0x20];
	_ =	sdelay $0x4  }
0x99: {  	v61 =	vand.u32 $0xFFFFFF00, v34  }
0x9a: {  	v34 =	vshll.u32 v34, $0x7;
	vm6 =	veq.s32 v61, $0x200  }
0x9b: {  	v34 =	vadd.s32 v20, v34;
	_ =	sdelay $0x4  }
0x9c: {  	[tilespmem:v34+s26+$0x0] =	vst.idx.msk vm6, v2  }
0x9d: {  	v34 =	vld [tilespmem:$0x30];
	_ =	sdelay $0x4  }
0x9e: {  	v62 =	vand.u32 $0xFFFFFF00, v34  }
0x9f: {  	v34 =	vshll.u32 v34, $0x7;
	vm7 =	veq.s32 v62, $0x200  }
0xa0: {  	v34 =	vadd.s32 v21, v34;
	_ =	sdelay $0x4  }
0xa1: {  	[tilespmem:v34+s26+$0x0] =	vst.idx.msk vm7, v2  }
0xa2: {  	v34 =	vld [tilespmem:$0x40];
	_ =	sdelay $0x4  }
0xa3: {  	v63 =	vand.u32 $0xFFFFFF00, v34  }
0xa4: {  	v34 =	vshll.u32 v34, $0x7;
	vm8 =	veq.s32 v63, $0x200  }
0xa5: {  	v34 =	vadd.s32 v22, v34;
	_ =	sdelay $0x4  }
0xa6: {  	[tilespmem:v34+s26+$0x0] =	vst.idx.msk vm8, v2  }
0xa7: {  	v34 =	vld [tilespmem:$0x50];
	_ =	sdelay $0x4  }
0xa8: {  	v36 =	vand.u32 $0xFFFFFF00, v34  }
0xa9: {  	v34 =	vshll.u32 v34, $0x7;
	vm9 =	veq.s32 v36, $0x200  }
0xaa: {  	v34 =	vadd.s32 v23, v34;
	_ =	sdelay $0x4  }
0xab: {  	[tilespmem:v34+s26+$0x0] =	vst.idx.msk vm9, v2  }
0xac: {  	v34 =	vld [tilespmem:$0x60];
	_ =	sdelay $0x4  }
0xad: {  	v37 =	vand.u32 $0xFFFFFF00, v34  }
0xae: {  	v34 =	vshll.u32 v34, $0x7;
	vm10 =	veq.s32 v37, $0x200  }
0xaf: {  	v34 =	vadd.s32 v24, v34;
	_ =	sdelay $0x4  }
0xb0: {  	[tilespmem:v34+s26+$0x0] =	vst.idx.msk vm10, v2  }
0xb1: {  	v34 =	vld [tilespmem:$0x70];
	_ =	sdelay $0x4  }
0xb2: {  	v38 =	vand.u32 $0xFFFFFF00, v34  }
0xb3: {  	v34 =	vshll.u32 v34, $0x7;
	vm11 =	veq.s32 v38, $0x200  }
0xb4: {  	v34 =	vadd.s32 v25, v34;
	_ =	sdelay $0x4  }
0xb5: {  	[tilespmem:v34+s26+$0x0] =	vst.idx.msk vm11, v2  }
0xb6: {  	[hbm4b:s5+s23] =	stream.strided.scatter [tilespmem:s26], [sflag:$0x3], $0x8000, s24, s23, $0x38;
	[tilespmem:$0x18200] =	vst v63  }
0xb7: {  	_ =	swait.ge [sflag:s28], $0x8000  }
0xb8: {  	[sflag:s28] =	ssyncset.done $0x0  }
0xb9: {  	[sflag:s28] =	ssyncadd.s32 $0xFFFF8000  }
0xba: {  	v39 =	vld [tilespmem:$0x0];
	_ =	sdelay $0x4  }
0xbb: {  	vm12 =	vlt.u32 v39, $0x100;
	v34 =	vshll.u32 v39, $0x7  }
0xbc: {  	v34 =	vor.u32 v0, v34;
	_ =	sdelay $0x4  }
0xbd: {  	[tilespmem:v34+s22+$0x0] =	vst.idx.msk vm12, v1  }
0xbe: {  	v34 =	vld [tilespmem:$0x10];
	_ =	sdelay $0x4  }
0xbf: {  	vm13 =	vlt.u32 v34, $0x100;
	v34 =	vshll.u32 v34, $0x7  }
0xc0: {  	v34 =	vor.u32 v3, v34;
	_ =	sdelay $0x4  }
0xc1: {  	[tilespmem:v34+s22+$0x0] =	vst.idx.msk vm13, v1  }
0xc2: {  	v34 =	vld [tilespmem:$0x20];
	_ =	sdelay $0x4  }
0xc3: {  	vm14 =	vlt.u32 v34, $0x100;
	v34 =	vshll.u32 v34, $0x7  }
0xc4: {  	v34 =	vor.u32 v4, v34;
	_ =	sdelay $0x4  }
0xc5: {  	[tilespmem:v34+s22+$0x0] =	vst.idx.msk vm14, v1  }
0xc6: {  	v34 =	vld [tilespmem:$0x30];
	_ =	sdelay $0x4  }
0xc7: {  	vm15 =	vlt.u32 v34, $0x100;
	v34 =	vshll.u32 v34, $0x7  }
0xc8: {  	v34 =	vor.u32 v5, v34;
	_ =	sdelay $0x4  }
0xc9: {  	[tilespmem:v34+s22+$0x0] =	vst.idx.msk vm15, v1  }
0xca: {  	v34 =	vld [tilespmem:$0x40];
	_ =	sdelay $0x4  }
0xcb: {  	vm4 =	vlt.u32 v34, $0x100;
	v34 =	vshll.u32 v34, $0x7  }
0xcc: {  	v34 =	vor.u32 v6, v34;
	_ =	sdelay $0x4  }
0xcd: {  	[tilespmem:v34+s22+$0x0] =	vst.idx.msk vm4, v1  }
0xce: {  	v34 =	vld [tilespmem:$0x50];
	_ =	sdelay $0x4  }
0xcf: {  	vm5 =	vlt.u32 v34, $0x100;
	v34 =	vshll.u32 v34, $0x7  }
0xd0: {  	v34 =	vor.u32 v7, v34;
	_ =	sdelay $0x4  }
0xd1: {  	[tilespmem:v34+s22+$0x0] =	vst.idx.msk vm5, v1  }
0xd2: {  	v34 =	vld [tilespmem:$0x60];
	_ =	sdelay $0x4  }
0xd3: {  	vm6 =	vlt.u32 v34, $0x100;
	v34 =	vshll.u32 v34, $0x7  }
0xd4: {  	v34 =	vor.u32 v8, v34;
	_ =	sdelay $0x4  }
0xd5: {  	[tilespmem:v34+s22+$0x0] =	vst.idx.msk vm6, v1  }
0xd6: {  	v34 =	vld [tilespmem:$0x70];
	_ =	sdelay $0x4  }
0xd7: {  	vm7 =	vlt.u32 v34, $0x100;
	v34 =	vshll.u32 v34, $0x7  }
0xd8: {  	v34 =	vor.u32 v9, v34;
	_ =	sdelay $0x4  }
0xd9: {  	[tilespmem:v34+s22+$0x0] =	vst.idx.msk vm7, v1  }
0xda: {  	v34 =	vld [tilespmem:$0x0];
	_ =	sdelay $0x4  }
0xdb: {  	v40 =	vadd.s32 $0xFFFFFD00, v34  }
0xdc: {  	v34 =	vshll.u32 v34, $0x7;
	vm8 =	vlt.u32 v40, $0xE8  }
0xdd: {  	v34 =	vadd.s32 v26, v34;
	_ =	sdelay $0x4  }
0xde: {  	[tilespmem:v34+s22+$0x0] =	vst.idx.msk vm8, v2  }
0xdf: {  	v34 =	vld [tilespmem:$0x10];
	_ =	sdelay $0x4  }
0xe0: {  	v41 =	vadd.s32 $0xFFFFFD00, v34  }
0xe1: {  	v34 =	vshll.u32 v34, $0x7;
	vm9 =	vlt.u32 v41, $0xE8  }
0xe2: {  	v34 =	vadd.s32 v27, v34;
	_ =	sdelay $0x4  }
0xe3: {  	[tilespmem:v34+s22+$0x0] =	vst.idx.msk vm9, v2  }
0xe4: {  	v34 =	vld [tilespmem:$0x20];
	_ =	sdelay $0x4  }
0xe5: {  	v42 =	vadd.s32 $0xFFFFFD00, v34  }
0xe6: {  	v34 =	vshll.u32 v34, $0x7;
	vm10 =	vlt.u32 v42, $0xE8  }
0xe7: {  	v34 =	vadd.s32 v28, v34;
	_ =	sdelay $0x4  }
0xe8: {  	[tilespmem:v34+s22+$0x0] =	vst.idx.msk vm10, v2  }
0xe9: {  	v34 =	vld [tilespmem:$0x30];
	_ =	sdelay $0x4  }
0xea: {  	v43 =	vadd.s32 $0xFFFFFD00, v34  }
0xeb: {  	v34 =	vshll.u32 v34, $0x7;
	vm11 =	vlt.u32 v43, $0xE8  }
0xec: {  	v34 =	vadd.s32 v29, v34;
	_ =	sdelay $0x4  }
0xed: {  	[tilespmem:v34+s22+$0x0] =	vst.idx.msk vm11, v2  }
0xee: {  	v34 =	vld [tilespmem:$0x40];
	_ =	sdelay $0x4  }
0xef: {  	v44 =	vadd.s32 $0xFFFFFD00, v34  }
0xf0: {  	v34 =	vshll.u32 v34, $0x7;
	vm12 =	vlt.u32 v44, $0xE8  }
0xf1: {  	v34 =	vadd.s32 v30, v34;
	_ =	sdelay $0x4  }
0xf2: {  	[tilespmem:v34+s22+$0x0] =	vst.idx.msk vm12, v2  }
0xf3: {  	v34 =	vld [tilespmem:$0x50];
	_ =	sdelay $0x4  }
0xf4: {  	v45 =	vadd.s32 $0xFFFFFD00, v34  }
0xf5: {  	v34 =	vshll.u32 v34, $0x7;
	vm13 =	vlt.u32 v45, $0xE8  }
0xf6: {  	v34 =	vadd.s32 v31, v34;
	_ =	sdelay $0x4  }
0xf7: {  	[tilespmem:v34+s22+$0x0] =	vst.idx.msk vm13, v2  }
0xf8: {  	v34 =	vld [tilespmem:$0x60];
	_ =	sdelay $0x4  }
0xf9: {  	v46 =	vadd.s32 $0xFFFFFD00, v34  }
0xfa: {  	v34 =	vshll.u32 v34, $0x7;
	vm14 =	vlt.u32 v46, $0xE8  }
0xfb: {  	v34 =	vadd.s32 v32, v34;
	_ =	sdelay $0x4  }
0xfc: {  	[tilespmem:v34+s22+$0x0] =	vst.idx.msk vm14, v2  }
0xfd: {  	v34 =	vld [tilespmem:$0x70];
	_ =	sdelay $0x4  }
0xfe: {  	v47 =	vadd.s32 $0xFFFFFD00, v34  }
0xff: {  	v34 =	vshll.u32 v34, $0x7;
	vm15 =	vlt.u32 v47, $0xE8  }
0x100: {  	v34 =	vadd.s32 v33, v34;
	_ =	sdelay $0x4  }
0x101: {  	[tilespmem:v34+s22+$0x0] =	vst.idx.msk vm15, v2  }
0x102: {  	[hbm4b:s8+s23] =	stream.strided.scatter [tilespmem:s22], [sflag:$0x1], $0x7400, s24, s23, $0x38;
	[tilespmem:$0x18200] =	vst v63  }
0x103: {  	_ =	swait.ge [sflag:s29], $0x8000  }
0x104: {  	[sflag:s29] =	ssyncset.done $0x0  }
0x105: {  	[sflag:s29] =	ssyncadd.s32 $0xFFFF8000  }
0x106: {  	v48 =	vld [tilespmem:$0x0];
	_ =	sdelay $0x4  }
0x107: {  	v49 =	vand.u32 $0xFFFFFF00, v48  }
0x108: {  	v34 =	vshll.u32 v48, $0x7;
	vm4 =	veq.s32 v49, $0x100  }
0x109: {  	v34 =	vadd.s32 v10, v34;
	_ =	sdelay $0x4  }
0x10a: {  	[tilespmem:v34+s25+$0x0] =	vst.idx.msk vm4, v1  }
0x10b: {  	v34 =	vld [tilespmem:$0x10];
	_ =	sdelay $0x4  }
0x10c: {  	v50 =	vand.u32 $0xFFFFFF00, v34  }
0x10d: {  	v34 =	vshll.u32 v34, $0x7;
	vm5 =	veq.s32 v50, $0x100  }
0x10e: {  	v34 =	vadd.s32 v11, v34;
	_ =	sdelay $0x4  }
0x10f: {  	[tilespmem:v34+s25+$0x0] =	vst.idx.msk vm5, v1  }
0x110: {  	v34 =	vld [tilespmem:$0x20];
	_ =	sdelay $0x4  }
0x111: {  	v51 =	vand.u32 $0xFFFFFF00, v34  }
0x112: {  	v34 =	vshll.u32 v34, $0x7;
	vm6 =	veq.s32 v51, $0x100  }
0x113: {  	v34 =	vadd.s32 v12, v34;
	_ =	sdelay $0x4  }
0x114: {  	[tilespmem:v34+s25+$0x0] =	vst.idx.msk vm6, v1  }
0x115: {  	v34 =	vld [tilespmem:$0x30];
	_ =	sdelay $0x4  }
0x116: {  	v52 =	vand.u32 $0xFFFFFF00, v34  }
0x117: {  	v34 =	vshll.u32 v34, $0x7;
	vm7 =	veq.s32 v52, $0x100  }
0x118: {  	v34 =	vadd.s32 v13, v34;
	_ =	sdelay $0x4  }
0x119: {  	[tilespmem:v34+s25+$0x0] =	vst.idx.msk vm7, v1  }
0x11a: {  	v34 =	vld [tilespmem:$0x40];
	_ =	sdelay $0x4  }
0x11b: {  	v53 =	vand.u32 $0xFFFFFF00, v34  }
0x11c: {  	v34 =	vshll.u32 v34, $0x7;
	vm8 =	veq.s32 v53, $0x100  }
0x11d: {  	v34 =	vadd.s32 v14, v34;
	_ =	sdelay $0x4  }
0x11e: {  	[tilespmem:v34+s25+$0x0] =	vst.idx.msk vm8, v1  }
0x11f: {  	v34 =	vld [tilespmem:$0x50];
	_ =	sdelay $0x4  }
0x120: {  	v54 =	vand.u32 $0xFFFFFF00, v34  }
0x121: {  	v34 =	vshll.u32 v34, $0x7;
	vm9 =	veq.s32 v54, $0x100  }
0x122: {  	v34 =	vadd.s32 v15, v34;
	_ =	sdelay $0x4  }
0x123: {  	[tilespmem:v34+s25+$0x0] =	vst.idx.msk vm9, v1  }
0x124: {  	v34 =	vld [tilespmem:$0x60];
	_ =	sdelay $0x4  }
0x125: {  	v55 =	vand.u32 $0xFFFFFF00, v34  }
0x126: {  	v34 =	vshll.u32 v34, $0x7;
	vm10 =	veq.s32 v55, $0x100  }
0x127: {  	v34 =	vadd.s32 v16, v34;
	_ =	sdelay $0x4  }
0x128: {  	[tilespmem:v34+s25+$0x0] =	vst.idx.msk vm10, v1  }
0x129: {  	v34 =	vld [tilespmem:$0x70];
	_ =	sdelay $0x4  }
0x12a: {  	v56 =	vand.u32 $0xFFFFFF00, v34  }
0x12b: {  	v34 =	vshll.u32 v34, $0x7;
	vm11 =	veq.s32 v56, $0x100  }
0x12c: {  	v34 =	vadd.s32 v17, v34;
	_ =	sdelay $0x4  }
0x12d: {  	[tilespmem:v34+s25+$0x0] =	vst.idx.msk vm11, v1  }
0x12e: {  	v34 =	vld [tilespmem:$0x80];
	_ =	sdelay $0x4  }
0x12f: {  	vm12 =	vlt.u32 v34, $0x100;
	v34 =	vshll.u32 v34, $0x7  }
0x130: {  	v34 =	vor.u32 v0, v34;
	_ =	sdelay $0x4  }
0x131: {  	[tilespmem:v34+s25+$0x0] =	vst.idx.msk vm12, v2  }
0x132: {  	v34 =	vld [tilespmem:$0x90];
	_ =	sdelay $0x4  }
0x133: {  	vm13 =	vlt.u32 v34, $0x100;
	v34 =	vshll.u32 v34, $0x7  }
0x134: {  	v34 =	vor.u32 v3, v34;
	_ =	sdelay $0x4  }
0x135: {  	[tilespmem:v34+s25+$0x0] =	vst.idx.msk vm13, v2  }
0x136: {  	v34 =	vld [tilespmem:$0xA0];
	_ =	sdelay $0x4  }
0x137: {  	vm14 =	vlt.u32 v34, $0x100;
	v34 =	vshll.u32 v34, $0x7  }
0x138: {  	v34 =	vor.u32 v4, v34;
	_ =	sdelay $0x4  }
0x139: {  	[tilespmem:v34+s25+$0x0] =	vst.idx.msk vm14, v2  }
0x13a: {  	v34 =	vld [tilespmem:$0xB0];
	_ =	sdelay $0x4  }
0x13b: {  	vm15 =	vlt.u32 v34, $0x100;
	v34 =	vshll.u32 v34, $0x7  }
0x13c: {  	v34 =	vor.u32 v5, v34;
	_ =	sdelay $0x4  }
0x13d: {  	[tilespmem:v34+s25+$0x0] =	vst.idx.msk vm15, v2  }
0x13e: {  	v34 =	vld [tilespmem:$0xC0];
	_ =	sdelay $0x4  }
0x13f: {  	vm4 =	vlt.u32 v34, $0x100;
	v34 =	vshll.u32 v34, $0x7  }
0x140: {  	v34 =	vor.u32 v6, v34;
	_ =	sdelay $0x4  }
0x141: {  	[tilespmem:v34+s25+$0x0] =	vst.idx.msk vm4, v2  }
0x142: {  	v34 =	vld [tilespmem:$0xD0];
	_ =	sdelay $0x4  }
0x143: {  	vm5 =	vlt.u32 v34, $0x100;
	v34 =	vshll.u32 v34, $0x7  }
0x144: {  	v34 =	vor.u32 v7, v34;
	_ =	sdelay $0x4  }
0x145: {  	[tilespmem:v34+s25+$0x0] =	vst.idx.msk vm5, v2  }
0x146: {  	v34 =	vld [tilespmem:$0xE0];
	_ =	sdelay $0x4  }
0x147: {  	vm6 =	vlt.u32 v34, $0x100;
	v34 =	vshll.u32 v34, $0x7  }
0x148: {  	v34 =	vor.u32 v8, v34;
	_ =	sdelay $0x4  }
0x149: {  	[tilespmem:v34+s25+$0x0] =	vst.idx.msk vm6, v2  }
0x14a: {  	v34 =	vld [tilespmem:$0xF0];
	_ =	sdelay $0x4  }
0x14b: {  	vm7 =	vlt.u32 v34, $0x100;
	v34 =	vshll.u32 v34, $0x7  }
0x14c: {  	v34 =	vor.u32 v9, v34;
	_ =	sdelay $0x4  }
0x14d: {  	[tilespmem:v34+s25+$0x0] =	vst.idx.msk vm7, v2  }
0x14e: {  	[hbm4b:s10+s23] =	stream.strided.scatter [tilespmem:s25], [sflag:$0x2], $0x8000, s24, s23, $0x38;
	[tilespmem:$0x18200] =	vst v63  }
0x14f: {  	_ =	swait.ge [sflag:s30], $0x8000  }
0x150: {  	[sflag:s30] =	ssyncset.done $0x0  }
0x151: {  	[sflag:s30] =	ssyncadd.s32 $0xFFFF8000  }
0x152: {  	v57 =	vld [tilespmem:$0x0];
	_ =	sdelay $0x4  }
0x153: {  	v58 =	vand.u32 $0xFFFFFF00, v57  }
0x154: {  	v34 =	vshll.u32 v57, $0x7;
	vm8 =	veq.s32 v58, $0x200  }
0x155: {  	v34 =	vadd.s32 v18, v34;
	_ =	sdelay $0x4  }
0x156: {  	[tilespmem:v34+s26+$0x0] =	vst.idx.msk vm8, v1  }
0x157: {  	v34 =	vld [tilespmem:$0x10];
	_ =	sdelay $0x4  }
0x158: {  	v59 =	vand.u32 $0xFFFFFF00, v34  }
0x159: {  	v34 =	vshll.u32 v34, $0x7;
	vm9 =	veq.s32 v59, $0x200  }
0x15a: {  	v34 =	vadd.s32 v19, v34;
	_ =	sdelay $0x4  }
0x15b: {  	[tilespmem:v34+s26+$0x0] =	vst.idx.msk vm9, v1  }
0x15c: {  	v34 =	vld [tilespmem:$0x20];
	_ =	sdelay $0x4  }
0x15d: {  	v60 =	vand.u32 $0xFFFFFF00, v34  }
0x15e: {  	v34 =	vshll.u32 v34, $0x7;
	vm10 =	veq.s32 v60, $0x200  }
0x15f: {  	v34 =	vadd.s32 v20, v34;
	_ =	sdelay $0x4  }
0x160: {  	[tilespmem:v34+s26+$0x0] =	vst.idx.msk vm10, v1  }
0x161: {  	v34 =	vld [tilespmem:$0x30];
	_ =	sdelay $0x4  }
0x162: {  	v61 =	vand.u32 $0xFFFFFF00, v34  }
0x163: {  	v34 =	vshll.u32 v34, $0x7;
	vm11 =	veq.s32 v61, $0x200  }
0x164: {  	v34 =	vadd.s32 v21, v34;
	_ =	sdelay $0x4  }
0x165: {  	[tilespmem:v34+s26+$0x0] =	vst.idx.msk vm11, v1  }
0x166: {  	v34 =	vld [tilespmem:$0x40];
	_ =	sdelay $0x4  }
0x167: {  	v62 =	vand.u32 $0xFFFFFF00, v34  }
0x168: {  	v34 =	vshll.u32 v34, $0x7;
	vm12 =	veq.s32 v62, $0x200  }
0x169: {  	v34 =	vadd.s32 v22, v34;
	_ =	sdelay $0x4  }
0x16a: {  	[tilespmem:v34+s26+$0x0] =	vst.idx.msk vm12, v1  }
0x16b: {  	v34 =	vld [tilespmem:$0x50];
	_ =	sdelay $0x4  }
0x16c: {  	v63 =	vand.u32 $0xFFFFFF00, v34  }
0x16d: {  	v34 =	vshll.u32 v34, $0x7;
	vm13 =	veq.s32 v63, $0x200  }
0x16e: {  	v34 =	vadd.s32 v23, v34;
	_ =	sdelay $0x4  }
0x16f: {  	[tilespmem:v34+s26+$0x0] =	vst.idx.msk vm13, v1  }
0x170: {  	v34 =	vld [tilespmem:$0x60];
	_ =	sdelay $0x4  }
0x171: {  	v36 =	vand.u32 $0xFFFFFF00, v34  }
0x172: {  	v34 =	vshll.u32 v34, $0x7;
	vm14 =	veq.s32 v36, $0x200  }
0x173: {  	v34 =	vadd.s32 v24, v34;
	_ =	sdelay $0x4  }
0x174: {  	[tilespmem:v34+s26+$0x0] =	vst.idx.msk vm14, v1  }
0x175: {  	v34 =	vld [tilespmem:$0x70];
	_ =	sdelay $0x4  }
0x176: {  	v37 =	vand.u32 $0xFFFFFF00, v34  }
0x177: {  	v34 =	vshll.u32 v34, $0x7;
	vm15 =	veq.s32 v37, $0x200  }
0x178: {  	v34 =	vadd.s32 v25, v34;
	_ =	sdelay $0x4  }
0x179: {  	[tilespmem:v34+s26+$0x0] =	vst.idx.msk vm15, v1  }
0x17a: {  	v34 =	vld [tilespmem:$0x80];
	_ =	sdelay $0x4  }
0x17b: {  	v38 =	vand.u32 $0xFFFFFF00, v34  }
0x17c: {  	v34 =	vshll.u32 v34, $0x7;
	vm4 =	veq.s32 v38, $0x100  }
0x17d: {  	v34 =	vadd.s32 v10, v34;
	_ =	sdelay $0x4  }
0x17e: {  	[tilespmem:v34+s26+$0x0] =	vst.idx.msk vm4, v2  }
0x17f: {  	v34 =	vld [tilespmem:$0x90];
	_ =	sdelay $0x4  }
0x180: {  	v39 =	vand.u32 $0xFFFFFF00, v34  }
0x181: {  	v34 =	vshll.u32 v34, $0x7;
	vm5 =	veq.s32 v39, $0x100  }
0x182: {  	v34 =	vadd.s32 v11, v34;
	_ =	sdelay $0x4  }
0x183: {  	[tilespmem:v34+s26+$0x0] =	vst.idx.msk vm5, v2  }
0x184: {  	v34 =	vld [tilespmem:$0xA0];
	_ =	sdelay $0x4  }
0x185: {  	v40 =	vand.u32 $0xFFFFFF00, v34  }
0x186: {  	v34 =	vshll.u32 v34, $0x7;
	vm6 =	veq.s32 v40, $0x100  }
0x187: {  	v34 =	vadd.s32 v12, v34;
	_ =	sdelay $0x4  }
0x188: {  	[tilespmem:v34+s26+$0x0] =	vst.idx.msk vm6, v2  }
0x189: {  	v34 =	vld [tilespmem:$0xB0];
	_ =	sdelay $0x4  }
0x18a: {  	v41 =	vand.u32 $0xFFFFFF00, v34  }
0x18b: {  	v34 =	vshll.u32 v34, $0x7;
	vm7 =	veq.s32 v41, $0x100  }
0x18c: {  	v34 =	vadd.s32 v13, v34;
	_ =	sdelay $0x4  }
0x18d: {  	[tilespmem:v34+s26+$0x0] =	vst.idx.msk vm7, v2  }
0x18e: {  	v34 =	vld [tilespmem:$0xC0];
	_ =	sdelay $0x4  }
0x18f: {  	v42 =	vand.u32 $0xFFFFFF00, v34  }
0x190: {  	v34 =	vshll.u32 v34, $0x7;
	vm8 =	veq.s32 v42, $0x100  }
0x191: {  	v34 =	vadd.s32 v14, v34;
	_ =	sdelay $0x4  }
0x192: {  	[tilespmem:v34+s26+$0x0] =	vst.idx.msk vm8, v2  }
0x193: {  	v34 =	vld [tilespmem:$0xD0];
	_ =	sdelay $0x4  }
0x194: {  	v43 =	vand.u32 $0xFFFFFF00, v34  }
0x195: {  	v34 =	vshll.u32 v34, $0x7;
	vm9 =	veq.s32 v43, $0x100  }
0x196: {  	v34 =	vadd.s32 v15, v34;
	_ =	sdelay $0x4  }
0x197: {  	[tilespmem:v34+s26+$0x0] =	vst.idx.msk vm9, v2  }
0x198: {  	v34 =	vld [tilespmem:$0xE0];
	_ =	sdelay $0x4  }
0x199: {  	v44 =	vand.u32 $0xFFFFFF00, v34  }
0x19a: {  	v34 =	vshll.u32 v34, $0x7;
	vm10 =	veq.s32 v44, $0x100  }
0x19b: {  	v34 =	vadd.s32 v16, v34;
	_ =	sdelay $0x4  }
0x19c: {  	[tilespmem:v34+s26+$0x0] =	vst.idx.msk vm10, v2  }
0x19d: {  	v34 =	vld [tilespmem:$0xF0];
	_ =	sdelay $0x4  }
0x19e: {  	v45 =	vand.u32 $0xFFFFFF00, v34  }
0x19f: {  	v34 =	vshll.u32 v34, $0x7;
	vm11 =	veq.s32 v45, $0x100  }
0x1a0: {  	v34 =	vadd.s32 v17, v34;
	_ =	sdelay $0x4  }
0x1a1: {  	[tilespmem:v34+s26+$0x0] =	vst.idx.msk vm11, v2  }
0x1a2: {  	[hbm4b:s11+s23] =	stream.strided.scatter [tilespmem:s26], [sflag:$0x3], $0x8000, s24, s23, $0x38;
	[tilespmem:$0x18200] =	vst v63  }
0x1a3: {  	_ =	swait.ge [sflag:s28], $0x7400  }
0x1a4: {  	[sflag:s28] =	ssyncset.done $0x0  }
0x1a5: {  	[sflag:s28] =	ssyncadd.s32 $0xFFFF8C00  }
0x1a6: {  	v46 =	vld [tilespmem:$0x0];
	_ =	sdelay $0x4  }
0x1a7: {  	v47 =	vadd.s32 $0xFFFFFD00, v46  }
0x1a8: {  	v34 =	vshll.u32 v46, $0x7;
	vm12 =	vlt.u32 v47, $0xE8  }
0x1a9: {  	v34 =	vadd.s32 v26, v34;
	_ =	sdelay $0x4  }
0x1aa: {  	[tilespmem:v34+s22+$0x0] =	vst.idx.msk vm12, v1  }
0x1ab: {  	v34 =	vld [tilespmem:$0x10];
	_ =	sdelay $0x4  }
0x1ac: {  	v48 =	vadd.s32 $0xFFFFFD00, v34  }
0x1ad: {  	v34 =	vshll.u32 v34, $0x7;
	vm13 =	vlt.u32 v48, $0xE8  }
0x1ae: {  	v34 =	vadd.s32 v27, v34;
	_ =	sdelay $0x4  }
0x1af: {  	[tilespmem:v34+s22+$0x0] =	vst.idx.msk vm13, v1  }
0x1b0: {  	v34 =	vld [tilespmem:$0x20];
	_ =	sdelay $0x4  }
0x1b1: {  	v49 =	vadd.s32 $0xFFFFFD00, v34  }
0x1b2: {  	v34 =	vshll.u32 v34, $0x7;
	vm14 =	vlt.u32 v49, $0xE8  }
0x1b3: {  	v34 =	vadd.s32 v28, v34;
	_ =	sdelay $0x4  }
0x1b4: {  	[tilespmem:v34+s22+$0x0] =	vst.idx.msk vm14, v1  }
0x1b5: {  	v34 =	vld [tilespmem:$0x30];
	_ =	sdelay $0x4  }
0x1b6: {  	v50 =	vadd.s32 $0xFFFFFD00, v34  }
0x1b7: {  	v34 =	vshll.u32 v34, $0x7;
	vm15 =	vlt.u32 v50, $0xE8  }
0x1b8: {  	v34 =	vadd.s32 v29, v34;
	_ =	sdelay $0x4  }
0x1b9: {  	[tilespmem:v34+s22+$0x0] =	vst.idx.msk vm15, v1  }
0x1ba: {  	v34 =	vld [tilespmem:$0x40];
	_ =	sdelay $0x4  }
0x1bb: {  	v51 =	vadd.s32 $0xFFFFFD00, v34  }
0x1bc: {  	v34 =	vshll.u32 v34, $0x7;
	vm4 =	vlt.u32 v51, $0xE8  }
0x1bd: {  	v34 =	vadd.s32 v30, v34;
	_ =	sdelay $0x4  }
0x1be: {  	[tilespmem:v34+s22+$0x0] =	vst.idx.msk vm4, v1  }
0x1bf: {  	v34 =	vld [tilespmem:$0x50];
	_ =	sdelay $0x4  }
0x1c0: {  	v52 =	vadd.s32 $0xFFFFFD00, v34  }
0x1c1: {  	v34 =	vshll.u32 v34, $0x7;
	vm5 =	vlt.u32 v52, $0xE8  }
0x1c2: {  	v34 =	vadd.s32 v31, v34;
	_ =	sdelay $0x4  }
0x1c3: {  	[tilespmem:v34+s22+$0x0] =	vst.idx.msk vm5, v1  }
0x1c4: {  	v34 =	vld [tilespmem:$0x60];
	_ =	sdelay $0x4  }
0x1c5: {  	v53 =	vadd.s32 $0xFFFFFD00, v34  }
0x1c6: {  	v34 =	vshll.u32 v34, $0x7;
	vm6 =	vlt.u32 v53, $0xE8  }
0x1c7: {  	v34 =	vadd.s32 v32, v34;
	_ =	sdelay $0x4  }
0x1c8: {  	[tilespmem:v34+s22+$0x0] =	vst.idx.msk vm6, v1  }
0x1c9: {  	v34 =	vld [tilespmem:$0x70];
	_ =	sdelay $0x4  }
0x1ca: {  	v54 =	vadd.s32 $0xFFFFFD00, v34  }
0x1cb: {  	v34 =	vshll.u32 v34, $0x7;
	vm7 =	vlt.u32 v54, $0xE8  }
0x1cc: {  	v34 =	vadd.s32 v33, v34;
	_ =	sdelay $0x4  }
0x1cd: {  	[tilespmem:v34+s22+$0x0] =	vst.idx.msk vm7, v1  }
0x1ce: {  	v34 =	vld [tilespmem:$0x80];
	_ =	sdelay $0x4  }
0x1cf: {  	v55 =	vand.u32 $0xFFFFFF00, v34  }
0x1d0: {  	v34 =	vshll.u32 v34, $0x7;
	vm8 =	veq.s32 v55, $0x200  }
0x1d1: {  	v34 =	vadd.s32 v18, v34;
	_ =	sdelay $0x4  }
0x1d2: {  	[tilespmem:v34+s22+$0x0] =	vst.idx.msk vm8, v2  }
0x1d3: {  	v34 =	vld [tilespmem:$0x90];
	_ =	sdelay $0x4  }
0x1d4: {  	v56 =	vand.u32 $0xFFFFFF00, v34  }
0x1d5: {  	v34 =	vshll.u32 v34, $0x7;
	vm9 =	veq.s32 v56, $0x200  }
0x1d6: {  	v34 =	vadd.s32 v19, v34;
	_ =	sdelay $0x4  }
0x1d7: {  	[tilespmem:v34+s22+$0x0] =	vst.idx.msk vm9, v2  }
0x1d8: {  	v34 =	vld [tilespmem:$0xA0];
	_ =	sdelay $0x4  }
0x1d9: {  	v57 =	vand.u32 $0xFFFFFF00, v34  }
0x1da: {  	v34 =	vshll.u32 v34, $0x7;
	vm10 =	veq.s32 v57, $0x200  }
0x1db: {  	v34 =	vadd.s32 v20, v34;
	_ =	sdelay $0x4  }
0x1dc: {  	[tilespmem:v34+s22+$0x0] =	vst.idx.msk vm10, v2  }
0x1dd: {  	v34 =	vld [tilespmem:$0xB0];
	_ =	sdelay $0x4  }
0x1de: {  	v58 =	vand.u32 $0xFFFFFF00, v34  }
0x1df: {  	v34 =	vshll.u32 v34, $0x7;
	vm11 =	veq.s32 v58, $0x200  }
0x1e0: {  	v34 =	vadd.s32 v21, v34;
	_ =	sdelay $0x4  }
0x1e1: {  	[tilespmem:v34+s22+$0x0] =	vst.idx.msk vm11, v2  }
0x1e2: {  	v34 =	vld [tilespmem:$0xC0];
	_ =	sdelay $0x4  }
0x1e3: {  	v59 =	vand.u32 $0xFFFFFF00, v34  }
0x1e4: {  	v34 =	vshll.u32 v34, $0x7;
	vm12 =	veq.s32 v59, $0x200  }
0x1e5: {  	v34 =	vadd.s32 v22, v34;
	_ =	sdelay $0x4  }
0x1e6: {  	[tilespmem:v34+s22+$0x0] =	vst.idx.msk vm12, v2  }
0x1e7: {  	v34 =	vld [tilespmem:$0xD0];
	_ =	sdelay $0x4  }
0x1e8: {  	v60 =	vand.u32 $0xFFFFFF00, v34  }
0x1e9: {  	v34 =	vshll.u32 v34, $0x7;
	vm13 =	veq.s32 v60, $0x200  }
0x1ea: {  	v34 =	vadd.s32 v23, v34;
	_ =	sdelay $0x4  }
0x1eb: {  	[tilespmem:v34+s22+$0x0] =	vst.idx.msk vm13, v2  }
0x1ec: {  	v34 =	vld [tilespmem:$0xE0];
	_ =	sdelay $0x4  }
0x1ed: {  	v61 =	vand.u32 $0xFFFFFF00, v34  }
0x1ee: {  	v34 =	vshll.u32 v34, $0x7;
	vm14 =	veq.s32 v61, $0x200  }
0x1ef: {  	v34 =	vadd.s32 v24, v34;
	_ =	sdelay $0x4  }
0x1f0: {  	[tilespmem:v34+s22+$0x0] =	vst.idx.msk vm14, v2  }
0x1f1: {  	v34 =	vld [tilespmem:$0xF0];
	_ =	sdelay $0x4  }
0x1f2: {  	v62 =	vand.u32 $0xFFFFFF00, v34  }
0x1f3: {  	v34 =	vshll.u32 v34, $0x7;
	vm15 =	veq.s32 v62, $0x200  }
0x1f4: {  	v34 =	vadd.s32 v25, v34;
	_ =	sdelay $0x4  }
0x1f5: {  	[tilespmem:v34+s22+$0x0] =	vst.idx.msk vm15, v2  }
0x1f6: {  	[hbm4b:s6+s23] =	stream.strided.scatter [tilespmem:s22], [sflag:$0x1], $0x8000, s24, s23, $0x38;
	[tilespmem:$0x18200] =	vst v63  }
0x1f7: {  	_ =	swait.ge [sflag:s29], $0x8000  }
0x1f8: {  	[sflag:s29] =	ssyncset.done $0x0  }
0x1f9: {  	[sflag:s29] =	ssyncadd.s32 $0xFFFF8000  }
0x1fa: {  	v63 =	vld [tilespmem:$0x80];
	_ =	sdelay $0x4  }
0x1fb: {  	vm4 =	vlt.u32 v63, $0x100;
	v34 =	vshll.u32 v63, $0x7  }
0x1fc: {  	v34 =	vor.u32 v0, v34;
	_ =	sdelay $0x4  }
0x1fd: {  	[tilespmem:v34+s25+$0x0] =	vst.idx.msk vm4, v1  }
0x1fe: {  	v34 =	vld [tilespmem:$0x90];
	_ =	sdelay $0x4  }
0x1ff: {  	vm5 =	vlt.u32 v34, $0x100;
	v34 =	vshll.u32 v34, $0x7  }
0x200: {  	v34 =	vor.u32 v3, v34;
	_ =	sdelay $0x4  }
0x201: {  	[tilespmem:v34+s25+$0x0] =	vst.idx.msk vm5, v1  }
0x202: {  	v34 =	vld [tilespmem:$0xA0];
	_ =	sdelay $0x4  }
0x203: {  	vm6 =	vlt.u32 v34, $0x100;
	v34 =	vshll.u32 v34, $0x7  }
0x204: {  	v34 =	vor.u32 v4, v34;
	_ =	sdelay $0x4  }
0x205: {  	[tilespmem:v34+s25+$0x0] =	vst.idx.msk vm6, v1  }
0x206: {  	v34 =	vld [tilespmem:$0xB0];
	_ =	sdelay $0x4  }
0x207: {  	vm7 =	vlt.u32 v34, $0x100;
	v34 =	vshll.u32 v34, $0x7  }
0x208: {  	v34 =	vor.u32 v5, v34;
	_ =	sdelay $0x4  }
0x209: {  	[tilespmem:v34+s25+$0x0] =	vst.idx.msk vm7, v1  }
0x20a: {  	v34 =	vld [tilespmem:$0xC0];
	_ =	sdelay $0x4  }
0x20b: {  	vm8 =	vlt.u32 v34, $0x100;
	v34 =	vshll.u32 v34, $0x7  }
0x20c: {  	v34 =	vor.u32 v6, v34;
	_ =	sdelay $0x4  }
0x20d: {  	[tilespmem:v34+s25+$0x0] =	vst.idx.msk vm8, v1  }
0x20e: {  	v34 =	vld [tilespmem:$0xD0];
	_ =	sdelay $0x4  }
0x20f: {  	vm9 =	vlt.u32 v34, $0x100;
	v34 =	vshll.u32 v34, $0x7  }
0x210: {  	v34 =	vor.u32 v7, v34;
	_ =	sdelay $0x4  }
0x211: {  	[tilespmem:v34+s25+$0x0] =	vst.idx.msk vm9, v1  }
0x212: {  	v34 =	vld [tilespmem:$0xE0];
	_ =	sdelay $0x4  }
0x213: {  	vm10 =	vlt.u32 v34, $0x100;
	v34 =	vshll.u32 v34, $0x7  }
0x214: {  	v34 =	vor.u32 v8, v34;
	_ =	sdelay $0x4  }
0x215: {  	[tilespmem:v34+s25+$0x0] =	vst.idx.msk vm10, v1  }
0x216: {  	v34 =	vld [tilespmem:$0xF0];
	_ =	sdelay $0x4  }
0x217: {  	vm11 =	vlt.u32 v34, $0x100;
	v34 =	vshll.u32 v34, $0x7  }
0x218: {  	v34 =	vor.u32 v9, v34;
	_ =	sdelay $0x4  }
0x219: {  	[tilespmem:v34+s25+$0x0] =	vst.idx.msk vm11, v1  }
0x21a: {  	v34 =	vld [tilespmem:$0x80];
	_ =	sdelay $0x4  }
0x21b: {  	v36 =	vadd.s32 $0xFFFFFD00, v34  }
0x21c: {  	v34 =	vshll.u32 v34, $0x7;
	vm12 =	vlt.u32 v36, $0xE8  }
0x21d: {  	v34 =	vadd.s32 v26, v34;
	_ =	sdelay $0x4  }
0x21e: {  	[tilespmem:v34+s25+$0x0] =	vst.idx.msk vm12, v2  }
0x21f: {  	v34 =	vld [tilespmem:$0x90];
	_ =	sdelay $0x4  }
0x220: {  	v37 =	vadd.s32 $0xFFFFFD00, v34  }
0x221: {  	v34 =	vshll.u32 v34, $0x7;
	vm13 =	vlt.u32 v37, $0xE8  }
0x222: {  	v34 =	vadd.s32 v27, v34;
	_ =	sdelay $0x4  }
0x223: {  	[tilespmem:v34+s25+$0x0] =	vst.idx.msk vm13, v2  }
0x224: {  	v34 =	vld [tilespmem:$0xA0];
	_ =	sdelay $0x4  }
0x225: {  	v38 =	vadd.s32 $0xFFFFFD00, v34  }
0x226: {  	v34 =	vshll.u32 v34, $0x7;
	vm14 =	vlt.u32 v38, $0xE8  }
0x227: {  	v34 =	vadd.s32 v28, v34;
	_ =	sdelay $0x4  }
0x228: {  	[tilespmem:v34+s25+$0x0] =	vst.idx.msk vm14, v2  }
0x229: {  	v34 =	vld [tilespmem:$0xB0];
	_ =	sdelay $0x4  }
0x22a: {  	v39 =	vadd.s32 $0xFFFFFD00, v34  }
0x22b: {  	v34 =	vshll.u32 v34, $0x7;
	vm15 =	vlt.u32 v39, $0xE8  }
0x22c: {  	v34 =	vadd.s32 v29, v34;
	_ =	sdelay $0x4  }
0x22d: {  	[tilespmem:v34+s25+$0x0] =	vst.idx.msk vm15, v2  }
0x22e: {  	v34 =	vld [tilespmem:$0xC0];
	_ =	sdelay $0x4  }
0x22f: {  	v40 =	vadd.s32 $0xFFFFFD00, v34  }
0x230: {  	v34 =	vshll.u32 v34, $0x7;
	vm4 =	vlt.u32 v40, $0xE8  }
0x231: {  	v34 =	vadd.s32 v30, v34;
	_ =	sdelay $0x4  }
0x232: {  	[tilespmem:v34+s25+$0x0] =	vst.idx.msk vm4, v2  }
0x233: {  	v34 =	vld [tilespmem:$0xD0];
	_ =	sdelay $0x4  }
0x234: {  	v41 =	vadd.s32 $0xFFFFFD00, v34  }
0x235: {  	v34 =	vshll.u32 v34, $0x7;
	vm5 =	vlt.u32 v41, $0xE8  }
0x236: {  	v34 =	vadd.s32 v31, v34;
	_ =	sdelay $0x4  }
0x237: {  	[tilespmem:v34+s25+$0x0] =	vst.idx.msk vm5, v2  }
0x238: {  	v34 =	vld [tilespmem:$0xE0];
	_ =	sdelay $0x4  }
0x239: {  	v42 =	vadd.s32 $0xFFFFFD00, v34  }
0x23a: {  	v34 =	vshll.u32 v34, $0x7;
	vm6 =	vlt.u32 v42, $0xE8  }
0x23b: {  	v34 =	vadd.s32 v32, v34;
	_ =	sdelay $0x4  }
0x23c: {  	[tilespmem:v34+s25+$0x0] =	vst.idx.msk vm6, v2  }
0x23d: {  	v34 =	vld [tilespmem:$0xF0];
	_ =	sdelay $0x4  }
0x23e: {  	v43 =	vadd.s32 $0xFFFFFD00, v34  }
0x23f: {  	v34 =	vshll.u32 v34, $0x7;
	vm7 =	vlt.u32 v43, $0xE8  }
0x240: {  	v34 =	vadd.s32 v33, v34;
	_ =	sdelay $0x4  }
0x241: {  	[tilespmem:v34+s25+$0x0] =	vst.idx.msk vm7, v2  }
0x242: {  	[hbm4b:s9+s23] =	stream.strided.scatter [tilespmem:s25], [sflag:$0x2], $0x7400, s24, s23, $0x38;
	[tilespmem:$0x18200] =	vst v63  }
0x243: {  	_ =	swait.ge [sflag:s30], $0x8000  }
0x244: {  	[sflag:s30] =	ssyncset.done $0x0  }
0x245: {  	[sflag:s30] =	ssyncadd.s32 $0xFFFF8000  }
0x246: {  	v44 =	vld [tilespmem:$0x80];
	_ =	sdelay $0x4  }
0x247: {  	v45 =	vand.u32 $0xFFFFFF00, v44  }
0x248: {  	v34 =	vshll.u32 v44, $0x7;
	vm8 =	veq.s32 v45, $0x100  }
0x249: {  	v34 =	vadd.s32 v10, v34;
	_ =	sdelay $0x4  }
0x24a: {  	[tilespmem:v34+s26+$0x0] =	vst.idx.msk vm8, v1  }
0x24b: {  	v34 =	vld [tilespmem:$0x90];
	_ =	sdelay $0x4  }
0x24c: {  	v46 =	vand.u32 $0xFFFFFF00, v34  }
0x24d: {  	v34 =	vshll.u32 v34, $0x7;
	vm9 =	veq.s32 v46, $0x100  }
0x24e: {  	v34 =	vadd.s32 v11, v34;
	_ =	sdelay $0x4  }
0x24f: {  	[tilespmem:v34+s26+$0x0] =	vst.idx.msk vm9, v1  }
0x250: {  	v34 =	vld [tilespmem:$0xA0];
	_ =	sdelay $0x4  }
0x251: {  	v47 =	vand.u32 $0xFFFFFF00, v34  }
0x252: {  	v34 =	vshll.u32 v34, $0x7;
	vm10 =	veq.s32 v47, $0x100  }
0x253: {  	v34 =	vadd.s32 v12, v34;
	_ =	sdelay $0x4  }
0x254: {  	[tilespmem:v34+s26+$0x0] =	vst.idx.msk vm10, v1  }
0x255: {  	v34 =	vld [tilespmem:$0xB0];
	_ =	sdelay $0x4  }
0x256: {  	v48 =	vand.u32 $0xFFFFFF00, v34  }
0x257: {  	v34 =	vshll.u32 v34, $0x7;
	vm11 =	veq.s32 v48, $0x100  }
0x258: {  	v34 =	vadd.s32 v13, v34;
	_ =	sdelay $0x4  }
0x259: {  	[tilespmem:v34+s26+$0x0] =	vst.idx.msk vm11, v1  }
0x25a: {  	v34 =	vld [tilespmem:$0xC0];
	_ =	sdelay $0x4  }
0x25b: {  	v49 =	vand.u32 $0xFFFFFF00, v34  }
0x25c: {  	v34 =	vshll.u32 v34, $0x7;
	vm12 =	veq.s32 v49, $0x100  }
0x25d: {  	v34 =	vadd.s32 v14, v34;
	_ =	sdelay $0x4  }
0x25e: {  	[tilespmem:v34+s26+$0x0] =	vst.idx.msk vm12, v1  }
0x25f: {  	v34 =	vld [tilespmem:$0xD0];
	_ =	sdelay $0x4  }
0x260: {  	v50 =	vand.u32 $0xFFFFFF00, v34  }
0x261: {  	v34 =	vshll.u32 v34, $0x7;
	vm13 =	veq.s32 v50, $0x100  }
0x262: {  	v34 =	vadd.s32 v15, v34;
	_ =	sdelay $0x4  }
0x263: {  	[tilespmem:v34+s26+$0x0] =	vst.idx.msk vm13, v1  }
0x264: {  	v34 =	vld [tilespmem:$0xE0];
	_ =	sdelay $0x4  }
0x265: {  	v51 =	vand.u32 $0xFFFFFF00, v34  }
0x266: {  	v34 =	vshll.u32 v34, $0x7;
	vm14 =	veq.s32 v51, $0x100  }
0x267: {  	v34 =	vadd.s32 v16, v34;
	_ =	sdelay $0x4  }
0x268: {  	[tilespmem:v34+s26+$0x0] =	vst.idx.msk vm14, v1  }
0x269: {  	v34 =	vld [tilespmem:$0xF0];
	_ =	sdelay $0x4  }
0x26a: {  	v52 =	vand.u32 $0xFFFFFF00, v34  }
0x26b: {  	v34 =	vshll.u32 v34, $0x7;
	vm15 =	veq.s32 v52, $0x100  }
0x26c: {  	v34 =	vadd.s32 v17, v34;
	_ =	sdelay $0x4  }
0x26d: {  	[tilespmem:v34+s26+$0x0] =	vst.idx.msk vm15, v1  }
0x26e: {  	v34 =	vld [tilespmem:$0x100];
	_ =	sdelay $0x4  }
0x26f: {  	vm4 =	vlt.u32 v34, $0x100;
	v34 =	vshll.u32 v34, $0x7  }
0x270: {  	v34 =	vor.u32 v0, v34;
	_ =	sdelay $0x4  }
0x271: {  	[tilespmem:v34+s26+$0x0] =	vst.idx.msk vm4, v2  }
0x272: {  	v34 =	vld [tilespmem:$0x110];
	_ =	sdelay $0x4  }
0x273: {  	vm5 =	vlt.u32 v34, $0x100;
	v34 =	vshll.u32 v34, $0x7  }
0x274: {  	v34 =	vor.u32 v3, v34;
	_ =	sdelay $0x4  }
0x275: {  	[tilespmem:v34+s26+$0x0] =	vst.idx.msk vm5, v2  }
0x276: {  	v34 =	vld [tilespmem:$0x120];
	_ =	sdelay $0x4  }
0x277: {  	vm6 =	vlt.u32 v34, $0x100;
	v34 =	vshll.u32 v34, $0x7  }
0x278: {  	v34 =	vor.u32 v4, v34;
	_ =	sdelay $0x4  }
0x279: {  	[tilespmem:v34+s26+$0x0] =	vst.idx.msk vm6, v2  }
0x27a: {  	v34 =	vld [tilespmem:$0x130];
	_ =	sdelay $0x4  }
0x27b: {  	vm7 =	vlt.u32 v34, $0x100;
	v34 =	vshll.u32 v34, $0x7  }
0x27c: {  	v34 =	vor.u32 v5, v34;
	_ =	sdelay $0x4  }
0x27d: {  	[tilespmem:v34+s26+$0x0] =	vst.idx.msk vm7, v2  }
0x27e: {  	v34 =	vld [tilespmem:$0x140];
	_ =	sdelay $0x4  }
0x27f: {  	vm8 =	vlt.u32 v34, $0x100;
	v34 =	vshll.u32 v34, $0x7  }
0x280: {  	v34 =	vor.u32 v6, v34;
	_ =	sdelay $0x4  }
0x281: {  	[tilespmem:v34+s26+$0x0] =	vst.idx.msk vm8, v2  }
0x282: {  	v34 =	vld [tilespmem:$0x150];
	_ =	sdelay $0x4  }
0x283: {  	vm9 =	vlt.u32 v34, $0x100;
	v34 =	vshll.u32 v34, $0x7  }
0x284: {  	v34 =	vor.u32 v7, v34;
	_ =	sdelay $0x4  }
0x285: {  	[tilespmem:v34+s26+$0x0] =	vst.idx.msk vm9, v2  }
0x286: {  	v34 =	vld [tilespmem:$0x160];
	_ =	sdelay $0x4  }
0x287: {  	vm10 =	vlt.u32 v34, $0x100;
	v34 =	vshll.u32 v34, $0x7  }
0x288: {  	v34 =	vor.u32 v8, v34;
	_ =	sdelay $0x4  }
0x289: {  	[tilespmem:v34+s26+$0x0] =	vst.idx.msk vm10, v2  }
0x28a: {  	v34 =	vld [tilespmem:$0x170];
	_ =	sdelay $0x4  }
0x28b: {  	vm11 =	vlt.u32 v34, $0x100;
	v34 =	vshll.u32 v34, $0x7  }
0x28c: {  	v34 =	vor.u32 v9, v34;
	_ =	sdelay $0x4  }
0x28d: {  	[tilespmem:v34+s26+$0x0] =	vst.idx.msk vm11, v2  }
0x28e: {  	[hbm4b:s13+s23] =	stream.strided.scatter [tilespmem:s26], [sflag:$0x3], $0x8000, s24, s23, $0x38;
	[tilespmem:$0x18200] =	vst v63  }
0x28f: {  	_ =	swait.ge [sflag:s28], $0x8000  }
0x290: {  	[sflag:s28] =	ssyncset.done $0x0  }
0x291: {  	[sflag:s28] =	ssyncadd.s32 $0xFFFF8000  }
0x292: {  	v53 =	vld [tilespmem:$0x80];
	_ =	sdelay $0x4  }
0x293: {  	v54 =	vand.u32 $0xFFFFFF00, v53  }
0x294: {  	v34 =	vshll.u32 v53, $0x7;
	vm12 =	veq.s32 v54, $0x200  }
0x295: {  	v34 =	vadd.s32 v18, v34;
	_ =	sdelay $0x4  }
0x296: {  	[tilespmem:v34+s22+$0x0] =	vst.idx.msk vm12, v1  }
0x297: {  	v34 =	vld [tilespmem:$0x90];
	_ =	sdelay $0x4  }
0x298: {  	v55 =	vand.u32 $0xFFFFFF00, v34  }
0x299: {  	v34 =	vshll.u32 v34, $0x7;
	vm13 =	veq.s32 v55, $0x200  }
0x29a: {  	v34 =	vadd.s32 v19, v34;
	_ =	sdelay $0x4  }
0x29b: {  	[tilespmem:v34+s22+$0x0] =	vst.idx.msk vm13, v1  }
0x29c: {  	v34 =	vld [tilespmem:$0xA0];
	_ =	sdelay $0x4  }
0x29d: {  	v56 =	vand.u32 $0xFFFFFF00, v34  }
0x29e: {  	v34 =	vshll.u32 v34, $0x7;
	vm14 =	veq.s32 v56, $0x200  }
0x29f: {  	v34 =	vadd.s32 v20, v34;
	_ =	sdelay $0x4  }
0x2a0: {  	[tilespmem:v34+s22+$0x0] =	vst.idx.msk vm14, v1  }
0x2a1: {  	v34 =	vld [tilespmem:$0xB0];
	_ =	sdelay $0x4  }
0x2a2: {  	v57 =	vand.u32 $0xFFFFFF00, v34  }
0x2a3: {  	v34 =	vshll.u32 v34, $0x7;
	vm15 =	veq.s32 v57, $0x200  }
0x2a4: {  	v34 =	vadd.s32 v21, v34;
	_ =	sdelay $0x4  }
0x2a5: {  	[tilespmem:v34+s22+$0x0] =	vst.idx.msk vm15, v1  }
0x2a6: {  	v34 =	vld [tilespmem:$0xC0];
	_ =	sdelay $0x4  }
0x2a7: {  	v58 =	vand.u32 $0xFFFFFF00, v34  }
0x2a8: {  	v34 =	vshll.u32 v34, $0x7;
	vm4 =	veq.s32 v58, $0x200  }
0x2a9: {  	v34 =	vadd.s32 v22, v34;
	_ =	sdelay $0x4  }
0x2aa: {  	[tilespmem:v34+s22+$0x0] =	vst.idx.msk vm4, v1  }
0x2ab: {  	v34 =	vld [tilespmem:$0xD0];
	_ =	sdelay $0x4  }
0x2ac: {  	v59 =	vand.u32 $0xFFFFFF00, v34  }
0x2ad: {  	v34 =	vshll.u32 v34, $0x7;
	vm5 =	veq.s32 v59, $0x200  }
0x2ae: {  	v34 =	vadd.s32 v23, v34;
	_ =	sdelay $0x4  }
0x2af: {  	[tilespmem:v34+s22+$0x0] =	vst.idx.msk vm5, v1  }
0x2b0: {  	v34 =	vld [tilespmem:$0xE0];
	_ =	sdelay $0x4  }
0x2b1: {  	v60 =	vand.u32 $0xFFFFFF00, v34  }
0x2b2: {  	v34 =	vshll.u32 v34, $0x7;
	vm6 =	veq.s32 v60, $0x200  }
0x2b3: {  	v34 =	vadd.s32 v24, v34;
	_ =	sdelay $0x4  }
0x2b4: {  	[tilespmem:v34+s22+$0x0] =	vst.idx.msk vm6, v1  }
0x2b5: {  	v34 =	vld [tilespmem:$0xF0];
	_ =	sdelay $0x4  }
0x2b6: {  	v61 =	vand.u32 $0xFFFFFF00, v34  }
0x2b7: {  	v34 =	vshll.u32 v34, $0x7;
	vm7 =	veq.s32 v61, $0x200  }
0x2b8: {  	v34 =	vadd.s32 v25, v34;
	_ =	sdelay $0x4  }
0x2b9: {  	[tilespmem:v34+s22+$0x0] =	vst.idx.msk vm7, v1  }
0x2ba: {  	v34 =	vld [tilespmem:$0x100];
	_ =	sdelay $0x4  }
0x2bb: {  	v62 =	vand.u32 $0xFFFFFF00, v34  }
0x2bc: {  	v34 =	vshll.u32 v34, $0x7;
	vm8 =	veq.s32 v62, $0x100  }
0x2bd: {  	v34 =	vadd.s32 v10, v34;
	_ =	sdelay $0x4  }
0x2be: {  	[tilespmem:v34+s22+$0x0] =	vst.idx.msk vm8, v2  }
0x2bf: {  	v34 =	vld [tilespmem:$0x110];
	_ =	sdelay $0x4  }
0x2c0: {  	v63 =	vand.u32 $0xFFFFFF00, v34  }
0x2c1: {  	v34 =	vshll.u32 v34, $0x7;
	vm9 =	veq.s32 v63, $0x100  }
0x2c2: {  	v34 =	vadd.s32 v11, v34;
	_ =	sdelay $0x4  }
0x2c3: {  	[tilespmem:v34+s22+$0x0] =	vst.idx.msk vm9, v2  }
0x2c4: {  	v34 =	vld [tilespmem:$0x120];
	_ =	sdelay $0x4  }
0x2c5: {  	v36 =	vand.u32 $0xFFFFFF00, v34  }
0x2c6: {  	v34 =	vshll.u32 v34, $0x7;
	vm10 =	veq.s32 v36, $0x100  }
0x2c7: {  	v34 =	vadd.s32 v12, v34;
	_ =	sdelay $0x4  }
0x2c8: {  	[tilespmem:v34+s22+$0x0] =	vst.idx.msk vm10, v2  }
0x2c9: {  	v34 =	vld [tilespmem:$0x130];
	_ =	sdelay $0x4  }
0x2ca: {  	v37 =	vand.u32 $0xFFFFFF00, v34  }
0x2cb: {  	v34 =	vshll.u32 v34, $0x7;
	vm11 =	veq.s32 v37, $0x100  }
0x2cc: {  	v34 =	vadd.s32 v13, v34;
	_ =	sdelay $0x4  }
0x2cd: {  	[tilespmem:v34+s22+$0x0] =	vst.idx.msk vm11, v2  }
0x2ce: {  	v34 =	vld [tilespmem:$0x140];
	_ =	sdelay $0x4  }
0x2cf: {  	v38 =	vand.u32 $0xFFFFFF00, v34  }
0x2d0: {  	v34 =	vshll.u32 v34, $0x7;
	vm12 =	veq.s32 v38, $0x100  }
0x2d1: {  	v34 =	vadd.s32 v14, v34;
	_ =	sdelay $0x4  }
0x2d2: {  	[tilespmem:v34+s22+$0x0] =	vst.idx.msk vm12, v2  }
0x2d3: {  	v34 =	vld [tilespmem:$0x150];
	_ =	sdelay $0x4  }
0x2d4: {  	v39 =	vand.u32 $0xFFFFFF00, v34  }
0x2d5: {  	v34 =	vshll.u32 v34, $0x7;
	vm13 =	veq.s32 v39, $0x100  }
0x2d6: {  	v34 =	vadd.s32 v15, v34;
	_ =	sdelay $0x4  }
0x2d7: {  	[tilespmem:v34+s22+$0x0] =	vst.idx.msk vm13, v2  }
0x2d8: {  	v34 =	vld [tilespmem:$0x160];
	_ =	sdelay $0x4  }
0x2d9: {  	v40 =	vand.u32 $0xFFFFFF00, v34  }
0x2da: {  	v34 =	vshll.u32 v34, $0x7;
	vm14 =	veq.s32 v40, $0x100  }
0x2db: {  	v34 =	vadd.s32 v16, v34;
	_ =	sdelay $0x4  }
0x2dc: {  	[tilespmem:v34+s22+$0x0] =	vst.idx.msk vm14, v2  }
0x2dd: {  	v34 =	vld [tilespmem:$0x170];
	_ =	sdelay $0x4  }
0x2de: {  	v41 =	vand.u32 $0xFFFFFF00, v34  }
0x2df: {  	v34 =	vshll.u32 v34, $0x7;
	vm15 =	veq.s32 v41, $0x100  }
0x2e0: {  	v34 =	vadd.s32 v17, v34;
	_ =	sdelay $0x4  }
0x2e1: {  	[tilespmem:v34+s22+$0x0] =	vst.idx.msk vm15, v2  }
0x2e2: {  	[hbm4b:s14+s23] =	stream.strided.scatter [tilespmem:s22], [sflag:$0x1], $0x8000, s24, s23, $0x38;
	[tilespmem:$0x18200] =	vst v63  }
0x2e3: {  	_ =	swait.ge [sflag:s29], $0x7400  }
0x2e4: {  	[sflag:s29] =	ssyncset.done $0x0  }
0x2e5: {  	[sflag:s29] =	ssyncadd.s32 $0xFFFF8C00  }
0x2e6: {  	v42 =	vld [tilespmem:$0x80];
	_ =	sdelay $0x4  }
0x2e7: {  	v43 =	vadd.s32 $0xFFFFFD00, v42  }
0x2e8: {  	v34 =	vshll.u32 v42, $0x7;
	vm4 =	vlt.u32 v43, $0xE8  }
0x2e9: {  	v34 =	vadd.s32 v26, v34;
	_ =	sdelay $0x4  }
0x2ea: {  	[tilespmem:v34+s25+$0x0] =	vst.idx.msk vm4, v1  }
0x2eb: {  	v34 =	vld [tilespmem:$0x90];
	_ =	sdelay $0x4  }
0x2ec: {  	v44 =	vadd.s32 $0xFFFFFD00, v34  }
0x2ed: {  	v34 =	vshll.u32 v34, $0x7;
	vm5 =	vlt.u32 v44, $0xE8  }
0x2ee: {  	v34 =	vadd.s32 v27, v34;
	_ =	sdelay $0x4  }
0x2ef: {  	[tilespmem:v34+s25+$0x0] =	vst.idx.msk vm5, v1  }
0x2f0: {  	v34 =	vld [tilespmem:$0xA0];
	_ =	sdelay $0x4  }
0x2f1: {  	v45 =	vadd.s32 $0xFFFFFD00, v34  }
0x2f2: {  	v34 =	vshll.u32 v34, $0x7;
	vm6 =	vlt.u32 v45, $0xE8  }
0x2f3: {  	v34 =	vadd.s32 v28, v34;
	_ =	sdelay $0x4  }
0x2f4: {  	[tilespmem:v34+s25+$0x0] =	vst.idx.msk vm6, v1  }
0x2f5: {  	v34 =	vld [tilespmem:$0xB0];
	_ =	sdelay $0x4  }
0x2f6: {  	v46 =	vadd.s32 $0xFFFFFD00, v34  }
0x2f7: {  	v34 =	vshll.u32 v34, $0x7;
	vm7 =	vlt.u32 v46, $0xE8  }
0x2f8: {  	v34 =	vadd.s32 v29, v34;
	_ =	sdelay $0x4  }
0x2f9: {  	[tilespmem:v34+s25+$0x0] =	vst.idx.msk vm7, v1  }
0x2fa: {  	v34 =	vld [tilespmem:$0xC0];
	_ =	sdelay $0x4  }
0x2fb: {  	v47 =	vadd.s32 $0xFFFFFD00, v34  }
0x2fc: {  	v34 =	vshll.u32 v34, $0x7;
	vm8 =	vlt.u32 v47, $0xE8  }
0x2fd: {  	v34 =	vadd.s32 v30, v34;
	_ =	sdelay $0x4  }
0x2fe: {  	[tilespmem:v34+s25+$0x0] =	vst.idx.msk vm8, v1  }
0x2ff: {  	v34 =	vld [tilespmem:$0xD0];
	_ =	sdelay $0x4  }
0x300: {  	v48 =	vadd.s32 $0xFFFFFD00, v34  }
0x301: {  	v34 =	vshll.u32 v34, $0x7;
	vm9 =	vlt.u32 v48, $0xE8  }
0x302: {  	v34 =	vadd.s32 v31, v34;
	_ =	sdelay $0x4  }
0x303: {  	[tilespmem:v34+s25+$0x0] =	vst.idx.msk vm9, v1  }
0x304: {  	v34 =	vld [tilespmem:$0xE0];
	_ =	sdelay $0x4  }
0x305: {  	v49 =	vadd.s32 $0xFFFFFD00, v34  }
0x306: {  	v34 =	vshll.u32 v34, $0x7;
	vm10 =	vlt.u32 v49, $0xE8  }
0x307: {  	v34 =	vadd.s32 v32, v34;
	_ =	sdelay $0x4  }
0x308: {  	[tilespmem:v34+s25+$0x0] =	vst.idx.msk vm10, v1  }
0x309: {  	v34 =	vld [tilespmem:$0xF0];
	_ =	sdelay $0x4  }
0x30a: {  	v50 =	vadd.s32 $0xFFFFFD00, v34  }
0x30b: {  	v34 =	vshll.u32 v34, $0x7;
	vm11 =	vlt.u32 v50, $0xE8  }
0x30c: {  	v34 =	vadd.s32 v33, v34;
	_ =	sdelay $0x4  }
0x30d: {  	[tilespmem:v34+s25+$0x0] =	vst.idx.msk vm11, v1  }
0x30e: {  	v34 =	vld [tilespmem:$0x100];
	_ =	sdelay $0x4  }
0x30f: {  	v51 =	vand.u32 $0xFFFFFF00, v34  }
0x310: {  	v34 =	vshll.u32 v34, $0x7;
	vm12 =	veq.s32 v51, $0x200  }
0x311: {  	v34 =	vadd.s32 v18, v34;
	_ =	sdelay $0x4  }
0x312: {  	[tilespmem:v34+s25+$0x0] =	vst.idx.msk vm12, v2  }
0x313: {  	v34 =	vld [tilespmem:$0x110];
	_ =	sdelay $0x4  }
0x314: {  	v52 =	vand.u32 $0xFFFFFF00, v34  }
0x315: {  	v34 =	vshll.u32 v34, $0x7;
	vm13 =	veq.s32 v52, $0x200  }
0x316: {  	v34 =	vadd.s32 v19, v34;
	_ =	sdelay $0x4  }
0x317: {  	[tilespmem:v34+s25+$0x0] =	vst.idx.msk vm13, v2  }
0x318: {  	v34 =	vld [tilespmem:$0x120];
	_ =	sdelay $0x4  }
0x319: {  	v53 =	vand.u32 $0xFFFFFF00, v34  }
0x31a: {  	v34 =	vshll.u32 v34, $0x7;
	vm14 =	veq.s32 v53, $0x200  }
0x31b: {  	v34 =	vadd.s32 v20, v34;
	_ =	sdelay $0x4  }
0x31c: {  	[tilespmem:v34+s25+$0x0] =	vst.idx.msk vm14, v2  }
0x31d: {  	v34 =	vld [tilespmem:$0x130];
	_ =	sdelay $0x4  }
0x31e: {  	v54 =	vand.u32 $0xFFFFFF00, v34  }
0x31f: {  	v34 =	vshll.u32 v34, $0x7;
	vm15 =	veq.s32 v54, $0x200  }
0x320: {  	v34 =	vadd.s32 v21, v34;
	_ =	sdelay $0x4  }
0x321: {  	[tilespmem:v34+s25+$0x0] =	vst.idx.msk vm15, v2  }
0x322: {  	v34 =	vld [tilespmem:$0x140];
	_ =	sdelay $0x4  }
0x323: {  	v55 =	vand.u32 $0xFFFFFF00, v34  }
0x324: {  	v34 =	vshll.u32 v34, $0x7;
	vm4 =	veq.s32 v55, $0x200  }
0x325: {  	v34 =	vadd.s32 v22, v34;
	_ =	sdelay $0x4  }
0x326: {  	[tilespmem:v34+s25+$0x0] =	vst.idx.msk vm4, v2  }
0x327: {  	v34 =	vld [tilespmem:$0x150];
	_ =	sdelay $0x4  }
0x328: {  	v56 =	vand.u32 $0xFFFFFF00, v34  }
0x329: {  	v34 =	vshll.u32 v34, $0x7;
	vm5 =	veq.s32 v56, $0x200  }
0x32a: {  	v34 =	vadd.s32 v23, v34;
	_ =	sdelay $0x4  }
0x32b: {  	[tilespmem:v34+s25+$0x0] =	vst.idx.msk vm5, v2  }
0x32c: {  	v34 =	vld [tilespmem:$0x160];
	_ =	sdelay $0x4  }
0x32d: {  	v57 =	vand.u32 $0xFFFFFF00, v34  }
0x32e: {  	v34 =	vshll.u32 v34, $0x7;
	vm6 =	veq.s32 v57, $0x200  }
0x32f: {  	v34 =	vadd.s32 v24, v34;
	_ =	sdelay $0x4  }
0x330: {  	[tilespmem:v34+s25+$0x0] =	vst.idx.msk vm6, v2  }
0x331: {  	v34 =	vld [tilespmem:$0x170];
	_ =	sdelay $0x4  }
0x332: {  	v58 =	vand.u32 $0xFFFFFF00, v34  }
0x333: {  	v34 =	vshll.u32 v34, $0x7;
	vm7 =	veq.s32 v58, $0x200  }
0x334: {  	v34 =	vadd.s32 v25, v34;
	_ =	sdelay $0x4  }
0x335: {  	[tilespmem:v34+s25+$0x0] =	vst.idx.msk vm7, v2  }
0x336: {  	[hbm4b:s12+s23] =	stream.strided.scatter [tilespmem:s25], [sflag:$0x2], $0x8000, s24, s23, $0x38;
	[tilespmem:$0x18200] =	vst v63  }
0x337: {  	_ =	swait.ge [sflag:s30], $0x8000  }
0x338: {  	[sflag:s30] =	ssyncset.done $0x0  }
0x339: {  	[sflag:s30] =	ssyncadd.s32 $0xFFFF8000  }
0x33a: {  	v59 =	vld [tilespmem:$0x100];
	_ =	sdelay $0x4  }
0x33b: {  	vm8 =	vlt.u32 v59, $0x100;
	v34 =	vshll.u32 v59, $0x7  }
0x33c: {  	v34 =	vor.u32 v0, v34;
	_ =	sdelay $0x4  }
0x33d: {  	[tilespmem:v34+s26+$0x0] =	vst.idx.msk vm8, v1  }
0x33e: {  	v34 =	vld [tilespmem:$0x110];
	_ =	sdelay $0x4  }
0x33f: {  	vm9 =	vlt.u32 v34, $0x100;
	v34 =	vshll.u32 v34, $0x7  }
0x340: {  	v34 =	vor.u32 v3, v34;
	_ =	sdelay $0x4  }
0x341: {  	[tilespmem:v34+s26+$0x0] =	vst.idx.msk vm9, v1  }
0x342: {  	v34 =	vld [tilespmem:$0x120];
	_ =	sdelay $0x4  }
0x343: {  	vm10 =	vlt.u32 v34, $0x100;
	v34 =	vshll.u32 v34, $0x7  }
0x344: {  	v34 =	vor.u32 v4, v34;
	_ =	sdelay $0x4  }
0x345: {  	[tilespmem:v34+s26+$0x0] =	vst.idx.msk vm10, v1  }
0x346: {  	v34 =	vld [tilespmem:$0x130];
	_ =	sdelay $0x4  }
0x347: {  	vm11 =	vlt.u32 v34, $0x100;
	v34 =	vshll.u32 v34, $0x7  }
0x348: {  	v34 =	vor.u32 v5, v34;
	_ =	sdelay $0x4  }
0x349: {  	[tilespmem:v34+s26+$0x0] =	vst.idx.msk vm11, v1  }
0x34a: {  	v34 =	vld [tilespmem:$0x140];
	_ =	sdelay $0x4  }
0x34b: {  	vm12 =	vlt.u32 v34, $0x100;
	v34 =	vshll.u32 v34, $0x7  }
0x34c: {  	v34 =	vor.u32 v6, v34;
	_ =	sdelay $0x4  }
0x34d: {  	[tilespmem:v34+s26+$0x0] =	vst.idx.msk vm12, v1  }
0x34e: {  	v34 =	vld [tilespmem:$0x150];
	_ =	sdelay $0x4  }
0x34f: {  	vm13 =	vlt.u32 v34, $0x100;
	v34 =	vshll.u32 v34, $0x7  }
0x350: {  	v34 =	vor.u32 v7, v34;
	_ =	sdelay $0x4  }
0x351: {  	[tilespmem:v34+s26+$0x0] =	vst.idx.msk vm13, v1  }
0x352: {  	v34 =	vld [tilespmem:$0x160];
	_ =	sdelay $0x4  }
0x353: {  	vm14 =	vlt.u32 v34, $0x100;
	v34 =	vshll.u32 v34, $0x7  }
0x354: {  	v34 =	vor.u32 v8, v34;
	_ =	sdelay $0x4  }
0x355: {  	[tilespmem:v34+s26+$0x0] =	vst.idx.msk vm14, v1  }
0x356: {  	v34 =	vld [tilespmem:$0x170];
	_ =	sdelay $0x4  }
0x357: {  	vm15 =	vlt.u32 v34, $0x100;
	v34 =	vshll.u32 v34, $0x7  }
0x358: {  	v34 =	vor.u32 v9, v34;
	_ =	sdelay $0x4  }
0x359: {  	[tilespmem:v34+s26+$0x0] =	vst.idx.msk vm15, v1  }
0x35a: {  	v34 =	vld [tilespmem:$0x100];
	_ =	sdelay $0x4  }
0x35b: {  	v60 =	vadd.s32 $0xFFFFFD00, v34  }
0x35c: {  	v34 =	vshll.u32 v34, $0x7;
	vm4 =	vlt.u32 v60, $0xE8  }
0x35d: {  	v34 =	vadd.s32 v26, v34;
	_ =	sdelay $0x4  }
0x35e: {  	[tilespmem:v34+s26+$0x0] =	vst.idx.msk vm4, v2  }
0x35f: {  	v34 =	vld [tilespmem:$0x110];
	_ =	sdelay $0x4  }
0x360: {  	v61 =	vadd.s32 $0xFFFFFD00, v34  }
0x361: {  	v34 =	vshll.u32 v34, $0x7;
	vm5 =	vlt.u32 v61, $0xE8  }
0x362: {  	v34 =	vadd.s32 v27, v34;
	_ =	sdelay $0x4  }
0x363: {  	[tilespmem:v34+s26+$0x0] =	vst.idx.msk vm5, v2  }
0x364: {  	v34 =	vld [tilespmem:$0x120];
	_ =	sdelay $0x4  }
0x365: {  	v62 =	vadd.s32 $0xFFFFFD00, v34  }
0x366: {  	v34 =	vshll.u32 v34, $0x7;
	vm6 =	vlt.u32 v62, $0xE8  }
0x367: {  	v34 =	vadd.s32 v28, v34;
	_ =	sdelay $0x4  }
0x368: {  	[tilespmem:v34+s26+$0x0] =	vst.idx.msk vm6, v2  }
0x369: {  	v34 =	vld [tilespmem:$0x130];
	_ =	sdelay $0x4  }
0x36a: {  	v63 =	vadd.s32 $0xFFFFFD00, v34  }
0x36b: {  	v34 =	vshll.u32 v34, $0x7;
	vm7 =	vlt.u32 v63, $0xE8  }
0x36c: {  	v34 =	vadd.s32 v29, v34;
	_ =	sdelay $0x4  }
0x36d: {  	[tilespmem:v34+s26+$0x0] =	vst.idx.msk vm7, v2  }
0x36e: {  	v34 =	vld [tilespmem:$0x140];
	_ =	sdelay $0x4  }
0x36f: {  	v36 =	vadd.s32 $0xFFFFFD00, v34  }
0x370: {  	v34 =	vshll.u32 v34, $0x7;
	vm8 =	vlt.u32 v36, $0xE8  }
0x371: {  	v34 =	vadd.s32 v30, v34;
	_ =	sdelay $0x4  }
0x372: {  	[tilespmem:v34+s26+$0x0] =	vst.idx.msk vm8, v2  }
0x373: {  	v34 =	vld [tilespmem:$0x150];
	_ =	sdelay $0x4  }
0x374: {  	v37 =	vadd.s32 $0xFFFFFD00, v34  }
0x375: {  	v34 =	vshll.u32 v34, $0x7;
	vm9 =	vlt.u32 v37, $0xE8  }
0x376: {  	v34 =	vadd.s32 v31, v34;
	_ =	sdelay $0x4  }
0x377: {  	[tilespmem:v34+s26+$0x0] =	vst.idx.msk vm9, v2  }
0x378: {  	v34 =	vld [tilespmem:$0x160];
	_ =	sdelay $0x4  }
0x379: {  	v38 =	vadd.s32 $0xFFFFFD00, v34  }
0x37a: {  	v34 =	vshll.u32 v34, $0x7;
	vm10 =	vlt.u32 v38, $0xE8  }
0x37b: {  	v34 =	vadd.s32 v32, v34;
	_ =	sdelay $0x4  }
0x37c: {  	[tilespmem:v34+s26+$0x0] =	vst.idx.msk vm10, v2  }
0x37d: {  	v34 =	vld [tilespmem:$0x170];
	_ =	sdelay $0x4  }
0x37e: {  	v39 =	vadd.s32 $0xFFFFFD00, v34  }
0x37f: {  	v34 =	vshll.u32 v34, $0x7;
	vm11 =	vlt.u32 v39, $0xE8  }
0x380: {  	v34 =	vadd.s32 v33, v34;
	_ =	sdelay $0x4  }
0x381: {  	[tilespmem:v34+s26+$0x0] =	vst.idx.msk vm11, v2  }
0x382: {  	[hbm4b:s15+s23] =	stream.strided.scatter [tilespmem:s26], [sflag:$0x3], $0x7400, s24, s23, $0x38;
	[tilespmem:$0x18200] =	vst v63  }
0x383: {  	_ =	swait.ge [sflag:s28], $0x8000  }
0x384: {  	[sflag:s28] =	ssyncset.done $0x0  }
0x385: {  	[sflag:s28] =	ssyncadd.s32 $0xFFFF8000  }
0x386: {  	v40 =	vld [tilespmem:$0x100];
	_ =	sdelay $0x4  }
0x387: {  	v41 =	vand.u32 $0xFFFFFF00, v40  }
0x388: {  	v34 =	vshll.u32 v40, $0x7;
	vm12 =	veq.s32 v41, $0x100  }
0x389: {  	v34 =	vadd.s32 v10, v34;
	_ =	sdelay $0x4  }
0x38a: {  	[tilespmem:v34+s22+$0x0] =	vst.idx.msk vm12, v1  }
0x38b: {  	v34 =	vld [tilespmem:$0x110];
	_ =	sdelay $0x4  }
0x38c: {  	v42 =	vand.u32 $0xFFFFFF00, v34  }
0x38d: {  	v34 =	vshll.u32 v34, $0x7;
	vm13 =	veq.s32 v42, $0x100  }
0x38e: {  	v34 =	vadd.s32 v11, v34;
	_ =	sdelay $0x4  }
0x38f: {  	[tilespmem:v34+s22+$0x0] =	vst.idx.msk vm13, v1  }
0x390: {  	v34 =	vld [tilespmem:$0x120];
	_ =	sdelay $0x4  }
0x391: {  	v43 =	vand.u32 $0xFFFFFF00, v34  }
0x392: {  	v34 =	vshll.u32 v34, $0x7;
	vm14 =	veq.s32 v43, $0x100  }
0x393: {  	v34 =	vadd.s32 v12, v34;
	_ =	sdelay $0x4  }
0x394: {  	[tilespmem:v34+s22+$0x0] =	vst.idx.msk vm14, v1  }
0x395: {  	v34 =	vld [tilespmem:$0x130];
	_ =	sdelay $0x4  }
0x396: {  	v44 =	vand.u32 $0xFFFFFF00, v34  }
0x397: {  	v34 =	vshll.u32 v34, $0x7;
	vm15 =	veq.s32 v44, $0x100  }
0x398: {  	v34 =	vadd.s32 v13, v34;
	_ =	sdelay $0x4  }
0x399: {  	[tilespmem:v34+s22+$0x0] =	vst.idx.msk vm15, v1  }
0x39a: {  	v34 =	vld [tilespmem:$0x140];
	_ =	sdelay $0x4  }
0x39b: {  	v45 =	vand.u32 $0xFFFFFF00, v34  }
0x39c: {  	v34 =	vshll.u32 v34, $0x7;
	vm4 =	veq.s32 v45, $0x100  }
0x39d: {  	v34 =	vadd.s32 v14, v34;
	_ =	sdelay $0x4  }
0x39e: {  	[tilespmem:v34+s22+$0x0] =	vst.idx.msk vm4, v1  }
0x39f: {  	v34 =	vld [tilespmem:$0x150];
	_ =	sdelay $0x4  }
0x3a0: {  	v46 =	vand.u32 $0xFFFFFF00, v34  }
0x3a1: {  	v34 =	vshll.u32 v34, $0x7;
	vm5 =	veq.s32 v46, $0x100  }
0x3a2: {  	v34 =	vadd.s32 v15, v34;
	_ =	sdelay $0x4  }
0x3a3: {  	[tilespmem:v34+s22+$0x0] =	vst.idx.msk vm5, v1  }
0x3a4: {  	v34 =	vld [tilespmem:$0x160];
	_ =	sdelay $0x4  }
0x3a5: {  	v47 =	vand.u32 $0xFFFFFF00, v34  }
0x3a6: {  	v34 =	vshll.u32 v34, $0x7;
	vm6 =	veq.s32 v47, $0x100  }
0x3a7: {  	v34 =	vadd.s32 v16, v34;
	_ =	sdelay $0x4  }
0x3a8: {  	[tilespmem:v34+s22+$0x0] =	vst.idx.msk vm6, v1  }
0x3a9: {  	v34 =	vld [tilespmem:$0x170];
	_ =	sdelay $0x4  }
0x3aa: {  	v48 =	vand.u32 $0xFFFFFF00, v34  }
0x3ab: {  	v34 =	vshll.u32 v34, $0x7;
	vm7 =	veq.s32 v48, $0x100  }
0x3ac: {  	v34 =	vadd.s32 v17, v34;
	_ =	sdelay $0x4  }
0x3ad: {  	[tilespmem:v34+s22+$0x0] =	vst.idx.msk vm7, v1  }
0x3ae: {  	v34 =	vld [tilespmem:$0x180];
	_ =	sdelay $0x4  }
0x3af: {  	vm8 =	vlt.u32 v34, $0x100;
	v34 =	vshll.u32 v34, $0x7  }
0x3b0: {  	v34 =	vor.u32 v0, v34;
	_ =	sdelay $0x4  }
0x3b1: {  	[tilespmem:v34+s22+$0x0] =	vst.idx.msk vm8, v2  }
0x3b2: {  	v34 =	vld [tilespmem:$0x190];
	_ =	sdelay $0x4  }
0x3b3: {  	vm9 =	vlt.u32 v34, $0x100;
	v34 =	vshll.u32 v34, $0x7  }
0x3b4: {  	v34 =	vor.u32 v3, v34;
	_ =	sdelay $0x4  }
0x3b5: {  	[tilespmem:v34+s22+$0x0] =	vst.idx.msk vm9, v2  }
0x3b6: {  	v34 =	vld [tilespmem:$0x1A0];
	_ =	sdelay $0x4  }
0x3b7: {  	vm10 =	vlt.u32 v34, $0x100;
	v34 =	vshll.u32 v34, $0x7  }
0x3b8: {  	v34 =	vor.u32 v4, v34;
	_ =	sdelay $0x4  }
0x3b9: {  	[tilespmem:v34+s22+$0x0] =	vst.idx.msk vm10, v2  }
0x3ba: {  	v34 =	vld [tilespmem:$0x1B0];
	_ =	sdelay $0x4  }
0x3bb: {  	vm11 =	vlt.u32 v34, $0x100;
	v34 =	vshll.u32 v34, $0x7  }
0x3bc: {  	v34 =	vor.u32 v5, v34;
	_ =	sdelay $0x4  }
0x3bd: {  	[tilespmem:v34+s22+$0x0] =	vst.idx.msk vm11, v2  }
0x3be: {  	v34 =	vld [tilespmem:$0x1C0];
	_ =	sdelay $0x4  }
0x3bf: {  	vm12 =	vlt.u32 v34, $0x100;
	v34 =	vshll.u32 v34, $0x7  }
0x3c0: {  	v34 =	vor.u32 v6, v34;
	_ =	sdelay $0x4  }
0x3c1: {  	[tilespmem:v34+s22+$0x0] =	vst.idx.msk vm12, v2  }
0x3c2: {  	v34 =	vld [tilespmem:$0x1D0];
	_ =	sdelay $0x4  }
0x3c3: {  	vm13 =	vlt.u32 v34, $0x100;
	v34 =	vshll.u32 v34, $0x7  }
0x3c4: {  	v34 =	vor.u32 v7, v34;
	_ =	sdelay $0x4  }
0x3c5: {  	[tilespmem:v34+s22+$0x0] =	vst.idx.msk vm13, v2  }
0x3c6: {  	v34 =	vld [tilespmem:$0x1E0];
	_ =	sdelay $0x4  }
0x3c7: {  	vm14 =	vlt.u32 v34, $0x100;
	v34 =	vshll.u32 v34, $0x7  }
0x3c8: {  	v34 =	vor.u32 v8, v34;
	_ =	sdelay $0x4  }
0x3c9: {  	[tilespmem:v34+s22+$0x0] =	vst.idx.msk vm14, v2  }
0x3ca: {  	v34 =	vld [tilespmem:$0x1F0];
	_ =	sdelay $0x4  }
0x3cb: {  	vm15 =	vlt.u32 v34, $0x100;
	v34 =	vshll.u32 v34, $0x7  }
0x3cc: {  	v34 =	vor.u32 v9, v34;
	_ =	sdelay $0x4  }
0x3cd: {  	[tilespmem:v34+s22+$0x0] =	vst.idx.msk vm15, v2  }
0x3ce: {  	[hbm4b:s16+s23] =	stream.strided.scatter [tilespmem:s22], [sflag:$0x1], $0x8000, s24, s23, $0x38;
	[tilespmem:$0x18200] =	vst v63  }
0x3cf: {  	_ =	swait.ge [sflag:s29], $0x8000  }
0x3d0: {  	[sflag:s29] =	ssyncset.done $0x0  }
0x3d1: {  	[sflag:s29] =	ssyncadd.s32 $0xFFFF8000  }
0x3d2: {  	v49 =	vld [tilespmem:$0x100];
	_ =	sdelay $0x4  }
0x3d3: {  	v50 =	vand.u32 $0xFFFFFF00, v49  }
0x3d4: {  	v34 =	vshll.u32 v49, $0x7;
	vm4 =	veq.s32 v50, $0x200  }
0x3d5: {  	v34 =	vadd.s32 v18, v34;
	_ =	sdelay $0x4  }
0x3d6: {  	[tilespmem:v34+s25+$0x0] =	vst.idx.msk vm4, v1  }
0x3d7: {  	v34 =	vld [tilespmem:$0x110];
	_ =	sdelay $0x4  }
0x3d8: {  	v51 =	vand.u32 $0xFFFFFF00, v34  }
0x3d9: {  	v34 =	vshll.u32 v34, $0x7;
	vm5 =	veq.s32 v51, $0x200  }
0x3da: {  	v34 =	vadd.s32 v19, v34;
	_ =	sdelay $0x4  }
0x3db: {  	[tilespmem:v34+s25+$0x0] =	vst.idx.msk vm5, v1  }
0x3dc: {  	v34 =	vld [tilespmem:$0x120];
	_ =	sdelay $0x4  }
0x3dd: {  	v52 =	vand.u32 $0xFFFFFF00, v34  }
0x3de: {  	v34 =	vshll.u32 v34, $0x7;
	vm6 =	veq.s32 v52, $0x200  }
0x3df: {  	v34 =	vadd.s32 v20, v34;
	_ =	sdelay $0x4  }
0x3e0: {  	[tilespmem:v34+s25+$0x0] =	vst.idx.msk vm6, v1  }
0x3e1: {  	v34 =	vld [tilespmem:$0x130];
	_ =	sdelay $0x4  }
0x3e2: {  	v53 =	vand.u32 $0xFFFFFF00, v34  }
0x3e3: {  	v34 =	vshll.u32 v34, $0x7;
	vm7 =	veq.s32 v53, $0x200  }
0x3e4: {  	v34 =	vadd.s32 v21, v34;
	_ =	sdelay $0x4  }
0x3e5: {  	[tilespmem:v34+s25+$0x0] =	vst.idx.msk vm7, v1  }
0x3e6: {  	v34 =	vld [tilespmem:$0x140];
	_ =	sdelay $0x4  }
0x3e7: {  	v54 =	vand.u32 $0xFFFFFF00, v34  }
0x3e8: {  	v34 =	vshll.u32 v34, $0x7;
	vm8 =	veq.s32 v54, $0x200  }
0x3e9: {  	v34 =	vadd.s32 v22, v34;
	_ =	sdelay $0x4  }
0x3ea: {  	[tilespmem:v34+s25+$0x0] =	vst.idx.msk vm8, v1  }
0x3eb: {  	v34 =	vld [tilespmem:$0x150];
	_ =	sdelay $0x4  }
0x3ec: {  	v55 =	vand.u32 $0xFFFFFF00, v34  }
0x3ed: {  	v34 =	vshll.u32 v34, $0x7;
	vm9 =	veq.s32 v55, $0x200  }
0x3ee: {  	v34 =	vadd.s32 v23, v34;
	_ =	sdelay $0x4  }
0x3ef: {  	[tilespmem:v34+s25+$0x0] =	vst.idx.msk vm9, v1  }
0x3f0: {  	v34 =	vld [tilespmem:$0x160];
	_ =	sdelay $0x4  }
0x3f1: {  	v56 =	vand.u32 $0xFFFFFF00, v34  }
0x3f2: {  	v34 =	vshll.u32 v34, $0x7;
	vm10 =	veq.s32 v56, $0x200  }
0x3f3: {  	v34 =	vadd.s32 v24, v34;
	_ =	sdelay $0x4  }
0x3f4: {  	[tilespmem:v34+s25+$0x0] =	vst.idx.msk vm10, v1  }
0x3f5: {  	v34 =	vld [tilespmem:$0x170];
	_ =	sdelay $0x4  }
0x3f6: {  	v57 =	vand.u32 $0xFFFFFF00, v34  }
0x3f7: {  	v34 =	vshll.u32 v34, $0x7;
	vm11 =	veq.s32 v57, $0x200  }
0x3f8: {  	v34 =	vadd.s32 v25, v34;
	_ =	sdelay $0x4  }
0x3f9: {  	[tilespmem:v34+s25+$0x0] =	vst.idx.msk vm11, v1  }
0x3fa: {  	v34 =	vld [tilespmem:$0x180];
	_ =	sdelay $0x4  }
0x3fb: {  	v58 =	vand.u32 $0xFFFFFF00, v34  }
0x3fc: {  	v34 =	vshll.u32 v34, $0x7;
	vm12 =	veq.s32 v58, $0x100  }
0x3fd: {  	v34 =	vadd.s32 v10, v34;
	_ =	sdelay $0x4  }
0x3fe: {  	[tilespmem:v34+s25+$0x0] =	vst.idx.msk vm12, v2  }
0x3ff: {  	v34 =	vld [tilespmem:$0x190];
	_ =	sdelay $0x4  }
0x400: {  	v59 =	vand.u32 $0xFFFFFF00, v34  }
0x401: {  	v34 =	vshll.u32 v34, $0x7;
	vm13 =	veq.s32 v59, $0x100  }
0x402: {  	v34 =	vadd.s32 v11, v34;
	_ =	sdelay $0x4  }
0x403: {  	[tilespmem:v34+s25+$0x0] =	vst.idx.msk vm13, v2  }
0x404: {  	v34 =	vld [tilespmem:$0x1A0];
	_ =	sdelay $0x4  }
0x405: {  	v60 =	vand.u32 $0xFFFFFF00, v34  }
0x406: {  	v34 =	vshll.u32 v34, $0x7;
	vm14 =	veq.s32 v60, $0x100  }
0x407: {  	v34 =	vadd.s32 v12, v34;
	_ =	sdelay $0x4  }
0x408: {  	[tilespmem:v34+s25+$0x0] =	vst.idx.msk vm14, v2  }
0x409: {  	v34 =	vld [tilespmem:$0x1B0];
	_ =	sdelay $0x4  }
0x40a: {  	v61 =	vand.u32 $0xFFFFFF00, v34  }
0x40b: {  	v34 =	vshll.u32 v34, $0x7;
	vm15 =	veq.s32 v61, $0x100  }
0x40c: {  	v34 =	vadd.s32 v13, v34;
	_ =	sdelay $0x4  }
0x40d: {  	[tilespmem:v34+s25+$0x0] =	vst.idx.msk vm15, v2  }
0x40e: {  	v34 =	vld [tilespmem:$0x1C0];
	_ =	sdelay $0x4  }
0x40f: {  	v62 =	vand.u32 $0xFFFFFF00, v34  }
0x410: {  	v34 =	vshll.u32 v34, $0x7;
	vm4 =	veq.s32 v62, $0x100  }
0x411: {  	v34 =	vadd.s32 v14, v34;
	_ =	sdelay $0x4  }
0x412: {  	[tilespmem:v34+s25+$0x0] =	vst.idx.msk vm4, v2  }
0x413: {  	v34 =	vld [tilespmem:$0x1D0];
	_ =	sdelay $0x4  }
0x414: {  	v63 =	vand.u32 $0xFFFFFF00, v34  }
0x415: {  	v34 =	vshll.u32 v34, $0x7;
	vm5 =	veq.s32 v63, $0x100  }
0x416: {  	v34 =	vadd.s32 v15, v34;
	_ =	sdelay $0x4  }
0x417: {  	[tilespmem:v34+s25+$0x0] =	vst.idx.msk vm5, v2  }
0x418: {  	v34 =	vld [tilespmem:$0x1E0];
	_ =	sdelay $0x4  }
0x419: {  	v36 =	vand.u32 $0xFFFFFF00, v34  }
0x41a: {  	v34 =	vshll.u32 v34, $0x7;
	vm6 =	veq.s32 v36, $0x100  }
0x41b: {  	v34 =	vadd.s32 v16, v34;
	_ =	sdelay $0x4  }
0x41c: {  	[tilespmem:v34+s25+$0x0] =	vst.idx.msk vm6, v2  }
0x41d: {  	v34 =	vld [tilespmem:$0x1F0];
	_ =	sdelay $0x4  }
0x41e: {  	v37 =	vand.u32 $0xFFFFFF00, v34  }
0x41f: {  	v34 =	vshll.u32 v34, $0x7;
	vm7 =	veq.s32 v37, $0x100  }
0x420: {  	v34 =	vadd.s32 v17, v34;
	_ =	sdelay $0x4  }
0x421: {  	[tilespmem:v34+s25+$0x0] =	vst.idx.msk vm7, v2  }
0x422: {  	[hbm4b:s17+s23] =	stream.strided.scatter [tilespmem:s25], [sflag:$0x2], $0x8000, s24, s23, $0x38;
	[tilespmem:$0x18200] =	vst v63  }
0x423: {  	_ =	swait.ge [sflag:s30], $0x7400  }
0x424: {  	[sflag:s30] =	ssyncset.done $0x0  }
0x425: {  	[sflag:s30] =	ssyncadd.s32 $0xFFFF8C00  }
0x426: {  	v38 =	vld [tilespmem:$0x100];
	_ =	sdelay $0x4  }
0x427: {  	v39 =	vadd.s32 $0xFFFFFD00, v38  }
0x428: {  	v34 =	vshll.u32 v38, $0x7;
	vm8 =	vlt.u32 v39, $0xE8  }
0x429: {  	v34 =	vadd.s32 v26, v34;
	_ =	sdelay $0x4  }
0x42a: {  	[tilespmem:v34+s26+$0x0] =	vst.idx.msk vm8, v1  }
0x42b: {  	v34 =	vld [tilespmem:$0x110];
	_ =	sdelay $0x4  }
0x42c: {  	v40 =	vadd.s32 $0xFFFFFD00, v34  }
0x42d: {  	v34 =	vshll.u32 v34, $0x7;
	vm9 =	vlt.u32 v40, $0xE8  }
0x42e: {  	v34 =	vadd.s32 v27, v34;
	_ =	sdelay $0x4  }
0x42f: {  	[tilespmem:v34+s26+$0x0] =	vst.idx.msk vm9, v1  }
0x430: {  	v34 =	vld [tilespmem:$0x120];
	_ =	sdelay $0x4  }
0x431: {  	v41 =	vadd.s32 $0xFFFFFD00, v34  }
0x432: {  	v34 =	vshll.u32 v34, $0x7;
	vm10 =	vlt.u32 v41, $0xE8  }
0x433: {  	v34 =	vadd.s32 v28, v34;
	_ =	sdelay $0x4  }
0x434: {  	[tilespmem:v34+s26+$0x0] =	vst.idx.msk vm10, v1  }
0x435: {  	v34 =	vld [tilespmem:$0x130];
	_ =	sdelay $0x4  }
0x436: {  	v42 =	vadd.s32 $0xFFFFFD00, v34  }
0x437: {  	v34 =	vshll.u32 v34, $0x7;
	vm11 =	vlt.u32 v42, $0xE8  }
0x438: {  	v34 =	vadd.s32 v29, v34;
	_ =	sdelay $0x4  }
0x439: {  	[tilespmem:v34+s26+$0x0] =	vst.idx.msk vm11, v1  }
0x43a: {  	v34 =	vld [tilespmem:$0x140];
	_ =	sdelay $0x4  }
0x43b: {  	v43 =	vadd.s32 $0xFFFFFD00, v34  }
0x43c: {  	v34 =	vshll.u32 v34, $0x7;
	vm12 =	vlt.u32 v43, $0xE8  }
0x43d: {  	v34 =	vadd.s32 v30, v34;
	_ =	sdelay $0x4  }
0x43e: {  	[tilespmem:v34+s26+$0x0] =	vst.idx.msk vm12, v1  }
0x43f: {  	v34 =	vld [tilespmem:$0x150];
	_ =	sdelay $0x4  }
0x440: {  	v44 =	vadd.s32 $0xFFFFFD00, v34  }
0x441: {  	v34 =	vshll.u32 v34, $0x7;
	vm13 =	vlt.u32 v44, $0xE8  }
0x442: {  	v34 =	vadd.s32 v31, v34;
	_ =	sdelay $0x4  }
0x443: {  	[tilespmem:v34+s26+$0x0] =	vst.idx.msk vm13, v1  }
0x444: {  	v34 =	vld [tilespmem:$0x160];
	_ =	sdelay $0x4  }
0x445: {  	v45 =	vadd.s32 $0xFFFFFD00, v34  }
0x446: {  	v34 =	vshll.u32 v34, $0x7;
	vm14 =	vlt.u32 v45, $0xE8  }
0x447: {  	v34 =	vadd.s32 v32, v34;
	_ =	sdelay $0x4  }
0x448: {  	[tilespmem:v34+s26+$0x0] =	vst.idx.msk vm14, v1  }
0x449: {  	v34 =	vld [tilespmem:$0x170];
	_ =	sdelay $0x4  }
0x44a: {  	v46 =	vadd.s32 $0xFFFFFD00, v34  }
0x44b: {  	v34 =	vshll.u32 v34, $0x7;
	vm15 =	vlt.u32 v46, $0xE8  }
0x44c: {  	v34 =	vadd.s32 v33, v34;
	_ =	sdelay $0x4  }
0x44d: {  	[tilespmem:v34+s26+$0x0] =	vst.idx.msk vm15, v1  }
0x44e: {  	v34 =	vld [tilespmem:$0x180];
	_ =	sdelay $0x4  }
0x44f: {  	v47 =	vand.u32 $0xFFFFFF00, v34  }
0x450: {  	v34 =	vshll.u32 v34, $0x7;
	vm4 =	veq.s32 v47, $0x200  }
0x451: {  	v34 =	vadd.s32 v18, v34;
	_ =	sdelay $0x4  }
0x452: {  	[tilespmem:v34+s26+$0x0] =	vst.idx.msk vm4, v2  }
0x453: {  	v34 =	vld [tilespmem:$0x190];
	_ =	sdelay $0x4  }
0x454: {  	v48 =	vand.u32 $0xFFFFFF00, v34  }
0x455: {  	v34 =	vshll.u32 v34, $0x7;
	vm5 =	veq.s32 v48, $0x200  }
0x456: {  	v34 =	vadd.s32 v19, v34;
	_ =	sdelay $0x4  }
0x457: {  	[tilespmem:v34+s26+$0x0] =	vst.idx.msk vm5, v2  }
0x458: {  	v34 =	vld [tilespmem:$0x1A0];
	_ =	sdelay $0x4  }
0x459: {  	v49 =	vand.u32 $0xFFFFFF00, v34  }
0x45a: {  	v34 =	vshll.u32 v34, $0x7;
	vm6 =	veq.s32 v49, $0x200  }
0x45b: {  	v34 =	vadd.s32 v20, v34;
	_ =	sdelay $0x4  }
0x45c: {  	[tilespmem:v34+s26+$0x0] =	vst.idx.msk vm6, v2  }
0x45d: {  	v34 =	vld [tilespmem:$0x1B0];
	_ =	sdelay $0x4  }
0x45e: {  	v50 =	vand.u32 $0xFFFFFF00, v34  }
0x45f: {  	v34 =	vshll.u32 v34, $0x7;
	vm7 =	veq.s32 v50, $0x200  }
0x460: {  	v34 =	vadd.s32 v21, v34;
	_ =	sdelay $0x4  }
0x461: {  	[tilespmem:v34+s26+$0x0] =	vst.idx.msk vm7, v2  }
0x462: {  	v34 =	vld [tilespmem:$0x1C0];
	_ =	sdelay $0x4  }
0x463: {  	v51 =	vand.u32 $0xFFFFFF00, v34  }
0x464: {  	v34 =	vshll.u32 v34, $0x7;
	vm8 =	veq.s32 v51, $0x200  }
0x465: {  	v34 =	vadd.s32 v22, v34;
	_ =	sdelay $0x4  }
0x466: {  	[tilespmem:v34+s26+$0x0] =	vst.idx.msk vm8, v2  }
0x467: {  	v34 =	vld [tilespmem:$0x1D0];
	_ =	sdelay $0x4  }
0x468: {  	v52 =	vand.u32 $0xFFFFFF00, v34  }
0x469: {  	v34 =	vshll.u32 v34, $0x7;
	vm9 =	veq.s32 v52, $0x200  }
0x46a: {  	v34 =	vadd.s32 v23, v34;
	_ =	sdelay $0x4  }
0x46b: {  	[tilespmem:v34+s26+$0x0] =	vst.idx.msk vm9, v2  }
0x46c: {  	v34 =	vld [tilespmem:$0x1E0];
	_ =	sdelay $0x4  }
0x46d: {  	v53 =	vand.u32 $0xFFFFFF00, v34  }
0x46e: {  	v34 =	vshll.u32 v34, $0x7;
	vm10 =	veq.s32 v53, $0x200  }
0x46f: {  	v34 =	vadd.s32 v24, v34;
	_ =	sdelay $0x4  }
0x470: {  	[tilespmem:v34+s26+$0x0] =	vst.idx.msk vm10, v2  }
0x471: {  	v34 =	vld [tilespmem:$0x1F0];
	_ =	sdelay $0x4  }
0x472: {  	v54 =	vand.u32 $0xFFFFFF00, v34  }
0x473: {  	v34 =	vshll.u32 v34, $0x7;
	vm11 =	veq.s32 v54, $0x200  }
0x474: {  	v34 =	vadd.s32 v25, v34;
	_ =	sdelay $0x4  }
0x475: {  	[tilespmem:v34+s26+$0x0] =	vst.idx.msk vm11, v2  }
0x476: {  	[hbm4b:s18+s23] =	stream.strided.scatter [tilespmem:s26], [sflag:$0x3], $0x8000, s24, s23, $0x38;
	[tilespmem:$0x18200] =	vst v63  }
0x477: {  	_ =	swait.ge [sflag:s28], $0x8000  }
0x478: {  	[sflag:s28] =	ssyncset.done $0x0  }
0x479: {  	[sflag:s28] =	ssyncadd.s32 $0xFFFF8000  }
0x47a: {  	v55 =	vld [tilespmem:$0x180];
	_ =	sdelay $0x4  }
0x47b: {  	vm12 =	vlt.u32 v55, $0x100;
	v34 =	vshll.u32 v55, $0x7  }
0x47c: {  	v34 =	vor.u32 v0, v34;
	_ =	sdelay $0x4  }
0x47d: {  	[tilespmem:v34+s22+$0x0] =	vst.idx.msk vm12, v1  }
0x47e: {  	v34 =	vld [tilespmem:$0x190];
	_ =	sdelay $0x4  }
0x47f: {  	vm13 =	vlt.u32 v34, $0x100;
	v34 =	vshll.u32 v34, $0x7  }
0x480: {  	v34 =	vor.u32 v3, v34;
	_ =	sdelay $0x4  }
0x481: {  	[tilespmem:v34+s22+$0x0] =	vst.idx.msk vm13, v1  }
0x482: {  	v34 =	vld [tilespmem:$0x1A0];
	_ =	sdelay $0x4  }
0x483: {  	vm14 =	vlt.u32 v34, $0x100;
	v34 =	vshll.u32 v34, $0x7  }
0x484: {  	v34 =	vor.u32 v4, v34;
	_ =	sdelay $0x4  }
0x485: {  	[tilespmem:v34+s22+$0x0] =	vst.idx.msk vm14, v1  }
0x486: {  	v34 =	vld [tilespmem:$0x1B0];
	_ =	sdelay $0x4  }
0x487: {  	vm15 =	vlt.u32 v34, $0x100;
	v34 =	vshll.u32 v34, $0x7  }
0x488: {  	v34 =	vor.u32 v5, v34;
	_ =	sdelay $0x4  }
0x489: {  	[tilespmem:v34+s22+$0x0] =	vst.idx.msk vm15, v1  }
0x48a: {  	v34 =	vld [tilespmem:$0x1C0];
	_ =	sdelay $0x4  }
0x48b: {  	vm4 =	vlt.u32 v34, $0x100;
	v34 =	vshll.u32 v34, $0x7  }
0x48c: {  	v34 =	vor.u32 v6, v34;
	_ =	sdelay $0x4  }
0x48d: {  	[tilespmem:v34+s22+$0x0] =	vst.idx.msk vm4, v1  }
0x48e: {  	v34 =	vld [tilespmem:$0x1D0];
	_ =	sdelay $0x4  }
0x48f: {  	vm5 =	vlt.u32 v34, $0x100;
	v34 =	vshll.u32 v34, $0x7  }
0x490: {  	v34 =	vor.u32 v7, v34;
	_ =	sdelay $0x4  }
0x491: {  	[tilespmem:v34+s22+$0x0] =	vst.idx.msk vm5, v1  }
0x492: {  	v34 =	vld [tilespmem:$0x1E0];
	_ =	sdelay $0x4  }
0x493: {  	vm6 =	vlt.u32 v34, $0x100;
	v34 =	vshll.u32 v34, $0x7  }
0x494: {  	v34 =	vor.u32 v8, v34;
	_ =	sdelay $0x4  }
0x495: {  	[tilespmem:v34+s22+$0x0] =	vst.idx.msk vm6, v1  }
0x496: {  	v34 =	vld [tilespmem:$0x1F0];
	_ =	sdelay $0x4  }
0x497: {  	vm7 =	vlt.u32 v34, $0x100;
	v34 =	vshll.u32 v34, $0x7  }
0x498: {  	v34 =	vor.u32 v9, v34;
	_ =	sdelay $0x4  }
0x499: {  	[tilespmem:v34+s22+$0x0] =	vst.idx.msk vm7, v1  }
0x49a: {  	v34 =	vld [tilespmem:$0x180];
	_ =	sdelay $0x4  }
0x49b: {  	v56 =	vadd.s32 $0xFFFFFD00, v34  }
0x49c: {  	v34 =	vshll.u32 v34, $0x7;
	vm8 =	vlt.u32 v56, $0xE8  }
0x49d: {  	v34 =	vadd.s32 v26, v34;
	_ =	sdelay $0x4  }
0x49e: {  	[tilespmem:v34+s22+$0x0] =	vst.idx.msk vm8, v2  }
0x49f: {  	v34 =	vld [tilespmem:$0x190];
	_ =	sdelay $0x4  }
0x4a0: {  	v57 =	vadd.s32 $0xFFFFFD00, v34  }
0x4a1: {  	v34 =	vshll.u32 v34, $0x7;
	vm9 =	vlt.u32 v57, $0xE8  }
0x4a2: {  	v34 =	vadd.s32 v27, v34;
	_ =	sdelay $0x4  }
0x4a3: {  	[tilespmem:v34+s22+$0x0] =	vst.idx.msk vm9, v2  }
0x4a4: {  	v34 =	vld [tilespmem:$0x1A0];
	_ =	sdelay $0x4  }
0x4a5: {  	v58 =	vadd.s32 $0xFFFFFD00, v34  }
0x4a6: {  	v34 =	vshll.u32 v34, $0x7;
	vm10 =	vlt.u32 v58, $0xE8  }
0x4a7: {  	v34 =	vadd.s32 v28, v34;
	_ =	sdelay $0x4  }
0x4a8: {  	[tilespmem:v34+s22+$0x0] =	vst.idx.msk vm10, v2  }
0x4a9: {  	v34 =	vld [tilespmem:$0x1B0];
	_ =	sdelay $0x4  }
0x4aa: {  	v59 =	vadd.s32 $0xFFFFFD00, v34  }
0x4ab: {  	v34 =	vshll.u32 v34, $0x7;
	vm11 =	vlt.u32 v59, $0xE8  }
0x4ac: {  	v34 =	vadd.s32 v29, v34;
	_ =	sdelay $0x4  }
0x4ad: {  	[tilespmem:v34+s22+$0x0] =	vst.idx.msk vm11, v2  }
0x4ae: {  	v34 =	vld [tilespmem:$0x1C0];
	_ =	sdelay $0x4  }
0x4af: {  	v60 =	vadd.s32 $0xFFFFFD00, v34  }
0x4b0: {  	v34 =	vshll.u32 v34, $0x7;
	vm12 =	vlt.u32 v60, $0xE8  }
0x4b1: {  	v34 =	vadd.s32 v30, v34;
	_ =	sdelay $0x4  }
0x4b2: {  	[tilespmem:v34+s22+$0x0] =	vst.idx.msk vm12, v2  }
0x4b3: {  	v34 =	vld [tilespmem:$0x1D0];
	_ =	sdelay $0x4  }
0x4b4: {  	v61 =	vadd.s32 $0xFFFFFD00, v34  }
0x4b5: {  	v34 =	vshll.u32 v34, $0x7;
	vm13 =	vlt.u32 v61, $0xE8  }
0x4b6: {  	v34 =	vadd.s32 v31, v34;
	_ =	sdelay $0x4  }
0x4b7: {  	[tilespmem:v34+s22+$0x0] =	vst.idx.msk vm13, v2  }
0x4b8: {  	v34 =	vld [tilespmem:$0x1E0];
	_ =	sdelay $0x4  }
0x4b9: {  	v62 =	vadd.s32 $0xFFFFFD00, v34  }
0x4ba: {  	v34 =	vshll.u32 v34, $0x7;
	vm14 =	vlt.u32 v62, $0xE8  }
0x4bb: {  	v34 =	vadd.s32 v32, v34;
	_ =	sdelay $0x4  }
0x4bc: {  	[tilespmem:v34+s22+$0x0] =	vst.idx.msk vm14, v2  }
0x4bd: {  	v34 =	vld [tilespmem:$0x1F0];
	_ =	sdelay $0x4  }
0x4be: {  	v63 =	vadd.s32 $0xFFFFFD00, v34  }
0x4bf: {  	v34 =	vshll.u32 v34, $0x7;
	vm15 =	vlt.u32 v63, $0xE8  }
0x4c0: {  	v34 =	vadd.s32 v33, v34;
	_ =	sdelay $0x4  }
0x4c1: {  	[tilespmem:v34+s22+$0x0] =	vst.idx.msk vm15, v2  }
0x4c2: {  	[hbm4b:s19+s23] =	stream.strided.scatter [tilespmem:s22], [sflag:$0x1], $0x7400, s24, s23, $0x38;
	[tilespmem:$0x18200] =	vst v63  }
0x4c3: {  	_ =	swait.ge [sflag:s28], $0x7400  }
0x4c4: {  	[sflag:s28] =	ssyncset.done $0x0  }
0x4c5: {  	s31 =	sadd.s32 $0x1, s31;
	[sflag:s28] =	ssyncadd.s32 $0xFFFF8C00  }
0x4c6: {  	p0 =	sne.s32 s31, s20;
	_ =	swait.ge [sflag:s29], $0x8000  }
.Ltmp3:
0x4c7: {  	[sflag:s29] =	ssyncset.done $0x0;
	(pc) =	sbr.rel @p0 .LBB2_1-.Ltmp3, $4  }
0x4c8: {  	[sflag:s29] =	ssyncadd.s32 $0xFFFF8000  }
0x4c9: {  	_ =	swait.ge [sflag:s30], $0x8000  }
0x4ca: {  	[sflag:s30] =	ssyncset.done $0x0  }
0x4cb: {  	[sflag:s30] =	ssyncadd.s32 $0xFFFF8000  }
0x4cc: {  	_ =	sfence.sel $0x180000  }
0x4cd: {  	[bflag:$0x0] =	sbarrier.arrive $0xFFFF  }
0x4ce: {  	_ =	strace $0x90000047  }
0x4cf: {  	s0 =	stileid.u32;
	[bflag:$0x2] =	sbarrier.arrive $0xFFFF  }
0x4d0: {  	p0 =	sne.s32 s0, $0x0;
	s0 =	rddreg [dreg:$0x2]  }
0x4d1: {  	s0 =	sadd.s32 @!p0 $0x100000, s0  }
0x4d2: {  	[sflag:s0] =	ssyncadd.tile.s32 @!p0 $0x1;
	_ =	shalt  }
.Lfunc_end2:
_tile_overlayer_lowered:
.L_overlay_start_2:
0x4d3: {  	(tag) =	ssettag $0x2  }
0x4d4: {  	s0 =	rddreg [dreg:$0x0];
	s2 =	stileid.u32  }
0x4d5: {  	s1 =	rddreg [dreg:$0x1];
	p0 =	sne.s32 s2, $0x0  }
0x4d6: {  	s3 =	rddreg [dreg:$0x2];
	[bflag:$0x3] =	sbarrier.arrive $0xFFFF;
	s2 =	simm.s32 @!p0 $0x1C04  }
0x4d7: {  	[timem:s3], [sflag:s2] =	dma.local @!p0 [hbm:s0], s1  }
0x4d8: {  	s0 =	simm.s32 @!p0 $0x4  }
0x4d9: {  	_ =	swait.ge @!p0 [sflag:s0], s1  }
0x4da: {  	s1 =	ssub.s32 @!p0 $0x0, s1;
	[sflag:s0] =	ssyncset.done @!p0 $0x0  }
0x4db: {  	[sflag:s0] =	ssyncadd.s32 @!p0 s1  }
0x4dc: {  	[bflag:$0x3] =	sbarrier.arrive $0xFFFF  }
0x4dd: {  	_ =	shalt  }

</sc_bundles>
